<compile_context>
chip_gen: v7x
topology: tpu7x:2x2x1
jax: 0.10.2.dev20260603
libtpu: 0.0.44.dev20260713+nightly
codegen_flags: <defaults>
</compile_context>

<pallas_src>
import functools

import jax
import jax.numpy as jnp
from jax import lax
from jax.experimental import pallas as pl
from jax.experimental.pallas import tpu as pltpu
from jax.experimental.pallas import tpu_sc as plsc

N = 10000
E = 320000
NP = 10240
NC = 2
NS = 16
NW = NC * NS
CH = 64
NB = 4
HH = 4
K = NB * HH * (-(-E // (NW * CH * NB * HH)))
KH = K // HH
EPW = K * CH
EP = NW * EPW
RPT = NP // NS
RB = CH

_BLK = 512
_GRID = NP // _BLK



def _sc_mesh():
    return plsc.VectorSubcoreMesh(core_axis_name="c", subcore_axis_name="s")


def _deg_count(dstp):

    @functools.partial(
        pl.kernel,
        out_type=jax.ShapeDtypeStruct((NC, NP), jnp.float32),
        mesh=_sc_mesh(),
        scratch_types=[
            pltpu.VMEM((K, CH), jnp.int32),
            pltpu.VMEM((CH,), jnp.float32),
            pltpu.VMEM((RPT,), jnp.float32),
            pltpu.VMEM_SHARED((NP,), jnp.float32),
        ],
    )
    def k(dst_hbm, out, dst_v, ones_v, zbuf, deg_s):
        cid = lax.axis_index("c")
        sid = lax.axis_index("s")
        wid = sid * NC + cid

        def fill(i, _):
            ones_v[pl.ds(i * 16, 16)] = jnp.ones((16,), jnp.float32)
            return 0

        lax.fori_loop(0, CH // 16, fill, 0)

        def zfill(i, _):
            zbuf[pl.ds(i * 16, 16)] = jnp.zeros((16,), jnp.float32)
            return 0

        lax.fori_loop(0, RPT // 16, zfill, 0)
        pltpu.sync_copy(zbuf, deg_s.at[pl.ds(sid * RPT, RPT)])
        plsc.subcore_barrier()

        pltpu.sync_copy(dst_hbm.at[wid], dst_v)

        def body(j, _):
            pltpu.sync_copy(ones_v, deg_s.at[dst_v.at[j]], add=True)
            return 0

        lax.fori_loop(0, K, body, 0)
        plsc.subcore_barrier()

        pltpu.sync_copy(
            deg_s.at[pl.ds(sid * RPT, RPT)], out.at[cid, pl.ds(sid * RPT, RPT)]
        )

    return k(dstp)


def _propagate(g, srcp, dstp, d):

    @functools.partial(
        pl.kernel,
        out_type=jax.ShapeDtypeStruct((NC, NP, d), jnp.float32),
        mesh=_sc_mesh(),
        scratch_types=[
            pltpu.VMEM((KH, CH), jnp.int32),
            pltpu.VMEM((KH, CH), jnp.int32),
            pltpu.VMEM((NB, RB, d), jnp.float32),
            pltpu.VMEM_SHARED((NP, d), jnp.float32),
            [pltpu.SemaphoreType.DMA] * NB,
        ],
    )
    def k(g_hbm, src_hbm, dst_hbm, out, src_v, dst_v, rows_v, acc_s, sems):
        cid = lax.axis_index("c")
        sid = lax.axis_index("s")
        wid = sid * NC + cid

        def zrow(i, _):
            def zcol(j, _):
                rows_v[0, i, pl.ds(j * 16, 16)] = jnp.zeros((16,), jnp.float32)
                return 0

            lax.fori_loop(0, d // 16, zcol, 0)
            return 0

        lax.fori_loop(0, RB, zrow, 0)

        def zcopy(t, _):
            pltpu.sync_copy(rows_v.at[0], acc_s.at[pl.ds(sid * RPT + t * RB, RB)])
            return 0

        lax.fori_loop(0, RPT // RB, zcopy, 0)
        plsc.subcore_barrier()

        def start_gather(j, b):
            pltpu.async_copy(g_hbm.at[src_v.at[j]], rows_v.at[b], sems[b])

        def wait_gather(j, b):
            pltpu.make_async_copy(
                g_hbm.at[src_v.at[j]], rows_v.at[b], sems[b]
            ).wait()

        for h in range(HH):
            pltpu.sync_copy(src_hbm.at[wid, pl.ds(h * KH, KH)], src_v)
            pltpu.sync_copy(dst_hbm.at[wid, pl.ds(h * KH, KH)], dst_v)

            for b in range(NB):
                start_gather(b, b)

            def body(t, _):
                j0 = t * NB
                for b in range(NB):
                    wait_gather(j0 + b, b)
                    pltpu.sync_copy(
                        rows_v.at[b], acc_s.at[dst_v.at[j0 + b]], add=True
                    )

                    @pl.when(j0 + b + NB < KH)
                    def _():
                        start_gather(j0 + b + NB, b)

                return 0

            lax.fori_loop(0, KH // NB, body, 0)
        plsc.subcore_barrier()

        def wcopy(t, _):
            sl = pl.ds(sid * RPT + t * RB, RB)
            pltpu.sync_copy(acc_s.at[sl], out.at[cid, sl])
            return 0

        lax.fori_loop(0, RPT // RB, wcopy, 0)

    return k(g, srcp, dstp)



def _dinv_of(d0_ref, d1_ref):
    deg = d0_ref[0, 0, :] + d1_ref[0, 0, :] + 1.0
    return lax.rsqrt(deg)


def _t1_body(x_ref, w_ref, d0_ref, d1_ref, o_ref):
    dinv = _dinv_of(d0_ref, d1_ref)
    h = jnp.dot(x_ref[...], w_ref[...], preferred_element_type=jnp.float32)
    o_ref[...] = h * dinv[:, None]


def _t2_body(acc_ref, g_ref, d0_ref, d1_ref, b1_ref, o_ref):
    dinv = _dinv_of(d0_ref, d1_ref)
    pre = (acc_ref[0] + acc_ref[1] + g_ref[...]) * dinv[:, None] + b1_ref[...]
    o_ref[...] = jnp.maximum(pre, 0.0) * dinv[:, None]


def _t3_body(acc_ref, g_ref, d0_ref, d1_ref, w2_ref, b2_ref, wo_ref, bo_ref,
             o_ref):
    dinv = _dinv_of(d0_ref, d1_ref)
    p = (acc_ref[0] + acc_ref[1] + g_ref[...]) * dinv[:, None]
    t = jnp.dot(p, w2_ref[...], preferred_element_type=jnp.float32) + b2_ref[...]
    o_ref[...] = (
        jnp.dot(t, wo_ref[...], preferred_element_type=jnp.float32)
        + bo_ref[...]
    )


def _row_spec(d):
    return pl.BlockSpec((_BLK, d), lambda i: (i, 0))


def _acc_spec(d):
    return pl.BlockSpec((NC, _BLK, d), lambda i: (0, i, 0))


def _deg_spec():
    return pl.BlockSpec((1, 1, _BLK), lambda i: (i, 0, 0))


def _full_spec(shape):
    nd = len(shape)
    return pl.BlockSpec(shape, lambda i: (0,) * nd)


def kernel(x, edge_index, W1, b1, W2, b2, Wo, bo):
    src = edge_index[0]
    dst = edge_index[1]
    pad = EP - E
    pad_idx = N + (jnp.arange(pad, dtype=jnp.int32) % (NP - N))
    srcp = jnp.concatenate([src, pad_idx]).reshape(NW, K, CH)
    dstp = jnp.concatenate([dst, pad_idx]).reshape(NW, K, CH)

    degp = _deg_count(dstp)
    degr0 = degp[0].reshape(_GRID, 1, _BLK)
    degr1 = degp[1].reshape(_GRID, 1, _BLK)

    b1r = b1.reshape(1, -1)
    b2r = b2.reshape(1, -1)
    bor = bo.reshape(1, -1)

    g1 = pl.pallas_call(
        _t1_body,
        grid=(_GRID,),
        in_specs=[
            _row_spec(128),
            _full_spec((128, 128)),
            _deg_spec(),
            _deg_spec(),
        ],
        out_specs=_row_spec(128),
        out_shape=jax.ShapeDtypeStruct((NP, 128), jnp.float32),
    )(x, W1, degr0, degr1)

    acc1 = _propagate(g1, srcp, dstp, 128)

    gz = pl.pallas_call(
        _t2_body,
        grid=(_GRID,),
        in_specs=[
            _acc_spec(128),
            _row_spec(128),
            _deg_spec(),
            _deg_spec(),
            _full_spec((1, 128)),
        ],
        out_specs=_row_spec(128),
        out_shape=jax.ShapeDtypeStruct((NP, 128), jnp.float32),
    )(acc1, g1, degr0, degr1, b1r)

    acc2 = _propagate(gz, srcp, dstp, 128)

    outp = pl.pallas_call(
        _t3_body,
        grid=(_GRID,),
        in_specs=[
            _acc_spec(128),
            _row_spec(128),
            _deg_spec(),
            _deg_spec(),
            _full_spec((128, 64)),
            _full_spec((1, 64)),
            _full_spec((64, 64)),
            _full_spec((1, 64)),
        ],
        out_specs=_row_spec(64),
        out_shape=jax.ShapeDtypeStruct((N, 64), jnp.float32),
    )(acc2, gz, degr0, degr1, W2, b2r, Wo, bor)

    return outp

# --- scband reference (transcript-rebuilt; emitter-appended) ---
"""Pipeline reference for scband-graph-neural-network-73942156968641 (READ-ONLY COPY).

The authoritative reference and input builder live on the scoring server;
editing this copy changes nothing except your own understanding.
"""

import jax, jax.numpy as jnp
import numpy as np

N = 10000
E = 320000
D_IN = 128
H1 = 128
H2 = 64
D_OUT = 64


def gcn_conv(x, src, dst, W, b, num_nodes):
    # PyG GCNConv: x' = D^{-1/2} (A + I) D^{-1/2} X W + b (self-loops already appended to src/dst)
    h = x @ W
    deg = jnp.zeros((num_nodes,), dtype=h.dtype).at[dst].add(1.0)
    dinv = jnp.where(deg > 0, deg ** -0.5, 0.0)
    norm = dinv[src] * dinv[dst]
    msg = h[src] * norm[:, None]
    out = jnp.zeros((num_nodes, h.shape[1]), dtype=h.dtype).at[dst].add(msg)
    return out + b


def setup_inputs(seed: int = 0):
    key = jax.random.key(seed)
    ks = jax.random.split(key, 8)
    x = jax.random.normal(ks[0], (N, D_IN), dtype=jnp.float32)
    edge_index = jax.random.randint(ks[1], (2, E), 0, N, dtype=jnp.int32)
    W1 = jax.random.normal(ks[2], (D_IN, H1), dtype=jnp.float32) * (1.0 / np.sqrt(D_IN))
    b1 = jnp.zeros((H1,), dtype=jnp.float32)
    W2 = jax.random.normal(ks[3], (H1, H2), dtype=jnp.float32) * (1.0 / np.sqrt(H1))
    b2 = jnp.zeros((H2,), dtype=jnp.float32)
    Wo = jax.random.normal(ks[4], (H2, D_OUT), dtype=jnp.float32) * (1.0 / np.sqrt(H2))
    bo = jnp.zeros((D_OUT,), dtype=jnp.float32)
    return {"x": x, "edge_index": edge_index, "W1": W1, "b1": b1, "W2": W2, "b2": b2, "Wo": Wo, "bo": bo}


def reference(x, edge_index, W1, b1, W2, b2, Wo, bo):
    src = edge_index[0]
    dst = edge_index[1]
    loop = jnp.arange(N, dtype=src.dtype)
    src = jnp.concatenate([src, loop])
    dst = jnp.concatenate([dst, loop])
    h = gcn_conv(x, src, dst, W1, b1, N)
    h = jax.nn.relu(h)  # dropout is identity in eval mode
    h = gcn_conv(h, src, dst, W2, b2, N)
    out = h @ Wo + bo
    return out

if __name__ == "__main__":
    import jax
    _d = setup_inputs()
    print(jax.jit(kernel)(*tuple(_d.values())))

</pallas_src>

<mosaic_0001>
#map = affine_map<(d0, d1) -> (0, 0)>
#map1 = affine_map<(d0, d1) -> (0, 0, 0)>
module attributes {stable_mosaic.version = 14 : i64} {
  func.func @k(%arg0: i32, %arg1: i32, %arg2: memref<10240x128xf32, #tpu.memory_space<hbm>>, %arg3: memref<32x160x64xi32, #tpu.memory_space<hbm>>, %arg4: memref<32x160x64xi32, #tpu.memory_space<hbm>>, %arg5: memref<2x10240x128xf32, #tpu.memory_space<hbm>>, %arg6: memref<40x64xi32, #tpu.memory_space<vmem>>, %arg7: memref<40x64xi32, #tpu.memory_space<vmem>>, %arg8: memref<4x64x128xf32, #tpu.memory_space<vmem>>, %arg9: memref<10240x128xf32, #tpu.memory_space<vmem_shared>>, %arg10: memref<!tpu.dma_semaphore, #tpu.memory_space<semaphore_mem>>, %arg11: memref<!tpu.dma_semaphore, #tpu.memory_space<semaphore_mem>>, %arg12: memref<!tpu.dma_semaphore, #tpu.memory_space<semaphore_mem>>, %arg13: memref<!tpu.dma_semaphore, #tpu.memory_space<semaphore_mem>>) attributes {dimension_semantics = [#tpu.dimension_semantics<core_parallel>, #tpu.dimension_semantics<subcore_parallel>], iteration_bounds = array<i64: 2, 16>, scalar_prefetch = 0 : i64, scratch_operands = 8 : i64, tpu.core_type = #tpu.core_type<sc_vector_subcore>, window_params = [{transform_indices = #map}, {transform_indices = #map1}, {transform_indices = #map1}, {transform_indices = #map1}]} {
    %mul3A = arith.constant 2 : i32
    %mul3A_0 = arith.muli %arg1, %mul3A : i32
    %add3A = arith.addi %mul3A_0, %arg0 : i32
    %scan3A = arith.constant 0 : i32
    %scan3A_1 = arith.constant 0 : i32
    %scan3A_2 = arith.constant 64 : i32
    %scan3A_3 = arith.addi %scan3A_1, %scan3A_2 : i32
    %scan3A_4 = arith.constant 1 : i32
    %scan3A_5 = scf.for %scan3A_241 = %scan3A_1 to %scan3A_3 step %scan3A_4 iter_args(%scan3A_242 = %scan3A) -> (i32)  : i32 {
      %scan3A_243 = arith.constant 0 : i32
      %scan3A_244 = arith.constant 0 : i32
      %scan3A_245 = arith.constant 8 : i32
      %scan3A_246 = arith.addi %scan3A_244, %scan3A_245 : i32
      %scan3A_247 = arith.constant 1 : i32
      %scan3A_248 = scf.for %scan3A_251 = %scan3A_244 to %scan3A_246 step %scan3A_247 iter_args(%scan3A_252 = %scan3A_243) -> (i32)  : i32 {
        %broadcast_in_dim3A = arith.constant 0.000000e+00 : f32
        %broadcast_in_dim3A_253 = vector.broadcast %broadcast_in_dim3A : f32 to vector<16xf32>
        %mul3A_254 = arith.constant 16 : i32
        %mul3A_255 = arith.muli %scan3A_251, %mul3A_254 : i32
        %swap3A = arith.constant 0 : i32
        %swap3A_256 = arith.index_cast %swap3A : i32 to index
        %swap3A_257 = arith.index_cast %scan3A_241 : i32 to index
        %swap3A_258 = arith.index_cast %mul3A_255 : i32 to index
        %swap3A_259 = tpu.vector_load %arg8[%swap3A_256, %swap3A_257, %swap3A_258] {strides = array<i32>} : memref<4x64x128xf32, #tpu.memory_space<vmem>>, vector<1x1x16xf32>,
        %swap3A_260 = vector.shape_cast %swap3A_259 : vector<1x1x16xf32> to vector<16xf32>
        %swap3A_261 = vector.shape_cast %broadcast_in_dim3A_253 : vector<16xf32> to vector<1x1x16xf32>
        tpu.vector_store %arg8[%swap3A_256, %swap3A_257, %swap3A_258], %swap3A_261 {strides = array<i32>} : memref<4x64x128xf32, #tpu.memory_space<vmem>>, vector<1x1x16xf32>,
        %scan3A_262 = arith.constant 0 : i32
        scf.yield %scan3A_262 : i32
      }
      %scan3A_249 = arith.constant 8 : i32
      %scan3A_250 = arith.constant 0 : i32
      scf.yield %scan3A_250 : i32
    }
    %scan3A_6 = arith.constant 64 : i32
    %scan3A_7 = arith.constant 0 : i32
    %scan3A_8 = arith.constant 0 : i32
    %scan3A_9 = arith.constant 10 : i32
    %scan3A_10 = arith.addi %scan3A_8, %scan3A_9 : i32
    %scan3A_11 = arith.constant 1 : i32
    %scan3A_12 = scf.for %scan3A_241 = %scan3A_8 to %scan3A_10 step %scan3A_11 iter_args(%scan3A_242 = %scan3A_7) -> (i32)  : i32 {
      %mul3A_243 = arith.constant 640 : i32
      %mul3A_244 = arith.muli %arg1, %mul3A_243 : i32
      %mul3A_245 = arith.constant 64 : i32
      %mul3A_246 = arith.muli %scan3A_241, %mul3A_245 : i32
      %add3A_247 = arith.addi %mul3A_244, %mul3A_246 : i32
      %run_scoped3A = arith.constant 0 : i32
      "tpu.region"() ({
        %run_scoped3A_249 = tpu.sem_alloc : memref<!tpu.dma_semaphore, #tpu.memory_space<semaphore_mem>>
        %dma_start3A_250 = arith.constant 0 : i32
        %dma_start3A_251 = arith.constant 0 : i32
        %dma_start3A_252 = tpu.memref_slice %arg8[%run_scoped3A, %dma_start3A_250, %dma_start3A_251] : memref<4x64x128xf32, #tpu.memory_space<vmem>> -> memref<1x64x128xf32, #tpu.memory_space<vmem>>
        %dma_start3A_253 = tpu.memref_squeeze %dma_start3A_252 : memref<1x64x128xf32, #tpu.memory_space<vmem>> -> memref<64x128xf32, #tpu.memory_space<vmem>>
        %dma_start3A_254 = arith.constant 0 : i32
        %dma_start3A_255 = tpu.memref_slice %arg9[%add3A_247, %dma_start3A_254] : memref<10240x128xf32, #tpu.memory_space<vmem_shared>> -> memref<64x128xf32, #tpu.memory_space<vmem_shared>>
        %dma_start3A_256 = arith.constant 0 : i32
        %dma_start3A_257 = tpu.memref_slice %arg9[%add3A_247, %dma_start3A_256] : memref<10240x128xf32, #tpu.memory_space<vmem_shared>> -> memref<64x128xf32, #tpu.memory_space<vmem_shared>>
        %dma_start3A_258 = arith.constant 0 : i32
        %dma_start3A_259 = arith.constant 0 : i32
        %dma_start3A_260 = tpu.memref_slice %arg8[%run_scoped3A, %dma_start3A_258, %dma_start3A_259] : memref<4x64x128xf32, #tpu.memory_space<vmem>> -> memref<1x64x128xf32, #tpu.memory_space<vmem>>
        %dma_start3A_261 = tpu.memref_squeeze %dma_start3A_260 : memref<1x64x128xf32, #tpu.memory_space<vmem>> -> memref<64x128xf32, #tpu.memory_space<vmem>>
        tpu.enqueue_dma source(%dma_start3A_261 : memref<64x128xf32, #tpu.memory_space<vmem>>) target(%dma_start3A_257 : memref<64x128xf32, #tpu.memory_space<vmem_shared>>) target_semaphore(%run_scoped3A_249 : memref<!tpu.dma_semaphore, #tpu.memory_space<semaphore_mem>>)
        %dma_wait3A = arith.constant 0 : i32
        %dma_wait3A_262 = arith.constant 0 : i32
        %dma_wait3A_263 = tpu.memref_slice %arg8[%run_scoped3A, %dma_wait3A, %dma_wait3A_262] : memref<4x64x128xf32, #tpu.memory_space<vmem>> -> memref<1x64x128xf32, #tpu.memory_space<vmem>>
        %dma_wait3A_264 = tpu.memref_squeeze %dma_wait3A_263 : memref<1x64x128xf32, #tpu.memory_space<vmem>> -> memref<64x128xf32, #tpu.memory_space<vmem>>
        %dma_wait3A_265 = arith.constant 0 : i32
        %dma_wait3A_266 = tpu.memref_slice %arg9[%add3A_247, %dma_wait3A_265] : memref<10240x128xf32, #tpu.memory_space<vmem_shared>> -> memref<64x128xf32, #tpu.memory_space<vmem_shared>>
        %dma_wait3A_267 = arith.constant 0 : i32
        %dma_wait3A_268 = tpu.memref_slice %arg9[%add3A_247, %dma_wait3A_267] : memref<10240x128xf32, #tpu.memory_space<vmem_shared>> -> memref<64x128xf32, #tpu.memory_space<vmem_shared>>
        %dma_wait3A_269 = arith.constant 0 : i32
        %dma_wait3A_270 = arith.constant 0 : i32
        %dma_wait3A_271 = tpu.memref_slice %arg8[%run_scoped3A, %dma_wait3A_269, %dma_wait3A_270] : memref<4x64x128xf32, #tpu.memory_space<vmem>> -> memref<1x64x128xf32, #tpu.memory_space<vmem>>
        %dma_wait3A_272 = tpu.memref_squeeze %dma_wait3A_271 : memref<1x64x128xf32, #tpu.memory_space<vmem>> -> memref<64x128xf32, #tpu.memory_space<vmem>>
        tpu.wait_dma2 semaphore(%run_scoped3A_249 : memref<!tpu.dma_semaphore, #tpu.memory_space<semaphore_mem>>) src(%dma_wait3A_272 : memref<64x128xf32, #tpu.memory_space<vmem>>) dst(%dma_wait3A_268 : memref<64x128xf32, #tpu.memory_space<vmem_shared>>)
        tpu.yield
      }) : () -> ()
      %scan3A_248 = arith.constant 0 : i32
      scf.yield %scan3A_248 : i32
    }
    %scan3A_13 = arith.constant 10 : i32
    %barrier3A = arith.constant 0 : index
    tpu.barrier barrier_id(%barrier3A)
    "tpu.region"() ({
      %run_scoped3A = tpu.sem_alloc : memref<!tpu.dma_semaphore, #tpu.memory_space<semaphore_mem>>
      %dma_start3A_241 = arith.constant 0 : i32
      %dma_start3A_242 = arith.constant 0 : i32
      %dma_start3A_243 = tpu.memref_slice %arg3[%add3A, %dma_start3A_241, %dma_start3A_242] : memref<32x160x64xi32, #tpu.memory_space<hbm>> -> memref<1x40x64xi32, #tpu.memory_space<hbm>>
      %dma_start3A_244 = tpu.memref_squeeze %dma_start3A_243 : memref<1x40x64xi32, #tpu.memory_space<hbm>> -> memref<40x64xi32, #tpu.memory_space<hbm>>
      %dma_start3A_245 = arith.constant 0 : i32
      %dma_start3A_246 = arith.constant 0 : i32
      %dma_start3A_247 = tpu.memref_slice %arg3[%add3A, %dma_start3A_245, %dma_start3A_246] : memref<32x160x64xi32, #tpu.memory_space<hbm>> -> memref<1x40x64xi32, #tpu.memory_space<hbm>>
      %dma_start3A_248 = tpu.memref_squeeze %dma_start3A_247 : memref<1x40x64xi32, #tpu.memory_space<hbm>> -> memref<40x64xi32, #tpu.memory_space<hbm>>
      tpu.enqueue_dma source(%dma_start3A_248 : memref<40x64xi32, #tpu.memory_space<hbm>>) target(%arg6 : memref<40x64xi32, #tpu.memory_space<vmem>>) target_semaphore(%run_scoped3A : memref<!tpu.dma_semaphore, #tpu.memory_space<semaphore_mem>>)
      %dma_wait3A = arith.constant 0 : i32
      %dma_wait3A_249 = arith.constant 0 : i32
      %dma_wait3A_250 = tpu.memref_slice %arg3[%add3A, %dma_wait3A, %dma_wait3A_249] : memref<32x160x64xi32, #tpu.memory_space<hbm>> -> memref<1x40x64xi32, #tpu.memory_space<hbm>>
      %dma_wait3A_251 = tpu.memref_squeeze %dma_wait3A_250 : memref<1x40x64xi32, #tpu.memory_space<hbm>> -> memref<40x64xi32, #tpu.memory_space<hbm>>
      %dma_wait3A_252 = arith.constant 0 : i32
      %dma_wait3A_253 = arith.constant 0 : i32
      %dma_wait3A_254 = tpu.memref_slice %arg3[%add3A, %dma_wait3A_252, %dma_wait3A_253] : memref<32x160x64xi32, #tpu.memory_space<hbm>> -> memref<1x40x64xi32, #tpu.memory_space<hbm>>
      %dma_wait3A_255 = tpu.memref_squeeze %dma_wait3A_254 : memref<1x40x64xi32, #tpu.memory_space<hbm>> -> memref<40x64xi32, #tpu.memory_space<hbm>>
      tpu.wait_dma2 semaphore(%run_scoped3A : memref<!tpu.dma_semaphore, #tpu.memory_space<semaphore_mem>>) src(%dma_wait3A_255 : memref<40x64xi32, #tpu.memory_space<hbm>>) dst(%arg6 : memref<40x64xi32, #tpu.memory_space<vmem>>)
      tpu.yield
    }) : () -> ()
    "tpu.region"() ({
      %run_scoped3A = tpu.sem_alloc : memref<!tpu.dma_semaphore, #tpu.memory_space<semaphore_mem>>
      %dma_start3A_241 = arith.constant 0 : i32
      %dma_start3A_242 = arith.constant 0 : i32
      %dma_start3A_243 = tpu.memref_slice %arg4[%add3A, %dma_start3A_241, %dma_start3A_242] : memref<32x160x64xi32, #tpu.memory_space<hbm>> -> memref<1x40x64xi32, #tpu.memory_space<hbm>>
      %dma_start3A_244 = tpu.memref_squeeze %dma_start3A_243 : memref<1x40x64xi32, #tpu.memory_space<hbm>> -> memref<40x64xi32, #tpu.memory_space<hbm>>
      %dma_start3A_245 = arith.constant 0 : i32
      %dma_start3A_246 = arith.constant 0 : i32
      %dma_start3A_247 = tpu.memref_slice %arg4[%add3A, %dma_start3A_245, %dma_start3A_246] : memref<32x160x64xi32, #tpu.memory_space<hbm>> -> memref<1x40x64xi32, #tpu.memory_space<hbm>>
      %dma_start3A_248 = tpu.memref_squeeze %dma_start3A_247 : memref<1x40x64xi32, #tpu.memory_space<hbm>> -> memref<40x64xi32, #tpu.memory_space<hbm>>
      tpu.enqueue_dma source(%dma_start3A_248 : memref<40x64xi32, #tpu.memory_space<hbm>>) target(%arg7 : memref<40x64xi32, #tpu.memory_space<vmem>>) target_semaphore(%run_scoped3A : memref<!tpu.dma_semaphore, #tpu.memory_space<semaphore_mem>>)
      %dma_wait3A = arith.constant 0 : i32
      %dma_wait3A_249 = arith.constant 0 : i32
      %dma_wait3A_250 = tpu.memref_slice %arg4[%add3A, %dma_wait3A, %dma_wait3A_249] : memref<32x160x64xi32, #tpu.memory_space<hbm>> -> memref<1x40x64xi32, #tpu.memory_space<hbm>>
      %dma_wait3A_251 = tpu.memref_squeeze %dma_wait3A_250 : memref<1x40x64xi32, #tpu.memory_space<hbm>> -> memref<40x64xi32, #tpu.memory_space<hbm>>
      %dma_wait3A_252 = arith.constant 0 : i32
      %dma_wait3A_253 = arith.constant 0 : i32
      %dma_wait3A_254 = tpu.memref_slice %arg4[%add3A, %dma_wait3A_252, %dma_wait3A_253] : memref<32x160x64xi32, #tpu.memory_space<hbm>> -> memref<1x40x64xi32, #tpu.memory_space<hbm>>
      %dma_wait3A_255 = tpu.memref_squeeze %dma_wait3A_254 : memref<1x40x64xi32, #tpu.memory_space<hbm>> -> memref<40x64xi32, #tpu.memory_space<hbm>>
      tpu.wait_dma2 semaphore(%run_scoped3A : memref<!tpu.dma_semaphore, #tpu.memory_space<semaphore_mem>>) src(%dma_wait3A_255 : memref<40x64xi32, #tpu.memory_space<hbm>>) dst(%arg7 : memref<40x64xi32, #tpu.memory_space<vmem>>)
      tpu.yield
    }) : () -> ()
    %dma_start3A = arith.constant 0 : i32
    %dma_start3A_14 = arith.constant 0 : i32
    %dma_start3A_15 = arith.constant 0 : i32
    %dma_start3A_16 = arith.constant 0 : i32
    %dma_start3A_17 = tpu.memref_slice %arg8[%dma_start3A_14, %dma_start3A_15, %dma_start3A_16] : memref<4x64x128xf32, #tpu.memory_space<vmem>> -> memref<1x64x128xf32, #tpu.memory_space<vmem>>
    %dma_start3A_18 = tpu.memref_squeeze %dma_start3A_17 : memref<1x64x128xf32, #tpu.memory_space<vmem>> -> memref<64x128xf32, #tpu.memory_space<vmem>>
    %dma_start3A_19 = arith.constant 0 : i32
    %dma_start3A_20 = tpu.memref_slice %arg6[%dma_start3A, %dma_start3A_19] : memref<40x64xi32, #tpu.memory_space<vmem>> -> memref<1x64xi32, #tpu.memory_space<vmem>>
    %dma_start3A_21 = tpu.memref_squeeze %dma_start3A_20 : memref<1x64xi32, #tpu.memory_space<vmem>> -> memref<64xi32, #tpu.memory_space<vmem>>
    %dma_start3A_22 = arith.constant 0 : i32
    %dma_start3A_23 = arith.constant 0 : i32
    %dma_start3A_24 = tpu.memref_slice %arg2[%dma_start3A_22, %dma_start3A_23] : memref<10240x128xf32, #tpu.memory_space<hbm>> -> memref<10240x128xf32, #tpu.memory_space<hbm>>
    tpu.enqueue_indirect_dma source(%dma_start3A_24 : memref<10240x128xf32, #tpu.memory_space<hbm>>) target(%dma_start3A_18 : memref<64x128xf32, #tpu.memory_space<vmem>>) offsets(%dma_start3A_21 : memref<64xi32, #tpu.memory_space<vmem>>) semaphore(%arg10 : memref<!tpu.dma_semaphore, #tpu.memory_space<semaphore_mem>>)
    %dma_start3A_25 = arith.constant 1 : i32
    %dma_start3A_26 = arith.constant 1 : i32
    %dma_start3A_27 = arith.constant 0 : i32
    %dma_start3A_28 = arith.constant 0 : i32
    %dma_start3A_29 = tpu.memref_slice %arg8[%dma_start3A_26, %dma_start3A_27, %dma_start3A_28] : memref<4x64x128xf32, #tpu.memory_space<vmem>> -> memref<1x64x128xf32, #tpu.memory_space<vmem>>
    %dma_start3A_30 = tpu.memref_squeeze %dma_start3A_29 : memref<1x64x128xf32, #tpu.memory_space<vmem>> -> memref<64x128xf32, #tpu.memory_space<vmem>>
    %dma_start3A_31 = arith.constant 0 : i32
    %dma_start3A_32 = tpu.memref_slice %arg6[%dma_start3A_25, %dma_start3A_31] : memref<40x64xi32, #tpu.memory_space<vmem>> -> memref<1x64xi32, #tpu.memory_space<vmem>>
    %dma_start3A_33 = tpu.memref_squeeze %dma_start3A_32 : memref<1x64xi32, #tpu.memory_space<vmem>> -> memref<64xi32, #tpu.memory_space<vmem>>
    %dma_start3A_34 = arith.constant 0 : i32
    %dma_start3A_35 = arith.constant 0 : i32
    %dma_start3A_36 = tpu.memref_slice %arg2[%dma_start3A_34, %dma_start3A_35] : memref<10240x128xf32, #tpu.memory_space<hbm>> -> memref<10240x128xf32, #tpu.memory_space<hbm>>
    tpu.enqueue_indirect_dma source(%dma_start3A_36 : memref<10240x128xf32, #tpu.memory_space<hbm>>) target(%dma_start3A_30 : memref<64x128xf32, #tpu.memory_space<vmem>>) offsets(%dma_start3A_33 : memref<64xi32, #tpu.memory_space<vmem>>) semaphore(%arg11 : memref<!tpu.dma_semaphore, #tpu.memory_space<semaphore_mem>>)
    %dma_start3A_37 = arith.constant 2 : i32
    %dma_start3A_38 = arith.constant 2 : i32
    %dma_start3A_39 = arith.constant 0 : i32
    %dma_start3A_40 = arith.constant 0 : i32
    %dma_start3A_41 = tpu.memref_slice %arg8[%dma_start3A_38, %dma_start3A_39, %dma_start3A_40] : memref<4x64x128xf32, #tpu.memory_space<vmem>> -> memref<1x64x128xf32, #tpu.memory_space<vmem>>
    %dma_start3A_42 = tpu.memref_squeeze %dma_start3A_41 : memref<1x64x128xf32, #tpu.memory_space<vmem>> -> memref<64x128xf32, #tpu.memory_space<vmem>>
    %dma_start3A_43 = arith.constant 0 : i32
    %dma_start3A_44 = tpu.memref_slice %arg6[%dma_start3A_37, %dma_start3A_43] : memref<40x64xi32, #tpu.memory_space<vmem>> -> memref<1x64xi32, #tpu.memory_space<vmem>>
    %dma_start3A_45 = tpu.memref_squeeze %dma_start3A_44 : memref<1x64xi32, #tpu.memory_space<vmem>> -> memref<64xi32, #tpu.memory_space<vmem>>
    %dma_start3A_46 = arith.constant 0 : i32
    %dma_start3A_47 = arith.constant 0 : i32
    %dma_start3A_48 = tpu.memref_slice %arg2[%dma_start3A_46, %dma_start3A_47] : memref<10240x128xf32, #tpu.memory_space<hbm>> -> memref<10240x128xf32, #tpu.memory_space<hbm>>
    tpu.enqueue_indirect_dma source(%dma_start3A_48 : memref<10240x128xf32, #tpu.memory_space<hbm>>) target(%dma_start3A_42 : memref<64x128xf32, #tpu.memory_space<vmem>>) offsets(%dma_start3A_45 : memref<64xi32, #tpu.memory_space<vmem>>) semaphore(%arg12 : memref<!tpu.dma_semaphore, #tpu.memory_space<semaphore_mem>>)
    %dma_start3A_49 = arith.constant 3 : i32
    %dma_start3A_50 = arith.constant 3 : i32
    %dma_start3A_51 = arith.constant 0 : i32
    %dma_start3A_52 = arith.constant 0 : i32
    %dma_start3A_53 = tpu.memref_slice %arg8[%dma_start3A_50, %dma_start3A_51, %dma_start3A_52] : memref<4x64x128xf32, #tpu.memory_space<vmem>> -> memref<1x64x128xf32, #tpu.memory_space<vmem>>
    %dma_start3A_54 = tpu.memref_squeeze %dma_start3A_53 : memref<1x64x128xf32, #tpu.memory_space<vmem>> -> memref<64x128xf32, #tpu.memory_space<vmem>>
    %dma_start3A_55 = arith.constant 0 : i32
    %dma_start3A_56 = tpu.memref_slice %arg6[%dma_start3A_49, %dma_start3A_55] : memref<40x64xi32, #tpu.memory_space<vmem>> -> memref<1x64xi32, #tpu.memory_space<vmem>>
    %dma_start3A_57 = tpu.memref_squeeze %dma_start3A_56 : memref<1x64xi32, #tpu.memory_space<vmem>> -> memref<64xi32, #tpu.memory_space<vmem>>
    %dma_start3A_58 = arith.constant 0 : i32
    %dma_start3A_59 = arith.constant 0 : i32
    %dma_start3A_60 = tpu.memref_slice %arg2[%dma_start3A_58, %dma_start3A_59] : memref<10240x128xf32, #tpu.memory_space<hbm>> -> memref<10240x128xf32, #tpu.memory_space<hbm>>
    tpu.enqueue_indirect_dma source(%dma_start3A_60 : memref<10240x128xf32, #tpu.memory_space<hbm>>) target(%dma_start3A_54 : memref<64x128xf32, #tpu.memory_space<vmem>>) offsets(%dma_start3A_57 : memref<64xi32, #tpu.memory_space<vmem>>) semaphore(%arg13 : memref<!tpu.dma_semaphore, #tpu.memory_space<semaphore_mem>>)
    %scan3A_61 = arith.constant 0 : i32
    %scan3A_62 = arith.constant 0 : i32
    %scan3A_63 = arith.constant 10 : i32
    %scan3A_64 = arith.addi %scan3A_62, %scan3A_63 : i32
    %scan3A_65 = arith.constant 1 : i32
    %scan3A_66 = scf.for %scan3A_241 = %scan3A_62 to %scan3A_64 step %scan3A_65 iter_args(%scan3A_242 = %scan3A_61) -> (i32)  : i32 {
      %mul3A_243 = arith.constant 4 : i32
      %mul3A_244 = arith.muli %scan3A_241, %mul3A_243 : i32
      %add3A_245 = arith.constant 0 : i32
      %add3A_246 = arith.addi %mul3A_244, %add3A_245 : i32
      %dma_wait3A = arith.constant 0 : i32
      %dma_wait3A_247 = arith.constant 0 : i32
      %dma_wait3A_248 = arith.constant 0 : i32
      %dma_wait3A_249 = tpu.memref_slice %arg8[%dma_wait3A, %dma_wait3A_247, %dma_wait3A_248] : memref<4x64x128xf32, #tpu.memory_space<vmem>> -> memref<1x64x128xf32, #tpu.memory_space<vmem>>
      %dma_wait3A_250 = tpu.memref_squeeze %dma_wait3A_249 : memref<1x64x128xf32, #tpu.memory_space<vmem>> -> memref<64x128xf32, #tpu.memory_space<vmem>>
      %dma_wait3A_251 = arith.constant 0 : i32
      %dma_wait3A_252 = tpu.memref_slice %arg6[%add3A_246, %dma_wait3A_251] : memref<40x64xi32, #tpu.memory_space<vmem>> -> memref<1x64xi32, #tpu.memory_space<vmem>>
      %dma_wait3A_253 = tpu.memref_squeeze %dma_wait3A_252 : memref<1x64xi32, #tpu.memory_space<vmem>> -> memref<64xi32, #tpu.memory_space<vmem>>
      %dma_wait3A_254 = arith.constant 0 : i32
      %dma_wait3A_255 = arith.constant 0 : i32
      %dma_wait3A_256 = tpu.memref_slice %arg2[%dma_wait3A_254, %dma_wait3A_255] : memref<10240x128xf32, #tpu.memory_space<hbm>> -> memref<10240x128xf32, #tpu.memory_space<hbm>>
      tpu.wait_indirect_dma semaphore(%arg10 : memref<!tpu.dma_semaphore, #tpu.memory_space<semaphore_mem>>) src(%dma_wait3A_256 : memref<10240x128xf32, #tpu.memory_space<hbm>>) dst(%dma_wait3A_250 : memref<64x128xf32, #tpu.memory_space<vmem>>)
      %add3A_257 = arith.constant 0 : i32
      %add3A_258 = arith.addi %mul3A_244, %add3A_257 : i32
      %run_scoped3A = arith.constant 0 : i32
      "tpu.region"() ({
        %run_scoped3A_341 = tpu.sem_alloc : memref<!tpu.dma_semaphore, #tpu.memory_space<semaphore_mem>>
        %dma_start3A_342 = arith.constant 0 : i32
        %dma_start3A_343 = arith.constant 0 : i32
        %dma_start3A_344 = tpu.memref_slice %arg8[%run_scoped3A, %dma_start3A_342, %dma_start3A_343] : memref<4x64x128xf32, #tpu.memory_space<vmem>> -> memref<1x64x128xf32, #tpu.memory_space<vmem>>
        %dma_start3A_345 = tpu.memref_squeeze %dma_start3A_344 : memref<1x64x128xf32, #tpu.memory_space<vmem>> -> memref<64x128xf32, #tpu.memory_space<vmem>>
        %dma_start3A_346 = arith.constant 0 : i32
        %dma_start3A_347 = tpu.memref_slice %arg7[%add3A_258, %dma_start3A_346] : memref<40x64xi32, #tpu.memory_space<vmem>> -> memref<1x64xi32, #tpu.memory_space<vmem>>
        %dma_start3A_348 = tpu.memref_squeeze %dma_start3A_347 : memref<1x64xi32, #tpu.memory_space<vmem>> -> memref<64xi32, #tpu.memory_space<vmem>>
        %dma_start3A_349 = arith.constant 0 : i32
        %dma_start3A_350 = arith.constant 0 : i32
        %dma_start3A_351 = tpu.memref_slice %arg9[%dma_start3A_349, %dma_start3A_350] : memref<10240x128xf32, #tpu.memory_space<vmem_shared>> -> memref<10240x128xf32, #tpu.memory_space<vmem_shared>>
        tpu.enqueue_indirect_dma source(%dma_start3A_345 : memref<64x128xf32, #tpu.memory_space<vmem>>) target(%dma_start3A_351 : memref<10240x128xf32, #tpu.memory_space<vmem_shared>>) offsets(%dma_start3A_348 : memref<64xi32, #tpu.memory_space<vmem>>) semaphore(%run_scoped3A_341 : memref<!tpu.dma_semaphore, #tpu.memory_space<semaphore_mem>>) {add = true}
        %dma_wait3A_352 = arith.constant 0 : i32
        %dma_wait3A_353 = arith.constant 0 : i32
        %dma_wait3A_354 = tpu.memref_slice %arg8[%run_scoped3A, %dma_wait3A_352, %dma_wait3A_353] : memref<4x64x128xf32, #tpu.memory_space<vmem>> -> memref<1x64x128xf32, #tpu.memory_space<vmem>>
        %dma_wait3A_355 = tpu.memref_squeeze %dma_wait3A_354 : memref<1x64x128xf32, #tpu.memory_space<vmem>> -> memref<64x128xf32, #tpu.memory_space<vmem>>
        %dma_wait3A_356 = arith.constant 0 : i32
        %dma_wait3A_357 = tpu.memref_slice %arg7[%add3A_258, %dma_wait3A_356] : memref<40x64xi32, #tpu.memory_space<vmem>> -> memref<1x64xi32, #tpu.memory_space<vmem>>
        %dma_wait3A_358 = tpu.memref_squeeze %dma_wait3A_357 : memref<1x64xi32, #tpu.memory_space<vmem>> -> memref<64xi32, #tpu.memory_space<vmem>>
        %dma_wait3A_359 = arith.constant 0 : i32
        %dma_wait3A_360 = arith.constant 0 : i32
        %dma_wait3A_361 = tpu.memref_slice %arg9[%dma_wait3A_359, %dma_wait3A_360] : memref<10240x128xf32, #tpu.memory_space<vmem_shared>> -> memref<10240x128xf32, #tpu.memory_space<vmem_shared>>
        tpu.wait_indirect_dma semaphore(%run_scoped3A_341 : memref<!tpu.dma_semaphore, #tpu.memory_space<semaphore_mem>>) src(%dma_wait3A_355 : memref<64x128xf32, #tpu.memory_space<vmem>>) dst(%dma_wait3A_361 : memref<10240x128xf32, #tpu.memory_space<vmem_shared>>)
        tpu.yield
      }) : () -> ()
      %add3A_259 = arith.constant 0 : i32
      %add3A_260 = arith.addi %mul3A_244, %add3A_259 : i32
      %add3A_261 = arith.constant 4 : i32
      %add3A_262 = arith.addi %add3A_260, %add3A_261 : i32
      %lt3A = arith.constant 40 : i32
      %lt3A_263 = arith.cmpi slt, %add3A_262, %lt3A : i32
      %convert_element_type3A = arith.extui %lt3A_263 : i1 to i32
      %cond3A = arith.constant 0 : i32
      %cond3A_264 = arith.cmpi ne, %convert_element_type3A, %cond3A : i32
      scf.if %cond3A_264 {
        %add3A_341 = arith.constant 0 : i32
        %add3A_342 = arith.addi %mul3A_244, %add3A_341 : i32
        %add3A_343 = arith.constant 4 : i32
        %add3A_344 = arith.addi %add3A_342, %add3A_343 : i32
        %dma_start3A_345 = arith.constant 0 : i32
        %dma_start3A_346 = arith.constant 0 : i32
        %dma_start3A_347 = arith.constant 0 : i32
        %dma_start3A_348 = tpu.memref_slice %arg8[%dma_start3A_345, %dma_start3A_346, %dma_start3A_347] : memref<4x64x128xf32, #tpu.memory_space<vmem>> -> memref<1x64x128xf32, #tpu.memory_space<vmem>>
        %dma_start3A_349 = tpu.memref_squeeze %dma_start3A_348 : memref<1x64x128xf32, #tpu.memory_space<vmem>> -> memref<64x128xf32, #tpu.memory_space<vmem>>
        %dma_start3A_350 = arith.constant 0 : i32
        %dma_start3A_351 = tpu.memref_slice %arg6[%add3A_344, %dma_start3A_350] : memref<40x64xi32, #tpu.memory_space<vmem>> -> memref<1x64xi32, #tpu.memory_space<vmem>>
        %dma_start3A_352 = tpu.memref_squeeze %dma_start3A_351 : memref<1x64xi32, #tpu.memory_space<vmem>> -> memref<64xi32, #tpu.memory_space<vmem>>
        %dma_start3A_353 = arith.constant 0 : i32
        %dma_start3A_354 = arith.constant 0 : i32
        %dma_start3A_355 = tpu.memref_slice %arg2[%dma_start3A_353, %dma_start3A_354] : memref<10240x128xf32, #tpu.memory_space<hbm>> -> memref<10240x128xf32, #tpu.memory_space<hbm>>
        tpu.enqueue_indirect_dma source(%dma_start3A_355 : memref<10240x128xf32, #tpu.memory_space<hbm>>) target(%dma_start3A_349 : memref<64x128xf32, #tpu.memory_space<vmem>>) offsets(%dma_start3A_352 : memref<64xi32, #tpu.memory_space<vmem>>) semaphore(%arg10 : memref<!tpu.dma_semaphore, #tpu.memory_space<semaphore_mem>>)
      } else {
      }
      %add3A_265 = arith.constant 1 : i32
      %add3A_266 = arith.addi %mul3A_244, %add3A_265 : i32
      %dma_wait3A_267 = arith.constant 1 : i32
      %dma_wait3A_268 = arith.constant 0 : i32
      %dma_wait3A_269 = arith.constant 0 : i32
      %dma_wait3A_270 = tpu.memref_slice %arg8[%dma_wait3A_267, %dma_wait3A_268, %dma_wait3A_269] : memref<4x64x128xf32, #tpu.memory_space<vmem>> -> memref<1x64x128xf32, #tpu.memory_space<vmem>>
      %dma_wait3A_271 = tpu.memref_squeeze %dma_wait3A_270 : memref<1x64x128xf32, #tpu.memory_space<vmem>> -> memref<64x128xf32, #tpu.memory_space<vmem>>
      %dma_wait3A_272 = arith.constant 0 : i32
      %dma_wait3A_273 = tpu.memref_slice %arg6[%add3A_266, %dma_wait3A_272] : memref<40x64xi32, #tpu.memory_space<vmem>> -> memref<1x64xi32, #tpu.memory_space<vmem>>
      %dma_wait3A_274 = tpu.memref_squeeze %dma_wait3A_273 : memref<1x64xi32, #tpu.memory_space<vmem>> -> memref<64xi32, #tpu.memory_space<vmem>>
      %dma_wait3A_275 = arith.constant 0 : i32
      %dma_wait3A_276 = arith.constant 0 : i32
      %dma_wait3A_277 = tpu.memref_slice %arg2[%dma_wait3A_275, %dma_wait3A_276] : memref<10240x128xf32, #tpu.memory_space<hbm>> -> memref<10240x128xf32, #tpu.memory_space<hbm>>
      tpu.wait_indirect_dma semaphore(%arg11 : memref<!tpu.dma_semaphore, #tpu.memory_space<semaphore_mem>>) src(%dma_wait3A_277 : memref<10240x128xf32, #tpu.memory_space<hbm>>) dst(%dma_wait3A_271 : memref<64x128xf32, #tpu.memory_space<vmem>>)
      %add3A_278 = arith.constant 1 : i32
      %add3A_279 = arith.addi %mul3A_244, %add3A_278 : i32
      %run_scoped3A_280 = arith.constant 1 : i32
      "tpu.region"() ({
        %run_scoped3A_341 = tpu.sem_alloc : memref<!tpu.dma_semaphore, #tpu.memory_space<semaphore_mem>>
        %dma_start3A_342 = arith.constant 0 : i32
        %dma_start3A_343 = arith.constant 0 : i32
        %dma_start3A_344 = tpu.memref_slice %arg8[%run_scoped3A_280, %dma_start3A_342, %dma_start3A_343] : memref<4x64x128xf32, #tpu.memory_space<vmem>> -> memref<1x64x128xf32, #tpu.memory_space<vmem>>
        %dma_start3A_345 = tpu.memref_squeeze %dma_start3A_344 : memref<1x64x128xf32, #tpu.memory_space<vmem>> -> memref<64x128xf32, #tpu.memory_space<vmem>>
        %dma_start3A_346 = arith.constant 0 : i32
        %dma_start3A_347 = tpu.memref_slice %arg7[%add3A_279, %dma_start3A_346] : memref<40x64xi32, #tpu.memory_space<vmem>> -> memref<1x64xi32, #tpu.memory_space<vmem>>
        %dma_start3A_348 = tpu.memref_squeeze %dma_start3A_347 : memref<1x64xi32, #tpu.memory_space<vmem>> -> memref<64xi32, #tpu.memory_space<vmem>>
        %dma_start3A_349 = arith.constant 0 : i32
        %dma_start3A_350 = arith.constant 0 : i32
        %dma_start3A_351 = tpu.memref_slice %arg9[%dma_start3A_349, %dma_start3A_350] : memref<10240x128xf32, #tpu.memory_space<vmem_shared>> -> memref<10240x128xf32, #tpu.memory_space<vmem_shared>>
        tpu.enqueue_indirect_dma source(%dma_start3A_345 : memref<64x128xf32, #tpu.memory_space<vmem>>) target(%dma_start3A_351 : memref<10240x128xf32, #tpu.memory_space<vmem_shared>>) offsets(%dma_start3A_348 : memref<64xi32, #tpu.memory_space<vmem>>) semaphore(%run_scoped3A_341 : memref<!tpu.dma_semaphore, #tpu.memory_space<semaphore_mem>>) {add = true}
        %dma_wait3A_352 = arith.constant 0 : i32
        %dma_wait3A_353 = arith.constant 0 : i32
        %dma_wait3A_354 = tpu.memref_slice %arg8[%run_scoped3A_280, %dma_wait3A_352, %dma_wait3A_353] : memref<4x64x128xf32, #tpu.memory_space<vmem>> -> memref<1x64x128xf32, #tpu.memory_space<vmem>>
        %dma_wait3A_355 = tpu.memref_squeeze %dma_wait3A_354 : memref<1x64x128xf32, #tpu.memory_space<vmem>> -> memref<64x128xf32, #tpu.memory_space<vmem>>
        %dma_wait3A_356 = arith.constant 0 : i32
        %dma_wait3A_357 = tpu.memref_slice %arg7[%add3A_279, %dma_wait3A_356] : memref<40x64xi32, #tpu.memory_space<vmem>> -> memref<1x64xi32, #tpu.memory_space<vmem>>
        %dma_wait3A_358 = tpu.memref_squeeze %dma_wait3A_357 : memref<1x64xi32, #tpu.memory_space<vmem>> -> memref<64xi32, #tpu.memory_space<vmem>>
        %dma_wait3A_359 = arith.constant 0 : i32
        %dma_wait3A_360 = arith.constant 0 : i32
        %dma_wait3A_361 = tpu.memref_slice %arg9[%dma_wait3A_359, %dma_wait3A_360] : memref<10240x128xf32, #tpu.memory_space<vmem_shared>> -> memref<10240x128xf32, #tpu.memory_space<vmem_shared>>
        tpu.wait_indirect_dma semaphore(%run_scoped3A_341 : memref<!tpu.dma_semaphore, #tpu.memory_space<semaphore_mem>>) src(%dma_wait3A_355 : memref<64x128xf32, #tpu.memory_space<vmem>>) dst(%dma_wait3A_361 : memref<10240x128xf32, #tpu.memory_space<vmem_shared>>)
        tpu.yield
      }) : () -> ()
      %add3A_281 = arith.constant 1 : i32
      %add3A_282 = arith.addi %mul3A_244, %add3A_281 : i32
      %add3A_283 = arith.constant 4 : i32
      %add3A_284 = arith.addi %add3A_282, %add3A_283 : i32
      %lt3A_285 = arith.constant 40 : i32
      %lt3A_286 = arith.cmpi slt, %add3A_284, %lt3A_285 : i32
      %convert_element_type3A_287 = arith.extui %lt3A_286 : i1 to i32
      %cond3A_288 = arith.constant 0 : i32
      %cond3A_289 = arith.cmpi ne, %convert_element_type3A_287, %cond3A_288 : i32
      scf.if %cond3A_289 {
        %add3A_341 = arith.constant 1 : i32
        %add3A_342 = arith.addi %mul3A_244, %add3A_341 : i32
        %add3A_343 = arith.constant 4 : i32
        %add3A_344 = arith.addi %add3A_342, %add3A_343 : i32
        %dma_start3A_345 = arith.constant 1 : i32
        %dma_start3A_346 = arith.constant 0 : i32
        %dma_start3A_347 = arith.constant 0 : i32
        %dma_start3A_348 = tpu.memref_slice %arg8[%dma_start3A_345, %dma_start3A_346, %dma_start3A_347] : memref<4x64x128xf32, #tpu.memory_space<vmem>> -> memref<1x64x128xf32, #tpu.memory_space<vmem>>
        %dma_start3A_349 = tpu.memref_squeeze %dma_start3A_348 : memref<1x64x128xf32, #tpu.memory_space<vmem>> -> memref<64x128xf32, #tpu.memory_space<vmem>>
        %dma_start3A_350 = arith.constant 0 : i32
        %dma_start3A_351 = tpu.memref_slice %arg6[%add3A_344, %dma_start3A_350] : memref<40x64xi32, #tpu.memory_space<vmem>> -> memref<1x64xi32, #tpu.memory_space<vmem>>
        %dma_start3A_352 = tpu.memref_squeeze %dma_start3A_351 : memref<1x64xi32, #tpu.memory_space<vmem>> -> memref<64xi32, #tpu.memory_space<vmem>>
        %dma_start3A_353 = arith.constant 0 : i32
        %dma_start3A_354 = arith.constant 0 : i32
        %dma_start3A_355 = tpu.memref_slice %arg2[%dma_start3A_353, %dma_start3A_354] : memref<10240x128xf32, #tpu.memory_space<hbm>> -> memref<10240x128xf32, #tpu.memory_space<hbm>>
        tpu.enqueue_indirect_dma source(%dma_start3A_355 : memref<10240x128xf32, #tpu.memory_space<hbm>>) target(%dma_start3A_349 : memref<64x128xf32, #tpu.memory_space<vmem>>) offsets(%dma_start3A_352 : memref<64xi32, #tpu.memory_space<vmem>>) semaphore(%arg11 : memref<!tpu.dma_semaphore, #tpu.memory_space<semaphore_mem>>)
      } else {
      }
      %add3A_290 = arith.constant 2 : i32
      %add3A_291 = arith.addi %mul3A_244, %add3A_290 : i32
      %dma_wait3A_292 = arith.constant 2 : i32
      %dma_wait3A_293 = arith.constant 0 : i32
      %dma_wait3A_294 = arith.constant 0 : i32
      %dma_wait3A_295 = tpu.memref_slice %arg8[%dma_wait3A_292, %dma_wait3A_293, %dma_wait3A_294] : memref<4x64x128xf32, #tpu.memory_space<vmem>> -> memref<1x64x128xf32, #tpu.memory_space<vmem>>
      %dma_wait3A_296 = tpu.memref_squeeze %dma_wait3A_295 : memref<1x64x128xf32, #tpu.memory_space<vmem>> -> memref<64x128xf32, #tpu.memory_space<vmem>>
      %dma_wait3A_297 = arith.constant 0 : i32
      %dma_wait3A_298 = tpu.memref_slice %arg6[%add3A_291, %dma_wait3A_297] : memref<40x64xi32, #tpu.memory_space<vmem>> -> memref<1x64xi32, #tpu.memory_space<vmem>>
      %dma_wait3A_299 = tpu.memref_squeeze %dma_wait3A_298 : memref<1x64xi32, #tpu.memory_space<vmem>> -> memref<64xi32, #tpu.memory_space<vmem>>
      %dma_wait3A_300 = arith.constant 0 : i32
      %dma_wait3A_301 = arith.constant 0 : i32
      %dma_wait3A_302 = tpu.memref_slice %arg2[%dma_wait3A_300, %dma_wait3A_301] : memref<10240x128xf32, #tpu.memory_space<hbm>> -> memref<10240x128xf32, #tpu.memory_space<hbm>>
      tpu.wait_indirect_dma semaphore(%arg12 : memref<!tpu.dma_semaphore, #tpu.memory_space<semaphore_mem>>) src(%dma_wait3A_302 : memref<10240x128xf32, #tpu.memory_space<hbm>>) dst(%dma_wait3A_296 : memref<64x128xf32, #tpu.memory_space<vmem>>)
      %add3A_303 = arith.constant 2 : i32
      %add3A_304 = arith.addi %mul3A_244, %add3A_303 : i32
      %run_scoped3A_305 = arith.constant 2 : i32
      "tpu.region"() ({
        %run_scoped3A_341 = tpu.sem_alloc : memref<!tpu.dma_semaphore, #tpu.memory_space<semaphore_mem>>
        %dma_start3A_342 = arith.constant 0 : i32
        %dma_start3A_343 = arith.constant 0 : i32
        %dma_start3A_344 = tpu.memref_slice %arg8[%run_scoped3A_305, %dma_start3A_342, %dma_start3A_343] : memref<4x64x128xf32, #tpu.memory_space<vmem>> -> memref<1x64x128xf32, #tpu.memory_space<vmem>>
        %dma_start3A_345 = tpu.memref_squeeze %dma_start3A_344 : memref<1x64x128xf32, #tpu.memory_space<vmem>> -> memref<64x128xf32, #tpu.memory_space<vmem>>
        %dma_start3A_346 = arith.constant 0 : i32
        %dma_start3A_347 = tpu.memref_slice %arg7[%add3A_304, %dma_start3A_346] : memref<40x64xi32, #tpu.memory_space<vmem>> -> memref<1x64xi32, #tpu.memory_space<vmem>>
        %dma_start3A_348 = tpu.memref_squeeze %dma_start3A_347 : memref<1x64xi32, #tpu.memory_space<vmem>> -> memref<64xi32, #tpu.memory_space<vmem>>
        %dma_start3A_349 = arith.constant 0 : i32
        %dma_start3A_350 = arith.constant 0 : i32
        %dma_start3A_351 = tpu.memref_slice %arg9[%dma_start3A_349, %dma_start3A_350] : memref<10240x128xf32, #tpu.memory_space<vmem_shared>> -> memref<10240x128xf32, #tpu.memory_space<vmem_shared>>
        tpu.enqueue_indirect_dma source(%dma_start3A_345 : memref<64x128xf32, #tpu.memory_space<vmem>>) target(%dma_start3A_351 : memref<10240x128xf32, #tpu.memory_space<vmem_shared>>) offsets(%dma_start3A_348 : memref<64xi32, #tpu.memory_space<vmem>>) semaphore(%run_scoped3A_341 : memref<!tpu.dma_semaphore, #tpu.memory_space<semaphore_mem>>) {add = true}
        %dma_wait3A_352 = arith.constant 0 : i32
        %dma_wait3A_353 = arith.constant 0 : i32
        %dma_wait3A_354 = tpu.memref_slice %arg8[%run_scoped3A_305, %dma_wait3A_352, %dma_wait3A_353] : memref<4x64x128xf32, #tpu.memory_space<vmem>> -> memref<1x64x128xf32, #tpu.memory_space<vmem>>
        %dma_wait3A_355 = tpu.memref_squeeze %dma_wait3A_354 : memref<1x64x128xf32, #tpu.memory_space<vmem>> -> memref<64x128xf32, #tpu.memory_space<vmem>>
        %dma_wait3A_356 = arith.constant 0 : i32
        %dma_wait3A_357 = tpu.memref_slice %arg7[%add3A_304, %dma_wait3A_356] : memref<40x64xi32, #tpu.memory_space<vmem>> -> memref<1x64xi32, #tpu.memory_space<vmem>>
        %dma_wait3A_358 = tpu.memref_squeeze %dma_wait3A_357 : memref<1x64xi32, #tpu.memory_space<vmem>> -> memref<64xi32, #tpu.memory_space<vmem>>
        %dma_wait3A_359 = arith.constant 0 : i32
        %dma_wait3A_360 = arith.constant 0 : i32
        %dma_wait3A_361 = tpu.memref_slice %arg9[%dma_wait3A_359, %dma_wait3A_360] : memref<10240x128xf32, #tpu.memory_space<vmem_shared>> -> memref<10240x128xf32, #tpu.memory_space<vmem_shared>>
        tpu.wait_indirect_dma semaphore(%run_scoped3A_341 : memref<!tpu.dma_semaphore, #tpu.memory_space<semaphore_mem>>) src(%dma_wait3A_355 : memref<64x128xf32, #tpu.memory_space<vmem>>) dst(%dma_wait3A_361 : memref<10240x128xf32, #tpu.memory_space<vmem_shared>>)
        tpu.yield
      }) : () -> ()
      %add3A_306 = arith.constant 2 : i32
      %add3A_307 = arith.addi %mul3A_244, %add3A_306 : i32
      %add3A_308 = arith.constant 4 : i32
      %add3A_309 = arith.addi %add3A_307, %add3A_308 : i32
      %lt3A_310 = arith.constant 40 : i32
      %lt3A_311 = arith.cmpi slt, %add3A_309, %lt3A_310 : i32
      %convert_element_type3A_312 = arith.extui %lt3A_311 : i1 to i32
      %cond3A_313 = arith.constant 0 : i32
      %cond3A_314 = arith.cmpi ne, %convert_element_type3A_312, %cond3A_313 : i32
      scf.if %cond3A_314 {
        %add3A_341 = arith.constant 2 : i32
        %add3A_342 = arith.addi %mul3A_244, %add3A_341 : i32
        %add3A_343 = arith.constant 4 : i32
        %add3A_344 = arith.addi %add3A_342, %add3A_343 : i32
        %dma_start3A_345 = arith.constant 2 : i32
        %dma_start3A_346 = arith.constant 0 : i32
        %dma_start3A_347 = arith.constant 0 : i32
        %dma_start3A_348 = tpu.memref_slice %arg8[%dma_start3A_345, %dma_start3A_346, %dma_start3A_347] : memref<4x64x128xf32, #tpu.memory_space<vmem>> -> memref<1x64x128xf32, #tpu.memory_space<vmem>>
        %dma_start3A_349 = tpu.memref_squeeze %dma_start3A_348 : memref<1x64x128xf32, #tpu.memory_space<vmem>> -> memref<64x128xf32, #tpu.memory_space<vmem>>
        %dma_start3A_350 = arith.constant 0 : i32
        %dma_start3A_351 = tpu.memref_slice %arg6[%add3A_344, %dma_start3A_350] : memref<40x64xi32, #tpu.memory_space<vmem>> -> memref<1x64xi32, #tpu.memory_space<vmem>>
        %dma_start3A_352 = tpu.memref_squeeze %dma_start3A_351 : memref<1x64xi32, #tpu.memory_space<vmem>> -> memref<64xi32, #tpu.memory_space<vmem>>
        %dma_start3A_353 = arith.constant 0 : i32
        %dma_start3A_354 = arith.constant 0 : i32
        %dma_start3A_355 = tpu.memref_slice %arg2[%dma_start3A_353, %dma_start3A_354] : memref<10240x128xf32, #tpu.memory_space<hbm>> -> memref<10240x128xf32, #tpu.memory_space<hbm>>
        tpu.enqueue_indirect_dma source(%dma_start3A_355 : memref<10240x128xf32, #tpu.memory_space<hbm>>) target(%dma_start3A_349 : memref<64x128xf32, #tpu.memory_space<vmem>>) offsets(%dma_start3A_352 : memref<64xi32, #tpu.memory_space<vmem>>) semaphore(%arg12 : memref<!tpu.dma_semaphore, #tpu.memory_space<semaphore_mem>>)
      } else {
      }
      %add3A_315 = arith.constant 3 : i32
      %add3A_316 = arith.addi %mul3A_244, %add3A_315 : i32
      %dma_wait3A_317 = arith.constant 3 : i32
      %dma_wait3A_318 = arith.constant 0 : i32
      %dma_wait3A_319 = arith.constant 0 : i32
      %dma_wait3A_320 = tpu.memref_slice %arg8[%dma_wait3A_317, %dma_wait3A_318, %dma_wait3A_319] : memref<4x64x128xf32, #tpu.memory_space<vmem>> -> memref<1x64x128xf32, #tpu.memory_space<vmem>>
      %dma_wait3A_321 = tpu.memref_squeeze %dma_wait3A_320 : memref<1x64x128xf32, #tpu.memory_space<vmem>> -> memref<64x128xf32, #tpu.memory_space<vmem>>
      %dma_wait3A_322 = arith.constant 0 : i32
      %dma_wait3A_323 = tpu.memref_slice %arg6[%add3A_316, %dma_wait3A_322] : memref<40x64xi32, #tpu.memory_space<vmem>> -> memref<1x64xi32, #tpu.memory_space<vmem>>
      %dma_wait3A_324 = tpu.memref_squeeze %dma_wait3A_323 : memref<1x64xi32, #tpu.memory_space<vmem>> -> memref<64xi32, #tpu.memory_space<vmem>>
      %dma_wait3A_325 = arith.constant 0 : i32
      %dma_wait3A_326 = arith.constant 0 : i32
      %dma_wait3A_327 = tpu.memref_slice %arg2[%dma_wait3A_325, %dma_wait3A_326] : memref<10240x128xf32, #tpu.memory_space<hbm>> -> memref<10240x128xf32, #tpu.memory_space<hbm>>
      tpu.wait_indirect_dma semaphore(%arg13 : memref<!tpu.dma_semaphore, #tpu.memory_space<semaphore_mem>>) src(%dma_wait3A_327 : memref<10240x128xf32, #tpu.memory_space<hbm>>) dst(%dma_wait3A_321 : memref<64x128xf32, #tpu.memory_space<vmem>>)
      %add3A_328 = arith.constant 3 : i32
      %add3A_329 = arith.addi %mul3A_244, %add3A_328 : i32
      %run_scoped3A_330 = arith.constant 3 : i32
      "tpu.region"() ({
        %run_scoped3A_341 = tpu.sem_alloc : memref<!tpu.dma_semaphore, #tpu.memory_space<semaphore_mem>>
        %dma_start3A_342 = arith.constant 0 : i32
        %dma_start3A_343 = arith.constant 0 : i32
        %dma_start3A_344 = tpu.memref_slice %arg8[%run_scoped3A_330, %dma_start3A_342, %dma_start3A_343] : memref<4x64x128xf32, #tpu.memory_space<vmem>> -> memref<1x64x128xf32, #tpu.memory_space<vmem>>
        %dma_start3A_345 = tpu.memref_squeeze %dma_start3A_344 : memref<1x64x128xf32, #tpu.memory_space<vmem>> -> memref<64x128xf32, #tpu.memory_space<vmem>>
        %dma_start3A_346 = arith.constant 0 : i32
        %dma_start3A_347 = tpu.memref_slice %arg7[%add3A_329, %dma_start3A_346] : memref<40x64xi32, #tpu.memory_space<vmem>> -> memref<1x64xi32, #tpu.memory_space<vmem>>
        %dma_start3A_348 = tpu.memref_squeeze %dma_start3A_347 : memref<1x64xi32, #tpu.memory_space<vmem>> -> memref<64xi32, #tpu.memory_space<vmem>>
        %dma_start3A_349 = arith.constant 0 : i32
        %dma_start3A_350 = arith.constant 0 : i32
        %dma_start3A_351 = tpu.memref_slice %arg9[%dma_start3A_349, %dma_start3A_350] : memref<10240x128xf32, #tpu.memory_space<vmem_shared>> -> memref<10240x128xf32, #tpu.memory_space<vmem_shared>>
        tpu.enqueue_indirect_dma source(%dma_start3A_345 : memref<64x128xf32, #tpu.memory_space<vmem>>) target(%dma_start3A_351 : memref<10240x128xf32, #tpu.memory_space<vmem_shared>>) offsets(%dma_start3A_348 : memref<64xi32, #tpu.memory_space<vmem>>) semaphore(%run_scoped3A_341 : memref<!tpu.dma_semaphore, #tpu.memory_space<semaphore_mem>>) {add = true}
        %dma_wait3A_352 = arith.constant 0 : i32
        %dma_wait3A_353 = arith.constant 0 : i32
        %dma_wait3A_354 = tpu.memref_slice %arg8[%run_scoped3A_330, %dma_wait3A_352, %dma_wait3A_353] : memref<4x64x128xf32, #tpu.memory_space<vmem>> -> memref<1x64x128xf32, #tpu.memory_space<vmem>>
        %dma_wait3A_355 = tpu.memref_squeeze %dma_wait3A_354 : memref<1x64x128xf32, #tpu.memory_space<vmem>> -> memref<64x128xf32, #tpu.memory_space<vmem>>
        %dma_wait3A_356 = arith.constant 0 : i32
        %dma_wait3A_357 = tpu.memref_slice %arg7[%add3A_329, %dma_wait3A_356] : memref<40x64xi32, #tpu.memory_space<vmem>> -> memref<1x64xi32, #tpu.memory_space<vmem>>
        %dma_wait3A_358 = tpu.memref_squeeze %dma_wait3A_357 : memref<1x64xi32, #tpu.memory_space<vmem>> -> memref<64xi32, #tpu.memory_space<vmem>>
        %dma_wait3A_359 = arith.constant 0 : i32
        %dma_wait3A_360 = arith.constant 0 : i32
        %dma_wait3A_361 = tpu.memref_slice %arg9[%dma_wait3A_359, %dma_wait3A_360] : memref<10240x128xf32, #tpu.memory_space<vmem_shared>> -> memref<10240x128xf32, #tpu.memory_space<vmem_shared>>
        tpu.wait_indirect_dma semaphore(%run_scoped3A_341 : memref<!tpu.dma_semaphore, #tpu.memory_space<semaphore_mem>>) src(%dma_wait3A_355 : memref<64x128xf32, #tpu.memory_space<vmem>>) dst(%dma_wait3A_361 : memref<10240x128xf32, #tpu.memory_space<vmem_shared>>)
        tpu.yield
      }) : () -> ()
      %add3A_331 = arith.constant 3 : i32
      %add3A_332 = arith.addi %mul3A_244, %add3A_331 : i32
      %add3A_333 = arith.constant 4 : i32
      %add3A_334 = arith.addi %add3A_332, %add3A_333 : i32
      %lt3A_335 = arith.constant 40 : i32
      %lt3A_336 = arith.cmpi slt, %add3A_334, %lt3A_335 : i32
      %convert_element_type3A_337 = arith.extui %lt3A_336 : i1 to i32
      %cond3A_338 = arith.constant 0 : i32
      %cond3A_339 = arith.cmpi ne, %convert_element_type3A_337, %cond3A_338 : i32
      scf.if %cond3A_339 {
        %add3A_341 = arith.constant 3 : i32
        %add3A_342 = arith.addi %mul3A_244, %add3A_341 : i32
        %add3A_343 = arith.constant 4 : i32
        %add3A_344 = arith.addi %add3A_342, %add3A_343 : i32
        %dma_start3A_345 = arith.constant 3 : i32
        %dma_start3A_346 = arith.constant 0 : i32
        %dma_start3A_347 = arith.constant 0 : i32
        %dma_start3A_348 = tpu.memref_slice %arg8[%dma_start3A_345, %dma_start3A_346, %dma_start3A_347] : memref<4x64x128xf32, #tpu.memory_space<vmem>> -> memref<1x64x128xf32, #tpu.memory_space<vmem>>
        %dma_start3A_349 = tpu.memref_squeeze %dma_start3A_348 : memref<1x64x128xf32, #tpu.memory_space<vmem>> -> memref<64x128xf32, #tpu.memory_space<vmem>>
        %dma_start3A_350 = arith.constant 0 : i32
        %dma_start3A_351 = tpu.memref_slice %arg6[%add3A_344, %dma_start3A_350] : memref<40x64xi32, #tpu.memory_space<vmem>> -> memref<1x64xi32, #tpu.memory_space<vmem>>
        %dma_start3A_352 = tpu.memref_squeeze %dma_start3A_351 : memref<1x64xi32, #tpu.memory_space<vmem>> -> memref<64xi32, #tpu.memory_space<vmem>>
        %dma_start3A_353 = arith.constant 0 : i32
        %dma_start3A_354 = arith.constant 0 : i32
        %dma_start3A_355 = tpu.memref_slice %arg2[%dma_start3A_353, %dma_start3A_354] : memref<10240x128xf32, #tpu.memory_space<hbm>> -> memref<10240x128xf32, #tpu.memory_space<hbm>>
        tpu.enqueue_indirect_dma source(%dma_start3A_355 : memref<10240x128xf32, #tpu.memory_space<hbm>>) target(%dma_start3A_349 : memref<64x128xf32, #tpu.memory_space<vmem>>) offsets(%dma_start3A_352 : memref<64xi32, #tpu.memory_space<vmem>>) semaphore(%arg13 : memref<!tpu.dma_semaphore, #tpu.memory_space<semaphore_mem>>)
      } else {
      }
      %scan3A_340 = arith.constant 0 : i32
      scf.yield %scan3A_340 : i32
    }
    %scan3A_67 = arith.constant 10 : i32
    "tpu.region"() ({
      %run_scoped3A = tpu.sem_alloc : memref<!tpu.dma_semaphore, #tpu.memory_space<semaphore_mem>>
      %dma_start3A_241 = arith.constant 40 : i32
      %dma_start3A_242 = arith.constant 0 : i32
      %dma_start3A_243 = tpu.memref_slice %arg3[%add3A, %dma_start3A_241, %dma_start3A_242] : memref<32x160x64xi32, #tpu.memory_space<hbm>> -> memref<1x40x64xi32, #tpu.memory_space<hbm>>
      %dma_start3A_244 = tpu.memref_squeeze %dma_start3A_243 : memref<1x40x64xi32, #tpu.memory_space<hbm>> -> memref<40x64xi32, #tpu.memory_space<hbm>>
      %dma_start3A_245 = arith.constant 40 : i32
      %dma_start3A_246 = arith.constant 0 : i32
      %dma_start3A_247 = tpu.memref_slice %arg3[%add3A, %dma_start3A_245, %dma_start3A_246] : memref<32x160x64xi32, #tpu.memory_space<hbm>> -> memref<1x40x64xi32, #tpu.memory_space<hbm>>
      %dma_start3A_248 = tpu.memref_squeeze %dma_start3A_247 : memref<1x40x64xi32, #tpu.memory_space<hbm>> -> memref<40x64xi32, #tpu.memory_space<hbm>>
      tpu.enqueue_dma source(%dma_start3A_248 : memref<40x64xi32, #tpu.memory_space<hbm>>) target(%arg6 : memref<40x64xi32, #tpu.memory_space<vmem>>) target_semaphore(%run_scoped3A : memref<!tpu.dma_semaphore, #tpu.memory_space<semaphore_mem>>)
      %dma_wait3A = arith.constant 40 : i32
      %dma_wait3A_249 = arith.constant 0 : i32
      %dma_wait3A_250 = tpu.memref_slice %arg3[%add3A, %dma_wait3A, %dma_wait3A_249] : memref<32x160x64xi32, #tpu.memory_space<hbm>> -> memref<1x40x64xi32, #tpu.memory_space<hbm>>
      %dma_wait3A_251 = tpu.memref_squeeze %dma_wait3A_250 : memref<1x40x64xi32, #tpu.memory_space<hbm>> -> memref<40x64xi32, #tpu.memory_space<hbm>>
      %dma_wait3A_252 = arith.constant 40 : i32
      %dma_wait3A_253 = arith.constant 0 : i32
      %dma_wait3A_254 = tpu.memref_slice %arg3[%add3A, %dma_wait3A_252, %dma_wait3A_253] : memref<32x160x64xi32, #tpu.memory_space<hbm>> -> memref<1x40x64xi32, #tpu.memory_space<hbm>>
      %dma_wait3A_255 = tpu.memref_squeeze %dma_wait3A_254 : memref<1x40x64xi32, #tpu.memory_space<hbm>> -> memref<40x64xi32, #tpu.memory_space<hbm>>
      tpu.wait_dma2 semaphore(%run_scoped3A : memref<!tpu.dma_semaphore, #tpu.memory_space<semaphore_mem>>) src(%dma_wait3A_255 : memref<40x64xi32, #tpu.memory_space<hbm>>) dst(%arg6 : memref<40x64xi32, #tpu.memory_space<vmem>>)
      tpu.yield
    }) : () -> ()
    "tpu.region"() ({
      %run_scoped3A = tpu.sem_alloc : memref<!tpu.dma_semaphore, #tpu.memory_space<semaphore_mem>>
      %dma_start3A_241 = arith.constant 40 : i32
      %dma_start3A_242 = arith.constant 0 : i32
      %dma_start3A_243 = tpu.memref_slice %arg4[%add3A, %dma_start3A_241, %dma_start3A_242] : memref<32x160x64xi32, #tpu.memory_space<hbm>> -> memref<1x40x64xi32, #tpu.memory_space<hbm>>
      %dma_start3A_244 = tpu.memref_squeeze %dma_start3A_243 : memref<1x40x64xi32, #tpu.memory_space<hbm>> -> memref<40x64xi32, #tpu.memory_space<hbm>>
      %dma_start3A_245 = arith.constant 40 : i32
      %dma_start3A_246 = arith.constant 0 : i32
      %dma_start3A_247 = tpu.memref_slice %arg4[%add3A, %dma_start3A_245, %dma_start3A_246] : memref<32x160x64xi32, #tpu.memory_space<hbm>> -> memref<1x40x64xi32, #tpu.memory_space<hbm>>
      %dma_start3A_248 = tpu.memref_squeeze %dma_start3A_247 : memref<1x40x64xi32, #tpu.memory_space<hbm>> -> memref<40x64xi32, #tpu.memory_space<hbm>>
      tpu.enqueue_dma source(%dma_start3A_248 : memref<40x64xi32, #tpu.memory_space<hbm>>) target(%arg7 : memref<40x64xi32, #tpu.memory_space<vmem>>) target_semaphore(%run_scoped3A : memref<!tpu.dma_semaphore, #tpu.memory_space<semaphore_mem>>)
      %dma_wait3A = arith.constant 40 : i32
      %dma_wait3A_249 = arith.constant 0 : i32
      %dma_wait3A_250 = tpu.memref_slice %arg4[%add3A, %dma_wait3A, %dma_wait3A_249] : memref<32x160x64xi32, #tpu.memory_space<hbm>> -> memref<1x40x64xi32, #tpu.memory_space<hbm>>
      %dma_wait3A_251 = tpu.memref_squeeze %dma_wait3A_250 : memref<1x40x64xi32, #tpu.memory_space<hbm>> -> memref<40x64xi32, #tpu.memory_space<hbm>>
      %dma_wait3A_252 = arith.constant 40 : i32
      %dma_wait3A_253 = arith.constant 0 : i32
      %dma_wait3A_254 = tpu.memref_slice %arg4[%add3A, %dma_wait3A_252, %dma_wait3A_253] : memref<32x160x64xi32, #tpu.memory_space<hbm>> -> memref<1x40x64xi32, #tpu.memory_space<hbm>>
      %dma_wait3A_255 = tpu.memref_squeeze %dma_wait3A_254 : memref<1x40x64xi32, #tpu.memory_space<hbm>> -> memref<40x64xi32, #tpu.memory_space<hbm>>
      tpu.wait_dma2 semaphore(%run_scoped3A : memref<!tpu.dma_semaphore, #tpu.memory_space<semaphore_mem>>) src(%dma_wait3A_255 : memref<40x64xi32, #tpu.memory_space<hbm>>) dst(%arg7 : memref<40x64xi32, #tpu.memory_space<vmem>>)
      tpu.yield
    }) : () -> ()
    %dma_start3A_68 = arith.constant 0 : i32
    %dma_start3A_69 = arith.constant 0 : i32
    %dma_start3A_70 = arith.constant 0 : i32
    %dma_start3A_71 = arith.constant 0 : i32
    %dma_start3A_72 = tpu.memref_slice %arg8[%dma_start3A_69, %dma_start3A_70, %dma_start3A_71] : memref<4x64x128xf32, #tpu.memory_space<vmem>> -> memref<1x64x128xf32, #tpu.memory_space<vmem>>
    %dma_start3A_73 = tpu.memref_squeeze %dma_start3A_72 : memref<1x64x128xf32, #tpu.memory_space<vmem>> -> memref<64x128xf32, #tpu.memory_space<vmem>>
    %dma_start3A_74 = arith.constant 0 : i32
    %dma_start3A_75 = tpu.memref_slice %arg6[%dma_start3A_68, %dma_start3A_74] : memref<40x64xi32, #tpu.memory_space<vmem>> -> memref<1x64xi32, #tpu.memory_space<vmem>>
    %dma_start3A_76 = tpu.memref_squeeze %dma_start3A_75 : memref<1x64xi32, #tpu.memory_space<vmem>> -> memref<64xi32, #tpu.memory_space<vmem>>
    %dma_start3A_77 = arith.constant 0 : i32
    %dma_start3A_78 = arith.constant 0 : i32
    %dma_start3A_79 = tpu.memref_slice %arg2[%dma_start3A_77, %dma_start3A_78] : memref<10240x128xf32, #tpu.memory_space<hbm>> -> memref<10240x128xf32, #tpu.memory_space<hbm>>
    tpu.enqueue_indirect_dma source(%dma_start3A_79 : memref<10240x128xf32, #tpu.memory_space<hbm>>) target(%dma_start3A_73 : memref<64x128xf32, #tpu.memory_space<vmem>>) offsets(%dma_start3A_76 : memref<64xi32, #tpu.memory_space<vmem>>) semaphore(%arg10 : memref<!tpu.dma_semaphore, #tpu.memory_space<semaphore_mem>>)
    %dma_start3A_80 = arith.constant 1 : i32
    %dma_start3A_81 = arith.constant 1 : i32
    %dma_start3A_82 = arith.constant 0 : i32
    %dma_start3A_83 = arith.constant 0 : i32
    %dma_start3A_84 = tpu.memref_slice %arg8[%dma_start3A_81, %dma_start3A_82, %dma_start3A_83] : memref<4x64x128xf32, #tpu.memory_space<vmem>> -> memref<1x64x128xf32, #tpu.memory_space<vmem>>
    %dma_start3A_85 = tpu.memref_squeeze %dma_start3A_84 : memref<1x64x128xf32, #tpu.memory_space<vmem>> -> memref<64x128xf32, #tpu.memory_space<vmem>>
    %dma_start3A_86 = arith.constant 0 : i32
    %dma_start3A_87 = tpu.memref_slice %arg6[%dma_start3A_80, %dma_start3A_86] : memref<40x64xi32, #tpu.memory_space<vmem>> -> memref<1x64xi32, #tpu.memory_space<vmem>>
    %dma_start3A_88 = tpu.memref_squeeze %dma_start3A_87 : memref<1x64xi32, #tpu.memory_space<vmem>> -> memref<64xi32, #tpu.memory_space<vmem>>
    %dma_start3A_89 = arith.constant 0 : i32
    %dma_start3A_90 = arith.constant 0 : i32
    %dma_start3A_91 = tpu.memref_slice %arg2[%dma_start3A_89, %dma_start3A_90] : memref<10240x128xf32, #tpu.memory_space<hbm>> -> memref<10240x128xf32, #tpu.memory_space<hbm>>
    tpu.enqueue_indirect_dma source(%dma_start3A_91 : memref<10240x128xf32, #tpu.memory_space<hbm>>) target(%dma_start3A_85 : memref<64x128xf32, #tpu.memory_space<vmem>>) offsets(%dma_start3A_88 : memref<64xi32, #tpu.memory_space<vmem>>) semaphore(%arg11 : memref<!tpu.dma_semaphore, #tpu.memory_space<semaphore_mem>>)
    %dma_start3A_92 = arith.constant 2 : i32
    %dma_start3A_93 = arith.constant 2 : i32
    %dma_start3A_94 = arith.constant 0 : i32
    %dma_start3A_95 = arith.constant 0 : i32
    %dma_start3A_96 = tpu.memref_slice %arg8[%dma_start3A_93, %dma_start3A_94, %dma_start3A_95] : memref<4x64x128xf32, #tpu.memory_space<vmem>> -> memref<1x64x128xf32, #tpu.memory_space<vmem>>
    %dma_start3A_97 = tpu.memref_squeeze %dma_start3A_96 : memref<1x64x128xf32, #tpu.memory_space<vmem>> -> memref<64x128xf32, #tpu.memory_space<vmem>>
    %dma_start3A_98 = arith.constant 0 : i32
    %dma_start3A_99 = tpu.memref_slice %arg6[%dma_start3A_92, %dma_start3A_98] : memref<40x64xi32, #tpu.memory_space<vmem>> -> memref<1x64xi32, #tpu.memory_space<vmem>>
    %dma_start3A_100 = tpu.memref_squeeze %dma_start3A_99 : memref<1x64xi32, #tpu.memory_space<vmem>> -> memref<64xi32, #tpu.memory_space<vmem>>
    %dma_start3A_101 = arith.constant 0 : i32
    %dma_start3A_102 = arith.constant 0 : i32
    %dma_start3A_103 = tpu.memref_slice %arg2[%dma_start3A_101, %dma_start3A_102] : memref<10240x128xf32, #tpu.memory_space<hbm>> -> memref<10240x128xf32, #tpu.memory_space<hbm>>
    tpu.enqueue_indirect_dma source(%dma_start3A_103 : memref<10240x128xf32, #tpu.memory_space<hbm>>) target(%dma_start3A_97 : memref<64x128xf32, #tpu.memory_space<vmem>>) offsets(%dma_start3A_100 : memref<64xi32, #tpu.memory_space<vmem>>) semaphore(%arg12 : memref<!tpu.dma_semaphore, #tpu.memory_space<semaphore_mem>>)
    %dma_start3A_104 = arith.constant 3 : i32
    %dma_start3A_105 = arith.constant 3 : i32
    %dma_start3A_106 = arith.constant 0 : i32
    %dma_start3A_107 = arith.constant 0 : i32
    %dma_start3A_108 = tpu.memref_slice %arg8[%dma_start3A_105, %dma_start3A_106, %dma_start3A_107] : memref<4x64x128xf32, #tpu.memory_space<vmem>> -> memref<1x64x128xf32, #tpu.memory_space<vmem>>
    %dma_start3A_109 = tpu.memref_squeeze %dma_start3A_108 : memref<1x64x128xf32, #tpu.memory_space<vmem>> -> memref<64x128xf32, #tpu.memory_space<vmem>>
    %dma_start3A_110 = arith.constant 0 : i32
    %dma_start3A_111 = tpu.memref_slice %arg6[%dma_start3A_104, %dma_start3A_110] : memref<40x64xi32, #tpu.memory_space<vmem>> -> memref<1x64xi32, #tpu.memory_space<vmem>>
    %dma_start3A_112 = tpu.memref_squeeze %dma_start3A_111 : memref<1x64xi32, #tpu.memory_space<vmem>> -> memref<64xi32, #tpu.memory_space<vmem>>
    %dma_start3A_113 = arith.constant 0 : i32
    %dma_start3A_114 = arith.constant 0 : i32
    %dma_start3A_115 = tpu.memref_slice %arg2[%dma_start3A_113, %dma_start3A_114] : memref<10240x128xf32, #tpu.memory_space<hbm>> -> memref<10240x128xf32, #tpu.memory_space<hbm>>
    tpu.enqueue_indirect_dma source(%dma_start3A_115 : memref<10240x128xf32, #tpu.memory_space<hbm>>) target(%dma_start3A_109 : memref<64x128xf32, #tpu.memory_space<vmem>>) offsets(%dma_start3A_112 : memref<64xi32, #tpu.memory_space<vmem>>) semaphore(%arg13 : memref<!tpu.dma_semaphore, #tpu.memory_space<semaphore_mem>>)
    %scan3A_116 = arith.constant 0 : i32
    %scan3A_117 = arith.constant 0 : i32
    %scan3A_118 = arith.constant 10 : i32
    %scan3A_119 = arith.addi %scan3A_117, %scan3A_118 : i32
    %scan3A_120 = arith.constant 1 : i32
    %scan3A_121 = scf.for %scan3A_241 = %scan3A_117 to %scan3A_119 step %scan3A_120 iter_args(%scan3A_242 = %scan3A_116) -> (i32)  : i32 {
      %mul3A_243 = arith.constant 4 : i32
      %mul3A_244 = arith.muli %scan3A_241, %mul3A_243 : i32
      %add3A_245 = arith.constant 0 : i32
      %add3A_246 = arith.addi %mul3A_244, %add3A_245 : i32
      %dma_wait3A = arith.constant 0 : i32
      %dma_wait3A_247 = arith.constant 0 : i32
      %dma_wait3A_248 = arith.constant 0 : i32
      %dma_wait3A_249 = tpu.memref_slice %arg8[%dma_wait3A, %dma_wait3A_247, %dma_wait3A_248] : memref<4x64x128xf32, #tpu.memory_space<vmem>> -> memref<1x64x128xf32, #tpu.memory_space<vmem>>
      %dma_wait3A_250 = tpu.memref_squeeze %dma_wait3A_249 : memref<1x64x128xf32, #tpu.memory_space<vmem>> -> memref<64x128xf32, #tpu.memory_space<vmem>>
      %dma_wait3A_251 = arith.constant 0 : i32
      %dma_wait3A_252 = tpu.memref_slice %arg6[%add3A_246, %dma_wait3A_251] : memref<40x64xi32, #tpu.memory_space<vmem>> -> memref<1x64xi32, #tpu.memory_space<vmem>>
      %dma_wait3A_253 = tpu.memref_squeeze %dma_wait3A_252 : memref<1x64xi32, #tpu.memory_space<vmem>> -> memref<64xi32, #tpu.memory_space<vmem>>
      %dma_wait3A_254 = arith.constant 0 : i32
      %dma_wait3A_255 = arith.constant 0 : i32
      %dma_wait3A_256 = tpu.memref_slice %arg2[%dma_wait3A_254, %dma_wait3A_255] : memref<10240x128xf32, #tpu.memory_space<hbm>> -> memref<10240x128xf32, #tpu.memory_space<hbm>>
      tpu.wait_indirect_dma semaphore(%arg10 : memref<!tpu.dma_semaphore, #tpu.memory_space<semaphore_mem>>) src(%dma_wait3A_256 : memref<10240x128xf32, #tpu.memory_space<hbm>>) dst(%dma_wait3A_250 : memref<64x128xf32, #tpu.memory_space<vmem>>)
      %add3A_257 = arith.constant 0 : i32
      %add3A_258 = arith.addi %mul3A_244, %add3A_257 : i32
      %run_scoped3A = arith.constant 0 : i32
      "tpu.region"() ({
        %run_scoped3A_341 = tpu.sem_alloc : memref<!tpu.dma_semaphore, #tpu.memory_space<semaphore_mem>>
        %dma_start3A_342 = arith.constant 0 : i32
        %dma_start3A_343 = arith.constant 0 : i32
        %dma_start3A_344 = tpu.memref_slice %arg8[%run_scoped3A, %dma_start3A_342, %dma_start3A_343] : memref<4x64x128xf32, #tpu.memory_space<vmem>> -> memref<1x64x128xf32, #tpu.memory_space<vmem>>
        %dma_start3A_345 = tpu.memref_squeeze %dma_start3A_344 : memref<1x64x128xf32, #tpu.memory_space<vmem>> -> memref<64x128xf32, #tpu.memory_space<vmem>>
        %dma_start3A_346 = arith.constant 0 : i32
        %dma_start3A_347 = tpu.memref_slice %arg7[%add3A_258, %dma_start3A_346] : memref<40x64xi32, #tpu.memory_space<vmem>> -> memref<1x64xi32, #tpu.memory_space<vmem>>
        %dma_start3A_348 = tpu.memref_squeeze %dma_start3A_347 : memref<1x64xi32, #tpu.memory_space<vmem>> -> memref<64xi32, #tpu.memory_space<vmem>>
        %dma_start3A_349 = arith.constant 0 : i32
        %dma_start3A_350 = arith.constant 0 : i32
        %dma_start3A_351 = tpu.memref_slice %arg9[%dma_start3A_349, %dma_start3A_350] : memref<10240x128xf32, #tpu.memory_space<vmem_shared>> -> memref<10240x128xf32, #tpu.memory_space<vmem_shared>>
        tpu.enqueue_indirect_dma source(%dma_start3A_345 : memref<64x128xf32, #tpu.memory_space<vmem>>) target(%dma_start3A_351 : memref<10240x128xf32, #tpu.memory_space<vmem_shared>>) offsets(%dma_start3A_348 : memref<64xi32, #tpu.memory_space<vmem>>) semaphore(%run_scoped3A_341 : memref<!tpu.dma_semaphore, #tpu.memory_space<semaphore_mem>>) {add = true}
        %dma_wait3A_352 = arith.constant 0 : i32
        %dma_wait3A_353 = arith.constant 0 : i32
        %dma_wait3A_354 = tpu.memref_slice %arg8[%run_scoped3A, %dma_wait3A_352, %dma_wait3A_353] : memref<4x64x128xf32, #tpu.memory_space<vmem>> -> memref<1x64x128xf32, #tpu.memory_space<vmem>>
        %dma_wait3A_355 = tpu.memref_squeeze %dma_wait3A_354 : memref<1x64x128xf32, #tpu.memory_space<vmem>> -> memref<64x128xf32, #tpu.memory_space<vmem>>
        %dma_wait3A_356 = arith.constant 0 : i32
        %dma_wait3A_357 = tpu.memref_slice %arg7[%add3A_258, %dma_wait3A_356] : memref<40x64xi32, #tpu.memory_space<vmem>> -> memref<1x64xi32, #tpu.memory_space<vmem>>
        %dma_wait3A_358 = tpu.memref_squeeze %dma_wait3A_357 : memref<1x64xi32, #tpu.memory_space<vmem>> -> memref<64xi32, #tpu.memory_space<vmem>>
        %dma_wait3A_359 = arith.constant 0 : i32
        %dma_wait3A_360 = arith.constant 0 : i32
        %dma_wait3A_361 = tpu.memref_slice %arg9[%dma_wait3A_359, %dma_wait3A_360] : memref<10240x128xf32, #tpu.memory_space<vmem_shared>> -> memref<10240x128xf32, #tpu.memory_space<vmem_shared>>
        tpu.wait_indirect_dma semaphore(%run_scoped3A_341 : memref<!tpu.dma_semaphore, #tpu.memory_space<semaphore_mem>>) src(%dma_wait3A_355 : memref<64x128xf32, #tpu.memory_space<vmem>>) dst(%dma_wait3A_361 : memref<10240x128xf32, #tpu.memory_space<vmem_shared>>)
        tpu.yield
      }) : () -> ()
      %add3A_259 = arith.constant 0 : i32
      %add3A_260 = arith.addi %mul3A_244, %add3A_259 : i32
      %add3A_261 = arith.constant 4 : i32
      %add3A_262 = arith.addi %add3A_260, %add3A_261 : i32
      %lt3A = arith.constant 40 : i32
      %lt3A_263 = arith.cmpi slt, %add3A_262, %lt3A : i32
      %convert_element_type3A = arith.extui %lt3A_263 : i1 to i32
      %cond3A = arith.constant 0 : i32
      %cond3A_264 = arith.cmpi ne, %convert_element_type3A, %cond3A : i32
      scf.if %cond3A_264 {
        %add3A_341 = arith.constant 0 : i32
        %add3A_342 = arith.addi %mul3A_244, %add3A_341 : i32
        %add3A_343 = arith.constant 4 : i32
        %add3A_344 = arith.addi %add3A_342, %add3A_343 : i32
        %dma_start3A_345 = arith.constant 0 : i32
        %dma_start3A_346 = arith.constant 0 : i32
        %dma_start3A_347 = arith.constant 0 : i32
        %dma_start3A_348 = tpu.memref_slice %arg8[%dma_start3A_345, %dma_start3A_346, %dma_start3A_347] : memref<4x64x128xf32, #tpu.memory_space<vmem>> -> memref<1x64x128xf32, #tpu.memory_space<vmem>>
        %dma_start3A_349 = tpu.memref_squeeze %dma_start3A_348 : memref<1x64x128xf32, #tpu.memory_space<vmem>> -> memref<64x128xf32, #tpu.memory_space<vmem>>
        %dma_start3A_350 = arith.constant 0 : i32
        %dma_start3A_351 = tpu.memref_slice %arg6[%add3A_344, %dma_start3A_350] : memref<40x64xi32, #tpu.memory_space<vmem>> -> memref<1x64xi32, #tpu.memory_space<vmem>>
        %dma_start3A_352 = tpu.memref_squeeze %dma_start3A_351 : memref<1x64xi32, #tpu.memory_space<vmem>> -> memref<64xi32, #tpu.memory_space<vmem>>
        %dma_start3A_353 = arith.constant 0 : i32
        %dma_start3A_354 = arith.constant 0 : i32
        %dma_start3A_355 = tpu.memref_slice %arg2[%dma_start3A_353, %dma_start3A_354] : memref<10240x128xf32, #tpu.memory_space<hbm>> -> memref<10240x128xf32, #tpu.memory_space<hbm>>
        tpu.enqueue_indirect_dma source(%dma_start3A_355 : memref<10240x128xf32, #tpu.memory_space<hbm>>) target(%dma_start3A_349 : memref<64x128xf32, #tpu.memory_space<vmem>>) offsets(%dma_start3A_352 : memref<64xi32, #tpu.memory_space<vmem>>) semaphore(%arg10 : memref<!tpu.dma_semaphore, #tpu.memory_space<semaphore_mem>>)
      } else {
      }
      %add3A_265 = arith.constant 1 : i32
      %add3A_266 = arith.addi %mul3A_244, %add3A_265 : i32
      %dma_wait3A_267 = arith.constant 1 : i32
      %dma_wait3A_268 = arith.constant 0 : i32
      %dma_wait3A_269 = arith.constant 0 : i32
      %dma_wait3A_270 = tpu.memref_slice %arg8[%dma_wait3A_267, %dma_wait3A_268, %dma_wait3A_269] : memref<4x64x128xf32, #tpu.memory_space<vmem>> -> memref<1x64x128xf32, #tpu.memory_space<vmem>>
      %dma_wait3A_271 = tpu.memref_squeeze %dma_wait3A_270 : memref<1x64x128xf32, #tpu.memory_space<vmem>> -> memref<64x128xf32, #tpu.memory_space<vmem>>
      %dma_wait3A_272 = arith.constant 0 : i32
      %dma_wait3A_273 = tpu.memref_slice %arg6[%add3A_266, %dma_wait3A_272] : memref<40x64xi32, #tpu.memory_space<vmem>> -> memref<1x64xi32, #tpu.memory_space<vmem>>
      %dma_wait3A_274 = tpu.memref_squeeze %dma_wait3A_273 : memref<1x64xi32, #tpu.memory_space<vmem>> -> memref<64xi32, #tpu.memory_space<vmem>>
      %dma_wait3A_275 = arith.constant 0 : i32
      %dma_wait3A_276 = arith.constant 0 : i32
      %dma_wait3A_277 = tpu.memref_slice %arg2[%dma_wait3A_275, %dma_wait3A_276] : memref<10240x128xf32, #tpu.memory_space<hbm>> -> memref<10240x128xf32, #tpu.memory_space<hbm>>
      tpu.wait_indirect_dma semaphore(%arg11 : memref<!tpu.dma_semaphore, #tpu.memory_space<semaphore_mem>>) src(%dma_wait3A_277 : memref<10240x128xf32, #tpu.memory_space<hbm>>) dst(%dma_wait3A_271 : memref<64x128xf32, #tpu.memory_space<vmem>>)
      %add3A_278 = arith.constant 1 : i32
      %add3A_279 = arith.addi %mul3A_244, %add3A_278 : i32
      %run_scoped3A_280 = arith.constant 1 : i32
      "tpu.region"() ({
        %run_scoped3A_341 = tpu.sem_alloc : memref<!tpu.dma_semaphore, #tpu.memory_space<semaphore_mem>>
        %dma_start3A_342 = arith.constant 0 : i32
        %dma_start3A_343 = arith.constant 0 : i32
        %dma_start3A_344 = tpu.memref_slice %arg8[%run_scoped3A_280, %dma_start3A_342, %dma_start3A_343] : memref<4x64x128xf32, #tpu.memory_space<vmem>> -> memref<1x64x128xf32, #tpu.memory_space<vmem>>
        %dma_start3A_345 = tpu.memref_squeeze %dma_start3A_344 : memref<1x64x128xf32, #tpu.memory_space<vmem>> -> memref<64x128xf32, #tpu.memory_space<vmem>>
        %dma_start3A_346 = arith.constant 0 : i32
        %dma_start3A_347 = tpu.memref_slice %arg7[%add3A_279, %dma_start3A_346] : memref<40x64xi32, #tpu.memory_space<vmem>> -> memref<1x64xi32, #tpu.memory_space<vmem>>
        %dma_start3A_348 = tpu.memref_squeeze %dma_start3A_347 : memref<1x64xi32, #tpu.memory_space<vmem>> -> memref<64xi32, #tpu.memory_space<vmem>>
        %dma_start3A_349 = arith.constant 0 : i32
        %dma_start3A_350 = arith.constant 0 : i32
        %dma_start3A_351 = tpu.memref_slice %arg9[%dma_start3A_349, %dma_start3A_350] : memref<10240x128xf32, #tpu.memory_space<vmem_shared>> -> memref<10240x128xf32, #tpu.memory_space<vmem_shared>>
        tpu.enqueue_indirect_dma source(%dma_start3A_345 : memref<64x128xf32, #tpu.memory_space<vmem>>) target(%dma_start3A_351 : memref<10240x128xf32, #tpu.memory_space<vmem_shared>>) offsets(%dma_start3A_348 : memref<64xi32, #tpu.memory_space<vmem>>) semaphore(%run_scoped3A_341 : memref<!tpu.dma_semaphore, #tpu.memory_space<semaphore_mem>>) {add = true}
        %dma_wait3A_352 = arith.constant 0 : i32
        %dma_wait3A_353 = arith.constant 0 : i32
        %dma_wait3A_354 = tpu.memref_slice %arg8[%run_scoped3A_280, %dma_wait3A_352, %dma_wait3A_353] : memref<4x64x128xf32, #tpu.memory_space<vmem>> -> memref<1x64x128xf32, #tpu.memory_space<vmem>>
        %dma_wait3A_355 = tpu.memref_squeeze %dma_wait3A_354 : memref<1x64x128xf32, #tpu.memory_space<vmem>> -> memref<64x128xf32, #tpu.memory_space<vmem>>
        %dma_wait3A_356 = arith.constant 0 : i32
        %dma_wait3A_357 = tpu.memref_slice %arg7[%add3A_279, %dma_wait3A_356] : memref<40x64xi32, #tpu.memory_space<vmem>> -> memref<1x64xi32, #tpu.memory_space<vmem>>
        %dma_wait3A_358 = tpu.memref_squeeze %dma_wait3A_357 : memref<1x64xi32, #tpu.memory_space<vmem>> -> memref<64xi32, #tpu.memory_space<vmem>>
        %dma_wait3A_359 = arith.constant 0 : i32
        %dma_wait3A_360 = arith.constant 0 : i32
        %dma_wait3A_361 = tpu.memref_slice %arg9[%dma_wait3A_359, %dma_wait3A_360] : memref<10240x128xf32, #tpu.memory_space<vmem_shared>> -> memref<10240x128xf32, #tpu.memory_space<vmem_shared>>
        tpu.wait_indirect_dma semaphore(%run_scoped3A_341 : memref<!tpu.dma_semaphore, #tpu.memory_space<semaphore_mem>>) src(%dma_wait3A_355 : memref<64x128xf32, #tpu.memory_space<vmem>>) dst(%dma_wait3A_361 : memref<10240x128xf32, #tpu.memory_space<vmem_shared>>)
        tpu.yield
      }) : () -> ()
      %add3A_281 = arith.constant 1 : i32
      %add3A_282 = arith.addi %mul3A_244, %add3A_281 : i32
      %add3A_283 = arith.constant 4 : i32
      %add3A_284 = arith.addi %add3A_282, %add3A_283 : i32
      %lt3A_285 = arith.constant 40 : i32
      %lt3A_286 = arith.cmpi slt, %add3A_284, %lt3A_285 : i32
      %convert_element_type3A_287 = arith.extui %lt3A_286 : i1 to i32
      %cond3A_288 = arith.constant 0 : i32
      %cond3A_289 = arith.cmpi ne, %convert_element_type3A_287, %cond3A_288 : i32
      scf.if %cond3A_289 {
        %add3A_341 = arith.constant 1 : i32
        %add3A_342 = arith.addi %mul3A_244, %add3A_341 : i32
        %add3A_343 = arith.constant 4 : i32
        %add3A_344 = arith.addi %add3A_342, %add3A_343 : i32
        %dma_start3A_345 = arith.constant 1 : i32
        %dma_start3A_346 = arith.constant 0 : i32
        %dma_start3A_347 = arith.constant 0 : i32
        %dma_start3A_348 = tpu.memref_slice %arg8[%dma_start3A_345, %dma_start3A_346, %dma_start3A_347] : memref<4x64x128xf32, #tpu.memory_space<vmem>> -> memref<1x64x128xf32, #tpu.memory_space<vmem>>
        %dma_start3A_349 = tpu.memref_squeeze %dma_start3A_348 : memref<1x64x128xf32, #tpu.memory_space<vmem>> -> memref<64x128xf32, #tpu.memory_space<vmem>>
        %dma_start3A_350 = arith.constant 0 : i32
        %dma_start3A_351 = tpu.memref_slice %arg6[%add3A_344, %dma_start3A_350] : memref<40x64xi32, #tpu.memory_space<vmem>> -> memref<1x64xi32, #tpu.memory_space<vmem>>
        %dma_start3A_352 = tpu.memref_squeeze %dma_start3A_351 : memref<1x64xi32, #tpu.memory_space<vmem>> -> memref<64xi32, #tpu.memory_space<vmem>>
        %dma_start3A_353 = arith.constant 0 : i32
        %dma_start3A_354 = arith.constant 0 : i32
        %dma_start3A_355 = tpu.memref_slice %arg2[%dma_start3A_353, %dma_start3A_354] : memref<10240x128xf32, #tpu.memory_space<hbm>> -> memref<10240x128xf32, #tpu.memory_space<hbm>>
        tpu.enqueue_indirect_dma source(%dma_start3A_355 : memref<10240x128xf32, #tpu.memory_space<hbm>>) target(%dma_start3A_349 : memref<64x128xf32, #tpu.memory_space<vmem>>) offsets(%dma_start3A_352 : memref<64xi32, #tpu.memory_space<vmem>>) semaphore(%arg11 : memref<!tpu.dma_semaphore, #tpu.memory_space<semaphore_mem>>)
      } else {
      }
      %add3A_290 = arith.constant 2 : i32
      %add3A_291 = arith.addi %mul3A_244, %add3A_290 : i32
      %dma_wait3A_292 = arith.constant 2 : i32
      %dma_wait3A_293 = arith.constant 0 : i32
      %dma_wait3A_294 = arith.constant 0 : i32
      %dma_wait3A_295 = tpu.memref_slice %arg8[%dma_wait3A_292, %dma_wait3A_293, %dma_wait3A_294] : memref<4x64x128xf32, #tpu.memory_space<vmem>> -> memref<1x64x128xf32, #tpu.memory_space<vmem>>
      %dma_wait3A_296 = tpu.memref_squeeze %dma_wait3A_295 : memref<1x64x128xf32, #tpu.memory_space<vmem>> -> memref<64x128xf32, #tpu.memory_space<vmem>>
      %dma_wait3A_297 = arith.constant 0 : i32
      %dma_wait3A_298 = tpu.memref_slice %arg6[%add3A_291, %dma_wait3A_297] : memref<40x64xi32, #tpu.memory_space<vmem>> -> memref<1x64xi32, #tpu.memory_space<vmem>>
      %dma_wait3A_299 = tpu.memref_squeeze %dma_wait3A_298 : memref<1x64xi32, #tpu.memory_space<vmem>> -> memref<64xi32, #tpu.memory_space<vmem>>
      %dma_wait3A_300 = arith.constant 0 : i32
      %dma_wait3A_301 = arith.constant 0 : i32
      %dma_wait3A_302 = tpu.memref_slice %arg2[%dma_wait3A_300, %dma_wait3A_301] : memref<10240x128xf32, #tpu.memory_space<hbm>> -> memref<10240x128xf32, #tpu.memory_space<hbm>>
      tpu.wait_indirect_dma semaphore(%arg12 : memref<!tpu.dma_semaphore, #tpu.memory_space<semaphore_mem>>) src(%dma_wait3A_302 : memref<10240x128xf32, #tpu.memory_space<hbm>>) dst(%dma_wait3A_296 : memref<64x128xf32, #tpu.memory_space<vmem>>)
      %add3A_303 = arith.constant 2 : i32
      %add3A_304 = arith.addi %mul3A_244, %add3A_303 : i32
      %run_scoped3A_305 = arith.constant 2 : i32
      "tpu.region"() ({
        %run_scoped3A_341 = tpu.sem_alloc : memref<!tpu.dma_semaphore, #tpu.memory_space<semaphore_mem>>
        %dma_start3A_342 = arith.constant 0 : i32
        %dma_start3A_343 = arith.constant 0 : i32
        %dma_start3A_344 = tpu.memref_slice %arg8[%run_scoped3A_305, %dma_start3A_342, %dma_start3A_343] : memref<4x64x128xf32, #tpu.memory_space<vmem>> -> memref<1x64x128xf32, #tpu.memory_space<vmem>>
        %dma_start3A_345 = tpu.memref_squeeze %dma_start3A_344 : memref<1x64x128xf32, #tpu.memory_space<vmem>> -> memref<64x128xf32, #tpu.memory_space<vmem>>
        %dma_start3A_346 = arith.constant 0 : i32
        %dma_start3A_347 = tpu.memref_slice %arg7[%add3A_304, %dma_start3A_346] : memref<40x64xi32, #tpu.memory_space<vmem>> -> memref<1x64xi32, #tpu.memory_space<vmem>>
        %dma_start3A_348 = tpu.memref_squeeze %dma_start3A_347 : memref<1x64xi32, #tpu.memory_space<vmem>> -> memref<64xi32, #tpu.memory_space<vmem>>
        %dma_start3A_349 = arith.constant 0 : i32
        %dma_start3A_350 = arith.constant 0 : i32
        %dma_start3A_351 = tpu.memref_slice %arg9[%dma_start3A_349, %dma_start3A_350] : memref<10240x128xf32, #tpu.memory_space<vmem_shared>> -> memref<10240x128xf32, #tpu.memory_space<vmem_shared>>
        tpu.enqueue_indirect_dma source(%dma_start3A_345 : memref<64x128xf32, #tpu.memory_space<vmem>>) target(%dma_start3A_351 : memref<10240x128xf32, #tpu.memory_space<vmem_shared>>) offsets(%dma_start3A_348 : memref<64xi32, #tpu.memory_space<vmem>>) semaphore(%run_scoped3A_341 : memref<!tpu.dma_semaphore, #tpu.memory_space<semaphore_mem>>) {add = true}
        %dma_wait3A_352 = arith.constant 0 : i32
        %dma_wait3A_353 = arith.constant 0 : i32
        %dma_wait3A_354 = tpu.memref_slice %arg8[%run_scoped3A_305, %dma_wait3A_352, %dma_wait3A_353] : memref<4x64x128xf32, #tpu.memory_space<vmem>> -> memref<1x64x128xf32, #tpu.memory_space<vmem>>
        %dma_wait3A_355 = tpu.memref_squeeze %dma_wait3A_354 : memref<1x64x128xf32, #tpu.memory_space<vmem>> -> memref<64x128xf32, #tpu.memory_space<vmem>>
        %dma_wait3A_356 = arith.constant 0 : i32
        %dma_wait3A_357 = tpu.memref_slice %arg7[%add3A_304, %dma_wait3A_356] : memref<40x64xi32, #tpu.memory_space<vmem>> -> memref<1x64xi32, #tpu.memory_space<vmem>>
        %dma_wait3A_358 = tpu.memref_squeeze %dma_wait3A_357 : memref<1x64xi32, #tpu.memory_space<vmem>> -> memref<64xi32, #tpu.memory_space<vmem>>
        %dma_wait3A_359 = arith.constant 0 : i32
        %dma_wait3A_360 = arith.constant 0 : i32
        %dma_wait3A_361 = tpu.memref_slice %arg9[%dma_wait3A_359, %dma_wait3A_360] : memref<10240x128xf32, #tpu.memory_space<vmem_shared>> -> memref<10240x128xf32, #tpu.memory_space<vmem_shared>>
        tpu.wait_indirect_dma semaphore(%run_scoped3A_341 : memref<!tpu.dma_semaphore, #tpu.memory_space<semaphore_mem>>) src(%dma_wait3A_355 : memref<64x128xf32, #tpu.memory_space<vmem>>) dst(%dma_wait3A_361 : memref<10240x128xf32, #tpu.memory_space<vmem_shared>>)
        tpu.yield
      }) : () -> ()
      %add3A_306 = arith.constant 2 : i32
      %add3A_307 = arith.addi %mul3A_244, %add3A_306 : i32
      %add3A_308 = arith.constant 4 : i32
      %add3A_309 = arith.addi %add3A_307, %add3A_308 : i32
      %lt3A_310 = arith.constant 40 : i32
      %lt3A_311 = arith.cmpi slt, %add3A_309, %lt3A_310 : i32
      %convert_element_type3A_312 = arith.extui %lt3A_311 : i1 to i32
      %cond3A_313 = arith.constant 0 : i32
      %cond3A_314 = arith.cmpi ne, %convert_element_type3A_312, %cond3A_313 : i32
      scf.if %cond3A_314 {
        %add3A_341 = arith.constant 2 : i32
        %add3A_342 = arith.addi %mul3A_244, %add3A_341 : i32
        %add3A_343 = arith.constant 4 : i32
        %add3A_344 = arith.addi %add3A_342, %add3A_343 : i32
        %dma_start3A_345 = arith.constant 2 : i32
        %dma_start3A_346 = arith.constant 0 : i32
        %dma_start3A_347 = arith.constant 0 : i32
        %dma_start3A_348 = tpu.memref_slice %arg8[%dma_start3A_345, %dma_start3A_346, %dma_start3A_347] : memref<4x64x128xf32, #tpu.memory_space<vmem>> -> memref<1x64x128xf32, #tpu.memory_space<vmem>>
        %dma_start3A_349 = tpu.memref_squeeze %dma_start3A_348 : memref<1x64x128xf32, #tpu.memory_space<vmem>> -> memref<64x128xf32, #tpu.memory_space<vmem>>
        %dma_start3A_350 = arith.constant 0 : i32
        %dma_start3A_351 = tpu.memref_slice %arg6[%add3A_344, %dma_start3A_350] : memref<40x64xi32, #tpu.memory_space<vmem>> -> memref<1x64xi32, #tpu.memory_space<vmem>>
        %dma_start3A_352 = tpu.memref_squeeze %dma_start3A_351 : memref<1x64xi32, #tpu.memory_space<vmem>> -> memref<64xi32, #tpu.memory_space<vmem>>
        %dma_start3A_353 = arith.constant 0 : i32
        %dma_start3A_354 = arith.constant 0 : i32
        %dma_start3A_355 = tpu.memref_slice %arg2[%dma_start3A_353, %dma_start3A_354] : memref<10240x128xf32, #tpu.memory_space<hbm>> -> memref<10240x128xf32, #tpu.memory_space<hbm>>
        tpu.enqueue_indirect_dma source(%dma_start3A_355 : memref<10240x128xf32, #tpu.memory_space<hbm>>) target(%dma_start3A_349 : memref<64x128xf32, #tpu.memory_space<vmem>>) offsets(%dma_start3A_352 : memref<64xi32, #tpu.memory_space<vmem>>) semaphore(%arg12 : memref<!tpu.dma_semaphore, #tpu.memory_space<semaphore_mem>>)
      } else {
      }
      %add3A_315 = arith.constant 3 : i32
      %add3A_316 = arith.addi %mul3A_244, %add3A_315 : i32
      %dma_wait3A_317 = arith.constant 3 : i32
      %dma_wait3A_318 = arith.constant 0 : i32
      %dma_wait3A_319 = arith.constant 0 : i32
      %dma_wait3A_320 = tpu.memref_slice %arg8[%dma_wait3A_317, %dma_wait3A_318, %dma_wait3A_319] : memref<4x64x128xf32, #tpu.memory_space<vmem>> -> memref<1x64x128xf32, #tpu.memory_space<vmem>>
      %dma_wait3A_321 = tpu.memref_squeeze %dma_wait3A_320 : memref<1x64x128xf32, #tpu.memory_space<vmem>> -> memref<64x128xf32, #tpu.memory_space<vmem>>
      %dma_wait3A_322 = arith.constant 0 : i32
      %dma_wait3A_323 = tpu.memref_slice %arg6[%add3A_316, %dma_wait3A_322] : memref<40x64xi32, #tpu.memory_space<vmem>> -> memref<1x64xi32, #tpu.memory_space<vmem>>
      %dma_wait3A_324 = tpu.memref_squeeze %dma_wait3A_323 : memref<1x64xi32, #tpu.memory_space<vmem>> -> memref<64xi32, #tpu.memory_space<vmem>>
      %dma_wait3A_325 = arith.constant 0 : i32
      %dma_wait3A_326 = arith.constant 0 : i32
      %dma_wait3A_327 = tpu.memref_slice %arg2[%dma_wait3A_325, %dma_wait3A_326] : memref<10240x128xf32, #tpu.memory_space<hbm>> -> memref<10240x128xf32, #tpu.memory_space<hbm>>
      tpu.wait_indirect_dma semaphore(%arg13 : memref<!tpu.dma_semaphore, #tpu.memory_space<semaphore_mem>>) src(%dma_wait3A_327 : memref<10240x128xf32, #tpu.memory_space<hbm>>) dst(%dma_wait3A_321 : memref<64x128xf32, #tpu.memory_space<vmem>>)
      %add3A_328 = arith.constant 3 : i32
      %add3A_329 = arith.addi %mul3A_244, %add3A_328 : i32
      %run_scoped3A_330 = arith.constant 3 : i32
      "tpu.region"() ({
        %run_scoped3A_341 = tpu.sem_alloc : memref<!tpu.dma_semaphore, #tpu.memory_space<semaphore_mem>>
        %dma_start3A_342 = arith.constant 0 : i32
        %dma_start3A_343 = arith.constant 0 : i32
        %dma_start3A_344 = tpu.memref_slice %arg8[%run_scoped3A_330, %dma_start3A_342, %dma_start3A_343] : memref<4x64x128xf32, #tpu.memory_space<vmem>> -> memref<1x64x128xf32, #tpu.memory_space<vmem>>
        %dma_start3A_345 = tpu.memref_squeeze %dma_start3A_344 : memref<1x64x128xf32, #tpu.memory_space<vmem>> -> memref<64x128xf32, #tpu.memory_space<vmem>>
        %dma_start3A_346 = arith.constant 0 : i32
        %dma_start3A_347 = tpu.memref_slice %arg7[%add3A_329, %dma_start3A_346] : memref<40x64xi32, #tpu.memory_space<vmem>> -> memref<1x64xi32, #tpu.memory_space<vmem>>
        %dma_start3A_348 = tpu.memref_squeeze %dma_start3A_347 : memref<1x64xi32, #tpu.memory_space<vmem>> -> memref<64xi32, #tpu.memory_space<vmem>>
        %dma_start3A_349 = arith.constant 0 : i32
        %dma_start3A_350 = arith.constant 0 : i32
        %dma_start3A_351 = tpu.memref_slice %arg9[%dma_start3A_349, %dma_start3A_350] : memref<10240x128xf32, #tpu.memory_space<vmem_shared>> -> memref<10240x128xf32, #tpu.memory_space<vmem_shared>>
        tpu.enqueue_indirect_dma source(%dma_start3A_345 : memref<64x128xf32, #tpu.memory_space<vmem>>) target(%dma_start3A_351 : memref<10240x128xf32, #tpu.memory_space<vmem_shared>>) offsets(%dma_start3A_348 : memref<64xi32, #tpu.memory_space<vmem>>) semaphore(%run_scoped3A_341 : memref<!tpu.dma_semaphore, #tpu.memory_space<semaphore_mem>>) {add = true}
        %dma_wait3A_352 = arith.constant 0 : i32
        %dma_wait3A_353 = arith.constant 0 : i32
        %dma_wait3A_354 = tpu.memref_slice %arg8[%run_scoped3A_330, %dma_wait3A_352, %dma_wait3A_353] : memref<4x64x128xf32, #tpu.memory_space<vmem>> -> memref<1x64x128xf32, #tpu.memory_space<vmem>>
        %dma_wait3A_355 = tpu.memref_squeeze %dma_wait3A_354 : memref<1x64x128xf32, #tpu.memory_space<vmem>> -> memref<64x128xf32, #tpu.memory_space<vmem>>
        %dma_wait3A_356 = arith.constant 0 : i32
        %dma_wait3A_357 = tpu.memref_slice %arg7[%add3A_329, %dma_wait3A_356] : memref<40x64xi32, #tpu.memory_space<vmem>> -> memref<1x64xi32, #tpu.memory_space<vmem>>
        %dma_wait3A_358 = tpu.memref_squeeze %dma_wait3A_357 : memref<1x64xi32, #tpu.memory_space<vmem>> -> memref<64xi32, #tpu.memory_space<vmem>>
        %dma_wait3A_359 = arith.constant 0 : i32
        %dma_wait3A_360 = arith.constant 0 : i32
        %dma_wait3A_361 = tpu.memref_slice %arg9[%dma_wait3A_359, %dma_wait3A_360] : memref<10240x128xf32, #tpu.memory_space<vmem_shared>> -> memref<10240x128xf32, #tpu.memory_space<vmem_shared>>
        tpu.wait_indirect_dma semaphore(%run_scoped3A_341 : memref<!tpu.dma_semaphore, #tpu.memory_space<semaphore_mem>>) src(%dma_wait3A_355 : memref<64x128xf32, #tpu.memory_space<vmem>>) dst(%dma_wait3A_361 : memref<10240x128xf32, #tpu.memory_space<vmem_shared>>)
        tpu.yield
      }) : () -> ()
      %add3A_331 = arith.constant 3 : i32
      %add3A_332 = arith.addi %mul3A_244, %add3A_331 : i32
      %add3A_333 = arith.constant 4 : i32
      %add3A_334 = arith.addi %add3A_332, %add3A_333 : i32
      %lt3A_335 = arith.constant 40 : i32
      %lt3A_336 = arith.cmpi slt, %add3A_334, %lt3A_335 : i32
      %convert_element_type3A_337 = arith.extui %lt3A_336 : i1 to i32
      %cond3A_338 = arith.constant 0 : i32
      %cond3A_339 = arith.cmpi ne, %convert_element_type3A_337, %cond3A_338 : i32
      scf.if %cond3A_339 {
        %add3A_341 = arith.constant 3 : i32
        %add3A_342 = arith.addi %mul3A_244, %add3A_341 : i32
        %add3A_343 = arith.constant 4 : i32
        %add3A_344 = arith.addi %add3A_342, %add3A_343 : i32
        %dma_start3A_345 = arith.constant 3 : i32
        %dma_start3A_346 = arith.constant 0 : i32
        %dma_start3A_347 = arith.constant 0 : i32
        %dma_start3A_348 = tpu.memref_slice %arg8[%dma_start3A_345, %dma_start3A_346, %dma_start3A_347] : memref<4x64x128xf32, #tpu.memory_space<vmem>> -> memref<1x64x128xf32, #tpu.memory_space<vmem>>
        %dma_start3A_349 = tpu.memref_squeeze %dma_start3A_348 : memref<1x64x128xf32, #tpu.memory_space<vmem>> -> memref<64x128xf32, #tpu.memory_space<vmem>>
        %dma_start3A_350 = arith.constant 0 : i32
        %dma_start3A_351 = tpu.memref_slice %arg6[%add3A_344, %dma_start3A_350] : memref<40x64xi32, #tpu.memory_space<vmem>> -> memref<1x64xi32, #tpu.memory_space<vmem>>
        %dma_start3A_352 = tpu.memref_squeeze %dma_start3A_351 : memref<1x64xi32, #tpu.memory_space<vmem>> -> memref<64xi32, #tpu.memory_space<vmem>>
        %dma_start3A_353 = arith.constant 0 : i32
        %dma_start3A_354 = arith.constant 0 : i32
        %dma_start3A_355 = tpu.memref_slice %arg2[%dma_start3A_353, %dma_start3A_354] : memref<10240x128xf32, #tpu.memory_space<hbm>> -> memref<10240x128xf32, #tpu.memory_space<hbm>>
        tpu.enqueue_indirect_dma source(%dma_start3A_355 : memref<10240x128xf32, #tpu.memory_space<hbm>>) target(%dma_start3A_349 : memref<64x128xf32, #tpu.memory_space<vmem>>) offsets(%dma_start3A_352 : memref<64xi32, #tpu.memory_space<vmem>>) semaphore(%arg13 : memref<!tpu.dma_semaphore, #tpu.memory_space<semaphore_mem>>)
      } else {
      }
      %scan3A_340 = arith.constant 0 : i32
      scf.yield %scan3A_340 : i32
    }
    %scan3A_122 = arith.constant 10 : i32
    "tpu.region"() ({
      %run_scoped3A = tpu.sem_alloc : memref<!tpu.dma_semaphore, #tpu.memory_space<semaphore_mem>>
      %dma_start3A_241 = arith.constant 80 : i32
      %dma_start3A_242 = arith.constant 0 : i32
      %dma_start3A_243 = tpu.memref_slice %arg3[%add3A, %dma_start3A_241, %dma_start3A_242] : memref<32x160x64xi32, #tpu.memory_space<hbm>> -> memref<1x40x64xi32, #tpu.memory_space<hbm>>
      %dma_start3A_244 = tpu.memref_squeeze %dma_start3A_243 : memref<1x40x64xi32, #tpu.memory_space<hbm>> -> memref<40x64xi32, #tpu.memory_space<hbm>>
      %dma_start3A_245 = arith.constant 80 : i32
      %dma_start3A_246 = arith.constant 0 : i32
      %dma_start3A_247 = tpu.memref_slice %arg3[%add3A, %dma_start3A_245, %dma_start3A_246] : memref<32x160x64xi32, #tpu.memory_space<hbm>> -> memref<1x40x64xi32, #tpu.memory_space<hbm>>
      %dma_start3A_248 = tpu.memref_squeeze %dma_start3A_247 : memref<1x40x64xi32, #tpu.memory_space<hbm>> -> memref<40x64xi32, #tpu.memory_space<hbm>>
      tpu.enqueue_dma source(%dma_start3A_248 : memref<40x64xi32, #tpu.memory_space<hbm>>) target(%arg6 : memref<40x64xi32, #tpu.memory_space<vmem>>) target_semaphore(%run_scoped3A : memref<!tpu.dma_semaphore, #tpu.memory_space<semaphore_mem>>)
      %dma_wait3A = arith.constant 80 : i32
      %dma_wait3A_249 = arith.constant 0 : i32
      %dma_wait3A_250 = tpu.memref_slice %arg3[%add3A, %dma_wait3A, %dma_wait3A_249] : memref<32x160x64xi32, #tpu.memory_space<hbm>> -> memref<1x40x64xi32, #tpu.memory_space<hbm>>
      %dma_wait3A_251 = tpu.memref_squeeze %dma_wait3A_250 : memref<1x40x64xi32, #tpu.memory_space<hbm>> -> memref<40x64xi32, #tpu.memory_space<hbm>>
      %dma_wait3A_252 = arith.constant 80 : i32
      %dma_wait3A_253 = arith.constant 0 : i32
      %dma_wait3A_254 = tpu.memref_slice %arg3[%add3A, %dma_wait3A_252, %dma_wait3A_253] : memref<32x160x64xi32, #tpu.memory_space<hbm>> -> memref<1x40x64xi32, #tpu.memory_space<hbm>>
      %dma_wait3A_255 = tpu.memref_squeeze %dma_wait3A_254 : memref<1x40x64xi32, #tpu.memory_space<hbm>> -> memref<40x64xi32, #tpu.memory_space<hbm>>
      tpu.wait_dma2 semaphore(%run_scoped3A : memref<!tpu.dma_semaphore, #tpu.memory_space<semaphore_mem>>) src(%dma_wait3A_255 : memref<40x64xi32, #tpu.memory_space<hbm>>) dst(%arg6 : memref<40x64xi32, #tpu.memory_space<vmem>>)
      tpu.yield
    }) : () -> ()
    "tpu.region"() ({
      %run_scoped3A = tpu.sem_alloc : memref<!tpu.dma_semaphore, #tpu.memory_space<semaphore_mem>>
      %dma_start3A_241 = arith.constant 80 : i32
      %dma_start3A_242 = arith.constant 0 : i32
      %dma_start3A_243 = tpu.memref_slice %arg4[%add3A, %dma_start3A_241, %dma_start3A_242] : memref<32x160x64xi32, #tpu.memory_space<hbm>> -> memref<1x40x64xi32, #tpu.memory_space<hbm>>
      %dma_start3A_244 = tpu.memref_squeeze %dma_start3A_243 : memref<1x40x64xi32, #tpu.memory_space<hbm>> -> memref<40x64xi32, #tpu.memory_space<hbm>>
      %dma_start3A_245 = arith.constant 80 : i32
      %dma_start3A_246 = arith.constant 0 : i32
      %dma_start3A_247 = tpu.memref_slice %arg4[%add3A, %dma_start3A_245, %dma_start3A_246] : memref<32x160x64xi32, #tpu.memory_space<hbm>> -> memref<1x40x64xi32, #tpu.memory_space<hbm>>
      %dma_start3A_248 = tpu.memref_squeeze %dma_start3A_247 : memref<1x40x64xi32, #tpu.memory_space<hbm>> -> memref<40x64xi32, #tpu.memory_space<hbm>>
      tpu.enqueue_dma source(%dma_start3A_248 : memref<40x64xi32, #tpu.memory_space<hbm>>) target(%arg7 : memref<40x64xi32, #tpu.memory_space<vmem>>) target_semaphore(%run_scoped3A : memref<!tpu.dma_semaphore, #tpu.memory_space<semaphore_mem>>)
      %dma_wait3A = arith.constant 80 : i32
      %dma_wait3A_249 = arith.constant 0 : i32
      %dma_wait3A_250 = tpu.memref_slice %arg4[%add3A, %dma_wait3A, %dma_wait3A_249] : memref<32x160x64xi32, #tpu.memory_space<hbm>> -> memref<1x40x64xi32, #tpu.memory_space<hbm>>
      %dma_wait3A_251 = tpu.memref_squeeze %dma_wait3A_250 : memref<1x40x64xi32, #tpu.memory_space<hbm>> -> memref<40x64xi32, #tpu.memory_space<hbm>>
      %dma_wait3A_252 = arith.constant 80 : i32
      %dma_wait3A_253 = arith.constant 0 : i32
      %dma_wait3A_254 = tpu.memref_slice %arg4[%add3A, %dma_wait3A_252, %dma_wait3A_253] : memref<32x160x64xi32, #tpu.memory_space<hbm>> -> memref<1x40x64xi32, #tpu.memory_space<hbm>>
      %dma_wait3A_255 = tpu.memref_squeeze %dma_wait3A_254 : memref<1x40x64xi32, #tpu.memory_space<hbm>> -> memref<40x64xi32, #tpu.memory_space<hbm>>
      tpu.wait_dma2 semaphore(%run_scoped3A : memref<!tpu.dma_semaphore, #tpu.memory_space<semaphore_mem>>) src(%dma_wait3A_255 : memref<40x64xi32, #tpu.memory_space<hbm>>) dst(%arg7 : memref<40x64xi32, #tpu.memory_space<vmem>>)
      tpu.yield
    }) : () -> ()
    %dma_start3A_123 = arith.constant 0 : i32
    %dma_start3A_124 = arith.constant 0 : i32
    %dma_start3A_125 = arith.constant 0 : i32
    %dma_start3A_126 = arith.constant 0 : i32
    %dma_start3A_127 = tpu.memref_slice %arg8[%dma_start3A_124, %dma_start3A_125, %dma_start3A_126] : memref<4x64x128xf32, #tpu.memory_space<vmem>> -> memref<1x64x128xf32, #tpu.memory_space<vmem>>
    %dma_start3A_128 = tpu.memref_squeeze %dma_start3A_127 : memref<1x64x128xf32, #tpu.memory_space<vmem>> -> memref<64x128xf32, #tpu.memory_space<vmem>>
    %dma_start3A_129 = arith.constant 0 : i32
    %dma_start3A_130 = tpu.memref_slice %arg6[%dma_start3A_123, %dma_start3A_129] : memref<40x64xi32, #tpu.memory_space<vmem>> -> memref<1x64xi32, #tpu.memory_space<vmem>>
    %dma_start3A_131 = tpu.memref_squeeze %dma_start3A_130 : memref<1x64xi32, #tpu.memory_space<vmem>> -> memref<64xi32, #tpu.memory_space<vmem>>
    %dma_start3A_132 = arith.constant 0 : i32
    %dma_start3A_133 = arith.constant 0 : i32
    %dma_start3A_134 = tpu.memref_slice %arg2[%dma_start3A_132, %dma_start3A_133] : memref<10240x128xf32, #tpu.memory_space<hbm>> -> memref<10240x128xf32, #tpu.memory_space<hbm>>
    tpu.enqueue_indirect_dma source(%dma_start3A_134 : memref<10240x128xf32, #tpu.memory_space<hbm>>) target(%dma_start3A_128 : memref<64x128xf32, #tpu.memory_space<vmem>>) offsets(%dma_start3A_131 : memref<64xi32, #tpu.memory_space<vmem>>) semaphore(%arg10 : memref<!tpu.dma_semaphore, #tpu.memory_space<semaphore_mem>>)
    %dma_start3A_135 = arith.constant 1 : i32
    %dma_start3A_136 = arith.constant 1 : i32
    %dma_start3A_137 = arith.constant 0 : i32
    %dma_start3A_138 = arith.constant 0 : i32
    %dma_start3A_139 = tpu.memref_slice %arg8[%dma_start3A_136, %dma_start3A_137, %dma_start3A_138] : memref<4x64x128xf32, #tpu.memory_space<vmem>> -> memref<1x64x128xf32, #tpu.memory_space<vmem>>
    %dma_start3A_140 = tpu.memref_squeeze %dma_start3A_139 : memref<1x64x128xf32, #tpu.memory_space<vmem>> -> memref<64x128xf32, #tpu.memory_space<vmem>>
    %dma_start3A_141 = arith.constant 0 : i32
    %dma_start3A_142 = tpu.memref_slice %arg6[%dma_start3A_135, %dma_start3A_141] : memref<40x64xi32, #tpu.memory_space<vmem>> -> memref<1x64xi32, #tpu.memory_space<vmem>>
    %dma_start3A_143 = tpu.memref_squeeze %dma_start3A_142 : memref<1x64xi32, #tpu.memory_space<vmem>> -> memref<64xi32, #tpu.memory_space<vmem>>
    %dma_start3A_144 = arith.constant 0 : i32
    %dma_start3A_145 = arith.constant 0 : i32
    %dma_start3A_146 = tpu.memref_slice %arg2[%dma_start3A_144, %dma_start3A_145] : memref<10240x128xf32, #tpu.memory_space<hbm>> -> memref<10240x128xf32, #tpu.memory_space<hbm>>
    tpu.enqueue_indirect_dma source(%dma_start3A_146 : memref<10240x128xf32, #tpu.memory_space<hbm>>) target(%dma_start3A_140 : memref<64x128xf32, #tpu.memory_space<vmem>>) offsets(%dma_start3A_143 : memref<64xi32, #tpu.memory_space<vmem>>) semaphore(%arg11 : memref<!tpu.dma_semaphore, #tpu.memory_space<semaphore_mem>>)
    %dma_start3A_147 = arith.constant 2 : i32
    %dma_start3A_148 = arith.constant 2 : i32
    %dma_start3A_149 = arith.constant 0 : i32
    %dma_start3A_150 = arith.constant 0 : i32
    %dma_start3A_151 = tpu.memref_slice %arg8[%dma_start3A_148, %dma_start3A_149, %dma_start3A_150] : memref<4x64x128xf32, #tpu.memory_space<vmem>> -> memref<1x64x128xf32, #tpu.memory_space<vmem>>
    %dma_start3A_152 = tpu.memref_squeeze %dma_start3A_151 : memref<1x64x128xf32, #tpu.memory_space<vmem>> -> memref<64x128xf32, #tpu.memory_space<vmem>>
    %dma_start3A_153 = arith.constant 0 : i32
    %dma_start3A_154 = tpu.memref_slice %arg6[%dma_start3A_147, %dma_start3A_153] : memref<40x64xi32, #tpu.memory_space<vmem>> -> memref<1x64xi32, #tpu.memory_space<vmem>>
    %dma_start3A_155 = tpu.memref_squeeze %dma_start3A_154 : memref<1x64xi32, #tpu.memory_space<vmem>> -> memref<64xi32, #tpu.memory_space<vmem>>
    %dma_start3A_156 = arith.constant 0 : i32
    %dma_start3A_157 = arith.constant 0 : i32
    %dma_start3A_158 = tpu.memref_slice %arg2[%dma_start3A_156, %dma_start3A_157] : memref<10240x128xf32, #tpu.memory_space<hbm>> -> memref<10240x128xf32, #tpu.memory_space<hbm>>
    tpu.enqueue_indirect_dma source(%dma_start3A_158 : memref<10240x128xf32, #tpu.memory_space<hbm>>) target(%dma_start3A_152 : memref<64x128xf32, #tpu.memory_space<vmem>>) offsets(%dma_start3A_155 : memref<64xi32, #tpu.memory_space<vmem>>) semaphore(%arg12 : memref<!tpu.dma_semaphore, #tpu.memory_space<semaphore_mem>>)
    %dma_start3A_159 = arith.constant 3 : i32
    %dma_start3A_160 = arith.constant 3 : i32
    %dma_start3A_161 = arith.constant 0 : i32
    %dma_start3A_162 = arith.constant 0 : i32
    %dma_start3A_163 = tpu.memref_slice %arg8[%dma_start3A_160, %dma_start3A_161, %dma_start3A_162] : memref<4x64x128xf32, #tpu.memory_space<vmem>> -> memref<1x64x128xf32, #tpu.memory_space<vmem>>
    %dma_start3A_164 = tpu.memref_squeeze %dma_start3A_163 : memref<1x64x128xf32, #tpu.memory_space<vmem>> -> memref<64x128xf32, #tpu.memory_space<vmem>>
    %dma_start3A_165 = arith.constant 0 : i32
    %dma_start3A_166 = tpu.memref_slice %arg6[%dma_start3A_159, %dma_start3A_165] : memref<40x64xi32, #tpu.memory_space<vmem>> -> memref<1x64xi32, #tpu.memory_space<vmem>>
    %dma_start3A_167 = tpu.memref_squeeze %dma_start3A_166 : memref<1x64xi32, #tpu.memory_space<vmem>> -> memref<64xi32, #tpu.memory_space<vmem>>
    %dma_start3A_168 = arith.constant 0 : i32
    %dma_start3A_169 = arith.constant 0 : i32
    %dma_start3A_170 = tpu.memref_slice %arg2[%dma_start3A_168, %dma_start3A_169] : memref<10240x128xf32, #tpu.memory_space<hbm>> -> memref<10240x128xf32, #tpu.memory_space<hbm>>
    tpu.enqueue_indirect_dma source(%dma_start3A_170 : memref<10240x128xf32, #tpu.memory_space<hbm>>) target(%dma_start3A_164 : memref<64x128xf32, #tpu.memory_space<vmem>>) offsets(%dma_start3A_167 : memref<64xi32, #tpu.memory_space<vmem>>) semaphore(%arg13 : memref<!tpu.dma_semaphore, #tpu.memory_space<semaphore_mem>>)
    %scan3A_171 = arith.constant 0 : i32
    %scan3A_172 = arith.constant 0 : i32
    %scan3A_173 = arith.constant 10 : i32
    %scan3A_174 = arith.addi %scan3A_172, %scan3A_173 : i32
    %scan3A_175 = arith.constant 1 : i32
    %scan3A_176 = scf.for %scan3A_241 = %scan3A_172 to %scan3A_174 step %scan3A_175 iter_args(%scan3A_242 = %scan3A_171) -> (i32)  : i32 {
      %mul3A_243 = arith.constant 4 : i32
      %mul3A_244 = arith.muli %scan3A_241, %mul3A_243 : i32
      %add3A_245 = arith.constant 0 : i32
      %add3A_246 = arith.addi %mul3A_244, %add3A_245 : i32
      %dma_wait3A = arith.constant 0 : i32
      %dma_wait3A_247 = arith.constant 0 : i32
      %dma_wait3A_248 = arith.constant 0 : i32
      %dma_wait3A_249 = tpu.memref_slice %arg8[%dma_wait3A, %dma_wait3A_247, %dma_wait3A_248] : memref<4x64x128xf32, #tpu.memory_space<vmem>> -> memref<1x64x128xf32, #tpu.memory_space<vmem>>
      %dma_wait3A_250 = tpu.memref_squeeze %dma_wait3A_249 : memref<1x64x128xf32, #tpu.memory_space<vmem>> -> memref<64x128xf32, #tpu.memory_space<vmem>>
      %dma_wait3A_251 = arith.constant 0 : i32
      %dma_wait3A_252 = tpu.memref_slice %arg6[%add3A_246, %dma_wait3A_251] : memref<40x64xi32, #tpu.memory_space<vmem>> -> memref<1x64xi32, #tpu.memory_space<vmem>>
      %dma_wait3A_253 = tpu.memref_squeeze %dma_wait3A_252 : memref<1x64xi32, #tpu.memory_space<vmem>> -> memref<64xi32, #tpu.memory_space<vmem>>
      %dma_wait3A_254 = arith.constant 0 : i32
      %dma_wait3A_255 = arith.constant 0 : i32
      %dma_wait3A_256 = tpu.memref_slice %arg2[%dma_wait3A_254, %dma_wait3A_255] : memref<10240x128xf32, #tpu.memory_space<hbm>> -> memref<10240x128xf32, #tpu.memory_space<hbm>>
      tpu.wait_indirect_dma semaphore(%arg10 : memref<!tpu.dma_semaphore, #tpu.memory_space<semaphore_mem>>) src(%dma_wait3A_256 : memref<10240x128xf32, #tpu.memory_space<hbm>>) dst(%dma_wait3A_250 : memref<64x128xf32, #tpu.memory_space<vmem>>)
      %add3A_257 = arith.constant 0 : i32
      %add3A_258 = arith.addi %mul3A_244, %add3A_257 : i32
      %run_scoped3A = arith.constant 0 : i32
      "tpu.region"() ({
        %run_scoped3A_341 = tpu.sem_alloc : memref<!tpu.dma_semaphore, #tpu.memory_space<semaphore_mem>>
        %dma_start3A_342 = arith.constant 0 : i32
        %dma_start3A_343 = arith.constant 0 : i32
        %dma_start3A_344 = tpu.memref_slice %arg8[%run_scoped3A, %dma_start3A_342, %dma_start3A_343] : memref<4x64x128xf32, #tpu.memory_space<vmem>> -> memref<1x64x128xf32, #tpu.memory_space<vmem>>
        %dma_start3A_345 = tpu.memref_squeeze %dma_start3A_344 : memref<1x64x128xf32, #tpu.memory_space<vmem>> -> memref<64x128xf32, #tpu.memory_space<vmem>>
        %dma_start3A_346 = arith.constant 0 : i32
        %dma_start3A_347 = tpu.memref_slice %arg7[%add3A_258, %dma_start3A_346] : memref<40x64xi32, #tpu.memory_space<vmem>> -> memref<1x64xi32, #tpu.memory_space<vmem>>
        %dma_start3A_348 = tpu.memref_squeeze %dma_start3A_347 : memref<1x64xi32, #tpu.memory_space<vmem>> -> memref<64xi32, #tpu.memory_space<vmem>>
        %dma_start3A_349 = arith.constant 0 : i32
        %dma_start3A_350 = arith.constant 0 : i32
        %dma_start3A_351 = tpu.memref_slice %arg9[%dma_start3A_349, %dma_start3A_350] : memref<10240x128xf32, #tpu.memory_space<vmem_shared>> -> memref<10240x128xf32, #tpu.memory_space<vmem_shared>>
        tpu.enqueue_indirect_dma source(%dma_start3A_345 : memref<64x128xf32, #tpu.memory_space<vmem>>) target(%dma_start3A_351 : memref<10240x128xf32, #tpu.memory_space<vmem_shared>>) offsets(%dma_start3A_348 : memref<64xi32, #tpu.memory_space<vmem>>) semaphore(%run_scoped3A_341 : memref<!tpu.dma_semaphore, #tpu.memory_space<semaphore_mem>>) {add = true}
        %dma_wait3A_352 = arith.constant 0 : i32
        %dma_wait3A_353 = arith.constant 0 : i32
        %dma_wait3A_354 = tpu.memref_slice %arg8[%run_scoped3A, %dma_wait3A_352, %dma_wait3A_353] : memref<4x64x128xf32, #tpu.memory_space<vmem>> -> memref<1x64x128xf32, #tpu.memory_space<vmem>>
        %dma_wait3A_355 = tpu.memref_squeeze %dma_wait3A_354 : memref<1x64x128xf32, #tpu.memory_space<vmem>> -> memref<64x128xf32, #tpu.memory_space<vmem>>
        %dma_wait3A_356 = arith.constant 0 : i32
        %dma_wait3A_357 = tpu.memref_slice %arg7[%add3A_258, %dma_wait3A_356] : memref<40x64xi32, #tpu.memory_space<vmem>> -> memref<1x64xi32, #tpu.memory_space<vmem>>
        %dma_wait3A_358 = tpu.memref_squeeze %dma_wait3A_357 : memref<1x64xi32, #tpu.memory_space<vmem>> -> memref<64xi32, #tpu.memory_space<vmem>>
        %dma_wait3A_359 = arith.constant 0 : i32
        %dma_wait3A_360 = arith.constant 0 : i32
        %dma_wait3A_361 = tpu.memref_slice %arg9[%dma_wait3A_359, %dma_wait3A_360] : memref<10240x128xf32, #tpu.memory_space<vmem_shared>> -> memref<10240x128xf32, #tpu.memory_space<vmem_shared>>
        tpu.wait_indirect_dma semaphore(%run_scoped3A_341 : memref<!tpu.dma_semaphore, #tpu.memory_space<semaphore_mem>>) src(%dma_wait3A_355 : memref<64x128xf32, #tpu.memory_space<vmem>>) dst(%dma_wait3A_361 : memref<10240x128xf32, #tpu.memory_space<vmem_shared>>)
        tpu.yield
      }) : () -> ()
      %add3A_259 = arith.constant 0 : i32
      %add3A_260 = arith.addi %mul3A_244, %add3A_259 : i32
      %add3A_261 = arith.constant 4 : i32
      %add3A_262 = arith.addi %add3A_260, %add3A_261 : i32
      %lt3A = arith.constant 40 : i32
      %lt3A_263 = arith.cmpi slt, %add3A_262, %lt3A : i32
      %convert_element_type3A = arith.extui %lt3A_263 : i1 to i32
      %cond3A = arith.constant 0 : i32
      %cond3A_264 = arith.cmpi ne, %convert_element_type3A, %cond3A : i32
      scf.if %cond3A_264 {
        %add3A_341 = arith.constant 0 : i32
        %add3A_342 = arith.addi %mul3A_244, %add3A_341 : i32
        %add3A_343 = arith.constant 4 : i32
        %add3A_344 = arith.addi %add3A_342, %add3A_343 : i32
        %dma_start3A_345 = arith.constant 0 : i32
        %dma_start3A_346 = arith.constant 0 : i32
        %dma_start3A_347 = arith.constant 0 : i32
        %dma_start3A_348 = tpu.memref_slice %arg8[%dma_start3A_345, %dma_start3A_346, %dma_start3A_347] : memref<4x64x128xf32, #tpu.memory_space<vmem>> -> memref<1x64x128xf32, #tpu.memory_space<vmem>>
        %dma_start3A_349 = tpu.memref_squeeze %dma_start3A_348 : memref<1x64x128xf32, #tpu.memory_space<vmem>> -> memref<64x128xf32, #tpu.memory_space<vmem>>
        %dma_start3A_350 = arith.constant 0 : i32
        %dma_start3A_351 = tpu.memref_slice %arg6[%add3A_344, %dma_start3A_350] : memref<40x64xi32, #tpu.memory_space<vmem>> -> memref<1x64xi32, #tpu.memory_space<vmem>>
        %dma_start3A_352 = tpu.memref_squeeze %dma_start3A_351 : memref<1x64xi32, #tpu.memory_space<vmem>> -> memref<64xi32, #tpu.memory_space<vmem>>
        %dma_start3A_353 = arith.constant 0 : i32
        %dma_start3A_354 = arith.constant 0 : i32
        %dma_start3A_355 = tpu.memref_slice %arg2[%dma_start3A_353, %dma_start3A_354] : memref<10240x128xf32, #tpu.memory_space<hbm>> -> memref<10240x128xf32, #tpu.memory_space<hbm>>
        tpu.enqueue_indirect_dma source(%dma_start3A_355 : memref<10240x128xf32, #tpu.memory_space<hbm>>) target(%dma_start3A_349 : memref<64x128xf32, #tpu.memory_space<vmem>>) offsets(%dma_start3A_352 : memref<64xi32, #tpu.memory_space<vmem>>) semaphore(%arg10 : memref<!tpu.dma_semaphore, #tpu.memory_space<semaphore_mem>>)
      } else {
      }
      %add3A_265 = arith.constant 1 : i32
      %add3A_266 = arith.addi %mul3A_244, %add3A_265 : i32
      %dma_wait3A_267 = arith.constant 1 : i32
      %dma_wait3A_268 = arith.constant 0 : i32
      %dma_wait3A_269 = arith.constant 0 : i32
      %dma_wait3A_270 = tpu.memref_slice %arg8[%dma_wait3A_267, %dma_wait3A_268, %dma_wait3A_269] : memref<4x64x128xf32, #tpu.memory_space<vmem>> -> memref<1x64x128xf32, #tpu.memory_space<vmem>>
      %dma_wait3A_271 = tpu.memref_squeeze %dma_wait3A_270 : memref<1x64x128xf32, #tpu.memory_space<vmem>> -> memref<64x128xf32, #tpu.memory_space<vmem>>
      %dma_wait3A_272 = arith.constant 0 : i32
      %dma_wait3A_273 = tpu.memref_slice %arg6[%add3A_266, %dma_wait3A_272] : memref<40x64xi32, #tpu.memory_space<vmem>> -> memref<1x64xi32, #tpu.memory_space<vmem>>
      %dma_wait3A_274 = tpu.memref_squeeze %dma_wait3A_273 : memref<1x64xi32, #tpu.memory_space<vmem>> -> memref<64xi32, #tpu.memory_space<vmem>>
      %dma_wait3A_275 = arith.constant 0 : i32
      %dma_wait3A_276 = arith.constant 0 : i32
      %dma_wait3A_277 = tpu.memref_slice %arg2[%dma_wait3A_275, %dma_wait3A_276] : memref<10240x128xf32, #tpu.memory_space<hbm>> -> memref<10240x128xf32, #tpu.memory_space<hbm>>
      tpu.wait_indirect_dma semaphore(%arg11 : memref<!tpu.dma_semaphore, #tpu.memory_space<semaphore_mem>>) src(%dma_wait3A_277 : memref<10240x128xf32, #tpu.memory_space<hbm>>) dst(%dma_wait3A_271 : memref<64x128xf32, #tpu.memory_space<vmem>>)
      %add3A_278 = arith.constant 1 : i32
      %add3A_279 = arith.addi %mul3A_244, %add3A_278 : i32
      %run_scoped3A_280 = arith.constant 1 : i32
      "tpu.region"() ({
        %run_scoped3A_341 = tpu.sem_alloc : memref<!tpu.dma_semaphore, #tpu.memory_space<semaphore_mem>>
        %dma_start3A_342 = arith.constant 0 : i32
        %dma_start3A_343 = arith.constant 0 : i32
        %dma_start3A_344 = tpu.memref_slice %arg8[%run_scoped3A_280, %dma_start3A_342, %dma_start3A_343] : memref<4x64x128xf32, #tpu.memory_space<vmem>> -> memref<1x64x128xf32, #tpu.memory_space<vmem>>
        %dma_start3A_345 = tpu.memref_squeeze %dma_start3A_344 : memref<1x64x128xf32, #tpu.memory_space<vmem>> -> memref<64x128xf32, #tpu.memory_space<vmem>>
        %dma_start3A_346 = arith.constant 0 : i32
        %dma_start3A_347 = tpu.memref_slice %arg7[%add3A_279, %dma_start3A_346] : memref<40x64xi32, #tpu.memory_space<vmem>> -> memref<1x64xi32, #tpu.memory_space<vmem>>
        %dma_start3A_348 = tpu.memref_squeeze %dma_start3A_347 : memref<1x64xi32, #tpu.memory_space<vmem>> -> memref<64xi32, #tpu.memory_space<vmem>>
        %dma_start3A_349 = arith.constant 0 : i32
        %dma_start3A_350 = arith.constant 0 : i32
        %dma_start3A_351 = tpu.memref_slice %arg9[%dma_start3A_349, %dma_start3A_350] : memref<10240x128xf32, #tpu.memory_space<vmem_shared>> -> memref<10240x128xf32, #tpu.memory_space<vmem_shared>>
        tpu.enqueue_indirect_dma source(%dma_start3A_345 : memref<64x128xf32, #tpu.memory_space<vmem>>) target(%dma_start3A_351 : memref<10240x128xf32, #tpu.memory_space<vmem_shared>>) offsets(%dma_start3A_348 : memref<64xi32, #tpu.memory_space<vmem>>) semaphore(%run_scoped3A_341 : memref<!tpu.dma_semaphore, #tpu.memory_space<semaphore_mem>>) {add = true}
        %dma_wait3A_352 = arith.constant 0 : i32
        %dma_wait3A_353 = arith.constant 0 : i32
        %dma_wait3A_354 = tpu.memref_slice %arg8[%run_scoped3A_280, %dma_wait3A_352, %dma_wait3A_353] : memref<4x64x128xf32, #tpu.memory_space<vmem>> -> memref<1x64x128xf32, #tpu.memory_space<vmem>>
        %dma_wait3A_355 = tpu.memref_squeeze %dma_wait3A_354 : memref<1x64x128xf32, #tpu.memory_space<vmem>> -> memref<64x128xf32, #tpu.memory_space<vmem>>
        %dma_wait3A_356 = arith.constant 0 : i32
        %dma_wait3A_357 = tpu.memref_slice %arg7[%add3A_279, %dma_wait3A_356] : memref<40x64xi32, #tpu.memory_space<vmem>> -> memref<1x64xi32, #tpu.memory_space<vmem>>
        %dma_wait3A_358 = tpu.memref_squeeze %dma_wait3A_357 : memref<1x64xi32, #tpu.memory_space<vmem>> -> memref<64xi32, #tpu.memory_space<vmem>>
        %dma_wait3A_359 = arith.constant 0 : i32
        %dma_wait3A_360 = arith.constant 0 : i32
        %dma_wait3A_361 = tpu.memref_slice %arg9[%dma_wait3A_359, %dma_wait3A_360] : memref<10240x128xf32, #tpu.memory_space<vmem_shared>> -> memref<10240x128xf32, #tpu.memory_space<vmem_shared>>
        tpu.wait_indirect_dma semaphore(%run_scoped3A_341 : memref<!tpu.dma_semaphore, #tpu.memory_space<semaphore_mem>>) src(%dma_wait3A_355 : memref<64x128xf32, #tpu.memory_space<vmem>>) dst(%dma_wait3A_361 : memref<10240x128xf32, #tpu.memory_space<vmem_shared>>)
        tpu.yield
      }) : () -> ()
      %add3A_281 = arith.constant 1 : i32
      %add3A_282 = arith.addi %mul3A_244, %add3A_281 : i32
      %add3A_283 = arith.constant 4 : i32
      %add3A_284 = arith.addi %add3A_282, %add3A_283 : i32
      %lt3A_285 = arith.constant 40 : i32
      %lt3A_286 = arith.cmpi slt, %add3A_284, %lt3A_285 : i32
      %convert_element_type3A_287 = arith.extui %lt3A_286 : i1 to i32
      %cond3A_288 = arith.constant 0 : i32
      %cond3A_289 = arith.cmpi ne, %convert_element_type3A_287, %cond3A_288 : i32
      scf.if %cond3A_289 {
        %add3A_341 = arith.constant 1 : i32
        %add3A_342 = arith.addi %mul3A_244, %add3A_341 : i32
        %add3A_343 = arith.constant 4 : i32
        %add3A_344 = arith.addi %add3A_342, %add3A_343 : i32
        %dma_start3A_345 = arith.constant 1 : i32
        %dma_start3A_346 = arith.constant 0 : i32
        %dma_start3A_347 = arith.constant 0 : i32
        %dma_start3A_348 = tpu.memref_slice %arg8[%dma_start3A_345, %dma_start3A_346, %dma_start3A_347] : memref<4x64x128xf32, #tpu.memory_space<vmem>> -> memref<1x64x128xf32, #tpu.memory_space<vmem>>
        %dma_start3A_349 = tpu.memref_squeeze %dma_start3A_348 : memref<1x64x128xf32, #tpu.memory_space<vmem>> -> memref<64x128xf32, #tpu.memory_space<vmem>>
        %dma_start3A_350 = arith.constant 0 : i32
        %dma_start3A_351 = tpu.memref_slice %arg6[%add3A_344, %dma_start3A_350] : memref<40x64xi32, #tpu.memory_space<vmem>> -> memref<1x64xi32, #tpu.memory_space<vmem>>
        %dma_start3A_352 = tpu.memref_squeeze %dma_start3A_351 : memref<1x64xi32, #tpu.memory_space<vmem>> -> memref<64xi32, #tpu.memory_space<vmem>>
        %dma_start3A_353 = arith.constant 0 : i32
        %dma_start3A_354 = arith.constant 0 : i32
        %dma_start3A_355 = tpu.memref_slice %arg2[%dma_start3A_353, %dma_start3A_354] : memref<10240x128xf32, #tpu.memory_space<hbm>> -> memref<10240x128xf32, #tpu.memory_space<hbm>>
        tpu.enqueue_indirect_dma source(%dma_start3A_355 : memref<10240x128xf32, #tpu.memory_space<hbm>>) target(%dma_start3A_349 : memref<64x128xf32, #tpu.memory_space<vmem>>) offsets(%dma_start3A_352 : memref<64xi32, #tpu.memory_space<vmem>>) semaphore(%arg11 : memref<!tpu.dma_semaphore, #tpu.memory_space<semaphore_mem>>)
      } else {
      }
      %add3A_290 = arith.constant 2 : i32
      %add3A_291 = arith.addi %mul3A_244, %add3A_290 : i32
      %dma_wait3A_292 = arith.constant 2 : i32
      %dma_wait3A_293 = arith.constant 0 : i32
      %dma_wait3A_294 = arith.constant 0 : i32
      %dma_wait3A_295 = tpu.memref_slice %arg8[%dma_wait3A_292, %dma_wait3A_293, %dma_wait3A_294] : memref<4x64x128xf32, #tpu.memory_space<vmem>> -> memref<1x64x128xf32, #tpu.memory_space<vmem>>
      %dma_wait3A_296 = tpu.memref_squeeze %dma_wait3A_295 : memref<1x64x128xf32, #tpu.memory_space<vmem>> -> memref<64x128xf32, #tpu.memory_space<vmem>>
      %dma_wait3A_297 = arith.constant 0 : i32
      %dma_wait3A_298 = tpu.memref_slice %arg6[%add3A_291, %dma_wait3A_297] : memref<40x64xi32, #tpu.memory_space<vmem>> -> memref<1x64xi32, #tpu.memory_space<vmem>>
      %dma_wait3A_299 = tpu.memref_squeeze %dma_wait3A_298 : memref<1x64xi32, #tpu.memory_space<vmem>> -> memref<64xi32, #tpu.memory_space<vmem>>
      %dma_wait3A_300 = arith.constant 0 : i32
      %dma_wait3A_301 = arith.constant 0 : i32
      %dma_wait3A_302 = tpu.memref_slice %arg2[%dma_wait3A_300, %dma_wait3A_301] : memref<10240x128xf32, #tpu.memory_space<hbm>> -> memref<10240x128xf32, #tpu.memory_space<hbm>>
      tpu.wait_indirect_dma semaphore(%arg12 : memref<!tpu.dma_semaphore, #tpu.memory_space<semaphore_mem>>) src(%dma_wait3A_302 : memref<10240x128xf32, #tpu.memory_space<hbm>>) dst(%dma_wait3A_296 : memref<64x128xf32, #tpu.memory_space<vmem>>)
      %add3A_303 = arith.constant 2 : i32
      %add3A_304 = arith.addi %mul3A_244, %add3A_303 : i32
      %run_scoped3A_305 = arith.constant 2 : i32
      "tpu.region"() ({
        %run_scoped3A_341 = tpu.sem_alloc : memref<!tpu.dma_semaphore, #tpu.memory_space<semaphore_mem>>
        %dma_start3A_342 = arith.constant 0 : i32
        %dma_start3A_343 = arith.constant 0 : i32
        %dma_start3A_344 = tpu.memref_slice %arg8[%run_scoped3A_305, %dma_start3A_342, %dma_start3A_343] : memref<4x64x128xf32, #tpu.memory_space<vmem>> -> memref<1x64x128xf32, #tpu.memory_space<vmem>>
        %dma_start3A_345 = tpu.memref_squeeze %dma_start3A_344 : memref<1x64x128xf32, #tpu.memory_space<vmem>> -> memref<64x128xf32, #tpu.memory_space<vmem>>
        %dma_start3A_346 = arith.constant 0 : i32
        %dma_start3A_347 = tpu.memref_slice %arg7[%add3A_304, %dma_start3A_346] : memref<40x64xi32, #tpu.memory_space<vmem>> -> memref<1x64xi32, #tpu.memory_space<vmem>>
        %dma_start3A_348 = tpu.memref_squeeze %dma_start3A_347 : memref<1x64xi32, #tpu.memory_space<vmem>> -> memref<64xi32, #tpu.memory_space<vmem>>
        %dma_start3A_349 = arith.constant 0 : i32
        %dma_start3A_350 = arith.constant 0 : i32
        %dma_start3A_351 = tpu.memref_slice %arg9[%dma_start3A_349, %dma_start3A_350] : memref<10240x128xf32, #tpu.memory_space<vmem_shared>> -> memref<10240x128xf32, #tpu.memory_space<vmem_shared>>
        tpu.enqueue_indirect_dma source(%dma_start3A_345 : memref<64x128xf32, #tpu.memory_space<vmem>>) target(%dma_start3A_351 : memref<10240x128xf32, #tpu.memory_space<vmem_shared>>) offsets(%dma_start3A_348 : memref<64xi32, #tpu.memory_space<vmem>>) semaphore(%run_scoped3A_341 : memref<!tpu.dma_semaphore, #tpu.memory_space<semaphore_mem>>) {add = true}
        %dma_wait3A_352 = arith.constant 0 : i32
        %dma_wait3A_353 = arith.constant 0 : i32
        %dma_wait3A_354 = tpu.memref_slice %arg8[%run_scoped3A_305, %dma_wait3A_352, %dma_wait3A_353] : memref<4x64x128xf32, #tpu.memory_space<vmem>> -> memref<1x64x128xf32, #tpu.memory_space<vmem>>
        %dma_wait3A_355 = tpu.memref_squeeze %dma_wait3A_354 : memref<1x64x128xf32, #tpu.memory_space<vmem>> -> memref<64x128xf32, #tpu.memory_space<vmem>>
        %dma_wait3A_356 = arith.constant 0 : i32
        %dma_wait3A_357 = tpu.memref_slice %arg7[%add3A_304, %dma_wait3A_356] : memref<40x64xi32, #tpu.memory_space<vmem>> -> memref<1x64xi32, #tpu.memory_space<vmem>>
        %dma_wait3A_358 = tpu.memref_squeeze %dma_wait3A_357 : memref<1x64xi32, #tpu.memory_space<vmem>> -> memref<64xi32, #tpu.memory_space<vmem>>
        %dma_wait3A_359 = arith.constant 0 : i32
        %dma_wait3A_360 = arith.constant 0 : i32
        %dma_wait3A_361 = tpu.memref_slice %arg9[%dma_wait3A_359, %dma_wait3A_360] : memref<10240x128xf32, #tpu.memory_space<vmem_shared>> -> memref<10240x128xf32, #tpu.memory_space<vmem_shared>>
        tpu.wait_indirect_dma semaphore(%run_scoped3A_341 : memref<!tpu.dma_semaphore, #tpu.memory_space<semaphore_mem>>) src(%dma_wait3A_355 : memref<64x128xf32, #tpu.memory_space<vmem>>) dst(%dma_wait3A_361 : memref<10240x128xf32, #tpu.memory_space<vmem_shared>>)
        tpu.yield
      }) : () -> ()
      %add3A_306 = arith.constant 2 : i32
      %add3A_307 = arith.addi %mul3A_244, %add3A_306 : i32
      %add3A_308 = arith.constant 4 : i32
      %add3A_309 = arith.addi %add3A_307, %add3A_308 : i32
      %lt3A_310 = arith.constant 40 : i32
      %lt3A_311 = arith.cmpi slt, %add3A_309, %lt3A_310 : i32
      %convert_element_type3A_312 = arith.extui %lt3A_311 : i1 to i32
      %cond3A_313 = arith.constant 0 : i32
      %cond3A_314 = arith.cmpi ne, %convert_element_type3A_312, %cond3A_313 : i32
      scf.if %cond3A_314 {
        %add3A_341 = arith.constant 2 : i32
        %add3A_342 = arith.addi %mul3A_244, %add3A_341 : i32
        %add3A_343 = arith.constant 4 : i32
        %add3A_344 = arith.addi %add3A_342, %add3A_343 : i32
        %dma_start3A_345 = arith.constant 2 : i32
        %dma_start3A_346 = arith.constant 0 : i32
        %dma_start3A_347 = arith.constant 0 : i32
        %dma_start3A_348 = tpu.memref_slice %arg8[%dma_start3A_345, %dma_start3A_346, %dma_start3A_347] : memref<4x64x128xf32, #tpu.memory_space<vmem>> -> memref<1x64x128xf32, #tpu.memory_space<vmem>>
        %dma_start3A_349 = tpu.memref_squeeze %dma_start3A_348 : memref<1x64x128xf32, #tpu.memory_space<vmem>> -> memref<64x128xf32, #tpu.memory_space<vmem>>
        %dma_start3A_350 = arith.constant 0 : i32
        %dma_start3A_351 = tpu.memref_slice %arg6[%add3A_344, %dma_start3A_350] : memref<40x64xi32, #tpu.memory_space<vmem>> -> memref<1x64xi32, #tpu.memory_space<vmem>>
        %dma_start3A_352 = tpu.memref_squeeze %dma_start3A_351 : memref<1x64xi32, #tpu.memory_space<vmem>> -> memref<64xi32, #tpu.memory_space<vmem>>
        %dma_start3A_353 = arith.constant 0 : i32
        %dma_start3A_354 = arith.constant 0 : i32
        %dma_start3A_355 = tpu.memref_slice %arg2[%dma_start3A_353, %dma_start3A_354] : memref<10240x128xf32, #tpu.memory_space<hbm>> -> memref<10240x128xf32, #tpu.memory_space<hbm>>
        tpu.enqueue_indirect_dma source(%dma_start3A_355 : memref<10240x128xf32, #tpu.memory_space<hbm>>) target(%dma_start3A_349 : memref<64x128xf32, #tpu.memory_space<vmem>>) offsets(%dma_start3A_352 : memref<64xi32, #tpu.memory_space<vmem>>) semaphore(%arg12 : memref<!tpu.dma_semaphore, #tpu.memory_space<semaphore_mem>>)
      } else {
      }
      %add3A_315 = arith.constant 3 : i32
      %add3A_316 = arith.addi %mul3A_244, %add3A_315 : i32
      %dma_wait3A_317 = arith.constant 3 : i32
      %dma_wait3A_318 = arith.constant 0 : i32
      %dma_wait3A_319 = arith.constant 0 : i32
      %dma_wait3A_320 = tpu.memref_slice %arg8[%dma_wait3A_317, %dma_wait3A_318, %dma_wait3A_319] : memref<4x64x128xf32, #tpu.memory_space<vmem>> -> memref<1x64x128xf32, #tpu.memory_space<vmem>>
      %dma_wait3A_321 = tpu.memref_squeeze %dma_wait3A_320 : memref<1x64x128xf32, #tpu.memory_space<vmem>> -> memref<64x128xf32, #tpu.memory_space<vmem>>
      %dma_wait3A_322 = arith.constant 0 : i32
      %dma_wait3A_323 = tpu.memref_slice %arg6[%add3A_316, %dma_wait3A_322] : memref<40x64xi32, #tpu.memory_space<vmem>> -> memref<1x64xi32, #tpu.memory_space<vmem>>
      %dma_wait3A_324 = tpu.memref_squeeze %dma_wait3A_323 : memref<1x64xi32, #tpu.memory_space<vmem>> -> memref<64xi32, #tpu.memory_space<vmem>>
      %dma_wait3A_325 = arith.constant 0 : i32
      %dma_wait3A_326 = arith.constant 0 : i32
      %dma_wait3A_327 = tpu.memref_slice %arg2[%dma_wait3A_325, %dma_wait3A_326] : memref<10240x128xf32, #tpu.memory_space<hbm>> -> memref<10240x128xf32, #tpu.memory_space<hbm>>
      tpu.wait_indirect_dma semaphore(%arg13 : memref<!tpu.dma_semaphore, #tpu.memory_space<semaphore_mem>>) src(%dma_wait3A_327 : memref<10240x128xf32, #tpu.memory_space<hbm>>) dst(%dma_wait3A_321 : memref<64x128xf32, #tpu.memory_space<vmem>>)
      %add3A_328 = arith.constant 3 : i32
      %add3A_329 = arith.addi %mul3A_244, %add3A_328 : i32
      %run_scoped3A_330 = arith.constant 3 : i32
      "tpu.region"() ({
        %run_scoped3A_341 = tpu.sem_alloc : memref<!tpu.dma_semaphore, #tpu.memory_space<semaphore_mem>>
        %dma_start3A_342 = arith.constant 0 : i32
        %dma_start3A_343 = arith.constant 0 : i32
        %dma_start3A_344 = tpu.memref_slice %arg8[%run_scoped3A_330, %dma_start3A_342, %dma_start3A_343] : memref<4x64x128xf32, #tpu.memory_space<vmem>> -> memref<1x64x128xf32, #tpu.memory_space<vmem>>
        %dma_start3A_345 = tpu.memref_squeeze %dma_start3A_344 : memref<1x64x128xf32, #tpu.memory_space<vmem>> -> memref<64x128xf32, #tpu.memory_space<vmem>>
        %dma_start3A_346 = arith.constant 0 : i32
        %dma_start3A_347 = tpu.memref_slice %arg7[%add3A_329, %dma_start3A_346] : memref<40x64xi32, #tpu.memory_space<vmem>> -> memref<1x64xi32, #tpu.memory_space<vmem>>
        %dma_start3A_348 = tpu.memref_squeeze %dma_start3A_347 : memref<1x64xi32, #tpu.memory_space<vmem>> -> memref<64xi32, #tpu.memory_space<vmem>>
        %dma_start3A_349 = arith.constant 0 : i32
        %dma_start3A_350 = arith.constant 0 : i32
        %dma_start3A_351 = tpu.memref_slice %arg9[%dma_start3A_349, %dma_start3A_350] : memref<10240x128xf32, #tpu.memory_space<vmem_shared>> -> memref<10240x128xf32, #tpu.memory_space<vmem_shared>>
        tpu.enqueue_indirect_dma source(%dma_start3A_345 : memref<64x128xf32, #tpu.memory_space<vmem>>) target(%dma_start3A_351 : memref<10240x128xf32, #tpu.memory_space<vmem_shared>>) offsets(%dma_start3A_348 : memref<64xi32, #tpu.memory_space<vmem>>) semaphore(%run_scoped3A_341 : memref<!tpu.dma_semaphore, #tpu.memory_space<semaphore_mem>>) {add = true}
        %dma_wait3A_352 = arith.constant 0 : i32
        %dma_wait3A_353 = arith.constant 0 : i32
        %dma_wait3A_354 = tpu.memref_slice %arg8[%run_scoped3A_330, %dma_wait3A_352, %dma_wait3A_353] : memref<4x64x128xf32, #tpu.memory_space<vmem>> -> memref<1x64x128xf32, #tpu.memory_space<vmem>>
        %dma_wait3A_355 = tpu.memref_squeeze %dma_wait3A_354 : memref<1x64x128xf32, #tpu.memory_space<vmem>> -> memref<64x128xf32, #tpu.memory_space<vmem>>
        %dma_wait3A_356 = arith.constant 0 : i32
        %dma_wait3A_357 = tpu.memref_slice %arg7[%add3A_329, %dma_wait3A_356] : memref<40x64xi32, #tpu.memory_space<vmem>> -> memref<1x64xi32, #tpu.memory_space<vmem>>
        %dma_wait3A_358 = tpu.memref_squeeze %dma_wait3A_357 : memref<1x64xi32, #tpu.memory_space<vmem>> -> memref<64xi32, #tpu.memory_space<vmem>>
        %dma_wait3A_359 = arith.constant 0 : i32
        %dma_wait3A_360 = arith.constant 0 : i32
        %dma_wait3A_361 = tpu.memref_slice %arg9[%dma_wait3A_359, %dma_wait3A_360] : memref<10240x128xf32, #tpu.memory_space<vmem_shared>> -> memref<10240x128xf32, #tpu.memory_space<vmem_shared>>
        tpu.wait_indirect_dma semaphore(%run_scoped3A_341 : memref<!tpu.dma_semaphore, #tpu.memory_space<semaphore_mem>>) src(%dma_wait3A_355 : memref<64x128xf32, #tpu.memory_space<vmem>>) dst(%dma_wait3A_361 : memref<10240x128xf32, #tpu.memory_space<vmem_shared>>)
        tpu.yield
      }) : () -> ()
      %add3A_331 = arith.constant 3 : i32
      %add3A_332 = arith.addi %mul3A_244, %add3A_331 : i32
      %add3A_333 = arith.constant 4 : i32
      %add3A_334 = arith.addi %add3A_332, %add3A_333 : i32
      %lt3A_335 = arith.constant 40 : i32
      %lt3A_336 = arith.cmpi slt, %add3A_334, %lt3A_335 : i32
      %convert_element_type3A_337 = arith.extui %lt3A_336 : i1 to i32
      %cond3A_338 = arith.constant 0 : i32
      %cond3A_339 = arith.cmpi ne, %convert_element_type3A_337, %cond3A_338 : i32
      scf.if %cond3A_339 {
        %add3A_341 = arith.constant 3 : i32
        %add3A_342 = arith.addi %mul3A_244, %add3A_341 : i32
        %add3A_343 = arith.constant 4 : i32
        %add3A_344 = arith.addi %add3A_342, %add3A_343 : i32
        %dma_start3A_345 = arith.constant 3 : i32
        %dma_start3A_346 = arith.constant 0 : i32
        %dma_start3A_347 = arith.constant 0 : i32
        %dma_start3A_348 = tpu.memref_slice %arg8[%dma_start3A_345, %dma_start3A_346, %dma_start3A_347] : memref<4x64x128xf32, #tpu.memory_space<vmem>> -> memref<1x64x128xf32, #tpu.memory_space<vmem>>
        %dma_start3A_349 = tpu.memref_squeeze %dma_start3A_348 : memref<1x64x128xf32, #tpu.memory_space<vmem>> -> memref<64x128xf32, #tpu.memory_space<vmem>>
        %dma_start3A_350 = arith.constant 0 : i32
        %dma_start3A_351 = tpu.memref_slice %arg6[%add3A_344, %dma_start3A_350] : memref<40x64xi32, #tpu.memory_space<vmem>> -> memref<1x64xi32, #tpu.memory_space<vmem>>
        %dma_start3A_352 = tpu.memref_squeeze %dma_start3A_351 : memref<1x64xi32, #tpu.memory_space<vmem>> -> memref<64xi32, #tpu.memory_space<vmem>>
        %dma_start3A_353 = arith.constant 0 : i32
        %dma_start3A_354 = arith.constant 0 : i32
        %dma_start3A_355 = tpu.memref_slice %arg2[%dma_start3A_353, %dma_start3A_354] : memref<10240x128xf32, #tpu.memory_space<hbm>> -> memref<10240x128xf32, #tpu.memory_space<hbm>>
        tpu.enqueue_indirect_dma source(%dma_start3A_355 : memref<10240x128xf32, #tpu.memory_space<hbm>>) target(%dma_start3A_349 : memref<64x128xf32, #tpu.memory_space<vmem>>) offsets(%dma_start3A_352 : memref<64xi32, #tpu.memory_space<vmem>>) semaphore(%arg13 : memref<!tpu.dma_semaphore, #tpu.memory_space<semaphore_mem>>)
      } else {
      }
      %scan3A_340 = arith.constant 0 : i32
      scf.yield %scan3A_340 : i32
    }
    %scan3A_177 = arith.constant 10 : i32
    "tpu.region"() ({
      %run_scoped3A = tpu.sem_alloc : memref<!tpu.dma_semaphore, #tpu.memory_space<semaphore_mem>>
      %dma_start3A_241 = arith.constant 120 : i32
      %dma_start3A_242 = arith.constant 0 : i32
      %dma_start3A_243 = tpu.memref_slice %arg3[%add3A, %dma_start3A_241, %dma_start3A_242] : memref<32x160x64xi32, #tpu.memory_space<hbm>> -> memref<1x40x64xi32, #tpu.memory_space<hbm>>
      %dma_start3A_244 = tpu.memref_squeeze %dma_start3A_243 : memref<1x40x64xi32, #tpu.memory_space<hbm>> -> memref<40x64xi32, #tpu.memory_space<hbm>>
      %dma_start3A_245 = arith.constant 120 : i32
      %dma_start3A_246 = arith.constant 0 : i32
      %dma_start3A_247 = tpu.memref_slice %arg3[%add3A, %dma_start3A_245, %dma_start3A_246] : memref<32x160x64xi32, #tpu.memory_space<hbm>> -> memref<1x40x64xi32, #tpu.memory_space<hbm>>
      %dma_start3A_248 = tpu.memref_squeeze %dma_start3A_247 : memref<1x40x64xi32, #tpu.memory_space<hbm>> -> memref<40x64xi32, #tpu.memory_space<hbm>>
      tpu.enqueue_dma source(%dma_start3A_248 : memref<40x64xi32, #tpu.memory_space<hbm>>) target(%arg6 : memref<40x64xi32, #tpu.memory_space<vmem>>) target_semaphore(%run_scoped3A : memref<!tpu.dma_semaphore, #tpu.memory_space<semaphore_mem>>)
      %dma_wait3A = arith.constant 120 : i32
      %dma_wait3A_249 = arith.constant 0 : i32
      %dma_wait3A_250 = tpu.memref_slice %arg3[%add3A, %dma_wait3A, %dma_wait3A_249] : memref<32x160x64xi32, #tpu.memory_space<hbm>> -> memref<1x40x64xi32, #tpu.memory_space<hbm>>
      %dma_wait3A_251 = tpu.memref_squeeze %dma_wait3A_250 : memref<1x40x64xi32, #tpu.memory_space<hbm>> -> memref<40x64xi32, #tpu.memory_space<hbm>>
      %dma_wait3A_252 = arith.constant 120 : i32
      %dma_wait3A_253 = arith.constant 0 : i32
      %dma_wait3A_254 = tpu.memref_slice %arg3[%add3A, %dma_wait3A_252, %dma_wait3A_253] : memref<32x160x64xi32, #tpu.memory_space<hbm>> -> memref<1x40x64xi32, #tpu.memory_space<hbm>>
      %dma_wait3A_255 = tpu.memref_squeeze %dma_wait3A_254 : memref<1x40x64xi32, #tpu.memory_space<hbm>> -> memref<40x64xi32, #tpu.memory_space<hbm>>
      tpu.wait_dma2 semaphore(%run_scoped3A : memref<!tpu.dma_semaphore, #tpu.memory_space<semaphore_mem>>) src(%dma_wait3A_255 : memref<40x64xi32, #tpu.memory_space<hbm>>) dst(%arg6 : memref<40x64xi32, #tpu.memory_space<vmem>>)
      tpu.yield
    }) : () -> ()
    "tpu.region"() ({
      %run_scoped3A = tpu.sem_alloc : memref<!tpu.dma_semaphore, #tpu.memory_space<semaphore_mem>>
      %dma_start3A_241 = arith.constant 120 : i32
      %dma_start3A_242 = arith.constant 0 : i32
      %dma_start3A_243 = tpu.memref_slice %arg4[%add3A, %dma_start3A_241, %dma_start3A_242] : memref<32x160x64xi32, #tpu.memory_space<hbm>> -> memref<1x40x64xi32, #tpu.memory_space<hbm>>
      %dma_start3A_244 = tpu.memref_squeeze %dma_start3A_243 : memref<1x40x64xi32, #tpu.memory_space<hbm>> -> memref<40x64xi32, #tpu.memory_space<hbm>>
      %dma_start3A_245 = arith.constant 120 : i32
      %dma_start3A_246 = arith.constant 0 : i32
      %dma_start3A_247 = tpu.memref_slice %arg4[%add3A, %dma_start3A_245, %dma_start3A_246] : memref<32x160x64xi32, #tpu.memory_space<hbm>> -> memref<1x40x64xi32, #tpu.memory_space<hbm>>
      %dma_start3A_248 = tpu.memref_squeeze %dma_start3A_247 : memref<1x40x64xi32, #tpu.memory_space<hbm>> -> memref<40x64xi32, #tpu.memory_space<hbm>>
      tpu.enqueue_dma source(%dma_start3A_248 : memref<40x64xi32, #tpu.memory_space<hbm>>) target(%arg7 : memref<40x64xi32, #tpu.memory_space<vmem>>) target_semaphore(%run_scoped3A : memref<!tpu.dma_semaphore, #tpu.memory_space<semaphore_mem>>)
      %dma_wait3A = arith.constant 120 : i32
      %dma_wait3A_249 = arith.constant 0 : i32
      %dma_wait3A_250 = tpu.memref_slice %arg4[%add3A, %dma_wait3A, %dma_wait3A_249] : memref<32x160x64xi32, #tpu.memory_space<hbm>> -> memref<1x40x64xi32, #tpu.memory_space<hbm>>
      %dma_wait3A_251 = tpu.memref_squeeze %dma_wait3A_250 : memref<1x40x64xi32, #tpu.memory_space<hbm>> -> memref<40x64xi32, #tpu.memory_space<hbm>>
      %dma_wait3A_252 = arith.constant 120 : i32
      %dma_wait3A_253 = arith.constant 0 : i32
      %dma_wait3A_254 = tpu.memref_slice %arg4[%add3A, %dma_wait3A_252, %dma_wait3A_253] : memref<32x160x64xi32, #tpu.memory_space<hbm>> -> memref<1x40x64xi32, #tpu.memory_space<hbm>>
      %dma_wait3A_255 = tpu.memref_squeeze %dma_wait3A_254 : memref<1x40x64xi32, #tpu.memory_space<hbm>> -> memref<40x64xi32, #tpu.memory_space<hbm>>
      tpu.wait_dma2 semaphore(%run_scoped3A : memref<!tpu.dma_semaphore, #tpu.memory_space<semaphore_mem>>) src(%dma_wait3A_255 : memref<40x64xi32, #tpu.memory_space<hbm>>) dst(%arg7 : memref<40x64xi32, #tpu.memory_space<vmem>>)
      tpu.yield
    }) : () -> ()
    %dma_start3A_178 = arith.constant 0 : i32
    %dma_start3A_179 = arith.constant 0 : i32
    %dma_start3A_180 = arith.constant 0 : i32
    %dma_start3A_181 = arith.constant 0 : i32
    %dma_start3A_182 = tpu.memref_slice %arg8[%dma_start3A_179, %dma_start3A_180, %dma_start3A_181] : memref<4x64x128xf32, #tpu.memory_space<vmem>> -> memref<1x64x128xf32, #tpu.memory_space<vmem>>
    %dma_start3A_183 = tpu.memref_squeeze %dma_start3A_182 : memref<1x64x128xf32, #tpu.memory_space<vmem>> -> memref<64x128xf32, #tpu.memory_space<vmem>>
    %dma_start3A_184 = arith.constant 0 : i32
    %dma_start3A_185 = tpu.memref_slice %arg6[%dma_start3A_178, %dma_start3A_184] : memref<40x64xi32, #tpu.memory_space<vmem>> -> memref<1x64xi32, #tpu.memory_space<vmem>>
    %dma_start3A_186 = tpu.memref_squeeze %dma_start3A_185 : memref<1x64xi32, #tpu.memory_space<vmem>> -> memref<64xi32, #tpu.memory_space<vmem>>
    %dma_start3A_187 = arith.constant 0 : i32
    %dma_start3A_188 = arith.constant 0 : i32
    %dma_start3A_189 = tpu.memref_slice %arg2[%dma_start3A_187, %dma_start3A_188] : memref<10240x128xf32, #tpu.memory_space<hbm>> -> memref<10240x128xf32, #tpu.memory_space<hbm>>
    tpu.enqueue_indirect_dma source(%dma_start3A_189 : memref<10240x128xf32, #tpu.memory_space<hbm>>) target(%dma_start3A_183 : memref<64x128xf32, #tpu.memory_space<vmem>>) offsets(%dma_start3A_186 : memref<64xi32, #tpu.memory_space<vmem>>) semaphore(%arg10 : memref<!tpu.dma_semaphore, #tpu.memory_space<semaphore_mem>>)
    %dma_start3A_190 = arith.constant 1 : i32
    %dma_start3A_191 = arith.constant 1 : i32
    %dma_start3A_192 = arith.constant 0 : i32
    %dma_start3A_193 = arith.constant 0 : i32
    %dma_start3A_194 = tpu.memref_slice %arg8[%dma_start3A_191, %dma_start3A_192, %dma_start3A_193] : memref<4x64x128xf32, #tpu.memory_space<vmem>> -> memref<1x64x128xf32, #tpu.memory_space<vmem>>
    %dma_start3A_195 = tpu.memref_squeeze %dma_start3A_194 : memref<1x64x128xf32, #tpu.memory_space<vmem>> -> memref<64x128xf32, #tpu.memory_space<vmem>>
    %dma_start3A_196 = arith.constant 0 : i32
    %dma_start3A_197 = tpu.memref_slice %arg6[%dma_start3A_190, %dma_start3A_196] : memref<40x64xi32, #tpu.memory_space<vmem>> -> memref<1x64xi32, #tpu.memory_space<vmem>>
    %dma_start3A_198 = tpu.memref_squeeze %dma_start3A_197 : memref<1x64xi32, #tpu.memory_space<vmem>> -> memref<64xi32, #tpu.memory_space<vmem>>
    %dma_start3A_199 = arith.constant 0 : i32
    %dma_start3A_200 = arith.constant 0 : i32
    %dma_start3A_201 = tpu.memref_slice %arg2[%dma_start3A_199, %dma_start3A_200] : memref<10240x128xf32, #tpu.memory_space<hbm>> -> memref<10240x128xf32, #tpu.memory_space<hbm>>
    tpu.enqueue_indirect_dma source(%dma_start3A_201 : memref<10240x128xf32, #tpu.memory_space<hbm>>) target(%dma_start3A_195 : memref<64x128xf32, #tpu.memory_space<vmem>>) offsets(%dma_start3A_198 : memref<64xi32, #tpu.memory_space<vmem>>) semaphore(%arg11 : memref<!tpu.dma_semaphore, #tpu.memory_space<semaphore_mem>>)
    %dma_start3A_202 = arith.constant 2 : i32
    %dma_start3A_203 = arith.constant 2 : i32
    %dma_start3A_204 = arith.constant 0 : i32
    %dma_start3A_205 = arith.constant 0 : i32
    %dma_start3A_206 = tpu.memref_slice %arg8[%dma_start3A_203, %dma_start3A_204, %dma_start3A_205] : memref<4x64x128xf32, #tpu.memory_space<vmem>> -> memref<1x64x128xf32, #tpu.memory_space<vmem>>
    %dma_start3A_207 = tpu.memref_squeeze %dma_start3A_206 : memref<1x64x128xf32, #tpu.memory_space<vmem>> -> memref<64x128xf32, #tpu.memory_space<vmem>>
    %dma_start3A_208 = arith.constant 0 : i32
    %dma_start3A_209 = tpu.memref_slice %arg6[%dma_start3A_202, %dma_start3A_208] : memref<40x64xi32, #tpu.memory_space<vmem>> -> memref<1x64xi32, #tpu.memory_space<vmem>>
    %dma_start3A_210 = tpu.memref_squeeze %dma_start3A_209 : memref<1x64xi32, #tpu.memory_space<vmem>> -> memref<64xi32, #tpu.memory_space<vmem>>
    %dma_start3A_211 = arith.constant 0 : i32
    %dma_start3A_212 = arith.constant 0 : i32
    %dma_start3A_213 = tpu.memref_slice %arg2[%dma_start3A_211, %dma_start3A_212] : memref<10240x128xf32, #tpu.memory_space<hbm>> -> memref<10240x128xf32, #tpu.memory_space<hbm>>
    tpu.enqueue_indirect_dma source(%dma_start3A_213 : memref<10240x128xf32, #tpu.memory_space<hbm>>) target(%dma_start3A_207 : memref<64x128xf32, #tpu.memory_space<vmem>>) offsets(%dma_start3A_210 : memref<64xi32, #tpu.memory_space<vmem>>) semaphore(%arg12 : memref<!tpu.dma_semaphore, #tpu.memory_space<semaphore_mem>>)
    %dma_start3A_214 = arith.constant 3 : i32
    %dma_start3A_215 = arith.constant 3 : i32
    %dma_start3A_216 = arith.constant 0 : i32
    %dma_start3A_217 = arith.constant 0 : i32
    %dma_start3A_218 = tpu.memref_slice %arg8[%dma_start3A_215, %dma_start3A_216, %dma_start3A_217] : memref<4x64x128xf32, #tpu.memory_space<vmem>> -> memref<1x64x128xf32, #tpu.memory_space<vmem>>
    %dma_start3A_219 = tpu.memref_squeeze %dma_start3A_218 : memref<1x64x128xf32, #tpu.memory_space<vmem>> -> memref<64x128xf32, #tpu.memory_space<vmem>>
    %dma_start3A_220 = arith.constant 0 : i32
    %dma_start3A_221 = tpu.memref_slice %arg6[%dma_start3A_214, %dma_start3A_220] : memref<40x64xi32, #tpu.memory_space<vmem>> -> memref<1x64xi32, #tpu.memory_space<vmem>>
    %dma_start3A_222 = tpu.memref_squeeze %dma_start3A_221 : memref<1x64xi32, #tpu.memory_space<vmem>> -> memref<64xi32, #tpu.memory_space<vmem>>
    %dma_start3A_223 = arith.constant 0 : i32
    %dma_start3A_224 = arith.constant 0 : i32
    %dma_start3A_225 = tpu.memref_slice %arg2[%dma_start3A_223, %dma_start3A_224] : memref<10240x128xf32, #tpu.memory_space<hbm>> -> memref<10240x128xf32, #tpu.memory_space<hbm>>
    tpu.enqueue_indirect_dma source(%dma_start3A_225 : memref<10240x128xf32, #tpu.memory_space<hbm>>) target(%dma_start3A_219 : memref<64x128xf32, #tpu.memory_space<vmem>>) offsets(%dma_start3A_222 : memref<64xi32, #tpu.memory_space<vmem>>) semaphore(%arg13 : memref<!tpu.dma_semaphore, #tpu.memory_space<semaphore_mem>>)
    %scan3A_226 = arith.constant 0 : i32
    %scan3A_227 = arith.constant 0 : i32
    %scan3A_228 = arith.constant 10 : i32
    %scan3A_229 = arith.addi %scan3A_227, %scan3A_228 : i32
    %scan3A_230 = arith.constant 1 : i32
    %scan3A_231 = scf.for %scan3A_241 = %scan3A_227 to %scan3A_229 step %scan3A_230 iter_args(%scan3A_242 = %scan3A_226) -> (i32)  : i32 {
      %mul3A_243 = arith.constant 4 : i32
      %mul3A_244 = arith.muli %scan3A_241, %mul3A_243 : i32
      %add3A_245 = arith.constant 0 : i32
      %add3A_246 = arith.addi %mul3A_244, %add3A_245 : i32
      %dma_wait3A = arith.constant 0 : i32
      %dma_wait3A_247 = arith.constant 0 : i32
      %dma_wait3A_248 = arith.constant 0 : i32
      %dma_wait3A_249 = tpu.memref_slice %arg8[%dma_wait3A, %dma_wait3A_247, %dma_wait3A_248] : memref<4x64x128xf32, #tpu.memory_space<vmem>> -> memref<1x64x128xf32, #tpu.memory_space<vmem>>
      %dma_wait3A_250 = tpu.memref_squeeze %dma_wait3A_249 : memref<1x64x128xf32, #tpu.memory_space<vmem>> -> memref<64x128xf32, #tpu.memory_space<vmem>>
      %dma_wait3A_251 = arith.constant 0 : i32
      %dma_wait3A_252 = tpu.memref_slice %arg6[%add3A_246, %dma_wait3A_251] : memref<40x64xi32, #tpu.memory_space<vmem>> -> memref<1x64xi32, #tpu.memory_space<vmem>>
      %dma_wait3A_253 = tpu.memref_squeeze %dma_wait3A_252 : memref<1x64xi32, #tpu.memory_space<vmem>> -> memref<64xi32, #tpu.memory_space<vmem>>
      %dma_wait3A_254 = arith.constant 0 : i32
      %dma_wait3A_255 = arith.constant 0 : i32
      %dma_wait3A_256 = tpu.memref_slice %arg2[%dma_wait3A_254, %dma_wait3A_255] : memref<10240x128xf32, #tpu.memory_space<hbm>> -> memref<10240x128xf32, #tpu.memory_space<hbm>>
      tpu.wait_indirect_dma semaphore(%arg10 : memref<!tpu.dma_semaphore, #tpu.memory_space<semaphore_mem>>) src(%dma_wait3A_256 : memref<10240x128xf32, #tpu.memory_space<hbm>>) dst(%dma_wait3A_250 : memref<64x128xf32, #tpu.memory_space<vmem>>)
      %add3A_257 = arith.constant 0 : i32
      %add3A_258 = arith.addi %mul3A_244, %add3A_257 : i32
      %run_scoped3A = arith.constant 0 : i32
      "tpu.region"() ({
        %run_scoped3A_341 = tpu.sem_alloc : memref<!tpu.dma_semaphore, #tpu.memory_space<semaphore_mem>>
        %dma_start3A_342 = arith.constant 0 : i32
        %dma_start3A_343 = arith.constant 0 : i32
        %dma_start3A_344 = tpu.memref_slice %arg8[%run_scoped3A, %dma_start3A_342, %dma_start3A_343] : memref<4x64x128xf32, #tpu.memory_space<vmem>> -> memref<1x64x128xf32, #tpu.memory_space<vmem>>
        %dma_start3A_345 = tpu.memref_squeeze %dma_start3A_344 : memref<1x64x128xf32, #tpu.memory_space<vmem>> -> memref<64x128xf32, #tpu.memory_space<vmem>>
        %dma_start3A_346 = arith.constant 0 : i32
        %dma_start3A_347 = tpu.memref_slice %arg7[%add3A_258, %dma_start3A_346] : memref<40x64xi32, #tpu.memory_space<vmem>> -> memref<1x64xi32, #tpu.memory_space<vmem>>
        %dma_start3A_348 = tpu.memref_squeeze %dma_start3A_347 : memref<1x64xi32, #tpu.memory_space<vmem>> -> memref<64xi32, #tpu.memory_space<vmem>>
        %dma_start3A_349 = arith.constant 0 : i32
        %dma_start3A_350 = arith.constant 0 : i32
        %dma_start3A_351 = tpu.memref_slice %arg9[%dma_start3A_349, %dma_start3A_350] : memref<10240x128xf32, #tpu.memory_space<vmem_shared>> -> memref<10240x128xf32, #tpu.memory_space<vmem_shared>>
        tpu.enqueue_indirect_dma source(%dma_start3A_345 : memref<64x128xf32, #tpu.memory_space<vmem>>) target(%dma_start3A_351 : memref<10240x128xf32, #tpu.memory_space<vmem_shared>>) offsets(%dma_start3A_348 : memref<64xi32, #tpu.memory_space<vmem>>) semaphore(%run_scoped3A_341 : memref<!tpu.dma_semaphore, #tpu.memory_space<semaphore_mem>>) {add = true}
        %dma_wait3A_352 = arith.constant 0 : i32
        %dma_wait3A_353 = arith.constant 0 : i32
        %dma_wait3A_354 = tpu.memref_slice %arg8[%run_scoped3A, %dma_wait3A_352, %dma_wait3A_353] : memref<4x64x128xf32, #tpu.memory_space<vmem>> -> memref<1x64x128xf32, #tpu.memory_space<vmem>>
        %dma_wait3A_355 = tpu.memref_squeeze %dma_wait3A_354 : memref<1x64x128xf32, #tpu.memory_space<vmem>> -> memref<64x128xf32, #tpu.memory_space<vmem>>
        %dma_wait3A_356 = arith.constant 0 : i32
        %dma_wait3A_357 = tpu.memref_slice %arg7[%add3A_258, %dma_wait3A_356] : memref<40x64xi32, #tpu.memory_space<vmem>> -> memref<1x64xi32, #tpu.memory_space<vmem>>
        %dma_wait3A_358 = tpu.memref_squeeze %dma_wait3A_357 : memref<1x64xi32, #tpu.memory_space<vmem>> -> memref<64xi32, #tpu.memory_space<vmem>>
        %dma_wait3A_359 = arith.constant 0 : i32
        %dma_wait3A_360 = arith.constant 0 : i32
        %dma_wait3A_361 = tpu.memref_slice %arg9[%dma_wait3A_359, %dma_wait3A_360] : memref<10240x128xf32, #tpu.memory_space<vmem_shared>> -> memref<10240x128xf32, #tpu.memory_space<vmem_shared>>
        tpu.wait_indirect_dma semaphore(%run_scoped3A_341 : memref<!tpu.dma_semaphore, #tpu.memory_space<semaphore_mem>>) src(%dma_wait3A_355 : memref<64x128xf32, #tpu.memory_space<vmem>>) dst(%dma_wait3A_361 : memref<10240x128xf32, #tpu.memory_space<vmem_shared>>)
        tpu.yield
      }) : () -> ()
      %add3A_259 = arith.constant 0 : i32
      %add3A_260 = arith.addi %mul3A_244, %add3A_259 : i32
      %add3A_261 = arith.constant 4 : i32
      %add3A_262 = arith.addi %add3A_260, %add3A_261 : i32
      %lt3A = arith.constant 40 : i32
      %lt3A_263 = arith.cmpi slt, %add3A_262, %lt3A : i32
      %convert_element_type3A = arith.extui %lt3A_263 : i1 to i32
      %cond3A = arith.constant 0 : i32
      %cond3A_264 = arith.cmpi ne, %convert_element_type3A, %cond3A : i32
      scf.if %cond3A_264 {
        %add3A_341 = arith.constant 0 : i32
        %add3A_342 = arith.addi %mul3A_244, %add3A_341 : i32
        %add3A_343 = arith.constant 4 : i32
        %add3A_344 = arith.addi %add3A_342, %add3A_343 : i32
        %dma_start3A_345 = arith.constant 0 : i32
        %dma_start3A_346 = arith.constant 0 : i32
        %dma_start3A_347 = arith.constant 0 : i32
        %dma_start3A_348 = tpu.memref_slice %arg8[%dma_start3A_345, %dma_start3A_346, %dma_start3A_347] : memref<4x64x128xf32, #tpu.memory_space<vmem>> -> memref<1x64x128xf32, #tpu.memory_space<vmem>>
        %dma_start3A_349 = tpu.memref_squeeze %dma_start3A_348 : memref<1x64x128xf32, #tpu.memory_space<vmem>> -> memref<64x128xf32, #tpu.memory_space<vmem>>
        %dma_start3A_350 = arith.constant 0 : i32
        %dma_start3A_351 = tpu.memref_slice %arg6[%add3A_344, %dma_start3A_350] : memref<40x64xi32, #tpu.memory_space<vmem>> -> memref<1x64xi32, #tpu.memory_space<vmem>>
        %dma_start3A_352 = tpu.memref_squeeze %dma_start3A_351 : memref<1x64xi32, #tpu.memory_space<vmem>> -> memref<64xi32, #tpu.memory_space<vmem>>
        %dma_start3A_353 = arith.constant 0 : i32
        %dma_start3A_354 = arith.constant 0 : i32
        %dma_start3A_355 = tpu.memref_slice %arg2[%dma_start3A_353, %dma_start3A_354] : memref<10240x128xf32, #tpu.memory_space<hbm>> -> memref<10240x128xf32, #tpu.memory_space<hbm>>
        tpu.enqueue_indirect_dma source(%dma_start3A_355 : memref<10240x128xf32, #tpu.memory_space<hbm>>) target(%dma_start3A_349 : memref<64x128xf32, #tpu.memory_space<vmem>>) offsets(%dma_start3A_352 : memref<64xi32, #tpu.memory_space<vmem>>) semaphore(%arg10 : memref<!tpu.dma_semaphore, #tpu.memory_space<semaphore_mem>>)
      } else {
      }
      %add3A_265 = arith.constant 1 : i32
      %add3A_266 = arith.addi %mul3A_244, %add3A_265 : i32
      %dma_wait3A_267 = arith.constant 1 : i32
      %dma_wait3A_268 = arith.constant 0 : i32
      %dma_wait3A_269 = arith.constant 0 : i32
      %dma_wait3A_270 = tpu.memref_slice %arg8[%dma_wait3A_267, %dma_wait3A_268, %dma_wait3A_269] : memref<4x64x128xf32, #tpu.memory_space<vmem>> -> memref<1x64x128xf32, #tpu.memory_space<vmem>>
      %dma_wait3A_271 = tpu.memref_squeeze %dma_wait3A_270 : memref<1x64x128xf32, #tpu.memory_space<vmem>> -> memref<64x128xf32, #tpu.memory_space<vmem>>
      %dma_wait3A_272 = arith.constant 0 : i32
      %dma_wait3A_273 = tpu.memref_slice %arg6[%add3A_266, %dma_wait3A_272] : memref<40x64xi32, #tpu.memory_space<vmem>> -> memref<1x64xi32, #tpu.memory_space<vmem>>
      %dma_wait3A_274 = tpu.memref_squeeze %dma_wait3A_273 : memref<1x64xi32, #tpu.memory_space<vmem>> -> memref<64xi32, #tpu.memory_space<vmem>>
      %dma_wait3A_275 = arith.constant 0 : i32
      %dma_wait3A_276 = arith.constant 0 : i32
      %dma_wait3A_277 = tpu.memref_slice %arg2[%dma_wait3A_275, %dma_wait3A_276] : memref<10240x128xf32, #tpu.memory_space<hbm>> -> memref<10240x128xf32, #tpu.memory_space<hbm>>
      tpu.wait_indirect_dma semaphore(%arg11 : memref<!tpu.dma_semaphore, #tpu.memory_space<semaphore_mem>>) src(%dma_wait3A_277 : memref<10240x128xf32, #tpu.memory_space<hbm>>) dst(%dma_wait3A_271 : memref<64x128xf32, #tpu.memory_space<vmem>>)
      %add3A_278 = arith.constant 1 : i32
      %add3A_279 = arith.addi %mul3A_244, %add3A_278 : i32
      %run_scoped3A_280 = arith.constant 1 : i32
      "tpu.region"() ({
        %run_scoped3A_341 = tpu.sem_alloc : memref<!tpu.dma_semaphore, #tpu.memory_space<semaphore_mem>>
        %dma_start3A_342 = arith.constant 0 : i32
        %dma_start3A_343 = arith.constant 0 : i32
        %dma_start3A_344 = tpu.memref_slice %arg8[%run_scoped3A_280, %dma_start3A_342, %dma_start3A_343] : memref<4x64x128xf32, #tpu.memory_space<vmem>> -> memref<1x64x128xf32, #tpu.memory_space<vmem>>
        %dma_start3A_345 = tpu.memref_squeeze %dma_start3A_344 : memref<1x64x128xf32, #tpu.memory_space<vmem>> -> memref<64x128xf32, #tpu.memory_space<vmem>>
        %dma_start3A_346 = arith.constant 0 : i32
        %dma_start3A_347 = tpu.memref_slice %arg7[%add3A_279, %dma_start3A_346] : memref<40x64xi32, #tpu.memory_space<vmem>> -> memref<1x64xi32, #tpu.memory_space<vmem>>
        %dma_start3A_348 = tpu.memref_squeeze %dma_start3A_347 : memref<1x64xi32, #tpu.memory_space<vmem>> -> memref<64xi32, #tpu.memory_space<vmem>>
        %dma_start3A_349 = arith.constant 0 : i32
        %dma_start3A_350 = arith.constant 0 : i32
        %dma_start3A_351 = tpu.memref_slice %arg9[%dma_start3A_349, %dma_start3A_350] : memref<10240x128xf32, #tpu.memory_space<vmem_shared>> -> memref<10240x128xf32, #tpu.memory_space<vmem_shared>>
        tpu.enqueue_indirect_dma source(%dma_start3A_345 : memref<64x128xf32, #tpu.memory_space<vmem>>) target(%dma_start3A_351 : memref<10240x128xf32, #tpu.memory_space<vmem_shared>>) offsets(%dma_start3A_348 : memref<64xi32, #tpu.memory_space<vmem>>) semaphore(%run_scoped3A_341 : memref<!tpu.dma_semaphore, #tpu.memory_space<semaphore_mem>>) {add = true}
        %dma_wait3A_352 = arith.constant 0 : i32
        %dma_wait3A_353 = arith.constant 0 : i32
        %dma_wait3A_354 = tpu.memref_slice %arg8[%run_scoped3A_280, %dma_wait3A_352, %dma_wait3A_353] : memref<4x64x128xf32, #tpu.memory_space<vmem>> -> memref<1x64x128xf32, #tpu.memory_space<vmem>>
        %dma_wait3A_355 = tpu.memref_squeeze %dma_wait3A_354 : memref<1x64x128xf32, #tpu.memory_space<vmem>> -> memref<64x128xf32, #tpu.memory_space<vmem>>
        %dma_wait3A_356 = arith.constant 0 : i32
        %dma_wait3A_357 = tpu.memref_slice %arg7[%add3A_279, %dma_wait3A_356] : memref<40x64xi32, #tpu.memory_space<vmem>> -> memref<1x64xi32, #tpu.memory_space<vmem>>
        %dma_wait3A_358 = tpu.memref_squeeze %dma_wait3A_357 : memref<1x64xi32, #tpu.memory_space<vmem>> -> memref<64xi32, #tpu.memory_space<vmem>>
        %dma_wait3A_359 = arith.constant 0 : i32
        %dma_wait3A_360 = arith.constant 0 : i32
        %dma_wait3A_361 = tpu.memref_slice %arg9[%dma_wait3A_359, %dma_wait3A_360] : memref<10240x128xf32, #tpu.memory_space<vmem_shared>> -> memref<10240x128xf32, #tpu.memory_space<vmem_shared>>
        tpu.wait_indirect_dma semaphore(%run_scoped3A_341 : memref<!tpu.dma_semaphore, #tpu.memory_space<semaphore_mem>>) src(%dma_wait3A_355 : memref<64x128xf32, #tpu.memory_space<vmem>>) dst(%dma_wait3A_361 : memref<10240x128xf32, #tpu.memory_space<vmem_shared>>)
        tpu.yield
      }) : () -> ()
      %add3A_281 = arith.constant 1 : i32
      %add3A_282 = arith.addi %mul3A_244, %add3A_281 : i32
      %add3A_283 = arith.constant 4 : i32
      %add3A_284 = arith.addi %add3A_282, %add3A_283 : i32
      %lt3A_285 = arith.constant 40 : i32
      %lt3A_286 = arith.cmpi slt, %add3A_284, %lt3A_285 : i32
      %convert_element_type3A_287 = arith.extui %lt3A_286 : i1 to i32
      %cond3A_288 = arith.constant 0 : i32
      %cond3A_289 = arith.cmpi ne, %convert_element_type3A_287, %cond3A_288 : i32
      scf.if %cond3A_289 {
        %add3A_341 = arith.constant 1 : i32
        %add3A_342 = arith.addi %mul3A_244, %add3A_341 : i32
        %add3A_343 = arith.constant 4 : i32
        %add3A_344 = arith.addi %add3A_342, %add3A_343 : i32
        %dma_start3A_345 = arith.constant 1 : i32
        %dma_start3A_346 = arith.constant 0 : i32
        %dma_start3A_347 = arith.constant 0 : i32
        %dma_start3A_348 = tpu.memref_slice %arg8[%dma_start3A_345, %dma_start3A_346, %dma_start3A_347] : memref<4x64x128xf32, #tpu.memory_space<vmem>> -> memref<1x64x128xf32, #tpu.memory_space<vmem>>
        %dma_start3A_349 = tpu.memref_squeeze %dma_start3A_348 : memref<1x64x128xf32, #tpu.memory_space<vmem>> -> memref<64x128xf32, #tpu.memory_space<vmem>>
        %dma_start3A_350 = arith.constant 0 : i32
        %dma_start3A_351 = tpu.memref_slice %arg6[%add3A_344, %dma_start3A_350] : memref<40x64xi32, #tpu.memory_space<vmem>> -> memref<1x64xi32, #tpu.memory_space<vmem>>
        %dma_start3A_352 = tpu.memref_squeeze %dma_start3A_351 : memref<1x64xi32, #tpu.memory_space<vmem>> -> memref<64xi32, #tpu.memory_space<vmem>>
        %dma_start3A_353 = arith.constant 0 : i32
        %dma_start3A_354 = arith.constant 0 : i32
        %dma_start3A_355 = tpu.memref_slice %arg2[%dma_start3A_353, %dma_start3A_354] : memref<10240x128xf32, #tpu.memory_space<hbm>> -> memref<10240x128xf32, #tpu.memory_space<hbm>>
        tpu.enqueue_indirect_dma source(%dma_start3A_355 : memref<10240x128xf32, #tpu.memory_space<hbm>>) target(%dma_start3A_349 : memref<64x128xf32, #tpu.memory_space<vmem>>) offsets(%dma_start3A_352 : memref<64xi32, #tpu.memory_space<vmem>>) semaphore(%arg11 : memref<!tpu.dma_semaphore, #tpu.memory_space<semaphore_mem>>)
      } else {
      }
      %add3A_290 = arith.constant 2 : i32
      %add3A_291 = arith.addi %mul3A_244, %add3A_290 : i32
      %dma_wait3A_292 = arith.constant 2 : i32
      %dma_wait3A_293 = arith.constant 0 : i32
      %dma_wait3A_294 = arith.constant 0 : i32
      %dma_wait3A_295 = tpu.memref_slice %arg8[%dma_wait3A_292, %dma_wait3A_293, %dma_wait3A_294] : memref<4x64x128xf32, #tpu.memory_space<vmem>> -> memref<1x64x128xf32, #tpu.memory_space<vmem>>
      %dma_wait3A_296 = tpu.memref_squeeze %dma_wait3A_295 : memref<1x64x128xf32, #tpu.memory_space<vmem>> -> memref<64x128xf32, #tpu.memory_space<vmem>>
      %dma_wait3A_297 = arith.constant 0 : i32
      %dma_wait3A_298 = tpu.memref_slice %arg6[%add3A_291, %dma_wait3A_297] : memref<40x64xi32, #tpu.memory_space<vmem>> -> memref<1x64xi32, #tpu.memory_space<vmem>>
      %dma_wait3A_299 = tpu.memref_squeeze %dma_wait3A_298 : memref<1x64xi32, #tpu.memory_space<vmem>> -> memref<64xi32, #tpu.memory_space<vmem>>
      %dma_wait3A_300 = arith.constant 0 : i32
      %dma_wait3A_301 = arith.constant 0 : i32
      %dma_wait3A_302 = tpu.memref_slice %arg2[%dma_wait3A_300, %dma_wait3A_301] : memref<10240x128xf32, #tpu.memory_space<hbm>> -> memref<10240x128xf32, #tpu.memory_space<hbm>>
      tpu.wait_indirect_dma semaphore(%arg12 : memref<!tpu.dma_semaphore, #tpu.memory_space<semaphore_mem>>) src(%dma_wait3A_302 : memref<10240x128xf32, #tpu.memory_space<hbm>>) dst(%dma_wait3A_296 : memref<64x128xf32, #tpu.memory_space<vmem>>)
      %add3A_303 = arith.constant 2 : i32
      %add3A_304 = arith.addi %mul3A_244, %add3A_303 : i32
      %run_scoped3A_305 = arith.constant 2 : i32
      "tpu.region"() ({
        %run_scoped3A_341 = tpu.sem_alloc : memref<!tpu.dma_semaphore, #tpu.memory_space<semaphore_mem>>
        %dma_start3A_342 = arith.constant 0 : i32
        %dma_start3A_343 = arith.constant 0 : i32
        %dma_start3A_344 = tpu.memref_slice %arg8[%run_scoped3A_305, %dma_start3A_342, %dma_start3A_343] : memref<4x64x128xf32, #tpu.memory_space<vmem>> -> memref<1x64x128xf32, #tpu.memory_space<vmem>>
        %dma_start3A_345 = tpu.memref_squeeze %dma_start3A_344 : memref<1x64x128xf32, #tpu.memory_space<vmem>> -> memref<64x128xf32, #tpu.memory_space<vmem>>
        %dma_start3A_346 = arith.constant 0 : i32
        %dma_start3A_347 = tpu.memref_slice %arg7[%add3A_304, %dma_start3A_346] : memref<40x64xi32, #tpu.memory_space<vmem>> -> memref<1x64xi32, #tpu.memory_space<vmem>>
        %dma_start3A_348 = tpu.memref_squeeze %dma_start3A_347 : memref<1x64xi32, #tpu.memory_space<vmem>> -> memref<64xi32, #tpu.memory_space<vmem>>
        %dma_start3A_349 = arith.constant 0 : i32
        %dma_start3A_350 = arith.constant 0 : i32
        %dma_start3A_351 = tpu.memref_slice %arg9[%dma_start3A_349, %dma_start3A_350] : memref<10240x128xf32, #tpu.memory_space<vmem_shared>> -> memref<10240x128xf32, #tpu.memory_space<vmem_shared>>
        tpu.enqueue_indirect_dma source(%dma_start3A_345 : memref<64x128xf32, #tpu.memory_space<vmem>>) target(%dma_start3A_351 : memref<10240x128xf32, #tpu.memory_space<vmem_shared>>) offsets(%dma_start3A_348 : memref<64xi32, #tpu.memory_space<vmem>>) semaphore(%run_scoped3A_341 : memref<!tpu.dma_semaphore, #tpu.memory_space<semaphore_mem>>) {add = true}
        %dma_wait3A_352 = arith.constant 0 : i32
        %dma_wait3A_353 = arith.constant 0 : i32
        %dma_wait3A_354 = tpu.memref_slice %arg8[%run_scoped3A_305, %dma_wait3A_352, %dma_wait3A_353] : memref<4x64x128xf32, #tpu.memory_space<vmem>> -> memref<1x64x128xf32, #tpu.memory_space<vmem>>
        %dma_wait3A_355 = tpu.memref_squeeze %dma_wait3A_354 : memref<1x64x128xf32, #tpu.memory_space<vmem>> -> memref<64x128xf32, #tpu.memory_space<vmem>>
        %dma_wait3A_356 = arith.constant 0 : i32
        %dma_wait3A_357 = tpu.memref_slice %arg7[%add3A_304, %dma_wait3A_356] : memref<40x64xi32, #tpu.memory_space<vmem>> -> memref<1x64xi32, #tpu.memory_space<vmem>>
        %dma_wait3A_358 = tpu.memref_squeeze %dma_wait3A_357 : memref<1x64xi32, #tpu.memory_space<vmem>> -> memref<64xi32, #tpu.memory_space<vmem>>
        %dma_wait3A_359 = arith.constant 0 : i32
        %dma_wait3A_360 = arith.constant 0 : i32
        %dma_wait3A_361 = tpu.memref_slice %arg9[%dma_wait3A_359, %dma_wait3A_360] : memref<10240x128xf32, #tpu.memory_space<vmem_shared>> -> memref<10240x128xf32, #tpu.memory_space<vmem_shared>>
        tpu.wait_indirect_dma semaphore(%run_scoped3A_341 : memref<!tpu.dma_semaphore, #tpu.memory_space<semaphore_mem>>) src(%dma_wait3A_355 : memref<64x128xf32, #tpu.memory_space<vmem>>) dst(%dma_wait3A_361 : memref<10240x128xf32, #tpu.memory_space<vmem_shared>>)
        tpu.yield
      }) : () -> ()
      %add3A_306 = arith.constant 2 : i32
      %add3A_307 = arith.addi %mul3A_244, %add3A_306 : i32
      %add3A_308 = arith.constant 4 : i32
      %add3A_309 = arith.addi %add3A_307, %add3A_308 : i32
      %lt3A_310 = arith.constant 40 : i32
      %lt3A_311 = arith.cmpi slt, %add3A_309, %lt3A_310 : i32
      %convert_element_type3A_312 = arith.extui %lt3A_311 : i1 to i32
      %cond3A_313 = arith.constant 0 : i32
      %cond3A_314 = arith.cmpi ne, %convert_element_type3A_312, %cond3A_313 : i32
      scf.if %cond3A_314 {
        %add3A_341 = arith.constant 2 : i32
        %add3A_342 = arith.addi %mul3A_244, %add3A_341 : i32
        %add3A_343 = arith.constant 4 : i32
        %add3A_344 = arith.addi %add3A_342, %add3A_343 : i32
        %dma_start3A_345 = arith.constant 2 : i32
        %dma_start3A_346 = arith.constant 0 : i32
        %dma_start3A_347 = arith.constant 0 : i32
        %dma_start3A_348 = tpu.memref_slice %arg8[%dma_start3A_345, %dma_start3A_346, %dma_start3A_347] : memref<4x64x128xf32, #tpu.memory_space<vmem>> -> memref<1x64x128xf32, #tpu.memory_space<vmem>>
        %dma_start3A_349 = tpu.memref_squeeze %dma_start3A_348 : memref<1x64x128xf32, #tpu.memory_space<vmem>> -> memref<64x128xf32, #tpu.memory_space<vmem>>
        %dma_start3A_350 = arith.constant 0 : i32
        %dma_start3A_351 = tpu.memref_slice %arg6[%add3A_344, %dma_start3A_350] : memref<40x64xi32, #tpu.memory_space<vmem>> -> memref<1x64xi32, #tpu.memory_space<vmem>>
        %dma_start3A_352 = tpu.memref_squeeze %dma_start3A_351 : memref<1x64xi32, #tpu.memory_space<vmem>> -> memref<64xi32, #tpu.memory_space<vmem>>
        %dma_start3A_353 = arith.constant 0 : i32
        %dma_start3A_354 = arith.constant 0 : i32
        %dma_start3A_355 = tpu.memref_slice %arg2[%dma_start3A_353, %dma_start3A_354] : memref<10240x128xf32, #tpu.memory_space<hbm>> -> memref<10240x128xf32, #tpu.memory_space<hbm>>
        tpu.enqueue_indirect_dma source(%dma_start3A_355 : memref<10240x128xf32, #tpu.memory_space<hbm>>) target(%dma_start3A_349 : memref<64x128xf32, #tpu.memory_space<vmem>>) offsets(%dma_start3A_352 : memref<64xi32, #tpu.memory_space<vmem>>) semaphore(%arg12 : memref<!tpu.dma_semaphore, #tpu.memory_space<semaphore_mem>>)
      } else {
      }
      %add3A_315 = arith.constant 3 : i32
      %add3A_316 = arith.addi %mul3A_244, %add3A_315 : i32
      %dma_wait3A_317 = arith.constant 3 : i32
      %dma_wait3A_318 = arith.constant 0 : i32
      %dma_wait3A_319 = arith.constant 0 : i32
      %dma_wait3A_320 = tpu.memref_slice %arg8[%dma_wait3A_317, %dma_wait3A_318, %dma_wait3A_319] : memref<4x64x128xf32, #tpu.memory_space<vmem>> -> memref<1x64x128xf32, #tpu.memory_space<vmem>>
      %dma_wait3A_321 = tpu.memref_squeeze %dma_wait3A_320 : memref<1x64x128xf32, #tpu.memory_space<vmem>> -> memref<64x128xf32, #tpu.memory_space<vmem>>
      %dma_wait3A_322 = arith.constant 0 : i32
      %dma_wait3A_323 = tpu.memref_slice %arg6[%add3A_316, %dma_wait3A_322] : memref<40x64xi32, #tpu.memory_space<vmem>> -> memref<1x64xi32, #tpu.memory_space<vmem>>
      %dma_wait3A_324 = tpu.memref_squeeze %dma_wait3A_323 : memref<1x64xi32, #tpu.memory_space<vmem>> -> memref<64xi32, #tpu.memory_space<vmem>>
      %dma_wait3A_325 = arith.constant 0 : i32
      %dma_wait3A_326 = arith.constant 0 : i32
      %dma_wait3A_327 = tpu.memref_slice %arg2[%dma_wait3A_325, %dma_wait3A_326] : memref<10240x128xf32, #tpu.memory_space<hbm>> -> memref<10240x128xf32, #tpu.memory_space<hbm>>
      tpu.wait_indirect_dma semaphore(%arg13 : memref<!tpu.dma_semaphore, #tpu.memory_space<semaphore_mem>>) src(%dma_wait3A_327 : memref<10240x128xf32, #tpu.memory_space<hbm>>) dst(%dma_wait3A_321 : memref<64x128xf32, #tpu.memory_space<vmem>>)
      %add3A_328 = arith.constant 3 : i32
      %add3A_329 = arith.addi %mul3A_244, %add3A_328 : i32
      %run_scoped3A_330 = arith.constant 3 : i32
      "tpu.region"() ({
        %run_scoped3A_341 = tpu.sem_alloc : memref<!tpu.dma_semaphore, #tpu.memory_space<semaphore_mem>>
        %dma_start3A_342 = arith.constant 0 : i32
        %dma_start3A_343 = arith.constant 0 : i32
        %dma_start3A_344 = tpu.memref_slice %arg8[%run_scoped3A_330, %dma_start3A_342, %dma_start3A_343] : memref<4x64x128xf32, #tpu.memory_space<vmem>> -> memref<1x64x128xf32, #tpu.memory_space<vmem>>
        %dma_start3A_345 = tpu.memref_squeeze %dma_start3A_344 : memref<1x64x128xf32, #tpu.memory_space<vmem>> -> memref<64x128xf32, #tpu.memory_space<vmem>>
        %dma_start3A_346 = arith.constant 0 : i32
        %dma_start3A_347 = tpu.memref_slice %arg7[%add3A_329, %dma_start3A_346] : memref<40x64xi32, #tpu.memory_space<vmem>> -> memref<1x64xi32, #tpu.memory_space<vmem>>
        %dma_start3A_348 = tpu.memref_squeeze %dma_start3A_347 : memref<1x64xi32, #tpu.memory_space<vmem>> -> memref<64xi32, #tpu.memory_space<vmem>>
        %dma_start3A_349 = arith.constant 0 : i32
        %dma_start3A_350 = arith.constant 0 : i32
        %dma_start3A_351 = tpu.memref_slice %arg9[%dma_start3A_349, %dma_start3A_350] : memref<10240x128xf32, #tpu.memory_space<vmem_shared>> -> memref<10240x128xf32, #tpu.memory_space<vmem_shared>>
        tpu.enqueue_indirect_dma source(%dma_start3A_345 : memref<64x128xf32, #tpu.memory_space<vmem>>) target(%dma_start3A_351 : memref<10240x128xf32, #tpu.memory_space<vmem_shared>>) offsets(%dma_start3A_348 : memref<64xi32, #tpu.memory_space<vmem>>) semaphore(%run_scoped3A_341 : memref<!tpu.dma_semaphore, #tpu.memory_space<semaphore_mem>>) {add = true}
        %dma_wait3A_352 = arith.constant 0 : i32
        %dma_wait3A_353 = arith.constant 0 : i32
        %dma_wait3A_354 = tpu.memref_slice %arg8[%run_scoped3A_330, %dma_wait3A_352, %dma_wait3A_353] : memref<4x64x128xf32, #tpu.memory_space<vmem>> -> memref<1x64x128xf32, #tpu.memory_space<vmem>>
        %dma_wait3A_355 = tpu.memref_squeeze %dma_wait3A_354 : memref<1x64x128xf32, #tpu.memory_space<vmem>> -> memref<64x128xf32, #tpu.memory_space<vmem>>
        %dma_wait3A_356 = arith.constant 0 : i32
        %dma_wait3A_357 = tpu.memref_slice %arg7[%add3A_329, %dma_wait3A_356] : memref<40x64xi32, #tpu.memory_space<vmem>> -> memref<1x64xi32, #tpu.memory_space<vmem>>
        %dma_wait3A_358 = tpu.memref_squeeze %dma_wait3A_357 : memref<1x64xi32, #tpu.memory_space<vmem>> -> memref<64xi32, #tpu.memory_space<vmem>>
        %dma_wait3A_359 = arith.constant 0 : i32
        %dma_wait3A_360 = arith.constant 0 : i32
        %dma_wait3A_361 = tpu.memref_slice %arg9[%dma_wait3A_359, %dma_wait3A_360] : memref<10240x128xf32, #tpu.memory_space<vmem_shared>> -> memref<10240x128xf32, #tpu.memory_space<vmem_shared>>
        tpu.wait_indirect_dma semaphore(%run_scoped3A_341 : memref<!tpu.dma_semaphore, #tpu.memory_space<semaphore_mem>>) src(%dma_wait3A_355 : memref<64x128xf32, #tpu.memory_space<vmem>>) dst(%dma_wait3A_361 : memref<10240x128xf32, #tpu.memory_space<vmem_shared>>)
        tpu.yield
      }) : () -> ()
      %add3A_331 = arith.constant 3 : i32
      %add3A_332 = arith.addi %mul3A_244, %add3A_331 : i32
      %add3A_333 = arith.constant 4 : i32
      %add3A_334 = arith.addi %add3A_332, %add3A_333 : i32
      %lt3A_335 = arith.constant 40 : i32
      %lt3A_336 = arith.cmpi slt, %add3A_334, %lt3A_335 : i32
      %convert_element_type3A_337 = arith.extui %lt3A_336 : i1 to i32
      %cond3A_338 = arith.constant 0 : i32
      %cond3A_339 = arith.cmpi ne, %convert_element_type3A_337, %cond3A_338 : i32
      scf.if %cond3A_339 {
        %add3A_341 = arith.constant 3 : i32
        %add3A_342 = arith.addi %mul3A_244, %add3A_341 : i32
        %add3A_343 = arith.constant 4 : i32
        %add3A_344 = arith.addi %add3A_342, %add3A_343 : i32
        %dma_start3A_345 = arith.constant 3 : i32
        %dma_start3A_346 = arith.constant 0 : i32
        %dma_start3A_347 = arith.constant 0 : i32
        %dma_start3A_348 = tpu.memref_slice %arg8[%dma_start3A_345, %dma_start3A_346, %dma_start3A_347] : memref<4x64x128xf32, #tpu.memory_space<vmem>> -> memref<1x64x128xf32, #tpu.memory_space<vmem>>
        %dma_start3A_349 = tpu.memref_squeeze %dma_start3A_348 : memref<1x64x128xf32, #tpu.memory_space<vmem>> -> memref<64x128xf32, #tpu.memory_space<vmem>>
        %dma_start3A_350 = arith.constant 0 : i32
        %dma_start3A_351 = tpu.memref_slice %arg6[%add3A_344, %dma_start3A_350] : memref<40x64xi32, #tpu.memory_space<vmem>> -> memref<1x64xi32, #tpu.memory_space<vmem>>
        %dma_start3A_352 = tpu.memref_squeeze %dma_start3A_351 : memref<1x64xi32, #tpu.memory_space<vmem>> -> memref<64xi32, #tpu.memory_space<vmem>>
        %dma_start3A_353 = arith.constant 0 : i32
        %dma_start3A_354 = arith.constant 0 : i32
        %dma_start3A_355 = tpu.memref_slice %arg2[%dma_start3A_353, %dma_start3A_354] : memref<10240x128xf32, #tpu.memory_space<hbm>> -> memref<10240x128xf32, #tpu.memory_space<hbm>>
        tpu.enqueue_indirect_dma source(%dma_start3A_355 : memref<10240x128xf32, #tpu.memory_space<hbm>>) target(%dma_start3A_349 : memref<64x128xf32, #tpu.memory_space<vmem>>) offsets(%dma_start3A_352 : memref<64xi32, #tpu.memory_space<vmem>>) semaphore(%arg13 : memref<!tpu.dma_semaphore, #tpu.memory_space<semaphore_mem>>)
      } else {
      }
      %scan3A_340 = arith.constant 0 : i32
      scf.yield %scan3A_340 : i32
    }
    %scan3A_232 = arith.constant 10 : i32
    %barrier3A_233 = arith.constant 0 : index
    tpu.barrier barrier_id(%barrier3A_233)
    %scan3A_234 = arith.constant 0 : i32
    %scan3A_235 = arith.constant 0 : i32
    %scan3A_236 = arith.constant 10 : i32
    %scan3A_237 = arith.addi %scan3A_235, %scan3A_236 : i32
    %scan3A_238 = arith.constant 1 : i32
    %scan3A_239 = scf.for %scan3A_241 = %scan3A_235 to %scan3A_237 step %scan3A_238 iter_args(%scan3A_242 = %scan3A_234) -> (i32)  : i32 {
      %mul3A_243 = arith.constant 640 : i32
      %mul3A_244 = arith.muli %arg1, %mul3A_243 : i32
      %mul3A_245 = arith.constant 64 : i32
      %mul3A_246 = arith.muli %scan3A_241, %mul3A_245 : i32
      %add3A_247 = arith.addi %mul3A_244, %mul3A_246 : i32
      "tpu.region"() ({
        %run_scoped3A = tpu.sem_alloc : memref<!tpu.dma_semaphore, #tpu.memory_space<semaphore_mem>>
        %dma_start3A_249 = arith.constant 0 : i32
        %dma_start3A_250 = tpu.memref_slice %arg5[%arg0, %add3A_247, %dma_start3A_249] : memref<2x10240x128xf32, #tpu.memory_space<hbm>> -> memref<1x64x128xf32, #tpu.memory_space<hbm>>
        %dma_start3A_251 = tpu.memref_squeeze %dma_start3A_250 : memref<1x64x128xf32, #tpu.memory_space<hbm>> -> memref<64x128xf32, #tpu.memory_space<hbm>>
        %dma_start3A_252 = arith.constant 0 : i32
        %dma_start3A_253 = tpu.memref_slice %arg9[%add3A_247, %dma_start3A_252] : memref<10240x128xf32, #tpu.memory_space<vmem_shared>> -> memref<64x128xf32, #tpu.memory_space<vmem_shared>>
        tpu.enqueue_dma source(%dma_start3A_253 : memref<64x128xf32, #tpu.memory_space<vmem_shared>>) target(%dma_start3A_251 : memref<64x128xf32, #tpu.memory_space<hbm>>) target_semaphore(%run_scoped3A : memref<!tpu.dma_semaphore, #tpu.memory_space<semaphore_mem>>)
        %dma_wait3A = arith.constant 0 : i32
        %dma_wait3A_254 = tpu.memref_slice %arg5[%arg0, %add3A_247, %dma_wait3A] : memref<2x10240x128xf32, #tpu.memory_space<hbm>> -> memref<1x64x128xf32, #tpu.memory_space<hbm>>
        %dma_wait3A_255 = tpu.memref_squeeze %dma_wait3A_254 : memref<1x64x128xf32, #tpu.memory_space<hbm>> -> memref<64x128xf32, #tpu.memory_space<hbm>>
        %dma_wait3A_256 = arith.constant 0 : i32
        %dma_wait3A_257 = tpu.memref_slice %arg9[%add3A_247, %dma_wait3A_256] : memref<10240x128xf32, #tpu.memory_space<vmem_shared>> -> memref<64x128xf32, #tpu.memory_space<vmem_shared>>
        tpu.wait_dma2 semaphore(%run_scoped3A : memref<!tpu.dma_semaphore, #tpu.memory_space<semaphore_mem>>) src(%dma_wait3A_257 : memref<64x128xf32, #tpu.memory_space<vmem_shared>>) dst(%dma_wait3A_255 : memref<64x128xf32, #tpu.memory_space<hbm>>)
        tpu.yield
      }) : () -> ()
      %scan3A_248 = arith.constant 0 : i32
      scf.yield %scan3A_248 : i32
    }
    %scan3A_240 = arith.constant 10 : i32
    return
  }
}

#map = affine_map<(d0, d1) -> (0, 0, 0)>
#map1 = affine_map<(d0, d1) -> (0, 0)>
module attributes {stable_mosaic.version = 14 : i64} {
  func.func @k(%arg0: i32, %arg1: i32, %arg2: memref<32x160x64xi32, #tpu.memory_space<hbm>>, %arg3: memref<2x10240xf32, #tpu.memory_space<hbm>>, %arg4: memref<160x64xi32, #tpu.memory_space<vmem>>, %arg5: memref<64xf32, #tpu.memory_space<vmem>>, %arg6: memref<640xf32, #tpu.memory_space<vmem>>, %arg7: memref<10240xf32, #tpu.memory_space<vmem_shared>>) attributes {dimension_semantics = [#tpu.dimension_semantics<core_parallel>, #tpu.dimension_semantics<subcore_parallel>], iteration_bounds = array<i64: 2, 16>, scalar_prefetch = 0 : i64, scratch_operands = 4 : i64, tpu.core_type = #tpu.core_type<sc_vector_subcore>, window_params = [{transform_indices = #map}, {transform_indices = #map1}]} {
    %mul3A = arith.constant 2 : i32
    %mul3A_0 = arith.muli %arg1, %mul3A : i32
    %add3A = arith.addi %mul3A_0, %arg0 : i32
    %scan3A = arith.constant 0 : i32
    %scan3A_1 = arith.constant 0 : i32
    %scan3A_2 = arith.constant 4 : i32
    %scan3A_3 = arith.addi %scan3A_1, %scan3A_2 : i32
    %scan3A_4 = arith.constant 1 : i32
    %scan3A_5 = scf.for %scan3A_28 = %scan3A_1 to %scan3A_3 step %scan3A_4 iter_args(%scan3A_29 = %scan3A) -> (i32)  : i32 {
      %broadcast_in_dim3A = arith.constant 1.000000e+00 : f32
      %broadcast_in_dim3A_30 = vector.broadcast %broadcast_in_dim3A : f32 to vector<16xf32>
      %mul3A_31 = arith.constant 16 : i32
      %mul3A_32 = arith.muli %scan3A_28, %mul3A_31 : i32
      %swap3A = arith.index_cast %mul3A_32 : i32 to index
      %swap3A_33 = tpu.vector_load %arg5[%swap3A] {strides = array<i32>} : memref<64xf32, #tpu.memory_space<vmem>>, vector<16xf32>,
      %swap3A_34 = vector.shape_cast %swap3A_33 : vector<16xf32> to vector<16xf32>
      %swap3A_35 = vector.shape_cast %broadcast_in_dim3A_30 : vector<16xf32> to vector<16xf32>
      tpu.vector_store %arg5[%swap3A], %swap3A_35 {strides = array<i32>} : memref<64xf32, #tpu.memory_space<vmem>>, vector<16xf32>,
      %scan3A_36 = arith.constant 0 : i32
      scf.yield %scan3A_36 : i32
    }
    %scan3A_6 = arith.constant 4 : i32
    %scan3A_7 = arith.constant 0 : i32
    %scan3A_8 = arith.constant 0 : i32
    %scan3A_9 = arith.constant 40 : i32
    %scan3A_10 = arith.addi %scan3A_8, %scan3A_9 : i32
    %scan3A_11 = arith.constant 1 : i32
    %scan3A_12 = scf.for %scan3A_28 = %scan3A_8 to %scan3A_10 step %scan3A_11 iter_args(%scan3A_29 = %scan3A_7) -> (i32)  : i32 {
      %broadcast_in_dim3A = arith.constant 0.000000e+00 : f32
      %broadcast_in_dim3A_30 = vector.broadcast %broadcast_in_dim3A : f32 to vector<16xf32>
      %mul3A_31 = arith.constant 16 : i32
      %mul3A_32 = arith.muli %scan3A_28, %mul3A_31 : i32
      %swap3A = arith.index_cast %mul3A_32 : i32 to index
      %swap3A_33 = tpu.vector_load %arg6[%swap3A] {strides = array<i32>} : memref<640xf32, #tpu.memory_space<vmem>>, vector<16xf32>,
      %swap3A_34 = vector.shape_cast %swap3A_33 : vector<16xf32> to vector<16xf32>
      %swap3A_35 = vector.shape_cast %broadcast_in_dim3A_30 : vector<16xf32> to vector<16xf32>
      tpu.vector_store %arg6[%swap3A], %swap3A_35 {strides = array<i32>} : memref<640xf32, #tpu.memory_space<vmem>>, vector<16xf32>,
      %scan3A_36 = arith.constant 0 : i32
      scf.yield %scan3A_36 : i32
    }
    %scan3A_13 = arith.constant 40 : i32
    %mul3A_14 = arith.constant 640 : i32
    %mul3A_15 = arith.muli %arg1, %mul3A_14 : i32
    "tpu.region"() ({
      %run_scoped3A = tpu.sem_alloc : memref<!tpu.dma_semaphore, #tpu.memory_space<semaphore_mem>>
      %dma_start3A = tpu.memref_slice %arg7[%mul3A_15] : memref<10240xf32, #tpu.memory_space<vmem_shared>> -> memref<640xf32, #tpu.memory_space<vmem_shared>>
      %dma_start3A_28 = tpu.memref_slice %arg7[%mul3A_15] : memref<10240xf32, #tpu.memory_space<vmem_shared>> -> memref<640xf32, #tpu.memory_space<vmem_shared>>
      tpu.enqueue_dma source(%arg6 : memref<640xf32, #tpu.memory_space<vmem>>) target(%dma_start3A_28 : memref<640xf32, #tpu.memory_space<vmem_shared>>) target_semaphore(%run_scoped3A : memref<!tpu.dma_semaphore, #tpu.memory_space<semaphore_mem>>)
      %dma_wait3A = tpu.memref_slice %arg7[%mul3A_15] : memref<10240xf32, #tpu.memory_space<vmem_shared>> -> memref<640xf32, #tpu.memory_space<vmem_shared>>
      %dma_wait3A_29 = tpu.memref_slice %arg7[%mul3A_15] : memref<10240xf32, #tpu.memory_space<vmem_shared>> -> memref<640xf32, #tpu.memory_space<vmem_shared>>
      tpu.wait_dma2 semaphore(%run_scoped3A : memref<!tpu.dma_semaphore, #tpu.memory_space<semaphore_mem>>) src(%arg6 : memref<640xf32, #tpu.memory_space<vmem>>) dst(%dma_wait3A_29 : memref<640xf32, #tpu.memory_space<vmem_shared>>)
      tpu.yield
    }) : () -> ()
    %barrier3A = arith.constant 0 : index
    tpu.barrier barrier_id(%barrier3A)
    "tpu.region"() ({
      %run_scoped3A = tpu.sem_alloc : memref<!tpu.dma_semaphore, #tpu.memory_space<semaphore_mem>>
      %dma_start3A = arith.constant 0 : i32
      %dma_start3A_28 = arith.constant 0 : i32
      %dma_start3A_29 = tpu.memref_slice %arg2[%add3A, %dma_start3A, %dma_start3A_28] : memref<32x160x64xi32, #tpu.memory_space<hbm>> -> memref<1x160x64xi32, #tpu.memory_space<hbm>>
      %dma_start3A_30 = tpu.memref_squeeze %dma_start3A_29 : memref<1x160x64xi32, #tpu.memory_space<hbm>> -> memref<160x64xi32, #tpu.memory_space<hbm>>
      %dma_start3A_31 = arith.constant 0 : i32
      %dma_start3A_32 = arith.constant 0 : i32
      %dma_start3A_33 = tpu.memref_slice %arg2[%add3A, %dma_start3A_31, %dma_start3A_32] : memref<32x160x64xi32, #tpu.memory_space<hbm>> -> memref<1x160x64xi32, #tpu.memory_space<hbm>>
      %dma_start3A_34 = tpu.memref_squeeze %dma_start3A_33 : memref<1x160x64xi32, #tpu.memory_space<hbm>> -> memref<160x64xi32, #tpu.memory_space<hbm>>
      tpu.enqueue_dma source(%dma_start3A_34 : memref<160x64xi32, #tpu.memory_space<hbm>>) target(%arg4 : memref<160x64xi32, #tpu.memory_space<vmem>>) target_semaphore(%run_scoped3A : memref<!tpu.dma_semaphore, #tpu.memory_space<semaphore_mem>>)
      %dma_wait3A = arith.constant 0 : i32
      %dma_wait3A_35 = arith.constant 0 : i32
      %dma_wait3A_36 = tpu.memref_slice %arg2[%add3A, %dma_wait3A, %dma_wait3A_35] : memref<32x160x64xi32, #tpu.memory_space<hbm>> -> memref<1x160x64xi32, #tpu.memory_space<hbm>>
      %dma_wait3A_37 = tpu.memref_squeeze %dma_wait3A_36 : memref<1x160x64xi32, #tpu.memory_space<hbm>> -> memref<160x64xi32, #tpu.memory_space<hbm>>
      %dma_wait3A_38 = arith.constant 0 : i32
      %dma_wait3A_39 = arith.constant 0 : i32
      %dma_wait3A_40 = tpu.memref_slice %arg2[%add3A, %dma_wait3A_38, %dma_wait3A_39] : memref<32x160x64xi32, #tpu.memory_space<hbm>> -> memref<1x160x64xi32, #tpu.memory_space<hbm>>
      %dma_wait3A_41 = tpu.memref_squeeze %dma_wait3A_40 : memref<1x160x64xi32, #tpu.memory_space<hbm>> -> memref<160x64xi32, #tpu.memory_space<hbm>>
      tpu.wait_dma2 semaphore(%run_scoped3A : memref<!tpu.dma_semaphore, #tpu.memory_space<semaphore_mem>>) src(%dma_wait3A_41 : memref<160x64xi32, #tpu.memory_space<hbm>>) dst(%arg4 : memref<160x64xi32, #tpu.memory_space<vmem>>)
      tpu.yield
    }) : () -> ()
    %scan3A_16 = arith.constant 0 : i32
    %scan3A_17 = arith.constant 0 : i32
    %scan3A_18 = arith.constant 160 : i32
    %scan3A_19 = arith.addi %scan3A_17, %scan3A_18 : i32
    %scan3A_20 = arith.constant 1 : i32
    %scan3A_21 = scf.for %scan3A_28 = %scan3A_17 to %scan3A_19 step %scan3A_20 iter_args(%scan3A_29 = %scan3A_16) -> (i32)  : i32 {
      "tpu.region"() ({
        %run_scoped3A = tpu.sem_alloc : memref<!tpu.dma_semaphore, #tpu.memory_space<semaphore_mem>>
        %dma_start3A = arith.constant 0 : i32
        %dma_start3A_31 = tpu.memref_slice %arg4[%scan3A_28, %dma_start3A] : memref<160x64xi32, #tpu.memory_space<vmem>> -> memref<1x64xi32, #tpu.memory_space<vmem>>
        %dma_start3A_32 = tpu.memref_squeeze %dma_start3A_31 : memref<1x64xi32, #tpu.memory_space<vmem>> -> memref<64xi32, #tpu.memory_space<vmem>>
        %dma_start3A_33 = arith.constant 0 : i32
        %dma_start3A_34 = tpu.memref_slice %arg7[%dma_start3A_33] : memref<10240xf32, #tpu.memory_space<vmem_shared>> -> memref<10240xf32, #tpu.memory_space<vmem_shared>>
        tpu.enqueue_indirect_dma source(%arg5 : memref<64xf32, #tpu.memory_space<vmem>>) target(%dma_start3A_34 : memref<10240xf32, #tpu.memory_space<vmem_shared>>) offsets(%dma_start3A_32 : memref<64xi32, #tpu.memory_space<vmem>>) semaphore(%run_scoped3A : memref<!tpu.dma_semaphore, #tpu.memory_space<semaphore_mem>>) {add = true}
        %dma_wait3A = arith.constant 0 : i32
        %dma_wait3A_35 = tpu.memref_slice %arg4[%scan3A_28, %dma_wait3A] : memref<160x64xi32, #tpu.memory_space<vmem>> -> memref<1x64xi32, #tpu.memory_space<vmem>>
        %dma_wait3A_36 = tpu.memref_squeeze %dma_wait3A_35 : memref<1x64xi32, #tpu.memory_space<vmem>> -> memref<64xi32, #tpu.memory_space<vmem>>
        %dma_wait3A_37 = arith.constant 0 : i32
        %dma_wait3A_38 = tpu.memref_slice %arg7[%dma_wait3A_37] : memref<10240xf32, #tpu.memory_space<vmem_shared>> -> memref<10240xf32, #tpu.memory_space<vmem_shared>>
        tpu.wait_indirect_dma semaphore(%run_scoped3A : memref<!tpu.dma_semaphore, #tpu.memory_space<semaphore_mem>>) src(%arg5 : memref<64xf32, #tpu.memory_space<vmem>>) dst(%dma_wait3A_38 : memref<10240xf32, #tpu.memory_space<vmem_shared>>)
        tpu.yield
      }) : () -> ()
      %scan3A_30 = arith.constant 0 : i32
      scf.yield %scan3A_30 : i32
    }
    %scan3A_22 = arith.constant 160 : i32
    %barrier3A_23 = arith.constant 0 : index
    tpu.barrier barrier_id(%barrier3A_23)
    %mul3A_24 = arith.constant 640 : i32
    %mul3A_25 = arith.muli %arg1, %mul3A_24 : i32
    %mul3A_26 = arith.constant 640 : i32
    %mul3A_27 = arith.muli %arg1, %mul3A_26 : i32
    "tpu.region"() ({
      %run_scoped3A = tpu.sem_alloc : memref<!tpu.dma_semaphore, #tpu.memory_space<semaphore_mem>>
      %dma_start3A = tpu.memref_slice %arg3[%arg0, %mul3A_27] : memref<2x10240xf32, #tpu.memory_space<hbm>> -> memref<1x640xf32, #tpu.memory_space<hbm>>
      %dma_start3A_28 = tpu.memref_squeeze %dma_start3A : memref<1x640xf32, #tpu.memory_space<hbm>> -> memref<640xf32, #tpu.memory_space<hbm>>
      %dma_start3A_29 = tpu.memref_slice %arg7[%mul3A_25] : memref<10240xf32, #tpu.memory_space<vmem_shared>> -> memref<640xf32, #tpu.memory_space<vmem_shared>>
      tpu.enqueue_dma source(%dma_start3A_29 : memref<640xf32, #tpu.memory_space<vmem_shared>>) target(%dma_start3A_28 : memref<640xf32, #tpu.memory_space<hbm>>) target_semaphore(%run_scoped3A : memref<!tpu.dma_semaphore, #tpu.memory_space<semaphore_mem>>)
      %dma_wait3A = tpu.memref_slice %arg3[%arg0, %mul3A_27] : memref<2x10240xf32, #tpu.memory_space<hbm>> -> memref<1x640xf32, #tpu.memory_space<hbm>>
      %dma_wait3A_30 = tpu.memref_squeeze %dma_wait3A : memref<1x640xf32, #tpu.memory_space<hbm>> -> memref<640xf32, #tpu.memory_space<hbm>>
      %dma_wait3A_31 = tpu.memref_slice %arg7[%mul3A_25] : memref<10240xf32, #tpu.memory_space<vmem_shared>> -> memref<640xf32, #tpu.memory_space<vmem_shared>>
      tpu.wait_dma2 semaphore(%run_scoped3A : memref<!tpu.dma_semaphore, #tpu.memory_space<semaphore_mem>>) src(%dma_wait3A_31 : memref<640xf32, #tpu.memory_space<vmem_shared>>) dst(%dma_wait3A_30 : memref<640xf32, #tpu.memory_space<hbm>>)
      tpu.yield
    }) : () -> ()
    return
  }
}

#map = affine_map<(d0, d1) -> (0, 0)>
#map1 = affine_map<(d0, d1) -> (0, 0, 0)>
module attributes {stable_mosaic.version = 14 : i64} {
  func.func @k(%arg0: i32, %arg1: i32, %arg2: memref<10240x128xf32, #tpu.memory_space<hbm>>, %arg3: memref<32x160x64xi32, #tpu.memory_space<hbm>>, %arg4: memref<32x160x64xi32, #tpu.memory_space<hbm>>, %arg5: memref<2x10240x128xf32, #tpu.memory_space<hbm>>, %arg6: memref<40x64xi32, #tpu.memory_space<vmem>>, %arg7: memref<40x64xi32, #tpu.memory_space<vmem>>, %arg8: memref<4x64x128xf32, #tpu.memory_space<vmem>>, %arg9: memref<10240x128xf32, #tpu.memory_space<vmem_shared>>, %arg10: memref<!tpu.dma_semaphore, #tpu.memory_space<semaphore_mem>>, %arg11: memref<!tpu.dma_semaphore, #tpu.memory_space<semaphore_mem>>, %arg12: memref<!tpu.dma_semaphore, #tpu.memory_space<semaphore_mem>>, %arg13: memref<!tpu.dma_semaphore, #tpu.memory_space<semaphore_mem>>) attributes {dimension_semantics = [#tpu.dimension_semantics<core_parallel>, #tpu.dimension_semantics<subcore_parallel>], iteration_bounds = array<i64: 2, 16>, scalar_prefetch = 0 : i64, scratch_operands = 8 : i64, tpu.core_type = #tpu.core_type<sc_vector_subcore>, window_params = [{transform_indices = #map}, {transform_indices = #map1}, {transform_indices = #map1}, {transform_indices = #map1}]} {
    %mul3A = arith.constant 2 : i32
    %mul3A_0 = arith.muli %arg1, %mul3A : i32
    %add3A = arith.addi %mul3A_0, %arg0 : i32
    %scan3A = arith.constant 0 : i32
    %scan3A_1 = arith.constant 0 : i32
    %scan3A_2 = arith.constant 64 : i32
    %scan3A_3 = arith.addi %scan3A_1, %scan3A_2 : i32
    %scan3A_4 = arith.constant 1 : i32
    %scan3A_5 = scf.for %scan3A_241 = %scan3A_1 to %scan3A_3 step %scan3A_4 iter_args(%scan3A_242 = %scan3A) -> (i32)  : i32 {
      %scan3A_243 = arith.constant 0 : i32
      %scan3A_244 = arith.constant 0 : i32
      %scan3A_245 = arith.constant 8 : i32
      %scan3A_246 = arith.addi %scan3A_244, %scan3A_245 : i32
      %scan3A_247 = arith.constant 1 : i32
      %scan3A_248 = scf.for %scan3A_251 = %scan3A_244 to %scan3A_246 step %scan3A_247 iter_args(%scan3A_252 = %scan3A_243) -> (i32)  : i32 {
        %broadcast_in_dim3A = arith.constant 0.000000e+00 : f32
        %broadcast_in_dim3A_253 = vector.broadcast %broadcast_in_dim3A : f32 to vector<16xf32>
        %mul3A_254 = arith.constant 16 : i32
        %mul3A_255 = arith.muli %scan3A_251, %mul3A_254 : i32
        %swap3A = arith.constant 0 : i32
        %swap3A_256 = arith.index_cast %swap3A : i32 to index
        %swap3A_257 = arith.index_cast %scan3A_241 : i32 to index
        %swap3A_258 = arith.index_cast %mul3A_255 : i32 to index
        %swap3A_259 = tpu.vector_load %arg8[%swap3A_256, %swap3A_257, %swap3A_258] {strides = array<i32>} : memref<4x64x128xf32, #tpu.memory_space<vmem>>, vector<1x1x16xf32>,
        %swap3A_260 = vector.shape_cast %swap3A_259 : vector<1x1x16xf32> to vector<16xf32>
        %swap3A_261 = vector.shape_cast %broadcast_in_dim3A_253 : vector<16xf32> to vector<1x1x16xf32>
        tpu.vector_store %arg8[%swap3A_256, %swap3A_257, %swap3A_258], %swap3A_261 {strides = array<i32>} : memref<4x64x128xf32, #tpu.memory_space<vmem>>, vector<1x1x16xf32>,
        %scan3A_262 = arith.constant 0 : i32
        scf.yield %scan3A_262 : i32
      }
      %scan3A_249 = arith.constant 8 : i32
      %scan3A_250 = arith.constant 0 : i32
      scf.yield %scan3A_250 : i32
    }
    %scan3A_6 = arith.constant 64 : i32
    %scan3A_7 = arith.constant 0 : i32
    %scan3A_8 = arith.constant 0 : i32
    %scan3A_9 = arith.constant 10 : i32
    %scan3A_10 = arith.addi %scan3A_8, %scan3A_9 : i32
    %scan3A_11 = arith.constant 1 : i32
    %scan3A_12 = scf.for %scan3A_241 = %scan3A_8 to %scan3A_10 step %scan3A_11 iter_args(%scan3A_242 = %scan3A_7) -> (i32)  : i32 {
      %mul3A_243 = arith.constant 640 : i32
      %mul3A_244 = arith.muli %arg1, %mul3A_243 : i32
      %mul3A_245 = arith.constant 64 : i32
      %mul3A_246 = arith.muli %scan3A_241, %mul3A_245 : i32
      %add3A_247 = arith.addi %mul3A_244, %mul3A_246 : i32
      %run_scoped3A = arith.constant 0 : i32
      "tpu.region"() ({
        %run_scoped3A_249 = tpu.sem_alloc : memref<!tpu.dma_semaphore, #tpu.memory_space<semaphore_mem>>
        %dma_start3A_250 = arith.constant 0 : i32
        %dma_start3A_251 = arith.constant 0 : i32
        %dma_start3A_252 = tpu.memref_slice %arg8[%run_scoped3A, %dma_start3A_250, %dma_start3A_251] : memref<4x64x128xf32, #tpu.memory_space<vmem>> -> memref<1x64x128xf32, #tpu.memory_space<vmem>>
        %dma_start3A_253 = tpu.memref_squeeze %dma_start3A_252 : memref<1x64x128xf32, #tpu.memory_space<vmem>> -> memref<64x128xf32, #tpu.memory_space<vmem>>
        %dma_start3A_254 = arith.constant 0 : i32
        %dma_start3A_255 = tpu.memref_slice %arg9[%add3A_247, %dma_start3A_254] : memref<10240x128xf32, #tpu.memory_space<vmem_shared>> -> memref<64x128xf32, #tpu.memory_space<vmem_shared>>
        %dma_start3A_256 = arith.constant 0 : i32
        %dma_start3A_257 = tpu.memref_slice %arg9[%add3A_247, %dma_start3A_256] : memref<10240x128xf32, #tpu.memory_space<vmem_shared>> -> memref<64x128xf32, #tpu.memory_space<vmem_shared>>
        %dma_start3A_258 = arith.constant 0 : i32
        %dma_start3A_259 = arith.constant 0 : i32
        %dma_start3A_260 = tpu.memref_slice %arg8[%run_scoped3A, %dma_start3A_258, %dma_start3A_259] : memref<4x64x128xf32, #tpu.memory_space<vmem>> -> memref<1x64x128xf32, #tpu.memory_space<vmem>>
        %dma_start3A_261 = tpu.memref_squeeze %dma_start3A_260 : memref<1x64x128xf32, #tpu.memory_space<vmem>> -> memref<64x128xf32, #tpu.memory_space<vmem>>
        tpu.enqueue_dma source(%dma_start3A_261 : memref<64x128xf32, #tpu.memory_space<vmem>>) target(%dma_start3A_257 : memref<64x128xf32, #tpu.memory_space<vmem_shared>>) target_semaphore(%run_scoped3A_249 : memref<!tpu.dma_semaphore, #tpu.memory_space<semaphore_mem>>)
        %dma_wait3A = arith.constant 0 : i32
        %dma_wait3A_262 = arith.constant 0 : i32
        %dma_wait3A_263 = tpu.memref_slice %arg8[%run_scoped3A, %dma_wait3A, %dma_wait3A_262] : memref<4x64x128xf32, #tpu.memory_space<vmem>> -> memref<1x64x128xf32, #tpu.memory_space<vmem>>
        %dma_wait3A_264 = tpu.memref_squeeze %dma_wait3A_263 : memref<1x64x128xf32, #tpu.memory_space<vmem>> -> memref<64x128xf32, #tpu.memory_space<vmem>>
        %dma_wait3A_265 = arith.constant 0 : i32
        %dma_wait3A_266 = tpu.memref_slice %arg9[%add3A_247, %dma_wait3A_265] : memref<10240x128xf32, #tpu.memory_space<vmem_shared>> -> memref<64x128xf32, #tpu.memory_space<vmem_shared>>
        %dma_wait3A_267 = arith.constant 0 : i32
        %dma_wait3A_268 = tpu.memref_slice %arg9[%add3A_247, %dma_wait3A_267] : memref<10240x128xf32, #tpu.memory_space<vmem_shared>> -> memref<64x128xf32, #tpu.memory_space<vmem_shared>>
        %dma_wait3A_269 = arith.constant 0 : i32
        %dma_wait3A_270 = arith.constant 0 : i32
        %dma_wait3A_271 = tpu.memref_slice %arg8[%run_scoped3A, %dma_wait3A_269, %dma_wait3A_270] : memref<4x64x128xf32, #tpu.memory_space<vmem>> -> memref<1x64x128xf32, #tpu.memory_space<vmem>>
        %dma_wait3A_272 = tpu.memref_squeeze %dma_wait3A_271 : memref<1x64x128xf32, #tpu.memory_space<vmem>> -> memref<64x128xf32, #tpu.memory_space<vmem>>
        tpu.wait_dma2 semaphore(%run_scoped3A_249 : memref<!tpu.dma_semaphore, #tpu.memory_space<semaphore_mem>>) src(%dma_wait3A_272 : memref<64x128xf32, #tpu.memory_space<vmem>>) dst(%dma_wait3A_268 : memref<64x128xf32, #tpu.memory_space<vmem_shared>>)
        tpu.yield
      }) : () -> ()
      %scan3A_248 = arith.constant 0 : i32
      scf.yield %scan3A_248 : i32
    }
    %scan3A_13 = arith.constant 10 : i32
    %barrier3A = arith.constant 0 : index
    tpu.barrier barrier_id(%barrier3A)
    "tpu.region"() ({
      %run_scoped3A = tpu.sem_alloc : memref<!tpu.dma_semaphore, #tpu.memory_space<semaphore_mem>>
      %dma_start3A_241 = arith.constant 0 : i32
      %dma_start3A_242 = arith.constant 0 : i32
      %dma_start3A_243 = tpu.memref_slice %arg3[%add3A, %dma_start3A_241, %dma_start3A_242] : memref<32x160x64xi32, #tpu.memory_space<hbm>> -> memref<1x40x64xi32, #tpu.memory_space<hbm>>
      %dma_start3A_244 = tpu.memref_squeeze %dma_start3A_243 : memref<1x40x64xi32, #tpu.memory_space<hbm>> -> memref<40x64xi32, #tpu.memory_space<hbm>>
      %dma_start3A_245 = arith.constant 0 : i32
      %dma_start3A_246 = arith.constant 0 : i32
      %dma_start3A_247 = tpu.memref_slice %arg3[%add3A, %dma_start3A_245, %dma_start3A_246] : memref<32x160x64xi32, #tpu.memory_space<hbm>> -> memref<1x40x64xi32, #tpu.memory_space<hbm>>
      %dma_start3A_248 = tpu.memref_squeeze %dma_start3A_247 : memref<1x40x64xi32, #tpu.memory_space<hbm>> -> memref<40x64xi32, #tpu.memory_space<hbm>>
      tpu.enqueue_dma source(%dma_start3A_248 : memref<40x64xi32, #tpu.memory_space<hbm>>) target(%arg6 : memref<40x64xi32, #tpu.memory_space<vmem>>) target_semaphore(%run_scoped3A : memref<!tpu.dma_semaphore, #tpu.memory_space<semaphore_mem>>)
      %dma_wait3A = arith.constant 0 : i32
      %dma_wait3A_249 = arith.constant 0 : i32
      %dma_wait3A_250 = tpu.memref_slice %arg3[%add3A, %dma_wait3A, %dma_wait3A_249] : memref<32x160x64xi32, #tpu.memory_space<hbm>> -> memref<1x40x64xi32, #tpu.memory_space<hbm>>
      %dma_wait3A_251 = tpu.memref_squeeze %dma_wait3A_250 : memref<1x40x64xi32, #tpu.memory_space<hbm>> -> memref<40x64xi32, #tpu.memory_space<hbm>>
      %dma_wait3A_252 = arith.constant 0 : i32
      %dma_wait3A_253 = arith.constant 0 : i32
      %dma_wait3A_254 = tpu.memref_slice %arg3[%add3A, %dma_wait3A_252, %dma_wait3A_253] : memref<32x160x64xi32, #tpu.memory_space<hbm>> -> memref<1x40x64xi32, #tpu.memory_space<hbm>>
      %dma_wait3A_255 = tpu.memref_squeeze %dma_wait3A_254 : memref<1x40x64xi32, #tpu.memory_space<hbm>> -> memref<40x64xi32, #tpu.memory_space<hbm>>
      tpu.wait_dma2 semaphore(%run_scoped3A : memref<!tpu.dma_semaphore, #tpu.memory_space<semaphore_mem>>) src(%dma_wait3A_255 : memref<40x64xi32, #tpu.memory_space<hbm>>) dst(%arg6 : memref<40x64xi32, #tpu.memory_space<vmem>>)
      tpu.yield
    }) : () -> ()
    "tpu.region"() ({
      %run_scoped3A = tpu.sem_alloc : memref<!tpu.dma_semaphore, #tpu.memory_space<semaphore_mem>>
      %dma_start3A_241 = arith.constant 0 : i32
      %dma_start3A_242 = arith.constant 0 : i32
      %dma_start3A_243 = tpu.memref_slice %arg4[%add3A, %dma_start3A_241, %dma_start3A_242] : memref<32x160x64xi32, #tpu.memory_space<hbm>> -> memref<1x40x64xi32, #tpu.memory_space<hbm>>
      %dma_start3A_244 = tpu.memref_squeeze %dma_start3A_243 : memref<1x40x64xi32, #tpu.memory_space<hbm>> -> memref<40x64xi32, #tpu.memory_space<hbm>>
      %dma_start3A_245 = arith.constant 0 : i32
      %dma_start3A_246 = arith.constant 0 : i32
      %dma_start3A_247 = tpu.memref_slice %arg4[%add3A, %dma_start3A_245, %dma_start3A_246] : memref<32x160x64xi32, #tpu.memory_space<hbm>> -> memref<1x40x64xi32, #tpu.memory_space<hbm>>
      %dma_start3A_248 = tpu.memref_squeeze %dma_start3A_247 : memref<1x40x64xi32, #tpu.memory_space<hbm>> -> memref<40x64xi32, #tpu.memory_space<hbm>>
      tpu.enqueue_dma source(%dma_start3A_248 : memref<40x64xi32, #tpu.memory_space<hbm>>) target(%arg7 : memref<40x64xi32, #tpu.memory_space<vmem>>) target_semaphore(%run_scoped3A : memref<!tpu.dma_semaphore, #tpu.memory_space<semaphore_mem>>)
      %dma_wait3A = arith.constant 0 : i32
      %dma_wait3A_249 = arith.constant 0 : i32
      %dma_wait3A_250 = tpu.memref_slice %arg4[%add3A, %dma_wait3A, %dma_wait3A_249] : memref<32x160x64xi32, #tpu.memory_space<hbm>> -> memref<1x40x64xi32, #tpu.memory_space<hbm>>
      %dma_wait3A_251 = tpu.memref_squeeze %dma_wait3A_250 : memref<1x40x64xi32, #tpu.memory_space<hbm>> -> memref<40x64xi32, #tpu.memory_space<hbm>>
      %dma_wait3A_252 = arith.constant 0 : i32
      %dma_wait3A_253 = arith.constant 0 : i32
      %dma_wait3A_254 = tpu.memref_slice %arg4[%add3A, %dma_wait3A_252, %dma_wait3A_253] : memref<32x160x64xi32, #tpu.memory_space<hbm>> -> memref<1x40x64xi32, #tpu.memory_space<hbm>>
      %dma_wait3A_255 = tpu.memref_squeeze %dma_wait3A_254 : memref<1x40x64xi32, #tpu.memory_space<hbm>> -> memref<40x64xi32, #tpu.memory_space<hbm>>
      tpu.wait_dma2 semaphore(%run_scoped3A : memref<!tpu.dma_semaphore, #tpu.memory_space<semaphore_mem>>) src(%dma_wait3A_255 : memref<40x64xi32, #tpu.memory_space<hbm>>) dst(%arg7 : memref<40x64xi32, #tpu.memory_space<vmem>>)
      tpu.yield
    }) : () -> ()
    %dma_start3A = arith.constant 0 : i32
    %dma_start3A_14 = arith.constant 0 : i32
    %dma_start3A_15 = arith.constant 0 : i32
    %dma_start3A_16 = arith.constant 0 : i32
    %dma_start3A_17 = tpu.memref_slice %arg8[%dma_start3A_14, %dma_start3A_15, %dma_start3A_16] : memref<4x64x128xf32, #tpu.memory_space<vmem>> -> memref<1x64x128xf32, #tpu.memory_space<vmem>>
    %dma_start3A_18 = tpu.memref_squeeze %dma_start3A_17 : memref<1x64x128xf32, #tpu.memory_space<vmem>> -> memref<64x128xf32, #tpu.memory_space<vmem>>
    %dma_start3A_19 = arith.constant 0 : i32
    %dma_start3A_20 = tpu.memref_slice %arg6[%dma_start3A, %dma_start3A_19] : memref<40x64xi32, #tpu.memory_space<vmem>> -> memref<1x64xi32, #tpu.memory_space<vmem>>
    %dma_start3A_21 = tpu.memref_squeeze %dma_start3A_20 : memref<1x64xi32, #tpu.memory_space<vmem>> -> memref<64xi32, #tpu.memory_space<vmem>>
    %dma_start3A_22 = arith.constant 0 : i32
    %dma_start3A_23 = arith.constant 0 : i32
    %dma_start3A_24 = tpu.memref_slice %arg2[%dma_start3A_22, %dma_start3A_23] : memref<10240x128xf32, #tpu.memory_space<hbm>> -> memref<10240x128xf32, #tpu.memory_space<hbm>>
    tpu.enqueue_indirect_dma source(%dma_start3A_24 : memref<10240x128xf32, #tpu.memory_space<hbm>>) target(%dma_start3A_18 : memref<64x128xf32, #tpu.memory_space<vmem>>) offsets(%dma_start3A_21 : memref<64xi32, #tpu.memory_space<vmem>>) semaphore(%arg10 : memref<!tpu.dma_semaphore, #tpu.memory_space<semaphore_mem>>)
    %dma_start3A_25 = arith.constant 1 : i32
    %dma_start3A_26 = arith.constant 1 : i32
    %dma_start3A_27 = arith.constant 0 : i32
    %dma_start3A_28 = arith.constant 0 : i32
    %dma_start3A_29 = tpu.memref_slice %arg8[%dma_start3A_26, %dma_start3A_27, %dma_start3A_28] : memref<4x64x128xf32, #tpu.memory_space<vmem>> -> memref<1x64x128xf32, #tpu.memory_space<vmem>>
    %dma_start3A_30 = tpu.memref_squeeze %dma_start3A_29 : memref<1x64x128xf32, #tpu.memory_space<vmem>> -> memref<64x128xf32, #tpu.memory_space<vmem>>
    %dma_start3A_31 = arith.constant 0 : i32
    %dma_start3A_32 = tpu.memref_slice %arg6[%dma_start3A_25, %dma_start3A_31] : memref<40x64xi32, #tpu.memory_space<vmem>> -> memref<1x64xi32, #tpu.memory_space<vmem>>
    %dma_start3A_33 = tpu.memref_squeeze %dma_start3A_32 : memref<1x64xi32, #tpu.memory_space<vmem>> -> memref<64xi32, #tpu.memory_space<vmem>>
    %dma_start3A_34 = arith.constant 0 : i32
    %dma_start3A_35 = arith.constant 0 : i32
    %dma_start3A_36 = tpu.memref_slice %arg2[%dma_start3A_34, %dma_start3A_35] : memref<10240x128xf32, #tpu.memory_space<hbm>> -> memref<10240x128xf32, #tpu.memory_space<hbm>>
    tpu.enqueue_indirect_dma source(%dma_start3A_36 : memref<10240x128xf32, #tpu.memory_space<hbm>>) target(%dma_start3A_30 : memref<64x128xf32, #tpu.memory_space<vmem>>) offsets(%dma_start3A_33 : memref<64xi32, #tpu.memory_space<vmem>>) semaphore(%arg11 : memref<!tpu.dma_semaphore, #tpu.memory_space<semaphore_mem>>)
    %dma_start3A_37 = arith.constant 2 : i32
    %dma_start3A_38 = arith.constant 2 : i32
    %dma_start3A_39 = arith.constant 0 : i32
    %dma_start3A_40 = arith.constant 0 : i32
    %dma_start3A_41 = tpu.memref_slice %arg8[%dma_start3A_38, %dma_start3A_39, %dma_start3A_40] : memref<4x64x128xf32, #tpu.memory_space<vmem>> -> memref<1x64x128xf32, #tpu.memory_space<vmem>>
    %dma_start3A_42 = tpu.memref_squeeze %dma_start3A_41 : memref<1x64x128xf32, #tpu.memory_space<vmem>> -> memref<64x128xf32, #tpu.memory_space<vmem>>
    %dma_start3A_43 = arith.constant 0 : i32
    %dma_start3A_44 = tpu.memref_slice %arg6[%dma_start3A_37, %dma_start3A_43] : memref<40x64xi32, #tpu.memory_space<vmem>> -> memref<1x64xi32, #tpu.memory_space<vmem>>
    %dma_start3A_45 = tpu.memref_squeeze %dma_start3A_44 : memref<1x64xi32, #tpu.memory_space<vmem>> -> memref<64xi32, #tpu.memory_space<vmem>>
    %dma_start3A_46 = arith.constant 0 : i32
    %dma_start3A_47 = arith.constant 0 : i32
    %dma_start3A_48 = tpu.memref_slice %arg2[%dma_start3A_46, %dma_start3A_47] : memref<10240x128xf32, #tpu.memory_space<hbm>> -> memref<10240x128xf32, #tpu.memory_space<hbm>>
    tpu.enqueue_indirect_dma source(%dma_start3A_48 : memref<10240x128xf32, #tpu.memory_space<hbm>>) target(%dma_start3A_42 : memref<64x128xf32, #tpu.memory_space<vmem>>) offsets(%dma_start3A_45 : memref<64xi32, #tpu.memory_space<vmem>>) semaphore(%arg12 : memref<!tpu.dma_semaphore, #tpu.memory_space<semaphore_mem>>)
    %dma_start3A_49 = arith.constant 3 : i32
    %dma_start3A_50 = arith.constant 3 : i32
    %dma_start3A_51 = arith.constant 0 : i32
    %dma_start3A_52 = arith.constant 0 : i32
    %dma_start3A_53 = tpu.memref_slice %arg8[%dma_start3A_50, %dma_start3A_51, %dma_start3A_52] : memref<4x64x128xf32, #tpu.memory_space<vmem>> -> memref<1x64x128xf32, #tpu.memory_space<vmem>>
    %dma_start3A_54 = tpu.memref_squeeze %dma_start3A_53 : memref<1x64x128xf32, #tpu.memory_space<vmem>> -> memref<64x128xf32, #tpu.memory_space<vmem>>
    %dma_start3A_55 = arith.constant 0 : i32
    %dma_start3A_56 = tpu.memref_slice %arg6[%dma_start3A_49, %dma_start3A_55] : memref<40x64xi32, #tpu.memory_space<vmem>> -> memref<1x64xi32, #tpu.memory_space<vmem>>
    %dma_start3A_57 = tpu.memref_squeeze %dma_start3A_56 : memref<1x64xi32, #tpu.memory_space<vmem>> -> memref<64xi32, #tpu.memory_space<vmem>>
    %dma_start3A_58 = arith.constant 0 : i32
    %dma_start3A_59 = arith.constant 0 : i32
    %dma_start3A_60 = tpu.memref_slice %arg2[%dma_start3A_58, %dma_start3A_59] : memref<10240x128xf32, #tpu.memory_space<hbm>> -> memref<10240x128xf32, #tpu.memory_space<hbm>>
    tpu.enqueue_indirect_dma source(%dma_start3A_60 : memref<10240x128xf32, #tpu.memory_space<hbm>>) target(%dma_start3A_54 : memref<64x128xf32, #tpu.memory_space<vmem>>) offsets(%dma_start3A_57 : memref<64xi32, #tpu.memory_space<vmem>>) semaphore(%arg13 : memref<!tpu.dma_semaphore, #tpu.memory_space<semaphore_mem>>)
    %scan3A_61 = arith.constant 0 : i32
    %scan3A_62 = arith.constant 0 : i32
    %scan3A_63 = arith.constant 10 : i32
    %scan3A_64 = arith.addi %scan3A_62, %scan3A_63 : i32
    %scan3A_65 = arith.constant 1 : i32
    %scan3A_66 = scf.for %scan3A_241 = %scan3A_62 to %scan3A_64 step %scan3A_65 iter_args(%scan3A_242 = %scan3A_61) -> (i32)  : i32 {
      %mul3A_243 = arith.constant 4 : i32
      %mul3A_244 = arith.muli %scan3A_241, %mul3A_243 : i32
      %add3A_245 = arith.constant 0 : i32
      %add3A_246 = arith.addi %mul3A_244, %add3A_245 : i32
      %dma_wait3A = arith.constant 0 : i32
      %dma_wait3A_247 = arith.constant 0 : i32
      %dma_wait3A_248 = arith.constant 0 : i32
      %dma_wait3A_249 = tpu.memref_slice %arg8[%dma_wait3A, %dma_wait3A_247, %dma_wait3A_248] : memref<4x64x128xf32, #tpu.memory_space<vmem>> -> memref<1x64x128xf32, #tpu.memory_space<vmem>>
      %dma_wait3A_250 = tpu.memref_squeeze %dma_wait3A_249 : memref<1x64x128xf32, #tpu.memory_space<vmem>> -> memref<64x128xf32, #tpu.memory_space<vmem>>
      %dma_wait3A_251 = arith.constant 0 : i32
      %dma_wait3A_252 = tpu.memref_slice %arg6[%add3A_246, %dma_wait3A_251] : memref<40x64xi32, #tpu.memory_space<vmem>> -> memref<1x64xi32, #tpu.memory_space<vmem>>
      %dma_wait3A_253 = tpu.memref_squeeze %dma_wait3A_252 : memref<1x64xi32, #tpu.memory_space<vmem>> -> memref<64xi32, #tpu.memory_space<vmem>>
      %dma_wait3A_254 = arith.constant 0 : i32
      %dma_wait3A_255 = arith.constant 0 : i32
      %dma_wait3A_256 = tpu.memref_slice %arg2[%dma_wait3A_254, %dma_wait3A_255] : memref<10240x128xf32, #tpu.memory_space<hbm>> -> memref<10240x128xf32, #tpu.memory_space<hbm>>
      tpu.wait_indirect_dma semaphore(%arg10 : memref<!tpu.dma_semaphore, #tpu.memory_space<semaphore_mem>>) src(%dma_wait3A_256 : memref<10240x128xf32, #tpu.memory_space<hbm>>) dst(%dma_wait3A_250 : memref<64x128xf32, #tpu.memory_space<vmem>>)
      %add3A_257 = arith.constant 0 : i32
      %add3A_258 = arith.addi %mul3A_244, %add3A_257 : i32
      %run_scoped3A = arith.constant 0 : i32
      "tpu.region"() ({
        %run_scoped3A_341 = tpu.sem_alloc : memref<!tpu.dma_semaphore, #tpu.memory_space<semaphore_mem>>
        %dma_start3A_342 = arith.constant 0 : i32
        %dma_start3A_343 = arith.constant 0 : i32
        %dma_start3A_344 = tpu.memref_slice %arg8[%run_scoped3A, %dma_start3A_342, %dma_start3A_343] : memref<4x64x128xf32, #tpu.memory_space<vmem>> -> memref<1x64x128xf32, #tpu.memory_space<vmem>>
        %dma_start3A_345 = tpu.memref_squeeze %dma_start3A_344 : memref<1x64x128xf32, #tpu.memory_space<vmem>> -> memref<64x128xf32, #tpu.memory_space<vmem>>
        %dma_start3A_346 = arith.constant 0 : i32
        %dma_start3A_347 = tpu.memref_slice %arg7[%add3A_258, %dma_start3A_346] : memref<40x64xi32, #tpu.memory_space<vmem>> -> memref<1x64xi32, #tpu.memory_space<vmem>>
        %dma_start3A_348 = tpu.memref_squeeze %dma_start3A_347 : memref<1x64xi32, #tpu.memory_space<vmem>> -> memref<64xi32, #tpu.memory_space<vmem>>
        %dma_start3A_349 = arith.constant 0 : i32
        %dma_start3A_350 = arith.constant 0 : i32
        %dma_start3A_351 = tpu.memref_slice %arg9[%dma_start3A_349, %dma_start3A_350] : memref<10240x128xf32, #tpu.memory_space<vmem_shared>> -> memref<10240x128xf32, #tpu.memory_space<vmem_shared>>
        tpu.enqueue_indirect_dma source(%dma_start3A_345 : memref<64x128xf32, #tpu.memory_space<vmem>>) target(%dma_start3A_351 : memref<10240x128xf32, #tpu.memory_space<vmem_shared>>) offsets(%dma_start3A_348 : memref<64xi32, #tpu.memory_space<vmem>>) semaphore(%run_scoped3A_341 : memref<!tpu.dma_semaphore, #tpu.memory_space<semaphore_mem>>) {add = true}
        %dma_wait3A_352 = arith.constant 0 : i32
        %dma_wait3A_353 = arith.constant 0 : i32
        %dma_wait3A_354 = tpu.memref_slice %arg8[%run_scoped3A, %dma_wait3A_352, %dma_wait3A_353] : memref<4x64x128xf32, #tpu.memory_space<vmem>> -> memref<1x64x128xf32, #tpu.memory_space<vmem>>
        %dma_wait3A_355 = tpu.memref_squeeze %dma_wait3A_354 : memref<1x64x128xf32, #tpu.memory_space<vmem>> -> memref<64x128xf32, #tpu.memory_space<vmem>>
        %dma_wait3A_356 = arith.constant 0 : i32
        %dma_wait3A_357 = tpu.memref_slice %arg7[%add3A_258, %dma_wait3A_356] : memref<40x64xi32, #tpu.memory_space<vmem>> -> memref<1x64xi32, #tpu.memory_space<vmem>>
        %dma_wait3A_358 = tpu.memref_squeeze %dma_wait3A_357 : memref<1x64xi32, #tpu.memory_space<vmem>> -> memref<64xi32, #tpu.memory_space<vmem>>
        %dma_wait3A_359 = arith.constant 0 : i32
        %dma_wait3A_360 = arith.constant 0 : i32
        %dma_wait3A_361 = tpu.memref_slice %arg9[%dma_wait3A_359, %dma_wait3A_360] : memref<10240x128xf32, #tpu.memory_space<vmem_shared>> -> memref<10240x128xf32, #tpu.memory_space<vmem_shared>>
        tpu.wait_indirect_dma semaphore(%run_scoped3A_341 : memref<!tpu.dma_semaphore, #tpu.memory_space<semaphore_mem>>) src(%dma_wait3A_355 : memref<64x128xf32, #tpu.memory_space<vmem>>) dst(%dma_wait3A_361 : memref<10240x128xf32, #tpu.memory_space<vmem_shared>>)
        tpu.yield
      }) : () -> ()
      %add3A_259 = arith.constant 0 : i32
      %add3A_260 = arith.addi %mul3A_244, %add3A_259 : i32
      %add3A_261 = arith.constant 4 : i32
      %add3A_262 = arith.addi %add3A_260, %add3A_261 : i32
      %lt3A = arith.constant 40 : i32
      %lt3A_263 = arith.cmpi slt, %add3A_262, %lt3A : i32
      %convert_element_type3A = arith.extui %lt3A_263 : i1 to i32
      %cond3A = arith.constant 0 : i32
      %cond3A_264 = arith.cmpi ne, %convert_element_type3A, %cond3A : i32
      scf.if %cond3A_264 {
        %add3A_341 = arith.constant 0 : i32
        %add3A_342 = arith.addi %mul3A_244, %add3A_341 : i32
        %add3A_343 = arith.constant 4 : i32
        %add3A_344 = arith.addi %add3A_342, %add3A_343 : i32
        %dma_start3A_345 = arith.constant 0 : i32
        %dma_start3A_346 = arith.constant 0 : i32
        %dma_start3A_347 = arith.constant 0 : i32
        %dma_start3A_348 = tpu.memref_slice %arg8[%dma_start3A_345, %dma_start3A_346, %dma_start3A_347] : memref<4x64x128xf32, #tpu.memory_space<vmem>> -> memref<1x64x128xf32, #tpu.memory_space<vmem>>
        %dma_start3A_349 = tpu.memref_squeeze %dma_start3A_348 : memref<1x64x128xf32, #tpu.memory_space<vmem>> -> memref<64x128xf32, #tpu.memory_space<vmem>>
        %dma_start3A_350 = arith.constant 0 : i32
        %dma_start3A_351 = tpu.memref_slice %arg6[%add3A_344, %dma_start3A_350] : memref<40x64xi32, #tpu.memory_space<vmem>> -> memref<1x64xi32, #tpu.memory_space<vmem>>
        %dma_start3A_352 = tpu.memref_squeeze %dma_start3A_351 : memref<1x64xi32, #tpu.memory_space<vmem>> -> memref<64xi32, #tpu.memory_space<vmem>>
        %dma_start3A_353 = arith.constant 0 : i32
        %dma_start3A_354 = arith.constant 0 : i32
        %dma_start3A_355 = tpu.memref_slice %arg2[%dma_start3A_353, %dma_start3A_354] : memref<10240x128xf32, #tpu.memory_space<hbm>> -> memref<10240x128xf32, #tpu.memory_space<hbm>>
        tpu.enqueue_indirect_dma source(%dma_start3A_355 : memref<10240x128xf32, #tpu.memory_space<hbm>>) target(%dma_start3A_349 : memref<64x128xf32, #tpu.memory_space<vmem>>) offsets(%dma_start3A_352 : memref<64xi32, #tpu.memory_space<vmem>>) semaphore(%arg10 : memref<!tpu.dma_semaphore, #tpu.memory_space<semaphore_mem>>)
      } else {
      }
      %add3A_265 = arith.constant 1 : i32
      %add3A_266 = arith.addi %mul3A_244, %add3A_265 : i32
      %dma_wait3A_267 = arith.constant 1 : i32
      %dma_wait3A_268 = arith.constant 0 : i32
      %dma_wait3A_269 = arith.constant 0 : i32
      %dma_wait3A_270 = tpu.memref_slice %arg8[%dma_wait3A_267, %dma_wait3A_268, %dma_wait3A_269] : memref<4x64x128xf32, #tpu.memory_space<vmem>> -> memref<1x64x128xf32, #tpu.memory_space<vmem>>
      %dma_wait3A_271 = tpu.memref_squeeze %dma_wait3A_270 : memref<1x64x128xf32, #tpu.memory_space<vmem>> -> memref<64x128xf32, #tpu.memory_space<vmem>>
      %dma_wait3A_272 = arith.constant 0 : i32
      %dma_wait3A_273 = tpu.memref_slice %arg6[%add3A_266, %dma_wait3A_272] : memref<40x64xi32, #tpu.memory_space<vmem>> -> memref<1x64xi32, #tpu.memory_space<vmem>>
      %dma_wait3A_274 = tpu.memref_squeeze %dma_wait3A_273 : memref<1x64xi32, #tpu.memory_space<vmem>> -> memref<64xi32, #tpu.memory_space<vmem>>
      %dma_wait3A_275 = arith.constant 0 : i32
      %dma_wait3A_276 = arith.constant 0 : i32
      %dma_wait3A_277 = tpu.memref_slice %arg2[%dma_wait3A_275, %dma_wait3A_276] : memref<10240x128xf32, #tpu.memory_space<hbm>> -> memref<10240x128xf32, #tpu.memory_space<hbm>>
      tpu.wait_indirect_dma semaphore(%arg11 : memref<!tpu.dma_semaphore, #tpu.memory_space<semaphore_mem>>) src(%dma_wait3A_277 : memref<10240x128xf32, #tpu.memory_space<hbm>>) dst(%dma_wait3A_271 : memref<64x128xf32, #tpu.memory_space<vmem>>)
      %add3A_278 = arith.constant 1 : i32
      %add3A_279 = arith.addi %mul3A_244, %add3A_278 : i32
      %run_scoped3A_280 = arith.constant 1 : i32
      "tpu.region"() ({
        %run_scoped3A_341 = tpu.sem_alloc : memref<!tpu.dma_semaphore, #tpu.memory_space<semaphore_mem>>
        %dma_start3A_342 = arith.constant 0 : i32
        %dma_start3A_343 = arith.constant 0 : i32
        %dma_start3A_344 = tpu.memref_slice %arg8[%run_scoped3A_280, %dma_start3A_342, %dma_start3A_343] : memref<4x64x128xf32, #tpu.memory_space<vmem>> -> memref<1x64x128xf32, #tpu.memory_space<vmem>>
        %dma_start3A_345 = tpu.memref_squeeze %dma_start3A_344 : memref<1x64x128xf32, #tpu.memory_space<vmem>> -> memref<64x128xf32, #tpu.memory_space<vmem>>
        %dma_start3A_346 = arith.constant 0 : i32
        %dma_start3A_347 = tpu.memref_slice %arg7[%add3A_279, %dma_start3A_346] : memref<40x64xi32, #tpu.memory_space<vmem>> -> memref<1x64xi32, #tpu.memory_space<vmem>>
        %dma_start3A_348 = tpu.memref_squeeze %dma_start3A_347 : memref<1x64xi32, #tpu.memory_space<vmem>> -> memref<64xi32, #tpu.memory_space<vmem>>
        %dma_start3A_349 = arith.constant 0 : i32
        %dma_start3A_350 = arith.constant 0 : i32
        %dma_start3A_351 = tpu.memref_slice %arg9[%dma_start3A_349, %dma_start3A_350] : memref<10240x128xf32, #tpu.memory_space<vmem_shared>> -> memref<10240x128xf32, #tpu.memory_space<vmem_shared>>
        tpu.enqueue_indirect_dma source(%dma_start3A_345 : memref<64x128xf32, #tpu.memory_space<vmem>>) target(%dma_start3A_351 : memref<10240x128xf32, #tpu.memory_space<vmem_shared>>) offsets(%dma_start3A_348 : memref<64xi32, #tpu.memory_space<vmem>>) semaphore(%run_scoped3A_341 : memref<!tpu.dma_semaphore, #tpu.memory_space<semaphore_mem>>) {add = true}
        %dma_wait3A_352 = arith.constant 0 : i32
        %dma_wait3A_353 = arith.constant 0 : i32
        %dma_wait3A_354 = tpu.memref_slice %arg8[%run_scoped3A_280, %dma_wait3A_352, %dma_wait3A_353] : memref<4x64x128xf32, #tpu.memory_space<vmem>> -> memref<1x64x128xf32, #tpu.memory_space<vmem>>
        %dma_wait3A_355 = tpu.memref_squeeze %dma_wait3A_354 : memref<1x64x128xf32, #tpu.memory_space<vmem>> -> memref<64x128xf32, #tpu.memory_space<vmem>>
        %dma_wait3A_356 = arith.constant 0 : i32
        %dma_wait3A_357 = tpu.memref_slice %arg7[%add3A_279, %dma_wait3A_356] : memref<40x64xi32, #tpu.memory_space<vmem>> -> memref<1x64xi32, #tpu.memory_space<vmem>>
        %dma_wait3A_358 = tpu.memref_squeeze %dma_wait3A_357 : memref<1x64xi32, #tpu.memory_space<vmem>> -> memref<64xi32, #tpu.memory_space<vmem>>
        %dma_wait3A_359 = arith.constant 0 : i32
        %dma_wait3A_360 = arith.constant 0 : i32
        %dma_wait3A_361 = tpu.memref_slice %arg9[%dma_wait3A_359, %dma_wait3A_360] : memref<10240x128xf32, #tpu.memory_space<vmem_shared>> -> memref<10240x128xf32, #tpu.memory_space<vmem_shared>>
        tpu.wait_indirect_dma semaphore(%run_scoped3A_341 : memref<!tpu.dma_semaphore, #tpu.memory_space<semaphore_mem>>) src(%dma_wait3A_355 : memref<64x128xf32, #tpu.memory_space<vmem>>) dst(%dma_wait3A_361 : memref<10240x128xf32, #tpu.memory_space<vmem_shared>>)
        tpu.yield
      }) : () -> ()
      %add3A_281 = arith.constant 1 : i32
      %add3A_282 = arith.addi %mul3A_244, %add3A_281 : i32
      %add3A_283 = arith.constant 4 : i32
      %add3A_284 = arith.addi %add3A_282, %add3A_283 : i32
      %lt3A_285 = arith.constant 40 : i32
      %lt3A_286 = arith.cmpi slt, %add3A_284, %lt3A_285 : i32
      %convert_element_type3A_287 = arith.extui %lt3A_286 : i1 to i32
      %cond3A_288 = arith.constant 0 : i32
      %cond3A_289 = arith.cmpi ne, %convert_element_type3A_287, %cond3A_288 : i32
      scf.if %cond3A_289 {
        %add3A_341 = arith.constant 1 : i32
        %add3A_342 = arith.addi %mul3A_244, %add3A_341 : i32
        %add3A_343 = arith.constant 4 : i32
        %add3A_344 = arith.addi %add3A_342, %add3A_343 : i32
        %dma_start3A_345 = arith.constant 1 : i32
        %dma_start3A_346 = arith.constant 0 : i32
        %dma_start3A_347 = arith.constant 0 : i32
        %dma_start3A_348 = tpu.memref_slice %arg8[%dma_start3A_345, %dma_start3A_346, %dma_start3A_347] : memref<4x64x128xf32, #tpu.memory_space<vmem>> -> memref<1x64x128xf32, #tpu.memory_space<vmem>>
        %dma_start3A_349 = tpu.memref_squeeze %dma_start3A_348 : memref<1x64x128xf32, #tpu.memory_space<vmem>> -> memref<64x128xf32, #tpu.memory_space<vmem>>
        %dma_start3A_350 = arith.constant 0 : i32
        %dma_start3A_351 = tpu.memref_slice %arg6[%add3A_344, %dma_start3A_350] : memref<40x64xi32, #tpu.memory_space<vmem>> -> memref<1x64xi32, #tpu.memory_space<vmem>>
        %dma_start3A_352 = tpu.memref_squeeze %dma_start3A_351 : memref<1x64xi32, #tpu.memory_space<vmem>> -> memref<64xi32, #tpu.memory_space<vmem>>
        %dma_start3A_353 = arith.constant 0 : i32
        %dma_start3A_354 = arith.constant 0 : i32
        %dma_start3A_355 = tpu.memref_slice %arg2[%dma_start3A_353, %dma_start3A_354] : memref<10240x128xf32, #tpu.memory_space<hbm>> -> memref<10240x128xf32, #tpu.memory_space<hbm>>
        tpu.enqueue_indirect_dma source(%dma_start3A_355 : memref<10240x128xf32, #tpu.memory_space<hbm>>) target(%dma_start3A_349 : memref<64x128xf32, #tpu.memory_space<vmem>>) offsets(%dma_start3A_352 : memref<64xi32, #tpu.memory_space<vmem>>) semaphore(%arg11 : memref<!tpu.dma_semaphore, #tpu.memory_space<semaphore_mem>>)
      } else {
      }
      %add3A_290 = arith.constant 2 : i32
      %add3A_291 = arith.addi %mul3A_244, %add3A_290 : i32
      %dma_wait3A_292 = arith.constant 2 : i32
      %dma_wait3A_293 = arith.constant 0 : i32
      %dma_wait3A_294 = arith.constant 0 : i32
      %dma_wait3A_295 = tpu.memref_slice %arg8[%dma_wait3A_292, %dma_wait3A_293, %dma_wait3A_294] : memref<4x64x128xf32, #tpu.memory_space<vmem>> -> memref<1x64x128xf32, #tpu.memory_space<vmem>>
      %dma_wait3A_296 = tpu.memref_squeeze %dma_wait3A_295 : memref<1x64x128xf32, #tpu.memory_space<vmem>> -> memref<64x128xf32, #tpu.memory_space<vmem>>
      %dma_wait3A_297 = arith.constant 0 : i32
      %dma_wait3A_298 = tpu.memref_slice %arg6[%add3A_291, %dma_wait3A_297] : memref<40x64xi32, #tpu.memory_space<vmem>> -> memref<1x64xi32, #tpu.memory_space<vmem>>
      %dma_wait3A_299 = tpu.memref_squeeze %dma_wait3A_298 : memref<1x64xi32, #tpu.memory_space<vmem>> -> memref<64xi32, #tpu.memory_space<vmem>>
      %dma_wait3A_300 = arith.constant 0 : i32
      %dma_wait3A_301 = arith.constant 0 : i32
      %dma_wait3A_302 = tpu.memref_slice %arg2[%dma_wait3A_300, %dma_wait3A_301] : memref<10240x128xf32, #tpu.memory_space<hbm>> -> memref<10240x128xf32, #tpu.memory_space<hbm>>
      tpu.wait_indirect_dma semaphore(%arg12 : memref<!tpu.dma_semaphore, #tpu.memory_space<semaphore_mem>>) src(%dma_wait3A_302 : memref<10240x128xf32, #tpu.memory_space<hbm>>) dst(%dma_wait3A_296 : memref<64x128xf32, #tpu.memory_space<vmem>>)
      %add3A_303 = arith.constant 2 : i32
      %add3A_304 = arith.addi %mul3A_244, %add3A_303 : i32
      %run_scoped3A_305 = arith.constant 2 : i32
      "tpu.region"() ({
        %run_scoped3A_341 = tpu.sem_alloc : memref<!tpu.dma_semaphore, #tpu.memory_space<semaphore_mem>>
        %dma_start3A_342 = arith.constant 0 : i32
        %dma_start3A_343 = arith.constant 0 : i32
        %dma_start3A_344 = tpu.memref_slice %arg8[%run_scoped3A_305, %dma_start3A_342, %dma_start3A_343] : memref<4x64x128xf32, #tpu.memory_space<vmem>> -> memref<1x64x128xf32, #tpu.memory_space<vmem>>
        %dma_start3A_345 = tpu.memref_squeeze %dma_start3A_344 : memref<1x64x128xf32, #tpu.memory_space<vmem>> -> memref<64x128xf32, #tpu.memory_space<vmem>>
        %dma_start3A_346 = arith.constant 0 : i32
        %dma_start3A_347 = tpu.memref_slice %arg7[%add3A_304, %dma_start3A_346] : memref<40x64xi32, #tpu.memory_space<vmem>> -> memref<1x64xi32, #tpu.memory_space<vmem>>
        %dma_start3A_348 = tpu.memref_squeeze %dma_start3A_347 : memref<1x64xi32, #tpu.memory_space<vmem>> -> memref<64xi32, #tpu.memory_space<vmem>>
        %dma_start3A_349 = arith.constant 0 : i32
        %dma_start3A_350 = arith.constant 0 : i32
        %dma_start3A_351 = tpu.memref_slice %arg9[%dma_start3A_349, %dma_start3A_350] : memref<10240x128xf32, #tpu.memory_space<vmem_shared>> -> memref<10240x128xf32, #tpu.memory_space<vmem_shared>>
        tpu.enqueue_indirect_dma source(%dma_start3A_345 : memref<64x128xf32, #tpu.memory_space<vmem>>) target(%dma_start3A_351 : memref<10240x128xf32, #tpu.memory_space<vmem_shared>>) offsets(%dma_start3A_348 : memref<64xi32, #tpu.memory_space<vmem>>) semaphore(%run_scoped3A_341 : memref<!tpu.dma_semaphore, #tpu.memory_space<semaphore_mem>>) {add = true}
        %dma_wait3A_352 = arith.constant 0 : i32
        %dma_wait3A_353 = arith.constant 0 : i32
        %dma_wait3A_354 = tpu.memref_slice %arg8[%run_scoped3A_305, %dma_wait3A_352, %dma_wait3A_353] : memref<4x64x128xf32, #tpu.memory_space<vmem>> -> memref<1x64x128xf32, #tpu.memory_space<vmem>>
        %dma_wait3A_355 = tpu.memref_squeeze %dma_wait3A_354 : memref<1x64x128xf32, #tpu.memory_space<vmem>> -> memref<64x128xf32, #tpu.memory_space<vmem>>
        %dma_wait3A_356 = arith.constant 0 : i32
        %dma_wait3A_357 = tpu.memref_slice %arg7[%add3A_304, %dma_wait3A_356] : memref<40x64xi32, #tpu.memory_space<vmem>> -> memref<1x64xi32, #tpu.memory_space<vmem>>
        %dma_wait3A_358 = tpu.memref_squeeze %dma_wait3A_357 : memref<1x64xi32, #tpu.memory_space<vmem>> -> memref<64xi32, #tpu.memory_space<vmem>>
        %dma_wait3A_359 = arith.constant 0 : i32
        %dma_wait3A_360 = arith.constant 0 : i32
        %dma_wait3A_361 = tpu.memref_slice %arg9[%dma_wait3A_359, %dma_wait3A_360] : memref<10240x128xf32, #tpu.memory_space<vmem_shared>> -> memref<10240x128xf32, #tpu.memory_space<vmem_shared>>
        tpu.wait_indirect_dma semaphore(%run_scoped3A_341 : memref<!tpu.dma_semaphore, #tpu.memory_space<semaphore_mem>>) src(%dma_wait3A_355 : memref<64x128xf32, #tpu.memory_space<vmem>>) dst(%dma_wait3A_361 : memref<10240x128xf32, #tpu.memory_space<vmem_shared>>)
        tpu.yield
      }) : () -> ()
      %add3A_306 = arith.constant 2 : i32
      %add3A_307 = arith.addi %mul3A_244, %add3A_306 : i32
      %add3A_308 = arith.constant 4 : i32
      %add3A_309 = arith.addi %add3A_307, %add3A_308 : i32
      %lt3A_310 = arith.constant 40 : i32
      %lt3A_311 = arith.cmpi slt, %add3A_309, %lt3A_310 : i32
      %convert_element_type3A_312 = arith.extui %lt3A_311 : i1 to i32
      %cond3A_313 = arith.constant 0 : i32
      %cond3A_314 = arith.cmpi ne, %convert_element_type3A_312, %cond3A_313 : i32
      scf.if %cond3A_314 {
        %add3A_341 = arith.constant 2 : i32
        %add3A_342 = arith.addi %mul3A_244, %add3A_341 : i32
        %add3A_343 = arith.constant 4 : i32
        %add3A_344 = arith.addi %add3A_342, %add3A_343 : i32
        %dma_start3A_345 = arith.constant 2 : i32
        %dma_start3A_346 = arith.constant 0 : i32
        %dma_start3A_347 = arith.constant 0 : i32
        %dma_start3A_348 = tpu.memref_slice %arg8[%dma_start3A_345, %dma_start3A_346, %dma_start3A_347] : memref<4x64x128xf32, #tpu.memory_space<vmem>> -> memref<1x64x128xf32, #tpu.memory_space<vmem>>
        %dma_start3A_349 = tpu.memref_squeeze %dma_start3A_348 : memref<1x64x128xf32, #tpu.memory_space<vmem>> -> memref<64x128xf32, #tpu.memory_space<vmem>>
        %dma_start3A_350 = arith.constant 0 : i32
        %dma_start3A_351 = tpu.memref_slice %arg6[%add3A_344, %dma_start3A_350] : memref<40x64xi32, #tpu.memory_space<vmem>> -> memref<1x64xi32, #tpu.memory_space<vmem>>
        %dma_start3A_352 = tpu.memref_squeeze %dma_start3A_351 : memref<1x64xi32, #tpu.memory_space<vmem>> -> memref<64xi32, #tpu.memory_space<vmem>>
        %dma_start3A_353 = arith.constant 0 : i32
        %dma_start3A_354 = arith.constant 0 : i32
        %dma_start3A_355 = tpu.memref_slice %arg2[%dma_start3A_353, %dma_start3A_354] : memref<10240x128xf32, #tpu.memory_space<hbm>> -> memref<10240x128xf32, #tpu.memory_space<hbm>>
        tpu.enqueue_indirect_dma source(%dma_start3A_355 : memref<10240x128xf32, #tpu.memory_space<hbm>>) target(%dma_start3A_349 : memref<64x128xf32, #tpu.memory_space<vmem>>) offsets(%dma_start3A_352 : memref<64xi32, #tpu.memory_space<vmem>>) semaphore(%arg12 : memref<!tpu.dma_semaphore, #tpu.memory_space<semaphore_mem>>)
      } else {
      }
      %add3A_315 = arith.constant 3 : i32
      %add3A_316 = arith.addi %mul3A_244, %add3A_315 : i32
      %dma_wait3A_317 = arith.constant 3 : i32
      %dma_wait3A_318 = arith.constant 0 : i32
      %dma_wait3A_319 = arith.constant 0 : i32
      %dma_wait3A_320 = tpu.memref_slice %arg8[%dma_wait3A_317, %dma_wait3A_318, %dma_wait3A_319] : memref<4x64x128xf32, #tpu.memory_space<vmem>> -> memref<1x64x128xf32, #tpu.memory_space<vmem>>
      %dma_wait3A_321 = tpu.memref_squeeze %dma_wait3A_320 : memref<1x64x128xf32, #tpu.memory_space<vmem>> -> memref<64x128xf32, #tpu.memory_space<vmem>>
      %dma_wait3A_322 = arith.constant 0 : i32
      %dma_wait3A_323 = tpu.memref_slice %arg6[%add3A_316, %dma_wait3A_322] : memref<40x64xi32, #tpu.memory_space<vmem>> -> memref<1x64xi32, #tpu.memory_space<vmem>>
      %dma_wait3A_324 = tpu.memref_squeeze %dma_wait3A_323 : memref<1x64xi32, #tpu.memory_space<vmem>> -> memref<64xi32, #tpu.memory_space<vmem>>
      %dma_wait3A_325 = arith.constant 0 : i32
      %dma_wait3A_326 = arith.constant 0 : i32
      %dma_wait3A_327 = tpu.memref_slice %arg2[%dma_wait3A_325, %dma_wait3A_326] : memref<10240x128xf32, #tpu.memory_space<hbm>> -> memref<10240x128xf32, #tpu.memory_space<hbm>>
      tpu.wait_indirect_dma semaphore(%arg13 : memref<!tpu.dma_semaphore, #tpu.memory_space<semaphore_mem>>) src(%dma_wait3A_327 : memref<10240x128xf32, #tpu.memory_space<hbm>>) dst(%dma_wait3A_321 : memref<64x128xf32, #tpu.memory_space<vmem>>)
      %add3A_328 = arith.constant 3 : i32
      %add3A_329 = arith.addi %mul3A_244, %add3A_328 : i32
      %run_scoped3A_330 = arith.constant 3 : i32
      "tpu.region"() ({
        %run_scoped3A_341 = tpu.sem_alloc : memref<!tpu.dma_semaphore, #tpu.memory_space<semaphore_mem>>
        %dma_start3A_342 = arith.constant 0 : i32
        %dma_start3A_343 = arith.constant 0 : i32
        %dma_start3A_344 = tpu.memref_slice %arg8[%run_scoped3A_330, %dma_start3A_342, %dma_start3A_343] : memref<4x64x128xf32, #tpu.memory_space<vmem>> -> memref<1x64x128xf32, #tpu.memory_space<vmem>>
        %dma_start3A_345 = tpu.memref_squeeze %dma_start3A_344 : memref<1x64x128xf32, #tpu.memory_space<vmem>> -> memref<64x128xf32, #tpu.memory_space<vmem>>
        %dma_start3A_346 = arith.constant 0 : i32
        %dma_start3A_347 = tpu.memref_slice %arg7[%add3A_329, %dma_start3A_346] : memref<40x64xi32, #tpu.memory_space<vmem>> -> memref<1x64xi32, #tpu.memory_space<vmem>>
        %dma_start3A_348 = tpu.memref_squeeze %dma_start3A_347 : memref<1x64xi32, #tpu.memory_space<vmem>> -> memref<64xi32, #tpu.memory_space<vmem>>
        %dma_start3A_349 = arith.constant 0 : i32
        %dma_start3A_350 = arith.constant 0 : i32
        %dma_start3A_351 = tpu.memref_slice %arg9[%dma_start3A_349, %dma_start3A_350] : memref<10240x128xf32, #tpu.memory_space<vmem_shared>> -> memref<10240x128xf32, #tpu.memory_space<vmem_shared>>
        tpu.enqueue_indirect_dma source(%dma_start3A_345 : memref<64x128xf32, #tpu.memory_space<vmem>>) target(%dma_start3A_351 : memref<10240x128xf32, #tpu.memory_space<vmem_shared>>) offsets(%dma_start3A_348 : memref<64xi32, #tpu.memory_space<vmem>>) semaphore(%run_scoped3A_341 : memref<!tpu.dma_semaphore, #tpu.memory_space<semaphore_mem>>) {add = true}
        %dma_wait3A_352 = arith.constant 0 : i32
        %dma_wait3A_353 = arith.constant 0 : i32
        %dma_wait3A_354 = tpu.memref_slice %arg8[%run_scoped3A_330, %dma_wait3A_352, %dma_wait3A_353] : memref<4x64x128xf32, #tpu.memory_space<vmem>> -> memref<1x64x128xf32, #tpu.memory_space<vmem>>
        %dma_wait3A_355 = tpu.memref_squeeze %dma_wait3A_354 : memref<1x64x128xf32, #tpu.memory_space<vmem>> -> memref<64x128xf32, #tpu.memory_space<vmem>>
        %dma_wait3A_356 = arith.constant 0 : i32
        %dma_wait3A_357 = tpu.memref_slice %arg7[%add3A_329, %dma_wait3A_356] : memref<40x64xi32, #tpu.memory_space<vmem>> -> memref<1x64xi32, #tpu.memory_space<vmem>>
        %dma_wait3A_358 = tpu.memref_squeeze %dma_wait3A_357 : memref<1x64xi32, #tpu.memory_space<vmem>> -> memref<64xi32, #tpu.memory_space<vmem>>
        %dma_wait3A_359 = arith.constant 0 : i32
        %dma_wait3A_360 = arith.constant 0 : i32
        %dma_wait3A_361 = tpu.memref_slice %arg9[%dma_wait3A_359, %dma_wait3A_360] : memref<10240x128xf32, #tpu.memory_space<vmem_shared>> -> memref<10240x128xf32, #tpu.memory_space<vmem_shared>>
        tpu.wait_indirect_dma semaphore(%run_scoped3A_341 : memref<!tpu.dma_semaphore, #tpu.memory_space<semaphore_mem>>) src(%dma_wait3A_355 : memref<64x128xf32, #tpu.memory_space<vmem>>) dst(%dma_wait3A_361 : memref<10240x128xf32, #tpu.memory_space<vmem_shared>>)
        tpu.yield
      }) : () -> ()
      %add3A_331 = arith.constant 3 : i32
      %add3A_332 = arith.addi %mul3A_244, %add3A_331 : i32
      %add3A_333 = arith.constant 4 : i32
      %add3A_334 = arith.addi %add3A_332, %add3A_333 : i32
      %lt3A_335 = arith.constant 40 : i32
      %lt3A_336 = arith.cmpi slt, %add3A_334, %lt3A_335 : i32
      %convert_element_type3A_337 = arith.extui %lt3A_336 : i1 to i32
      %cond3A_338 = arith.constant 0 : i32
      %cond3A_339 = arith.cmpi ne, %convert_element_type3A_337, %cond3A_338 : i32
      scf.if %cond3A_339 {
        %add3A_341 = arith.constant 3 : i32
        %add3A_342 = arith.addi %mul3A_244, %add3A_341 : i32
        %add3A_343 = arith.constant 4 : i32
        %add3A_344 = arith.addi %add3A_342, %add3A_343 : i32
        %dma_start3A_345 = arith.constant 3 : i32
        %dma_start3A_346 = arith.constant 0 : i32
        %dma_start3A_347 = arith.constant 0 : i32
        %dma_start3A_348 = tpu.memref_slice %arg8[%dma_start3A_345, %dma_start3A_346, %dma_start3A_347] : memref<4x64x128xf32, #tpu.memory_space<vmem>> -> memref<1x64x128xf32, #tpu.memory_space<vmem>>
        %dma_start3A_349 = tpu.memref_squeeze %dma_start3A_348 : memref<1x64x128xf32, #tpu.memory_space<vmem>> -> memref<64x128xf32, #tpu.memory_space<vmem>>
        %dma_start3A_350 = arith.constant 0 : i32
        %dma_start3A_351 = tpu.memref_slice %arg6[%add3A_344, %dma_start3A_350] : memref<40x64xi32, #tpu.memory_space<vmem>> -> memref<1x64xi32, #tpu.memory_space<vmem>>
        %dma_start3A_352 = tpu.memref_squeeze %dma_start3A_351 : memref<1x64xi32, #tpu.memory_space<vmem>> -> memref<64xi32, #tpu.memory_space<vmem>>
        %dma_start3A_353 = arith.constant 0 : i32
        %dma_start3A_354 = arith.constant 0 : i32
        %dma_start3A_355 = tpu.memref_slice %arg2[%dma_start3A_353, %dma_start3A_354] : memref<10240x128xf32, #tpu.memory_space<hbm>> -> memref<10240x128xf32, #tpu.memory_space<hbm>>
        tpu.enqueue_indirect_dma source(%dma_start3A_355 : memref<10240x128xf32, #tpu.memory_space<hbm>>) target(%dma_start3A_349 : memref<64x128xf32, #tpu.memory_space<vmem>>) offsets(%dma_start3A_352 : memref<64xi32, #tpu.memory_space<vmem>>) semaphore(%arg13 : memref<!tpu.dma_semaphore, #tpu.memory_space<semaphore_mem>>)
      } else {
      }
      %scan3A_340 = arith.constant 0 : i32
      scf.yield %scan3A_340 : i32
    }
    %scan3A_67 = arith.constant 10 : i32
    "tpu.region"() ({
      %run_scoped3A = tpu.sem_alloc : memref<!tpu.dma_semaphore, #tpu.memory_space<semaphore_mem>>
      %dma_start3A_241 = arith.constant 40 : i32
      %dma_start3A_242 = arith.constant 0 : i32
      %dma_start3A_243 = tpu.memref_slice %arg3[%add3A, %dma_start3A_241, %dma_start3A_242] : memref<32x160x64xi32, #tpu.memory_space<hbm>> -> memref<1x40x64xi32, #tpu.memory_space<hbm>>
      %dma_start3A_244 = tpu.memref_squeeze %dma_start3A_243 : memref<1x40x64xi32, #tpu.memory_space<hbm>> -> memref<40x64xi32, #tpu.memory_space<hbm>>
      %dma_start3A_245 = arith.constant 40 : i32
      %dma_start3A_246 = arith.constant 0 : i32
      %dma_start3A_247 = tpu.memref_slice %arg3[%add3A, %dma_start3A_245, %dma_start3A_246] : memref<32x160x64xi32, #tpu.memory_space<hbm>> -> memref<1x40x64xi32, #tpu.memory_space<hbm>>
      %dma_start3A_248 = tpu.memref_squeeze %dma_start3A_247 : memref<1x40x64xi32, #tpu.memory_space<hbm>> -> memref<40x64xi32, #tpu.memory_space<hbm>>
      tpu.enqueue_dma source(%dma_start3A_248 : memref<40x64xi32, #tpu.memory_space<hbm>>) target(%arg6 : memref<40x64xi32, #tpu.memory_space<vmem>>) target_semaphore(%run_scoped3A : memref<!tpu.dma_semaphore, #tpu.memory_space<semaphore_mem>>)
      %dma_wait3A = arith.constant 40 : i32
      %dma_wait3A_249 = arith.constant 0 : i32
      %dma_wait3A_250 = tpu.memref_slice %arg3[%add3A, %dma_wait3A, %dma_wait3A_249] : memref<32x160x64xi32, #tpu.memory_space<hbm>> -> memref<1x40x64xi32, #tpu.memory_space<hbm>>
      %dma_wait3A_251 = tpu.memref_squeeze %dma_wait3A_250 : memref<1x40x64xi32, #tpu.memory_space<hbm>> -> memref<40x64xi32, #tpu.memory_space<hbm>>
      %dma_wait3A_252 = arith.constant 40 : i32
      %dma_wait3A_253 = arith.constant 0 : i32
      %dma_wait3A_254 = tpu.memref_slice %arg3[%add3A, %dma_wait3A_252, %dma_wait3A_253] : memref<32x160x64xi32, #tpu.memory_space<hbm>> -> memref<1x40x64xi32, #tpu.memory_space<hbm>>
      %dma_wait3A_255 = tpu.memref_squeeze %dma_wait3A_254 : memref<1x40x64xi32, #tpu.memory_space<hbm>> -> memref<40x64xi32, #tpu.memory_space<hbm>>
      tpu.wait_dma2 semaphore(%run_scoped3A : memref<!tpu.dma_semaphore, #tpu.memory_space<semaphore_mem>>) src(%dma_wait3A_255 : memref<40x64xi32, #tpu.memory_space<hbm>>) dst(%arg6 : memref<40x64xi32, #tpu.memory_space<vmem>>)
      tpu.yield
    }) : () -> ()
    "tpu.region"() ({
      %run_scoped3A = tpu.sem_alloc : memref<!tpu.dma_semaphore, #tpu.memory_space<semaphore_mem>>
      %dma_start3A_241 = arith.constant 40 : i32
      %dma_start3A_242 = arith.constant 0 : i32
      %dma_start3A_243 = tpu.memref_slice %arg4[%add3A, %dma_start3A_241, %dma_start3A_242] : memref<32x160x64xi32, #tpu.memory_space<hbm>> -> memref<1x40x64xi32, #tpu.memory_space<hbm>>
      %dma_start3A_244 = tpu.memref_squeeze %dma_start3A_243 : memref<1x40x64xi32, #tpu.memory_space<hbm>> -> memref<40x64xi32, #tpu.memory_space<hbm>>
      %dma_start3A_245 = arith.constant 40 : i32
      %dma_start3A_246 = arith.constant 0 : i32
      %dma_start3A_247 = tpu.memref_slice %arg4[%add3A, %dma_start3A_245, %dma_start3A_246] : memref<32x160x64xi32, #tpu.memory_space<hbm>> -> memref<1x40x64xi32, #tpu.memory_space<hbm>>
      %dma_start3A_248 = tpu.memref_squeeze %dma_start3A_247 : memref<1x40x64xi32, #tpu.memory_space<hbm>> -> memref<40x64xi32, #tpu.memory_space<hbm>>
      tpu.enqueue_dma source(%dma_start3A_248 : memref<40x64xi32, #tpu.memory_space<hbm>>) target(%arg7 : memref<40x64xi32, #tpu.memory_space<vmem>>) target_semaphore(%run_scoped3A : memref<!tpu.dma_semaphore, #tpu.memory_space<semaphore_mem>>)
      %dma_wait3A = arith.constant 40 : i32
      %dma_wait3A_249 = arith.constant 0 : i32
      %dma_wait3A_250 = tpu.memref_slice %arg4[%add3A, %dma_wait3A, %dma_wait3A_249] : memref<32x160x64xi32, #tpu.memory_space<hbm>> -> memref<1x40x64xi32, #tpu.memory_space<hbm>>
      %dma_wait3A_251 = tpu.memref_squeeze %dma_wait3A_250 : memref<1x40x64xi32, #tpu.memory_space<hbm>> -> memref<40x64xi32, #tpu.memory_space<hbm>>
      %dma_wait3A_252 = arith.constant 40 : i32
      %dma_wait3A_253 = arith.constant 0 : i32
      %dma_wait3A_254 = tpu.memref_slice %arg4[%add3A, %dma_wait3A_252, %dma_wait3A_253] : memref<32x160x64xi32, #tpu.memory_space<hbm>> -> memref<1x40x64xi32, #tpu.memory_space<hbm>>
      %dma_wait3A_255 = tpu.memref_squeeze %dma_wait3A_254 : memref<1x40x64xi32, #tpu.memory_space<hbm>> -> memref<40x64xi32, #tpu.memory_space<hbm>>
      tpu.wait_dma2 semaphore(%run_scoped3A : memref<!tpu.dma_semaphore, #tpu.memory_space<semaphore_mem>>) src(%dma_wait3A_255 : memref<40x64xi32, #tpu.memory_space<hbm>>) dst(%arg7 : memref<40x64xi32, #tpu.memory_space<vmem>>)
      tpu.yield
    }) : () -> ()
    %dma_start3A_68 = arith.constant 0 : i32
    %dma_start3A_69 = arith.constant 0 : i32
    %dma_start3A_70 = arith.constant 0 : i32
    %dma_start3A_71 = arith.constant 0 : i32
    %dma_start3A_72 = tpu.memref_slice %arg8[%dma_start3A_69, %dma_start3A_70, %dma_start3A_71] : memref<4x64x128xf32, #tpu.memory_space<vmem>> -> memref<1x64x128xf32, #tpu.memory_space<vmem>>
    %dma_start3A_73 = tpu.memref_squeeze %dma_start3A_72 : memref<1x64x128xf32, #tpu.memory_space<vmem>> -> memref<64x128xf32, #tpu.memory_space<vmem>>
    %dma_start3A_74 = arith.constant 0 : i32
    %dma_start3A_75 = tpu.memref_slice %arg6[%dma_start3A_68, %dma_start3A_74] : memref<40x64xi32, #tpu.memory_space<vmem>> -> memref<1x64xi32, #tpu.memory_space<vmem>>
    %dma_start3A_76 = tpu.memref_squeeze %dma_start3A_75 : memref<1x64xi32, #tpu.memory_space<vmem>> -> memref<64xi32, #tpu.memory_space<vmem>>
    %dma_start3A_77 = arith.constant 0 : i32
    %dma_start3A_78 = arith.constant 0 : i32
    %dma_start3A_79 = tpu.memref_slice %arg2[%dma_start3A_77, %dma_start3A_78] : memref<10240x128xf32, #tpu.memory_space<hbm>> -> memref<10240x128xf32, #tpu.memory_space<hbm>>
    tpu.enqueue_indirect_dma source(%dma_start3A_79 : memref<10240x128xf32, #tpu.memory_space<hbm>>) target(%dma_start3A_73 : memref<64x128xf32, #tpu.memory_space<vmem>>) offsets(%dma_start3A_76 : memref<64xi32, #tpu.memory_space<vmem>>) semaphore(%arg10 : memref<!tpu.dma_semaphore, #tpu.memory_space<semaphore_mem>>)
    %dma_start3A_80 = arith.constant 1 : i32
    %dma_start3A_81 = arith.constant 1 : i32
    %dma_start3A_82 = arith.constant 0 : i32
    %dma_start3A_83 = arith.constant 0 : i32
    %dma_start3A_84 = tpu.memref_slice %arg8[%dma_start3A_81, %dma_start3A_82, %dma_start3A_83] : memref<4x64x128xf32, #tpu.memory_space<vmem>> -> memref<1x64x128xf32, #tpu.memory_space<vmem>>
    %dma_start3A_85 = tpu.memref_squeeze %dma_start3A_84 : memref<1x64x128xf32, #tpu.memory_space<vmem>> -> memref<64x128xf32, #tpu.memory_space<vmem>>
    %dma_start3A_86 = arith.constant 0 : i32
    %dma_start3A_87 = tpu.memref_slice %arg6[%dma_start3A_80, %dma_start3A_86] : memref<40x64xi32, #tpu.memory_space<vmem>> -> memref<1x64xi32, #tpu.memory_space<vmem>>
    %dma_start3A_88 = tpu.memref_squeeze %dma_start3A_87 : memref<1x64xi32, #tpu.memory_space<vmem>> -> memref<64xi32, #tpu.memory_space<vmem>>
    %dma_start3A_89 = arith.constant 0 : i32
    %dma_start3A_90 = arith.constant 0 : i32
    %dma_start3A_91 = tpu.memref_slice %arg2[%dma_start3A_89, %dma_start3A_90] : memref<10240x128xf32, #tpu.memory_space<hbm>> -> memref<10240x128xf32, #tpu.memory_space<hbm>>
    tpu.enqueue_indirect_dma source(%dma_start3A_91 : memref<10240x128xf32, #tpu.memory_space<hbm>>) target(%dma_start3A_85 : memref<64x128xf32, #tpu.memory_space<vmem>>) offsets(%dma_start3A_88 : memref<64xi32, #tpu.memory_space<vmem>>) semaphore(%arg11 : memref<!tpu.dma_semaphore, #tpu.memory_space<semaphore_mem>>)
    %dma_start3A_92 = arith.constant 2 : i32
    %dma_start3A_93 = arith.constant 2 : i32
    %dma_start3A_94 = arith.constant 0 : i32
    %dma_start3A_95 = arith.constant 0 : i32
    %dma_start3A_96 = tpu.memref_slice %arg8[%dma_start3A_93, %dma_start3A_94, %dma_start3A_95] : memref<4x64x128xf32, #tpu.memory_space<vmem>> -> memref<1x64x128xf32, #tpu.memory_space<vmem>>
    %dma_start3A_97 = tpu.memref_squeeze %dma_start3A_96 : memref<1x64x128xf32, #tpu.memory_space<vmem>> -> memref<64x128xf32, #tpu.memory_space<vmem>>
    %dma_start3A_98 = arith.constant 0 : i32
    %dma_start3A_99 = tpu.memref_slice %arg6[%dma_start3A_92, %dma_start3A_98] : memref<40x64xi32, #tpu.memory_space<vmem>> -> memref<1x64xi32, #tpu.memory_space<vmem>>
    %dma_start3A_100 = tpu.memref_squeeze %dma_start3A_99 : memref<1x64xi32, #tpu.memory_space<vmem>> -> memref<64xi32, #tpu.memory_space<vmem>>
    %dma_start3A_101 = arith.constant 0 : i32
    %dma_start3A_102 = arith.constant 0 : i32
    %dma_start3A_103 = tpu.memref_slice %arg2[%dma_start3A_101, %dma_start3A_102] : memref<10240x128xf32, #tpu.memory_space<hbm>> -> memref<10240x128xf32, #tpu.memory_space<hbm>>
    tpu.enqueue_indirect_dma source(%dma_start3A_103 : memref<10240x128xf32, #tpu.memory_space<hbm>>) target(%dma_start3A_97 : memref<64x128xf32, #tpu.memory_space<vmem>>) offsets(%dma_start3A_100 : memref<64xi32, #tpu.memory_space<vmem>>) semaphore(%arg12 : memref<!tpu.dma_semaphore, #tpu.memory_space<semaphore_mem>>)
    %dma_start3A_104 = arith.constant 3 : i32
    %dma_start3A_105 = arith.constant 3 : i32
    %dma_start3A_106 = arith.constant 0 : i32
    %dma_start3A_107 = arith.constant 0 : i32
    %dma_start3A_108 = tpu.memref_slice %arg8[%dma_start3A_105, %dma_start3A_106, %dma_start3A_107] : memref<4x64x128xf32, #tpu.memory_space<vmem>> -> memref<1x64x128xf32, #tpu.memory_space<vmem>>
    %dma_start3A_109 = tpu.memref_squeeze %dma_start3A_108 : memref<1x64x128xf32, #tpu.memory_space<vmem>> -> memref<64x128xf32, #tpu.memory_space<vmem>>
    %dma_start3A_110 = arith.constant 0 : i32
    %dma_start3A_111 = tpu.memref_slice %arg6[%dma_start3A_104, %dma_start3A_110] : memref<40x64xi32, #tpu.memory_space<vmem>> -> memref<1x64xi32, #tpu.memory_space<vmem>>
    %dma_start3A_112 = tpu.memref_squeeze %dma_start3A_111 : memref<1x64xi32, #tpu.memory_space<vmem>> -> memref<64xi32, #tpu.memory_space<vmem>>
    %dma_start3A_113 = arith.constant 0 : i32
    %dma_start3A_114 = arith.constant 0 : i32
    %dma_start3A_115 = tpu.memref_slice %arg2[%dma_start3A_113, %dma_start3A_114] : memref<10240x128xf32, #tpu.memory_space<hbm>> -> memref<10240x128xf32, #tpu.memory_space<hbm>>
    tpu.enqueue_indirect_dma source(%dma_start3A_115 : memref<10240x128xf32, #tpu.memory_space<hbm>>) target(%dma_start3A_109 : memref<64x128xf32, #tpu.memory_space<vmem>>) offsets(%dma_start3A_112 : memref<64xi32, #tpu.memory_space<vmem>>) semaphore(%arg13 : memref<!tpu.dma_semaphore, #tpu.memory_space<semaphore_mem>>)
    %scan3A_116 = arith.constant 0 : i32
    %scan3A_117 = arith.constant 0 : i32
    %scan3A_118 = arith.constant 10 : i32
    %scan3A_119 = arith.addi %scan3A_117, %scan3A_118 : i32
    %scan3A_120 = arith.constant 1 : i32
    %scan3A_121 = scf.for %scan3A_241 = %scan3A_117 to %scan3A_119 step %scan3A_120 iter_args(%scan3A_242 = %scan3A_116) -> (i32)  : i32 {
      %mul3A_243 = arith.constant 4 : i32
      %mul3A_244 = arith.muli %scan3A_241, %mul3A_243 : i32
      %add3A_245 = arith.constant 0 : i32
      %add3A_246 = arith.addi %mul3A_244, %add3A_245 : i32
      %dma_wait3A = arith.constant 0 : i32
      %dma_wait3A_247 = arith.constant 0 : i32
      %dma_wait3A_248 = arith.constant 0 : i32
      %dma_wait3A_249 = tpu.memref_slice %arg8[%dma_wait3A, %dma_wait3A_247, %dma_wait3A_248] : memref<4x64x128xf32, #tpu.memory_space<vmem>> -> memref<1x64x128xf32, #tpu.memory_space<vmem>>
      %dma_wait3A_250 = tpu.memref_squeeze %dma_wait3A_249 : memref<1x64x128xf32, #tpu.memory_space<vmem>> -> memref<64x128xf32, #tpu.memory_space<vmem>>
      %dma_wait3A_251 = arith.constant 0 : i32
      %dma_wait3A_252 = tpu.memref_slice %arg6[%add3A_246, %dma_wait3A_251] : memref<40x64xi32, #tpu.memory_space<vmem>> -> memref<1x64xi32, #tpu.memory_space<vmem>>
      %dma_wait3A_253 = tpu.memref_squeeze %dma_wait3A_252 : memref<1x64xi32, #tpu.memory_space<vmem>> -> memref<64xi32, #tpu.memory_space<vmem>>
      %dma_wait3A_254 = arith.constant 0 : i32
      %dma_wait3A_255 = arith.constant 0 : i32
      %dma_wait3A_256 = tpu.memref_slice %arg2[%dma_wait3A_254, %dma_wait3A_255] : memref<10240x128xf32, #tpu.memory_space<hbm>> -> memref<10240x128xf32, #tpu.memory_space<hbm>>
      tpu.wait_indirect_dma semaphore(%arg10 : memref<!tpu.dma_semaphore, #tpu.memory_space<semaphore_mem>>) src(%dma_wait3A_256 : memref<10240x128xf32, #tpu.memory_space<hbm>>) dst(%dma_wait3A_250 : memref<64x128xf32, #tpu.memory_space<vmem>>)
      %add3A_257 = arith.constant 0 : i32
      %add3A_258 = arith.addi %mul3A_244, %add3A_257 : i32
      %run_scoped3A = arith.constant 0 : i32
      "tpu.region"() ({
        %run_scoped3A_341 = tpu.sem_alloc : memref<!tpu.dma_semaphore, #tpu.memory_space<semaphore_mem>>
        %dma_start3A_342 = arith.constant 0 : i32
        %dma_start3A_343 = arith.constant 0 : i32
        %dma_start3A_344 = tpu.memref_slice %arg8[%run_scoped3A, %dma_start3A_342, %dma_start3A_343] : memref<4x64x128xf32, #tpu.memory_space<vmem>> -> memref<1x64x128xf32, #tpu.memory_space<vmem>>
        %dma_start3A_345 = tpu.memref_squeeze %dma_start3A_344 : memref<1x64x128xf32, #tpu.memory_space<vmem>> -> memref<64x128xf32, #tpu.memory_space<vmem>>
        %dma_start3A_346 = arith.constant 0 : i32
        %dma_start3A_347 = tpu.memref_slice %arg7[%add3A_258, %dma_start3A_346] : memref<40x64xi32, #tpu.memory_space<vmem>> -> memref<1x64xi32, #tpu.memory_space<vmem>>
        %dma_start3A_348 = tpu.memref_squeeze %dma_start3A_347 : memref<1x64xi32, #tpu.memory_space<vmem>> -> memref<64xi32, #tpu.memory_space<vmem>>
        %dma_start3A_349 = arith.constant 0 : i32
        %dma_start3A_350 = arith.constant 0 : i32
        %dma_start3A_351 = tpu.memref_slice %arg9[%dma_start3A_349, %dma_start3A_350] : memref<10240x128xf32, #tpu.memory_space<vmem_shared>> -> memref<10240x128xf32, #tpu.memory_space<vmem_shared>>
        tpu.enqueue_indirect_dma source(%dma_start3A_345 : memref<64x128xf32, #tpu.memory_space<vmem>>) target(%dma_start3A_351 : memref<10240x128xf32, #tpu.memory_space<vmem_shared>>) offsets(%dma_start3A_348 : memref<64xi32, #tpu.memory_space<vmem>>) semaphore(%run_scoped3A_341 : memref<!tpu.dma_semaphore, #tpu.memory_space<semaphore_mem>>) {add = true}
        %dma_wait3A_352 = arith.constant 0 : i32
        %dma_wait3A_353 = arith.constant 0 : i32
        %dma_wait3A_354 = tpu.memref_slice %arg8[%run_scoped3A, %dma_wait3A_352, %dma_wait3A_353] : memref<4x64x128xf32, #tpu.memory_space<vmem>> -> memref<1x64x128xf32, #tpu.memory_space<vmem>>
        %dma_wait3A_355 = tpu.memref_squeeze %dma_wait3A_354 : memref<1x64x128xf32, #tpu.memory_space<vmem>> -> memref<64x128xf32, #tpu.memory_space<vmem>>
        %dma_wait3A_356 = arith.constant 0 : i32
        %dma_wait3A_357 = tpu.memref_slice %arg7[%add3A_258, %dma_wait3A_356] : memref<40x64xi32, #tpu.memory_space<vmem>> -> memref<1x64xi32, #tpu.memory_space<vmem>>
        %dma_wait3A_358 = tpu.memref_squeeze %dma_wait3A_357 : memref<1x64xi32, #tpu.memory_space<vmem>> -> memref<64xi32, #tpu.memory_space<vmem>>
        %dma_wait3A_359 = arith.constant 0 : i32
        %dma_wait3A_360 = arith.constant 0 : i32
        %dma_wait3A_361 = tpu.memref_slice %arg9[%dma_wait3A_359, %dma_wait3A_360] : memref<10240x128xf32, #tpu.memory_space<vmem_shared>> -> memref<10240x128xf32, #tpu.memory_space<vmem_shared>>
        tpu.wait_indirect_dma semaphore(%run_scoped3A_341 : memref<!tpu.dma_semaphore, #tpu.memory_space<semaphore_mem>>) src(%dma_wait3A_355 : memref<64x128xf32, #tpu.memory_space<vmem>>) dst(%dma_wait3A_361 : memref<10240x128xf32, #tpu.memory_space<vmem_shared>>)
        tpu.yield
      }) : () -> ()
      %add3A_259 = arith.constant 0 : i32
      %add3A_260 = arith.addi %mul3A_244, %add3A_259 : i32
      %add3A_261 = arith.constant 4 : i32
      %add3A_262 = arith.addi %add3A_260, %add3A_261 : i32
      %lt3A = arith.constant 40 : i32
      %lt3A_263 = arith.cmpi slt, %add3A_262, %lt3A : i32
      %convert_element_type3A = arith.extui %lt3A_263 : i1 to i32
      %cond3A = arith.constant 0 : i32
      %cond3A_264 = arith.cmpi ne, %convert_element_type3A, %cond3A : i32
      scf.if %cond3A_264 {
        %add3A_341 = arith.constant 0 : i32
        %add3A_342 = arith.addi %mul3A_244, %add3A_341 : i32
        %add3A_343 = arith.constant 4 : i32
        %add3A_344 = arith.addi %add3A_342, %add3A_343 : i32
        %dma_start3A_345 = arith.constant 0 : i32
        %dma_start3A_346 = arith.constant 0 : i32
        %dma_start3A_347 = arith.constant 0 : i32
        %dma_start3A_348 = tpu.memref_slice %arg8[%dma_start3A_345, %dma_start3A_346, %dma_start3A_347] : memref<4x64x128xf32, #tpu.memory_space<vmem>> -> memref<1x64x128xf32, #tpu.memory_space<vmem>>
        %dma_start3A_349 = tpu.memref_squeeze %dma_start3A_348 : memref<1x64x128xf32, #tpu.memory_space<vmem>> -> memref<64x128xf32, #tpu.memory_space<vmem>>
        %dma_start3A_350 = arith.constant 0 : i32
        %dma_start3A_351 = tpu.memref_slice %arg6[%add3A_344, %dma_start3A_350] : memref<40x64xi32, #tpu.memory_space<vmem>> -> memref<1x64xi32, #tpu.memory_space<vmem>>
        %dma_start3A_352 = tpu.memref_squeeze %dma_start3A_351 : memref<1x64xi32, #tpu.memory_space<vmem>> -> memref<64xi32, #tpu.memory_space<vmem>>
        %dma_start3A_353 = arith.constant 0 : i32
        %dma_start3A_354 = arith.constant 0 : i32
        %dma_start3A_355 = tpu.memref_slice %arg2[%dma_start3A_353, %dma_start3A_354] : memref<10240x128xf32, #tpu.memory_space<hbm>> -> memref<10240x128xf32, #tpu.memory_space<hbm>>
        tpu.enqueue_indirect_dma source(%dma_start3A_355 : memref<10240x128xf32, #tpu.memory_space<hbm>>) target(%dma_start3A_349 : memref<64x128xf32, #tpu.memory_space<vmem>>) offsets(%dma_start3A_352 : memref<64xi32, #tpu.memory_space<vmem>>) semaphore(%arg10 : memref<!tpu.dma_semaphore, #tpu.memory_space<semaphore_mem>>)
      } else {
      }
      %add3A_265 = arith.constant 1 : i32
      %add3A_266 = arith.addi %mul3A_244, %add3A_265 : i32
      %dma_wait3A_267 = arith.constant 1 : i32
      %dma_wait3A_268 = arith.constant 0 : i32
      %dma_wait3A_269 = arith.constant 0 : i32
      %dma_wait3A_270 = tpu.memref_slice %arg8[%dma_wait3A_267, %dma_wait3A_268, %dma_wait3A_269] : memref<4x64x128xf32, #tpu.memory_space<vmem>> -> memref<1x64x128xf32, #tpu.memory_space<vmem>>
      %dma_wait3A_271 = tpu.memref_squeeze %dma_wait3A_270 : memref<1x64x128xf32, #tpu.memory_space<vmem>> -> memref<64x128xf32, #tpu.memory_space<vmem>>
      %dma_wait3A_272 = arith.constant 0 : i32
      %dma_wait3A_273 = tpu.memref_slice %arg6[%add3A_266, %dma_wait3A_272] : memref<40x64xi32, #tpu.memory_space<vmem>> -> memref<1x64xi32, #tpu.memory_space<vmem>>
      %dma_wait3A_274 = tpu.memref_squeeze %dma_wait3A_273 : memref<1x64xi32, #tpu.memory_space<vmem>> -> memref<64xi32, #tpu.memory_space<vmem>>
      %dma_wait3A_275 = arith.constant 0 : i32
      %dma_wait3A_276 = arith.constant 0 : i32
      %dma_wait3A_277 = tpu.memref_slice %arg2[%dma_wait3A_275, %dma_wait3A_276] : memref<10240x128xf32, #tpu.memory_space<hbm>> -> memref<10240x128xf32, #tpu.memory_space<hbm>>
      tpu.wait_indirect_dma semaphore(%arg11 : memref<!tpu.dma_semaphore, #tpu.memory_space<semaphore_mem>>) src(%dma_wait3A_277 : memref<10240x128xf32, #tpu.memory_space<hbm>>) dst(%dma_wait3A_271 : memref<64x128xf32, #tpu.memory_space<vmem>>)
      %add3A_278 = arith.constant 1 : i32
      %add3A_279 = arith.addi %mul3A_244, %add3A_278 : i32
      %run_scoped3A_280 = arith.constant 1 : i32
      "tpu.region"() ({
        %run_scoped3A_341 = tpu.sem_alloc : memref<!tpu.dma_semaphore, #tpu.memory_space<semaphore_mem>>
        %dma_start3A_342 = arith.constant 0 : i32
        %dma_start3A_343 = arith.constant 0 : i32
        %dma_start3A_344 = tpu.memref_slice %arg8[%run_scoped3A_280, %dma_start3A_342, %dma_start3A_343] : memref<4x64x128xf32, #tpu.memory_space<vmem>> -> memref<1x64x128xf32, #tpu.memory_space<vmem>>
        %dma_start3A_345 = tpu.memref_squeeze %dma_start3A_344 : memref<1x64x128xf32, #tpu.memory_space<vmem>> -> memref<64x128xf32, #tpu.memory_space<vmem>>
        %dma_start3A_346 = arith.constant 0 : i32
        %dma_start3A_347 = tpu.memref_slice %arg7[%add3A_279, %dma_start3A_346] : memref<40x64xi32, #tpu.memory_space<vmem>> -> memref<1x64xi32, #tpu.memory_space<vmem>>
        %dma_start3A_348 = tpu.memref_squeeze %dma_start3A_347 : memref<1x64xi32, #tpu.memory_space<vmem>> -> memref<64xi32, #tpu.memory_space<vmem>>
        %dma_start3A_349 = arith.constant 0 : i32
        %dma_start3A_350 = arith.constant 0 : i32
        %dma_start3A_351 = tpu.memref_slice %arg9[%dma_start3A_349, %dma_start3A_350] : memref<10240x128xf32, #tpu.memory_space<vmem_shared>> -> memref<10240x128xf32, #tpu.memory_space<vmem_shared>>
        tpu.enqueue_indirect_dma source(%dma_start3A_345 : memref<64x128xf32, #tpu.memory_space<vmem>>) target(%dma_start3A_351 : memref<10240x128xf32, #tpu.memory_space<vmem_shared>>) offsets(%dma_start3A_348 : memref<64xi32, #tpu.memory_space<vmem>>) semaphore(%run_scoped3A_341 : memref<!tpu.dma_semaphore, #tpu.memory_space<semaphore_mem>>) {add = true}
        %dma_wait3A_352 = arith.constant 0 : i32
        %dma_wait3A_353 = arith.constant 0 : i32
        %dma_wait3A_354 = tpu.memref_slice %arg8[%run_scoped3A_280, %dma_wait3A_352, %dma_wait3A_353] : memref<4x64x128xf32, #tpu.memory_space<vmem>> -> memref<1x64x128xf32, #tpu.memory_space<vmem>>
        %dma_wait3A_355 = tpu.memref_squeeze %dma_wait3A_354 : memref<1x64x128xf32, #tpu.memory_space<vmem>> -> memref<64x128xf32, #tpu.memory_space<vmem>>
        %dma_wait3A_356 = arith.constant 0 : i32
        %dma_wait3A_357 = tpu.memref_slice %arg7[%add3A_279, %dma_wait3A_356] : memref<40x64xi32, #tpu.memory_space<vmem>> -> memref<1x64xi32, #tpu.memory_space<vmem>>
        %dma_wait3A_358 = tpu.memref_squeeze %dma_wait3A_357 : memref<1x64xi32, #tpu.memory_space<vmem>> -> memref<64xi32, #tpu.memory_space<vmem>>
        %dma_wait3A_359 = arith.constant 0 : i32
        %dma_wait3A_360 = arith.constant 0 : i32
        %dma_wait3A_361 = tpu.memref_slice %arg9[%dma_wait3A_359, %dma_wait3A_360] : memref<10240x128xf32, #tpu.memory_space<vmem_shared>> -> memref<10240x128xf32, #tpu.memory_space<vmem_shared>>
        tpu.wait_indirect_dma semaphore(%run_scoped3A_341 : memref<!tpu.dma_semaphore, #tpu.memory_space<semaphore_mem>>) src(%dma_wait3A_355 : memref<64x128xf32, #tpu.memory_space<vmem>>) dst(%dma_wait3A_361 : memref<10240x128xf32, #tpu.memory_space<vmem_shared>>)
        tpu.yield
      }) : () -> ()
      %add3A_281 = arith.constant 1 : i32
      %add3A_282 = arith.addi %mul3A_244, %add3A_281 : i32
      %add3A_283 = arith.constant 4 : i32
      %add3A_284 = arith.addi %add3A_282, %add3A_283 : i32
      %lt3A_285 = arith.constant 40 : i32
      %lt3A_286 = arith.cmpi slt, %add3A_284, %lt3A_285 : i32
      %convert_element_type3A_287 = arith.extui %lt3A_286 : i1 to i32
      %cond3A_288 = arith.constant 0 : i32
      %cond3A_289 = arith.cmpi ne, %convert_element_type3A_287, %cond3A_288 : i32
      scf.if %cond3A_289 {
        %add3A_341 = arith.constant 1 : i32
        %add3A_342 = arith.addi %mul3A_244, %add3A_341 : i32
        %add3A_343 = arith.constant 4 : i32
        %add3A_344 = arith.addi %add3A_342, %add3A_343 : i32
        %dma_start3A_345 = arith.constant 1 : i32
        %dma_start3A_346 = arith.constant 0 : i32
        %dma_start3A_347 = arith.constant 0 : i32
        %dma_start3A_348 = tpu.memref_slice %arg8[%dma_start3A_345, %dma_start3A_346, %dma_start3A_347] : memref<4x64x128xf32, #tpu.memory_space<vmem>> -> memref<1x64x128xf32, #tpu.memory_space<vmem>>
        %dma_start3A_349 = tpu.memref_squeeze %dma_start3A_348 : memref<1x64x128xf32, #tpu.memory_space<vmem>> -> memref<64x128xf32, #tpu.memory_space<vmem>>
        %dma_start3A_350 = arith.constant 0 : i32
        %dma_start3A_351 = tpu.memref_slice %arg6[%add3A_344, %dma_start3A_350] : memref<40x64xi32, #tpu.memory_space<vmem>> -> memref<1x64xi32, #tpu.memory_space<vmem>>
        %dma_start3A_352 = tpu.memref_squeeze %dma_start3A_351 : memref<1x64xi32, #tpu.memory_space<vmem>> -> memref<64xi32, #tpu.memory_space<vmem>>
        %dma_start3A_353 = arith.constant 0 : i32
        %dma_start3A_354 = arith.constant 0 : i32
        %dma_start3A_355 = tpu.memref_slice %arg2[%dma_start3A_353, %dma_start3A_354] : memref<10240x128xf32, #tpu.memory_space<hbm>> -> memref<10240x128xf32, #tpu.memory_space<hbm>>
        tpu.enqueue_indirect_dma source(%dma_start3A_355 : memref<10240x128xf32, #tpu.memory_space<hbm>>) target(%dma_start3A_349 : memref<64x128xf32, #tpu.memory_space<vmem>>) offsets(%dma_start3A_352 : memref<64xi32, #tpu.memory_space<vmem>>) semaphore(%arg11 : memref<!tpu.dma_semaphore, #tpu.memory_space<semaphore_mem>>)
      } else {
      }
      %add3A_290 = arith.constant 2 : i32
      %add3A_291 = arith.addi %mul3A_244, %add3A_290 : i32
      %dma_wait3A_292 = arith.constant 2 : i32
      %dma_wait3A_293 = arith.constant 0 : i32
      %dma_wait3A_294 = arith.constant 0 : i32
      %dma_wait3A_295 = tpu.memref_slice %arg8[%dma_wait3A_292, %dma_wait3A_293, %dma_wait3A_294] : memref<4x64x128xf32, #tpu.memory_space<vmem>> -> memref<1x64x128xf32, #tpu.memory_space<vmem>>
      %dma_wait3A_296 = tpu.memref_squeeze %dma_wait3A_295 : memref<1x64x128xf32, #tpu.memory_space<vmem>> -> memref<64x128xf32, #tpu.memory_space<vmem>>
      %dma_wait3A_297 = arith.constant 0 : i32
      %dma_wait3A_298 = tpu.memref_slice %arg6[%add3A_291, %dma_wait3A_297] : memref<40x64xi32, #tpu.memory_space<vmem>> -> memref<1x64xi32, #tpu.memory_space<vmem>>
      %dma_wait3A_299 = tpu.memref_squeeze %dma_wait3A_298 : memref<1x64xi32, #tpu.memory_space<vmem>> -> memref<64xi32, #tpu.memory_space<vmem>>
      %dma_wait3A_300 = arith.constant 0 : i32
      %dma_wait3A_301 = arith.constant 0 : i32
      %dma_wait3A_302 = tpu.memref_slice %arg2[%dma_wait3A_300, %dma_wait3A_301] : memref<10240x128xf32, #tpu.memory_space<hbm>> -> memref<10240x128xf32, #tpu.memory_space<hbm>>
      tpu.wait_indirect_dma semaphore(%arg12 : memref<!tpu.dma_semaphore, #tpu.memory_space<semaphore_mem>>) src(%dma_wait3A_302 : memref<10240x128xf32, #tpu.memory_space<hbm>>) dst(%dma_wait3A_296 : memref<64x128xf32, #tpu.memory_space<vmem>>)
      %add3A_303 = arith.constant 2 : i32
      %add3A_304 = arith.addi %mul3A_244, %add3A_303 : i32
      %run_scoped3A_305 = arith.constant 2 : i32
      "tpu.region"() ({
        %run_scoped3A_341 = tpu.sem_alloc : memref<!tpu.dma_semaphore, #tpu.memory_space<semaphore_mem>>
        %dma_start3A_342 = arith.constant 0 : i32
        %dma_start3A_343 = arith.constant 0 : i32
        %dma_start3A_344 = tpu.memref_slice %arg8[%run_scoped3A_305, %dma_start3A_342, %dma_start3A_343] : memref<4x64x128xf32, #tpu.memory_space<vmem>> -> memref<1x64x128xf32, #tpu.memory_space<vmem>>
        %dma_start3A_345 = tpu.memref_squeeze %dma_start3A_344 : memref<1x64x128xf32, #tpu.memory_space<vmem>> -> memref<64x128xf32, #tpu.memory_space<vmem>>
        %dma_start3A_346 = arith.constant 0 : i32
        %dma_start3A_347 = tpu.memref_slice %arg7[%add3A_304, %dma_start3A_346] : memref<40x64xi32, #tpu.memory_space<vmem>> -> memref<1x64xi32, #tpu.memory_space<vmem>>
        %dma_start3A_348 = tpu.memref_squeeze %dma_start3A_347 : memref<1x64xi32, #tpu.memory_space<vmem>> -> memref<64xi32, #tpu.memory_space<vmem>>
        %dma_start3A_349 = arith.constant 0 : i32
        %dma_start3A_350 = arith.constant 0 : i32
        %dma_start3A_351 = tpu.memref_slice %arg9[%dma_start3A_349, %dma_start3A_350] : memref<10240x128xf32, #tpu.memory_space<vmem_shared>> -> memref<10240x128xf32, #tpu.memory_space<vmem_shared>>
        tpu.enqueue_indirect_dma source(%dma_start3A_345 : memref<64x128xf32, #tpu.memory_space<vmem>>) target(%dma_start3A_351 : memref<10240x128xf32, #tpu.memory_space<vmem_shared>>) offsets(%dma_start3A_348 : memref<64xi32, #tpu.memory_space<vmem>>) semaphore(%run_scoped3A_341 : memref<!tpu.dma_semaphore, #tpu.memory_space<semaphore_mem>>) {add = true}
        %dma_wait3A_352 = arith.constant 0 : i32
        %dma_wait3A_353 = arith.constant 0 : i32
        %dma_wait3A_354 = tpu.memref_slice %arg8[%run_scoped3A_305, %dma_wait3A_352, %dma_wait3A_353] : memref<4x64x128xf32, #tpu.memory_space<vmem>> -> memref<1x64x128xf32, #tpu.memory_space<vmem>>
        %dma_wait3A_355 = tpu.memref_squeeze %dma_wait3A_354 : memref<1x64x128xf32, #tpu.memory_space<vmem>> -> memref<64x128xf32, #tpu.memory_space<vmem>>
        %dma_wait3A_356 = arith.constant 0 : i32
        %dma_wait3A_357 = tpu.memref_slice %arg7[%add3A_304, %dma_wait3A_356] : memref<40x64xi32, #tpu.memory_space<vmem>> -> memref<1x64xi32, #tpu.memory_space<vmem>>
        %dma_wait3A_358 = tpu.memref_squeeze %dma_wait3A_357 : memref<1x64xi32, #tpu.memory_space<vmem>> -> memref<64xi32, #tpu.memory_space<vmem>>
        %dma_wait3A_359 = arith.constant 0 : i32
        %dma_wait3A_360 = arith.constant 0 : i32
        %dma_wait3A_361 = tpu.memref_slice %arg9[%dma_wait3A_359, %dma_wait3A_360] : memref<10240x128xf32, #tpu.memory_space<vmem_shared>> -> memref<10240x128xf32, #tpu.memory_space<vmem_shared>>
        tpu.wait_indirect_dma semaphore(%run_scoped3A_341 : memref<!tpu.dma_semaphore, #tpu.memory_space<semaphore_mem>>) src(%dma_wait3A_355 : memref<64x128xf32, #tpu.memory_space<vmem>>) dst(%dma_wait3A_361 : memref<10240x128xf32, #tpu.memory_space<vmem_shared>>)
        tpu.yield
      }) : () -> ()
      %add3A_306 = arith.constant 2 : i32
      %add3A_307 = arith.addi %mul3A_244, %add3A_306 : i32
      %add3A_308 = arith.constant 4 : i32
      %add3A_309 = arith.addi %add3A_307, %add3A_308 : i32
      %lt3A_310 = arith.constant 40 : i32
      %lt3A_311 = arith.cmpi slt, %add3A_309, %lt3A_310 : i32
      %convert_element_type3A_312 = arith.extui %lt3A_311 : i1 to i32
      %cond3A_313 = arith.constant 0 : i32
      %cond3A_314 = arith.cmpi ne, %convert_element_type3A_312, %cond3A_313 : i32
      scf.if %cond3A_314 {
        %add3A_341 = arith.constant 2 : i32
        %add3A_342 = arith.addi %mul3A_244, %add3A_341 : i32
        %add3A_343 = arith.constant 4 : i32
        %add3A_344 = arith.addi %add3A_342, %add3A_343 : i32
        %dma_start3A_345 = arith.constant 2 : i32
        %dma_start3A_346 = arith.constant 0 : i32
        %dma_start3A_347 = arith.constant 0 : i32
        %dma_start3A_348 = tpu.memref_slice %arg8[%dma_start3A_345, %dma_start3A_346, %dma_start3A_347] : memref<4x64x128xf32, #tpu.memory_space<vmem>> -> memref<1x64x128xf32, #tpu.memory_space<vmem>>
        %dma_start3A_349 = tpu.memref_squeeze %dma_start3A_348 : memref<1x64x128xf32, #tpu.memory_space<vmem>> -> memref<64x128xf32, #tpu.memory_space<vmem>>
        %dma_start3A_350 = arith.constant 0 : i32
        %dma_start3A_351 = tpu.memref_slice %arg6[%add3A_344, %dma_start3A_350] : memref<40x64xi32, #tpu.memory_space<vmem>> -> memref<1x64xi32, #tpu.memory_space<vmem>>
        %dma_start3A_352 = tpu.memref_squeeze %dma_start3A_351 : memref<1x64xi32, #tpu.memory_space<vmem>> -> memref<64xi32, #tpu.memory_space<vmem>>
        %dma_start3A_353 = arith.constant 0 : i32
        %dma_start3A_354 = arith.constant 0 : i32
        %dma_start3A_355 = tpu.memref_slice %arg2[%dma_start3A_353, %dma_start3A_354] : memref<10240x128xf32, #tpu.memory_space<hbm>> -> memref<10240x128xf32, #tpu.memory_space<hbm>>
        tpu.enqueue_indirect_dma source(%dma_start3A_355 : memref<10240x128xf32, #tpu.memory_space<hbm>>) target(%dma_start3A_349 : memref<64x128xf32, #tpu.memory_space<vmem>>) offsets(%dma_start3A_352 : memref<64xi32, #tpu.memory_space<vmem>>) semaphore(%arg12 : memref<!tpu.dma_semaphore, #tpu.memory_space<semaphore_mem>>)
      } else {
      }
      %add3A_315 = arith.constant 3 : i32
      %add3A_316 = arith.addi %mul3A_244, %add3A_315 : i32
      %dma_wait3A_317 = arith.constant 3 : i32
      %dma_wait3A_318 = arith.constant 0 : i32
      %dma_wait3A_319 = arith.constant 0 : i32
      %dma_wait3A_320 = tpu.memref_slice %arg8[%dma_wait3A_317, %dma_wait3A_318, %dma_wait3A_319] : memref<4x64x128xf32, #tpu.memory_space<vmem>> -> memref<1x64x128xf32, #tpu.memory_space<vmem>>
      %dma_wait3A_321 = tpu.memref_squeeze %dma_wait3A_320 : memref<1x64x128xf32, #tpu.memory_space<vmem>> -> memref<64x128xf32, #tpu.memory_space<vmem>>
      %dma_wait3A_322 = arith.constant 0 : i32
      %dma_wait3A_323 = tpu.memref_slice %arg6[%add3A_316, %dma_wait3A_322] : memref<40x64xi32, #tpu.memory_space<vmem>> -> memref<1x64xi32, #tpu.memory_space<vmem>>
      %dma_wait3A_324 = tpu.memref_squeeze %dma_wait3A_323 : memref<1x64xi32, #tpu.memory_space<vmem>> -> memref<64xi32, #tpu.memory_space<vmem>>
      %dma_wait3A_325 = arith.constant 0 : i32
      %dma_wait3A_326 = arith.constant 0 : i32
      %dma_wait3A_327 = tpu.memref_slice %arg2[%dma_wait3A_325, %dma_wait3A_326] : memref<10240x128xf32, #tpu.memory_space<hbm>> -> memref<10240x128xf32, #tpu.memory_space<hbm>>
      tpu.wait_indirect_dma semaphore(%arg13 : memref<!tpu.dma_semaphore, #tpu.memory_space<semaphore_mem>>) src(%dma_wait3A_327 : memref<10240x128xf32, #tpu.memory_space<hbm>>) dst(%dma_wait3A_321 : memref<64x128xf32, #tpu.memory_space<vmem>>)
      %add3A_328 = arith.constant 3 : i32
      %add3A_329 = arith.addi %mul3A_244, %add3A_328 : i32
      %run_scoped3A_330 = arith.constant 3 : i32
      "tpu.region"() ({
        %run_scoped3A_341 = tpu.sem_alloc : memref<!tpu.dma_semaphore, #tpu.memory_space<semaphore_mem>>
        %dma_start3A_342 = arith.constant 0 : i32
        %dma_start3A_343 = arith.constant 0 : i32
        %dma_start3A_344 = tpu.memref_slice %arg8[%run_scoped3A_330, %dma_start3A_342, %dma_start3A_343] : memref<4x64x128xf32, #tpu.memory_space<vmem>> -> memref<1x64x128xf32, #tpu.memory_space<vmem>>
        %dma_start3A_345 = tpu.memref_squeeze %dma_start3A_344 : memref<1x64x128xf32, #tpu.memory_space<vmem>> -> memref<64x128xf32, #tpu.memory_space<vmem>>
        %dma_start3A_346 = arith.constant 0 : i32
        %dma_start3A_347 = tpu.memref_slice %arg7[%add3A_329, %dma_start3A_346] : memref<40x64xi32, #tpu.memory_space<vmem>> -> memref<1x64xi32, #tpu.memory_space<vmem>>
        %dma_start3A_348 = tpu.memref_squeeze %dma_start3A_347 : memref<1x64xi32, #tpu.memory_space<vmem>> -> memref<64xi32, #tpu.memory_space<vmem>>
        %dma_start3A_349 = arith.constant 0 : i32
        %dma_start3A_350 = arith.constant 0 : i32
        %dma_start3A_351 = tpu.memref_slice %arg9[%dma_start3A_349, %dma_start3A_350] : memref<10240x128xf32, #tpu.memory_space<vmem_shared>> -> memref<10240x128xf32, #tpu.memory_space<vmem_shared>>
        tpu.enqueue_indirect_dma source(%dma_start3A_345 : memref<64x128xf32, #tpu.memory_space<vmem>>) target(%dma_start3A_351 : memref<10240x128xf32, #tpu.memory_space<vmem_shared>>) offsets(%dma_start3A_348 : memref<64xi32, #tpu.memory_space<vmem>>) semaphore(%run_scoped3A_341 : memref<!tpu.dma_semaphore, #tpu.memory_space<semaphore_mem>>) {add = true}
        %dma_wait3A_352 = arith.constant 0 : i32
        %dma_wait3A_353 = arith.constant 0 : i32
        %dma_wait3A_354 = tpu.memref_slice %arg8[%run_scoped3A_330, %dma_wait3A_352, %dma_wait3A_353] : memref<4x64x128xf32, #tpu.memory_space<vmem>> -> memref<1x64x128xf32, #tpu.memory_space<vmem>>
        %dma_wait3A_355 = tpu.memref_squeeze %dma_wait3A_354 : memref<1x64x128xf32, #tpu.memory_space<vmem>> -> memref<64x128xf32, #tpu.memory_space<vmem>>
        %dma_wait3A_356 = arith.constant 0 : i32
        %dma_wait3A_357 = tpu.memref_slice %arg7[%add3A_329, %dma_wait3A_356] : memref<40x64xi32, #tpu.memory_space<vmem>> -> memref<1x64xi32, #tpu.memory_space<vmem>>
        %dma_wait3A_358 = tpu.memref_squeeze %dma_wait3A_357 : memref<1x64xi32, #tpu.memory_space<vmem>> -> memref<64xi32, #tpu.memory_space<vmem>>
        %dma_wait3A_359 = arith.constant 0 : i32
        %dma_wait3A_360 = arith.constant 0 : i32
        %dma_wait3A_361 = tpu.memref_slice %arg9[%dma_wait3A_359, %dma_wait3A_360] : memref<10240x128xf32, #tpu.memory_space<vmem_shared>> -> memref<10240x128xf32, #tpu.memory_space<vmem_shared>>
        tpu.wait_indirect_dma semaphore(%run_scoped3A_341 : memref<!tpu.dma_semaphore, #tpu.memory_space<semaphore_mem>>) src(%dma_wait3A_355 : memref<64x128xf32, #tpu.memory_space<vmem>>) dst(%dma_wait3A_361 : memref<10240x128xf32, #tpu.memory_space<vmem_shared>>)
        tpu.yield
      }) : () -> ()
      %add3A_331 = arith.constant 3 : i32
      %add3A_332 = arith.addi %mul3A_244, %add3A_331 : i32
      %add3A_333 = arith.constant 4 : i32
      %add3A_334 = arith.addi %add3A_332, %add3A_333 : i32
      %lt3A_335 = arith.constant 40 : i32
      %lt3A_336 = arith.cmpi slt, %add3A_334, %lt3A_335 : i32
      %convert_element_type3A_337 = arith.extui %lt3A_336 : i1 to i32
      %cond3A_338 = arith.constant 0 : i32
      %cond3A_339 = arith.cmpi ne, %convert_element_type3A_337, %cond3A_338 : i32
      scf.if %cond3A_339 {
        %add3A_341 = arith.constant 3 : i32
        %add3A_342 = arith.addi %mul3A_244, %add3A_341 : i32
        %add3A_343 = arith.constant 4 : i32
        %add3A_344 = arith.addi %add3A_342, %add3A_343 : i32
        %dma_start3A_345 = arith.constant 3 : i32
        %dma_start3A_346 = arith.constant 0 : i32
        %dma_start3A_347 = arith.constant 0 : i32
        %dma_start3A_348 = tpu.memref_slice %arg8[%dma_start3A_345, %dma_start3A_346, %dma_start3A_347] : memref<4x64x128xf32, #tpu.memory_space<vmem>> -> memref<1x64x128xf32, #tpu.memory_space<vmem>>
        %dma_start3A_349 = tpu.memref_squeeze %dma_start3A_348 : memref<1x64x128xf32, #tpu.memory_space<vmem>> -> memref<64x128xf32, #tpu.memory_space<vmem>>
        %dma_start3A_350 = arith.constant 0 : i32
        %dma_start3A_351 = tpu.memref_slice %arg6[%add3A_344, %dma_start3A_350] : memref<40x64xi32, #tpu.memory_space<vmem>> -> memref<1x64xi32, #tpu.memory_space<vmem>>
        %dma_start3A_352 = tpu.memref_squeeze %dma_start3A_351 : memref<1x64xi32, #tpu.memory_space<vmem>> -> memref<64xi32, #tpu.memory_space<vmem>>
        %dma_start3A_353 = arith.constant 0 : i32
        %dma_start3A_354 = arith.constant 0 : i32
        %dma_start3A_355 = tpu.memref_slice %arg2[%dma_start3A_353, %dma_start3A_354] : memref<10240x128xf32, #tpu.memory_space<hbm>> -> memref<10240x128xf32, #tpu.memory_space<hbm>>
        tpu.enqueue_indirect_dma source(%dma_start3A_355 : memref<10240x128xf32, #tpu.memory_space<hbm>>) target(%dma_start3A_349 : memref<64x128xf32, #tpu.memory_space<vmem>>) offsets(%dma_start3A_352 : memref<64xi32, #tpu.memory_space<vmem>>) semaphore(%arg13 : memref<!tpu.dma_semaphore, #tpu.memory_space<semaphore_mem>>)
      } else {
      }
      %scan3A_340 = arith.constant 0 : i32
      scf.yield %scan3A_340 : i32
    }
    %scan3A_122 = arith.constant 10 : i32
    "tpu.region"() ({
      %run_scoped3A = tpu.sem_alloc : memref<!tpu.dma_semaphore, #tpu.memory_space<semaphore_mem>>
      %dma_start3A_241 = arith.constant 80 : i32
      %dma_start3A_242 = arith.constant 0 : i32
      %dma_start3A_243 = tpu.memref_slice %arg3[%add3A, %dma_start3A_241, %dma_start3A_242] : memref<32x160x64xi32, #tpu.memory_space<hbm>> -> memref<1x40x64xi32, #tpu.memory_space<hbm>>
      %dma_start3A_244 = tpu.memref_squeeze %dma_start3A_243 : memref<1x40x64xi32, #tpu.memory_space<hbm>> -> memref<40x64xi32, #tpu.memory_space<hbm>>
      %dma_start3A_245 = arith.constant 80 : i32
      %dma_start3A_246 = arith.constant 0 : i32
      %dma_start3A_247 = tpu.memref_slice %arg3[%add3A, %dma_start3A_245, %dma_start3A_246] : memref<32x160x64xi32, #tpu.memory_space<hbm>> -> memref<1x40x64xi32, #tpu.memory_space<hbm>>
      %dma_start3A_248 = tpu.memref_squeeze %dma_start3A_247 : memref<1x40x64xi32, #tpu.memory_space<hbm>> -> memref<40x64xi32, #tpu.memory_space<hbm>>
      tpu.enqueue_dma source(%dma_start3A_248 : memref<40x64xi32, #tpu.memory_space<hbm>>) target(%arg6 : memref<40x64xi32, #tpu.memory_space<vmem>>) target_semaphore(%run_scoped3A : memref<!tpu.dma_semaphore, #tpu.memory_space<semaphore_mem>>)
      %dma_wait3A = arith.constant 80 : i32
      %dma_wait3A_249 = arith.constant 0 : i32
      %dma_wait3A_250 = tpu.memref_slice %arg3[%add3A, %dma_wait3A, %dma_wait3A_249] : memref<32x160x64xi32, #tpu.memory_space<hbm>> -> memref<1x40x64xi32, #tpu.memory_space<hbm>>
      %dma_wait3A_251 = tpu.memref_squeeze %dma_wait3A_250 : memref<1x40x64xi32, #tpu.memory_space<hbm>> -> memref<40x64xi32, #tpu.memory_space<hbm>>
      %dma_wait3A_252 = arith.constant 80 : i32
      %dma_wait3A_253 = arith.constant 0 : i32
      %dma_wait3A_254 = tpu.memref_slice %arg3[%add3A, %dma_wait3A_252, %dma_wait3A_253] : memref<32x160x64xi32, #tpu.memory_space<hbm>> -> memref<1x40x64xi32, #tpu.memory_space<hbm>>
      %dma_wait3A_255 = tpu.memref_squeeze %dma_wait3A_254 : memref<1x40x64xi32, #tpu.memory_space<hbm>> -> memref<40x64xi32, #tpu.memory_space<hbm>>
      tpu.wait_dma2 semaphore(%run_scoped3A : memref<!tpu.dma_semaphore, #tpu.memory_space<semaphore_mem>>) src(%dma_wait3A_255 : memref<40x64xi32, #tpu.memory_space<hbm>>) dst(%arg6 : memref<40x64xi32, #tpu.memory_space<vmem>>)
      tpu.yield
    }) : () -> ()
    "tpu.region"() ({
      %run_scoped3A = tpu.sem_alloc : memref<!tpu.dma_semaphore, #tpu.memory_space<semaphore_mem>>
      %dma_start3A_241 = arith.constant 80 : i32
      %dma_start3A_242 = arith.constant 0 : i32
      %dma_start3A_243 = tpu.memref_slice %arg4[%add3A, %dma_start3A_241, %dma_start3A_242] : memref<32x160x64xi32, #tpu.memory_space<hbm>> -> memref<1x40x64xi32, #tpu.memory_space<hbm>>
      %dma_start3A_244 = tpu.memref_squeeze %dma_start3A_243 : memref<1x40x64xi32, #tpu.memory_space<hbm>> -> memref<40x64xi32, #tpu.memory_space<hbm>>
      %dma_start3A_245 = arith.constant 80 : i32
      %dma_start3A_246 = arith.constant 0 : i32
      %dma_start3A_247 = tpu.memref_slice %arg4[%add3A, %dma_start3A_245, %dma_start3A_246] : memref<32x160x64xi32, #tpu.memory_space<hbm>> -> memref<1x40x64xi32, #tpu.memory_space<hbm>>
      %dma_start3A_248 = tpu.memref_squeeze %dma_start3A_247 : memref<1x40x64xi32, #tpu.memory_space<hbm>> -> memref<40x64xi32, #tpu.memory_space<hbm>>
      tpu.enqueue_dma source(%dma_start3A_248 : memref<40x64xi32, #tpu.memory_space<hbm>>) target(%arg7 : memref<40x64xi32, #tpu.memory_space<vmem>>) target_semaphore(%run_scoped3A : memref<!tpu.dma_semaphore, #tpu.memory_space<semaphore_mem>>)
      %dma_wait3A = arith.constant 80 : i32
      %dma_wait3A_249 = arith.constant 0 : i32
      %dma_wait3A_250 = tpu.memref_slice %arg4[%add3A, %dma_wait3A, %dma_wait3A_249] : memref<32x160x64xi32, #tpu.memory_space<hbm>> -> memref<1x40x64xi32, #tpu.memory_space<hbm>>
      %dma_wait3A_251 = tpu.memref_squeeze %dma_wait3A_250 : memref<1x40x64xi32, #tpu.memory_space<hbm>> -> memref<40x64xi32, #tpu.memory_space<hbm>>
      %dma_wait3A_252 = arith.constant 80 : i32
      %dma_wait3A_253 = arith.constant 0 : i32
      %dma_wait3A_254 = tpu.memref_slice %arg4[%add3A, %dma_wait3A_252, %dma_wait3A_253] : memref<32x160x64xi32, #tpu.memory_space<hbm>> -> memref<1x40x64xi32, #tpu.memory_space<hbm>>
      %dma_wait3A_255 = tpu.memref_squeeze %dma_wait3A_254 : memref<1x40x64xi32, #tpu.memory_space<hbm>> -> memref<40x64xi32, #tpu.memory_space<hbm>>
      tpu.wait_dma2 semaphore(%run_scoped3A : memref<!tpu.dma_semaphore, #tpu.memory_space<semaphore_mem>>) src(%dma_wait3A_255 : memref<40x64xi32, #tpu.memory_space<hbm>>) dst(%arg7 : memref<40x64xi32, #tpu.memory_space<vmem>>)
      tpu.yield
    }) : () -> ()
    %dma_start3A_123 = arith.constant 0 : i32
    %dma_start3A_124 = arith.constant 0 : i32
    %dma_start3A_125 = arith.constant 0 : i32
    %dma_start3A_126 = arith.constant 0 : i32
    %dma_start3A_127 = tpu.memref_slice %arg8[%dma_start3A_124, %dma_start3A_125, %dma_start3A_126] : memref<4x64x128xf32, #tpu.memory_space<vmem>> -> memref<1x64x128xf32, #tpu.memory_space<vmem>>
    %dma_start3A_128 = tpu.memref_squeeze %dma_start3A_127 : memref<1x64x128xf32, #tpu.memory_space<vmem>> -> memref<64x128xf32, #tpu.memory_space<vmem>>
    %dma_start3A_129 = arith.constant 0 : i32
    %dma_start3A_130 = tpu.memref_slice %arg6[%dma_start3A_123, %dma_start3A_129] : memref<40x64xi32, #tpu.memory_space<vmem>> -> memref<1x64xi32, #tpu.memory_space<vmem>>
    %dma_start3A_131 = tpu.memref_squeeze %dma_start3A_130 : memref<1x64xi32, #tpu.memory_space<vmem>> -> memref<64xi32, #tpu.memory_space<vmem>>
    %dma_start3A_132 = arith.constant 0 : i32
    %dma_start3A_133 = arith.constant 0 : i32
    %dma_start3A_134 = tpu.memref_slice %arg2[%dma_start3A_132, %dma_start3A_133] : memref<10240x128xf32, #tpu.memory_space<hbm>> -> memref<10240x128xf32, #tpu.memory_space<hbm>>
    tpu.enqueue_indirect_dma source(%dma_start3A_134 : memref<10240x128xf32, #tpu.memory_space<hbm>>) target(%dma_start3A_128 : memref<64x128xf32, #tpu.memory_space<vmem>>) offsets(%dma_start3A_131 : memref<64xi32, #tpu.memory_space<vmem>>) semaphore(%arg10 : memref<!tpu.dma_semaphore, #tpu.memory_space<semaphore_mem>>)
    %dma_start3A_135 = arith.constant 1 : i32
    %dma_start3A_136 = arith.constant 1 : i32
    %dma_start3A_137 = arith.constant 0 : i32
    %dma_start3A_138 = arith.constant 0 : i32
    %dma_start3A_139 = tpu.memref_slice %arg8[%dma_start3A_136, %dma_start3A_137, %dma_start3A_138] : memref<4x64x128xf32, #tpu.memory_space<vmem>> -> memref<1x64x128xf32, #tpu.memory_space<vmem>>
    %dma_start3A_140 = tpu.memref_squeeze %dma_start3A_139 : memref<1x64x128xf32, #tpu.memory_space<vmem>> -> memref<64x128xf32, #tpu.memory_space<vmem>>
    %dma_start3A_141 = arith.constant 0 : i32
    %dma_start3A_142 = tpu.memref_slice %arg6[%dma_start3A_135, %dma_start3A_141] : memref<40x64xi32, #tpu.memory_space<vmem>> -> memref<1x64xi32, #tpu.memory_space<vmem>>
    %dma_start3A_143 = tpu.memref_squeeze %dma_start3A_142 : memref<1x64xi32, #tpu.memory_space<vmem>> -> memref<64xi32, #tpu.memory_space<vmem>>
    %dma_start3A_144 = arith.constant 0 : i32
    %dma_start3A_145 = arith.constant 0 : i32
    %dma_start3A_146 = tpu.memref_slice %arg2[%dma_start3A_144, %dma_start3A_145] : memref<10240x128xf32, #tpu.memory_space<hbm>> -> memref<10240x128xf32, #tpu.memory_space<hbm>>
    tpu.enqueue_indirect_dma source(%dma_start3A_146 : memref<10240x128xf32, #tpu.memory_space<hbm>>) target(%dma_start3A_140 : memref<64x128xf32, #tpu.memory_space<vmem>>) offsets(%dma_start3A_143 : memref<64xi32, #tpu.memory_space<vmem>>) semaphore(%arg11 : memref<!tpu.dma_semaphore, #tpu.memory_space<semaphore_mem>>)
    %dma_start3A_147 = arith.constant 2 : i32
    %dma_start3A_148 = arith.constant 2 : i32
    %dma_start3A_149 = arith.constant 0 : i32
    %dma_start3A_150 = arith.constant 0 : i32
    %dma_start3A_151 = tpu.memref_slice %arg8[%dma_start3A_148, %dma_start3A_149, %dma_start3A_150] : memref<4x64x128xf32, #tpu.memory_space<vmem>> -> memref<1x64x128xf32, #tpu.memory_space<vmem>>
    %dma_start3A_152 = tpu.memref_squeeze %dma_start3A_151 : memref<1x64x128xf32, #tpu.memory_space<vmem>> -> memref<64x128xf32, #tpu.memory_space<vmem>>
    %dma_start3A_153 = arith.constant 0 : i32
    %dma_start3A_154 = tpu.memref_slice %arg6[%dma_start3A_147, %dma_start3A_153] : memref<40x64xi32, #tpu.memory_space<vmem>> -> memref<1x64xi32, #tpu.memory_space<vmem>>
    %dma_start3A_155 = tpu.memref_squeeze %dma_start3A_154 : memref<1x64xi32, #tpu.memory_space<vmem>> -> memref<64xi32, #tpu.memory_space<vmem>>
    %dma_start3A_156 = arith.constant 0 : i32
    %dma_start3A_157 = arith.constant 0 : i32
    %dma_start3A_158 = tpu.memref_slice %arg2[%dma_start3A_156, %dma_start3A_157] : memref<10240x128xf32, #tpu.memory_space<hbm>> -> memref<10240x128xf32, #tpu.memory_space<hbm>>
    tpu.enqueue_indirect_dma source(%dma_start3A_158 : memref<10240x128xf32, #tpu.memory_space<hbm>>) target(%dma_start3A_152 : memref<64x128xf32, #tpu.memory_space<vmem>>) offsets(%dma_start3A_155 : memref<64xi32, #tpu.memory_space<vmem>>) semaphore(%arg12 : memref<!tpu.dma_semaphore, #tpu.memory_space<semaphore_mem>>)
    %dma_start3A_159 = arith.constant 3 : i32
    %dma_start3A_160 = arith.constant 3 : i32
    %dma_start3A_161 = arith.constant 0 : i32
    %dma_start3A_162 = arith.constant 0 : i32
    %dma_start3A_163 = tpu.memref_slice %arg8[%dma_start3A_160, %dma_start3A_161, %dma_start3A_162] : memref<4x64x128xf32, #tpu.memory_space<vmem>> -> memref<1x64x128xf32, #tpu.memory_space<vmem>>
    %dma_start3A_164 = tpu.memref_squeeze %dma_start3A_163 : memref<1x64x128xf32, #tpu.memory_space<vmem>> -> memref<64x128xf32, #tpu.memory_space<vmem>>
    %dma_start3A_165 = arith.constant 0 : i32
    %dma_start3A_166 = tpu.memref_slice %arg6[%dma_start3A_159, %dma_start3A_165] : memref<40x64xi32, #tpu.memory_space<vmem>> -> memref<1x64xi32, #tpu.memory_space<vmem>>
    %dma_start3A_167 = tpu.memref_squeeze %dma_start3A_166 : memref<1x64xi32, #tpu.memory_space<vmem>> -> memref<64xi32, #tpu.memory_space<vmem>>
    %dma_start3A_168 = arith.constant 0 : i32
    %dma_start3A_169 = arith.constant 0 : i32
    %dma_start3A_170 = tpu.memref_slice %arg2[%dma_start3A_168, %dma_start3A_169] : memref<10240x128xf32, #tpu.memory_space<hbm>> -> memref<10240x128xf32, #tpu.memory_space<hbm>>
    tpu.enqueue_indirect_dma source(%dma_start3A_170 : memref<10240x128xf32, #tpu.memory_space<hbm>>) target(%dma_start3A_164 : memref<64x128xf32, #tpu.memory_space<vmem>>) offsets(%dma_start3A_167 : memref<64xi32, #tpu.memory_space<vmem>>) semaphore(%arg13 : memref<!tpu.dma_semaphore, #tpu.memory_space<semaphore_mem>>)
    %scan3A_171 = arith.constant 0 : i32
    %scan3A_172 = arith.constant 0 : i32
    %scan3A_173 = arith.constant 10 : i32
    %scan3A_174 = arith.addi %scan3A_172, %scan3A_173 : i32
    %scan3A_175 = arith.constant 1 : i32
    %scan3A_176 = scf.for %scan3A_241 = %scan3A_172 to %scan3A_174 step %scan3A_175 iter_args(%scan3A_242 = %scan3A_171) -> (i32)  : i32 {
      %mul3A_243 = arith.constant 4 : i32
      %mul3A_244 = arith.muli %scan3A_241, %mul3A_243 : i32
      %add3A_245 = arith.constant 0 : i32
      %add3A_246 = arith.addi %mul3A_244, %add3A_245 : i32
      %dma_wait3A = arith.constant 0 : i32
      %dma_wait3A_247 = arith.constant 0 : i32
      %dma_wait3A_248 = arith.constant 0 : i32
      %dma_wait3A_249 = tpu.memref_slice %arg8[%dma_wait3A, %dma_wait3A_247, %dma_wait3A_248] : memref<4x64x128xf32, #tpu.memory_space<vmem>> -> memref<1x64x128xf32, #tpu.memory_space<vmem>>
      %dma_wait3A_250 = tpu.memref_squeeze %dma_wait3A_249 : memref<1x64x128xf32, #tpu.memory_space<vmem>> -> memref<64x128xf32, #tpu.memory_space<vmem>>
      %dma_wait3A_251 = arith.constant 0 : i32
      %dma_wait3A_252 = tpu.memref_slice %arg6[%add3A_246, %dma_wait3A_251] : memref<40x64xi32, #tpu.memory_space<vmem>> -> memref<1x64xi32, #tpu.memory_space<vmem>>
      %dma_wait3A_253 = tpu.memref_squeeze %dma_wait3A_252 : memref<1x64xi32, #tpu.memory_space<vmem>> -> memref<64xi32, #tpu.memory_space<vmem>>
      %dma_wait3A_254 = arith.constant 0 : i32
      %dma_wait3A_255 = arith.constant 0 : i32
      %dma_wait3A_256 = tpu.memref_slice %arg2[%dma_wait3A_254, %dma_wait3A_255] : memref<10240x128xf32, #tpu.memory_space<hbm>> -> memref<10240x128xf32, #tpu.memory_space<hbm>>
      tpu.wait_indirect_dma semaphore(%arg10 : memref<!tpu.dma_semaphore, #tpu.memory_space<semaphore_mem>>) src(%dma_wait3A_256 : memref<10240x128xf32, #tpu.memory_space<hbm>>) dst(%dma_wait3A_250 : memref<64x128xf32, #tpu.memory_space<vmem>>)
      %add3A_257 = arith.constant 0 : i32
      %add3A_258 = arith.addi %mul3A_244, %add3A_257 : i32
      %run_scoped3A = arith.constant 0 : i32
      "tpu.region"() ({
        %run_scoped3A_341 = tpu.sem_alloc : memref<!tpu.dma_semaphore, #tpu.memory_space<semaphore_mem>>
        %dma_start3A_342 = arith.constant 0 : i32
        %dma_start3A_343 = arith.constant 0 : i32
        %dma_start3A_344 = tpu.memref_slice %arg8[%run_scoped3A, %dma_start3A_342, %dma_start3A_343] : memref<4x64x128xf32, #tpu.memory_space<vmem>> -> memref<1x64x128xf32, #tpu.memory_space<vmem>>
        %dma_start3A_345 = tpu.memref_squeeze %dma_start3A_344 : memref<1x64x128xf32, #tpu.memory_space<vmem>> -> memref<64x128xf32, #tpu.memory_space<vmem>>
        %dma_start3A_346 = arith.constant 0 : i32
        %dma_start3A_347 = tpu.memref_slice %arg7[%add3A_258, %dma_start3A_346] : memref<40x64xi32, #tpu.memory_space<vmem>> -> memref<1x64xi32, #tpu.memory_space<vmem>>
        %dma_start3A_348 = tpu.memref_squeeze %dma_start3A_347 : memref<1x64xi32, #tpu.memory_space<vmem>> -> memref<64xi32, #tpu.memory_space<vmem>>
        %dma_start3A_349 = arith.constant 0 : i32
        %dma_start3A_350 = arith.constant 0 : i32
        %dma_start3A_351 = tpu.memref_slice %arg9[%dma_start3A_349, %dma_start3A_350] : memref<10240x128xf32, #tpu.memory_space<vmem_shared>> -> memref<10240x128xf32, #tpu.memory_space<vmem_shared>>
        tpu.enqueue_indirect_dma source(%dma_start3A_345 : memref<64x128xf32, #tpu.memory_space<vmem>>) target(%dma_start3A_351 : memref<10240x128xf32, #tpu.memory_space<vmem_shared>>) offsets(%dma_start3A_348 : memref<64xi32, #tpu.memory_space<vmem>>) semaphore(%run_scoped3A_341 : memref<!tpu.dma_semaphore, #tpu.memory_space<semaphore_mem>>) {add = true}
        %dma_wait3A_352 = arith.constant 0 : i32
        %dma_wait3A_353 = arith.constant 0 : i32
        %dma_wait3A_354 = tpu.memref_slice %arg8[%run_scoped3A, %dma_wait3A_352, %dma_wait3A_353] : memref<4x64x128xf32, #tpu.memory_space<vmem>> -> memref<1x64x128xf32, #tpu.memory_space<vmem>>
        %dma_wait3A_355 = tpu.memref_squeeze %dma_wait3A_354 : memref<1x64x128xf32, #tpu.memory_space<vmem>> -> memref<64x128xf32, #tpu.memory_space<vmem>>
        %dma_wait3A_356 = arith.constant 0 : i32
        %dma_wait3A_357 = tpu.memref_slice %arg7[%add3A_258, %dma_wait3A_356] : memref<40x64xi32, #tpu.memory_space<vmem>> -> memref<1x64xi32, #tpu.memory_space<vmem>>
        %dma_wait3A_358 = tpu.memref_squeeze %dma_wait3A_357 : memref<1x64xi32, #tpu.memory_space<vmem>> -> memref<64xi32, #tpu.memory_space<vmem>>
        %dma_wait3A_359 = arith.constant 0 : i32
        %dma_wait3A_360 = arith.constant 0 : i32
        %dma_wait3A_361 = tpu.memref_slice %arg9[%dma_wait3A_359, %dma_wait3A_360] : memref<10240x128xf32, #tpu.memory_space<vmem_shared>> -> memref<10240x128xf32, #tpu.memory_space<vmem_shared>>
        tpu.wait_indirect_dma semaphore(%run_scoped3A_341 : memref<!tpu.dma_semaphore, #tpu.memory_space<semaphore_mem>>) src(%dma_wait3A_355 : memref<64x128xf32, #tpu.memory_space<vmem>>) dst(%dma_wait3A_361 : memref<10240x128xf32, #tpu.memory_space<vmem_shared>>)
        tpu.yield
      }) : () -> ()
      %add3A_259 = arith.constant 0 : i32
      %add3A_260 = arith.addi %mul3A_244, %add3A_259 : i32
      %add3A_261 = arith.constant 4 : i32
      %add3A_262 = arith.addi %add3A_260, %add3A_261 : i32
      %lt3A = arith.constant 40 : i32
      %lt3A_263 = arith.cmpi slt, %add3A_262, %lt3A : i32
      %convert_element_type3A = arith.extui %lt3A_263 : i1 to i32
      %cond3A = arith.constant 0 : i32
      %cond3A_264 = arith.cmpi ne, %convert_element_type3A, %cond3A : i32
      scf.if %cond3A_264 {
        %add3A_341 = arith.constant 0 : i32
        %add3A_342 = arith.addi %mul3A_244, %add3A_341 : i32
        %add3A_343 = arith.constant 4 : i32
        %add3A_344 = arith.addi %add3A_342, %add3A_343 : i32
        %dma_start3A_345 = arith.constant 0 : i32
        %dma_start3A_346 = arith.constant 0 : i32
        %dma_start3A_347 = arith.constant 0 : i32
        %dma_start3A_348 = tpu.memref_slice %arg8[%dma_start3A_345, %dma_start3A_346, %dma_start3A_347] : memref<4x64x128xf32, #tpu.memory_space<vmem>> -> memref<1x64x128xf32, #tpu.memory_space<vmem>>
        %dma_start3A_349 = tpu.memref_squeeze %dma_start3A_348 : memref<1x64x128xf32, #tpu.memory_space<vmem>> -> memref<64x128xf32, #tpu.memory_space<vmem>>
        %dma_start3A_350 = arith.constant 0 : i32
        %dma_start3A_351 = tpu.memref_slice %arg6[%add3A_344, %dma_start3A_350] : memref<40x64xi32, #tpu.memory_space<vmem>> -> memref<1x64xi32, #tpu.memory_space<vmem>>
        %dma_start3A_352 = tpu.memref_squeeze %dma_start3A_351 : memref<1x64xi32, #tpu.memory_space<vmem>> -> memref<64xi32, #tpu.memory_space<vmem>>
        %dma_start3A_353 = arith.constant 0 : i32
        %dma_start3A_354 = arith.constant 0 : i32
        %dma_start3A_355 = tpu.memref_slice %arg2[%dma_start3A_353, %dma_start3A_354] : memref<10240x128xf32, #tpu.memory_space<hbm>> -> memref<10240x128xf32, #tpu.memory_space<hbm>>
        tpu.enqueue_indirect_dma source(%dma_start3A_355 : memref<10240x128xf32, #tpu.memory_space<hbm>>) target(%dma_start3A_349 : memref<64x128xf32, #tpu.memory_space<vmem>>) offsets(%dma_start3A_352 : memref<64xi32, #tpu.memory_space<vmem>>) semaphore(%arg10 : memref<!tpu.dma_semaphore, #tpu.memory_space<semaphore_mem>>)
      } else {
      }
      %add3A_265 = arith.constant 1 : i32
      %add3A_266 = arith.addi %mul3A_244, %add3A_265 : i32
      %dma_wait3A_267 = arith.constant 1 : i32
      %dma_wait3A_268 = arith.constant 0 : i32
      %dma_wait3A_269 = arith.constant 0 : i32
      %dma_wait3A_270 = tpu.memref_slice %arg8[%dma_wait3A_267, %dma_wait3A_268, %dma_wait3A_269] : memref<4x64x128xf32, #tpu.memory_space<vmem>> -> memref<1x64x128xf32, #tpu.memory_space<vmem>>
      %dma_wait3A_271 = tpu.memref_squeeze %dma_wait3A_270 : memref<1x64x128xf32, #tpu.memory_space<vmem>> -> memref<64x128xf32, #tpu.memory_space<vmem>>
      %dma_wait3A_272 = arith.constant 0 : i32
      %dma_wait3A_273 = tpu.memref_slice %arg6[%add3A_266, %dma_wait3A_272] : memref<40x64xi32, #tpu.memory_space<vmem>> -> memref<1x64xi32, #tpu.memory_space<vmem>>
      %dma_wait3A_274 = tpu.memref_squeeze %dma_wait3A_273 : memref<1x64xi32, #tpu.memory_space<vmem>> -> memref<64xi32, #tpu.memory_space<vmem>>
      %dma_wait3A_275 = arith.constant 0 : i32
      %dma_wait3A_276 = arith.constant 0 : i32
      %dma_wait3A_277 = tpu.memref_slice %arg2[%dma_wait3A_275, %dma_wait3A_276] : memref<10240x128xf32, #tpu.memory_space<hbm>> -> memref<10240x128xf32, #tpu.memory_space<hbm>>
      tpu.wait_indirect_dma semaphore(%arg11 : memref<!tpu.dma_semaphore, #tpu.memory_space<semaphore_mem>>) src(%dma_wait3A_277 : memref<10240x128xf32, #tpu.memory_space<hbm>>) dst(%dma_wait3A_271 : memref<64x128xf32, #tpu.memory_space<vmem>>)
      %add3A_278 = arith.constant 1 : i32
      %add3A_279 = arith.addi %mul3A_244, %add3A_278 : i32
      %run_scoped3A_280 = arith.constant 1 : i32
      "tpu.region"() ({
        %run_scoped3A_341 = tpu.sem_alloc : memref<!tpu.dma_semaphore, #tpu.memory_space<semaphore_mem>>
        %dma_start3A_342 = arith.constant 0 : i32
        %dma_start3A_343 = arith.constant 0 : i32
        %dma_start3A_344 = tpu.memref_slice %arg8[%run_scoped3A_280, %dma_start3A_342, %dma_start3A_343] : memref<4x64x128xf32, #tpu.memory_space<vmem>> -> memref<1x64x128xf32, #tpu.memory_space<vmem>>
        %dma_start3A_345 = tpu.memref_squeeze %dma_start3A_344 : memref<1x64x128xf32, #tpu.memory_space<vmem>> -> memref<64x128xf32, #tpu.memory_space<vmem>>
        %dma_start3A_346 = arith.constant 0 : i32
        %dma_start3A_347 = tpu.memref_slice %arg7[%add3A_279, %dma_start3A_346] : memref<40x64xi32, #tpu.memory_space<vmem>> -> memref<1x64xi32, #tpu.memory_space<vmem>>
        %dma_start3A_348 = tpu.memref_squeeze %dma_start3A_347 : memref<1x64xi32, #tpu.memory_space<vmem>> -> memref<64xi32, #tpu.memory_space<vmem>>
        %dma_start3A_349 = arith.constant 0 : i32
        %dma_start3A_350 = arith.constant 0 : i32
        %dma_start3A_351 = tpu.memref_slice %arg9[%dma_start3A_349, %dma_start3A_350] : memref<10240x128xf32, #tpu.memory_space<vmem_shared>> -> memref<10240x128xf32, #tpu.memory_space<vmem_shared>>
        tpu.enqueue_indirect_dma source(%dma_start3A_345 : memref<64x128xf32, #tpu.memory_space<vmem>>) target(%dma_start3A_351 : memref<10240x128xf32, #tpu.memory_space<vmem_shared>>) offsets(%dma_start3A_348 : memref<64xi32, #tpu.memory_space<vmem>>) semaphore(%run_scoped3A_341 : memref<!tpu.dma_semaphore, #tpu.memory_space<semaphore_mem>>) {add = true}
        %dma_wait3A_352 = arith.constant 0 : i32
        %dma_wait3A_353 = arith.constant 0 : i32
        %dma_wait3A_354 = tpu.memref_slice %arg8[%run_scoped3A_280, %dma_wait3A_352, %dma_wait3A_353] : memref<4x64x128xf32, #tpu.memory_space<vmem>> -> memref<1x64x128xf32, #tpu.memory_space<vmem>>
        %dma_wait3A_355 = tpu.memref_squeeze %dma_wait3A_354 : memref<1x64x128xf32, #tpu.memory_space<vmem>> -> memref<64x128xf32, #tpu.memory_space<vmem>>
        %dma_wait3A_356 = arith.constant 0 : i32
        %dma_wait3A_357 = tpu.memref_slice %arg7[%add3A_279, %dma_wait3A_356] : memref<40x64xi32, #tpu.memory_space<vmem>> -> memref<1x64xi32, #tpu.memory_space<vmem>>
        %dma_wait3A_358 = tpu.memref_squeeze %dma_wait3A_357 : memref<1x64xi32, #tpu.memory_space<vmem>> -> memref<64xi32, #tpu.memory_space<vmem>>
        %dma_wait3A_359 = arith.constant 0 : i32
        %dma_wait3A_360 = arith.constant 0 : i32
        %dma_wait3A_361 = tpu.memref_slice %arg9[%dma_wait3A_359, %dma_wait3A_360] : memref<10240x128xf32, #tpu.memory_space<vmem_shared>> -> memref<10240x128xf32, #tpu.memory_space<vmem_shared>>
        tpu.wait_indirect_dma semaphore(%run_scoped3A_341 : memref<!tpu.dma_semaphore, #tpu.memory_space<semaphore_mem>>) src(%dma_wait3A_355 : memref<64x128xf32, #tpu.memory_space<vmem>>) dst(%dma_wait3A_361 : memref<10240x128xf32, #tpu.memory_space<vmem_shared>>)
        tpu.yield
      }) : () -> ()
      %add3A_281 = arith.constant 1 : i32
      %add3A_282 = arith.addi %mul3A_244, %add3A_281 : i32
      %add3A_283 = arith.constant 4 : i32
      %add3A_284 = arith.addi %add3A_282, %add3A_283 : i32
      %lt3A_285 = arith.constant 40 : i32
      %lt3A_286 = arith.cmpi slt, %add3A_284, %lt3A_285 : i32
      %convert_element_type3A_287 = arith.extui %lt3A_286 : i1 to i32
      %cond3A_288 = arith.constant 0 : i32
      %cond3A_289 = arith.cmpi ne, %convert_element_type3A_287, %cond3A_288 : i32
      scf.if %cond3A_289 {
        %add3A_341 = arith.constant 1 : i32
        %add3A_342 = arith.addi %mul3A_244, %add3A_341 : i32
        %add3A_343 = arith.constant 4 : i32
        %add3A_344 = arith.addi %add3A_342, %add3A_343 : i32
        %dma_start3A_345 = arith.constant 1 : i32
        %dma_start3A_346 = arith.constant 0 : i32
        %dma_start3A_347 = arith.constant 0 : i32
        %dma_start3A_348 = tpu.memref_slice %arg8[%dma_start3A_345, %dma_start3A_346, %dma_start3A_347] : memref<4x64x128xf32, #tpu.memory_space<vmem>> -> memref<1x64x128xf32, #tpu.memory_space<vmem>>
        %dma_start3A_349 = tpu.memref_squeeze %dma_start3A_348 : memref<1x64x128xf32, #tpu.memory_space<vmem>> -> memref<64x128xf32, #tpu.memory_space<vmem>>
        %dma_start3A_350 = arith.constant 0 : i32
        %dma_start3A_351 = tpu.memref_slice %arg6[%add3A_344, %dma_start3A_350] : memref<40x64xi32, #tpu.memory_space<vmem>> -> memref<1x64xi32, #tpu.memory_space<vmem>>
        %dma_start3A_352 = tpu.memref_squeeze %dma_start3A_351 : memref<1x64xi32, #tpu.memory_space<vmem>> -> memref<64xi32, #tpu.memory_space<vmem>>
        %dma_start3A_353 = arith.constant 0 : i32
        %dma_start3A_354 = arith.constant 0 : i32
        %dma_start3A_355 = tpu.memref_slice %arg2[%dma_start3A_353, %dma_start3A_354] : memref<10240x128xf32, #tpu.memory_space<hbm>> -> memref<10240x128xf32, #tpu.memory_space<hbm>>
        tpu.enqueue_indirect_dma source(%dma_start3A_355 : memref<10240x128xf32, #tpu.memory_space<hbm>>) target(%dma_start3A_349 : memref<64x128xf32, #tpu.memory_space<vmem>>) offsets(%dma_start3A_352 : memref<64xi32, #tpu.memory_space<vmem>>) semaphore(%arg11 : memref<!tpu.dma_semaphore, #tpu.memory_space<semaphore_mem>>)
      } else {
      }
      %add3A_290 = arith.constant 2 : i32
      %add3A_291 = arith.addi %mul3A_244, %add3A_290 : i32
      %dma_wait3A_292 = arith.constant 2 : i32
      %dma_wait3A_293 = arith.constant 0 : i32
      %dma_wait3A_294 = arith.constant 0 : i32
      %dma_wait3A_295 = tpu.memref_slice %arg8[%dma_wait3A_292, %dma_wait3A_293, %dma_wait3A_294] : memref<4x64x128xf32, #tpu.memory_space<vmem>> -> memref<1x64x128xf32, #tpu.memory_space<vmem>>
      %dma_wait3A_296 = tpu.memref_squeeze %dma_wait3A_295 : memref<1x64x128xf32, #tpu.memory_space<vmem>> -> memref<64x128xf32, #tpu.memory_space<vmem>>
      %dma_wait3A_297 = arith.constant 0 : i32
      %dma_wait3A_298 = tpu.memref_slice %arg6[%add3A_291, %dma_wait3A_297] : memref<40x64xi32, #tpu.memory_space<vmem>> -> memref<1x64xi32, #tpu.memory_space<vmem>>
      %dma_wait3A_299 = tpu.memref_squeeze %dma_wait3A_298 : memref<1x64xi32, #tpu.memory_space<vmem>> -> memref<64xi32, #tpu.memory_space<vmem>>
      %dma_wait3A_300 = arith.constant 0 : i32
      %dma_wait3A_301 = arith.constant 0 : i32
      %dma_wait3A_302 = tpu.memref_slice %arg2[%dma_wait3A_300, %dma_wait3A_301] : memref<10240x128xf32, #tpu.memory_space<hbm>> -> memref<10240x128xf32, #tpu.memory_space<hbm>>
      tpu.wait_indirect_dma semaphore(%arg12 : memref<!tpu.dma_semaphore, #tpu.memory_space<semaphore_mem>>) src(%dma_wait3A_302 : memref<10240x128xf32, #tpu.memory_space<hbm>>) dst(%dma_wait3A_296 : memref<64x128xf32, #tpu.memory_space<vmem>>)
      %add3A_303 = arith.constant 2 : i32
      %add3A_304 = arith.addi %mul3A_244, %add3A_303 : i32
      %run_scoped3A_305 = arith.constant 2 : i32
      "tpu.region"() ({
        %run_scoped3A_341 = tpu.sem_alloc : memref<!tpu.dma_semaphore, #tpu.memory_space<semaphore_mem>>
        %dma_start3A_342 = arith.constant 0 : i32
        %dma_start3A_343 = arith.constant 0 : i32
        %dma_start3A_344 = tpu.memref_slice %arg8[%run_scoped3A_305, %dma_start3A_342, %dma_start3A_343] : memref<4x64x128xf32, #tpu.memory_space<vmem>> -> memref<1x64x128xf32, #tpu.memory_space<vmem>>
        %dma_start3A_345 = tpu.memref_squeeze %dma_start3A_344 : memref<1x64x128xf32, #tpu.memory_space<vmem>> -> memref<64x128xf32, #tpu.memory_space<vmem>>
        %dma_start3A_346 = arith.constant 0 : i32
        %dma_start3A_347 = tpu.memref_slice %arg7[%add3A_304, %dma_start3A_346] : memref<40x64xi32, #tpu.memory_space<vmem>> -> memref<1x64xi32, #tpu.memory_space<vmem>>
        %dma_start3A_348 = tpu.memref_squeeze %dma_start3A_347 : memref<1x64xi32, #tpu.memory_space<vmem>> -> memref<64xi32, #tpu.memory_space<vmem>>
        %dma_start3A_349 = arith.constant 0 : i32
        %dma_start3A_350 = arith.constant 0 : i32
        %dma_start3A_351 = tpu.memref_slice %arg9[%dma_start3A_349, %dma_start3A_350] : memref<10240x128xf32, #tpu.memory_space<vmem_shared>> -> memref<10240x128xf32, #tpu.memory_space<vmem_shared>>
        tpu.enqueue_indirect_dma source(%dma_start3A_345 : memref<64x128xf32, #tpu.memory_space<vmem>>) target(%dma_start3A_351 : memref<10240x128xf32, #tpu.memory_space<vmem_shared>>) offsets(%dma_start3A_348 : memref<64xi32, #tpu.memory_space<vmem>>) semaphore(%run_scoped3A_341 : memref<!tpu.dma_semaphore, #tpu.memory_space<semaphore_mem>>) {add = true}
        %dma_wait3A_352 = arith.constant 0 : i32
        %dma_wait3A_353 = arith.constant 0 : i32
        %dma_wait3A_354 = tpu.memref_slice %arg8[%run_scoped3A_305, %dma_wait3A_352, %dma_wait3A_353] : memref<4x64x128xf32, #tpu.memory_space<vmem>> -> memref<1x64x128xf32, #tpu.memory_space<vmem>>
        %dma_wait3A_355 = tpu.memref_squeeze %dma_wait3A_354 : memref<1x64x128xf32, #tpu.memory_space<vmem>> -> memref<64x128xf32, #tpu.memory_space<vmem>>
        %dma_wait3A_356 = arith.constant 0 : i32
        %dma_wait3A_357 = tpu.memref_slice %arg7[%add3A_304, %dma_wait3A_356] : memref<40x64xi32, #tpu.memory_space<vmem>> -> memref<1x64xi32, #tpu.memory_space<vmem>>
        %dma_wait3A_358 = tpu.memref_squeeze %dma_wait3A_357 : memref<1x64xi32, #tpu.memory_space<vmem>> -> memref<64xi32, #tpu.memory_space<vmem>>
        %dma_wait3A_359 = arith.constant 0 : i32
        %dma_wait3A_360 = arith.constant 0 : i32
        %dma_wait3A_361 = tpu.memref_slice %arg9[%dma_wait3A_359, %dma_wait3A_360] : memref<10240x128xf32, #tpu.memory_space<vmem_shared>> -> memref<10240x128xf32, #tpu.memory_space<vmem_shared>>
        tpu.wait_indirect_dma semaphore(%run_scoped3A_341 : memref<!tpu.dma_semaphore, #tpu.memory_space<semaphore_mem>>) src(%dma_wait3A_355 : memref<64x128xf32, #tpu.memory_space<vmem>>) dst(%dma_wait3A_361 : memref<10240x128xf32, #tpu.memory_space<vmem_shared>>)
        tpu.yield
      }) : () -> ()
      %add3A_306 = arith.constant 2 : i32
      %add3A_307 = arith.addi %mul3A_244, %add3A_306 : i32
      %add3A_308 = arith.constant 4 : i32
      %add3A_309 = arith.addi %add3A_307, %add3A_308 : i32
      %lt3A_310 = arith.constant 40 : i32
      %lt3A_311 = arith.cmpi slt, %add3A_309, %lt3A_310 : i32
      %convert_element_type3A_312 = arith.extui %lt3A_311 : i1 to i32
      %cond3A_313 = arith.constant 0 : i32
      %cond3A_314 = arith.cmpi ne, %convert_element_type3A_312, %cond3A_313 : i32
      scf.if %cond3A_314 {
        %add3A_341 = arith.constant 2 : i32
        %add3A_342 = arith.addi %mul3A_244, %add3A_341 : i32
        %add3A_343 = arith.constant 4 : i32
        %add3A_344 = arith.addi %add3A_342, %add3A_343 : i32
        %dma_start3A_345 = arith.constant 2 : i32
        %dma_start3A_346 = arith.constant 0 : i32
        %dma_start3A_347 = arith.constant 0 : i32
        %dma_start3A_348 = tpu.memref_slice %arg8[%dma_start3A_345, %dma_start3A_346, %dma_start3A_347] : memref<4x64x128xf32, #tpu.memory_space<vmem>> -> memref<1x64x128xf32, #tpu.memory_space<vmem>>
        %dma_start3A_349 = tpu.memref_squeeze %dma_start3A_348 : memref<1x64x128xf32, #tpu.memory_space<vmem>> -> memref<64x128xf32, #tpu.memory_space<vmem>>
        %dma_start3A_350 = arith.constant 0 : i32
        %dma_start3A_351 = tpu.memref_slice %arg6[%add3A_344, %dma_start3A_350] : memref<40x64xi32, #tpu.memory_space<vmem>> -> memref<1x64xi32, #tpu.memory_space<vmem>>
        %dma_start3A_352 = tpu.memref_squeeze %dma_start3A_351 : memref<1x64xi32, #tpu.memory_space<vmem>> -> memref<64xi32, #tpu.memory_space<vmem>>
        %dma_start3A_353 = arith.constant 0 : i32
        %dma_start3A_354 = arith.constant 0 : i32
        %dma_start3A_355 = tpu.memref_slice %arg2[%dma_start3A_353, %dma_start3A_354] : memref<10240x128xf32, #tpu.memory_space<hbm>> -> memref<10240x128xf32, #tpu.memory_space<hbm>>
        tpu.enqueue_indirect_dma source(%dma_start3A_355 : memref<10240x128xf32, #tpu.memory_space<hbm>>) target(%dma_start3A_349 : memref<64x128xf32, #tpu.memory_space<vmem>>) offsets(%dma_start3A_352 : memref<64xi32, #tpu.memory_space<vmem>>) semaphore(%arg12 : memref<!tpu.dma_semaphore, #tpu.memory_space<semaphore_mem>>)
      } else {
      }
      %add3A_315 = arith.constant 3 : i32
      %add3A_316 = arith.addi %mul3A_244, %add3A_315 : i32
      %dma_wait3A_317 = arith.constant 3 : i32
      %dma_wait3A_318 = arith.constant 0 : i32
      %dma_wait3A_319 = arith.constant 0 : i32
      %dma_wait3A_320 = tpu.memref_slice %arg8[%dma_wait3A_317, %dma_wait3A_318, %dma_wait3A_319] : memref<4x64x128xf32, #tpu.memory_space<vmem>> -> memref<1x64x128xf32, #tpu.memory_space<vmem>>
      %dma_wait3A_321 = tpu.memref_squeeze %dma_wait3A_320 : memref<1x64x128xf32, #tpu.memory_space<vmem>> -> memref<64x128xf32, #tpu.memory_space<vmem>>
      %dma_wait3A_322 = arith.constant 0 : i32
      %dma_wait3A_323 = tpu.memref_slice %arg6[%add3A_316, %dma_wait3A_322] : memref<40x64xi32, #tpu.memory_space<vmem>> -> memref<1x64xi32, #tpu.memory_space<vmem>>
      %dma_wait3A_324 = tpu.memref_squeeze %dma_wait3A_323 : memref<1x64xi32, #tpu.memory_space<vmem>> -> memref<64xi32, #tpu.memory_space<vmem>>
      %dma_wait3A_325 = arith.constant 0 : i32
      %dma_wait3A_326 = arith.constant 0 : i32
      %dma_wait3A_327 = tpu.memref_slice %arg2[%dma_wait3A_325, %dma_wait3A_326] : memref<10240x128xf32, #tpu.memory_space<hbm>> -> memref<10240x128xf32, #tpu.memory_space<hbm>>
      tpu.wait_indirect_dma semaphore(%arg13 : memref<!tpu.dma_semaphore, #tpu.memory_space<semaphore_mem>>) src(%dma_wait3A_327 : memref<10240x128xf32, #tpu.memory_space<hbm>>) dst(%dma_wait3A_321 : memref<64x128xf32, #tpu.memory_space<vmem>>)
      %add3A_328 = arith.constant 3 : i32
      %add3A_329 = arith.addi %mul3A_244, %add3A_328 : i32
      %run_scoped3A_330 = arith.constant 3 : i32
      "tpu.region"() ({
        %run_scoped3A_341 = tpu.sem_alloc : memref<!tpu.dma_semaphore, #tpu.memory_space<semaphore_mem>>
        %dma_start3A_342 = arith.constant 0 : i32
        %dma_start3A_343 = arith.constant 0 : i32
        %dma_start3A_344 = tpu.memref_slice %arg8[%run_scoped3A_330, %dma_start3A_342, %dma_start3A_343] : memref<4x64x128xf32, #tpu.memory_space<vmem>> -> memref<1x64x128xf32, #tpu.memory_space<vmem>>
        %dma_start3A_345 = tpu.memref_squeeze %dma_start3A_344 : memref<1x64x128xf32, #tpu.memory_space<vmem>> -> memref<64x128xf32, #tpu.memory_space<vmem>>
        %dma_start3A_346 = arith.constant 0 : i32
        %dma_start3A_347 = tpu.memref_slice %arg7[%add3A_329, %dma_start3A_346] : memref<40x64xi32, #tpu.memory_space<vmem>> -> memref<1x64xi32, #tpu.memory_space<vmem>>
        %dma_start3A_348 = tpu.memref_squeeze %dma_start3A_347 : memref<1x64xi32, #tpu.memory_space<vmem>> -> memref<64xi32, #tpu.memory_space<vmem>>
        %dma_start3A_349 = arith.constant 0 : i32
        %dma_start3A_350 = arith.constant 0 : i32
        %dma_start3A_351 = tpu.memref_slice %arg9[%dma_start3A_349, %dma_start3A_350] : memref<10240x128xf32, #tpu.memory_space<vmem_shared>> -> memref<10240x128xf32, #tpu.memory_space<vmem_shared>>
        tpu.enqueue_indirect_dma source(%dma_start3A_345 : memref<64x128xf32, #tpu.memory_space<vmem>>) target(%dma_start3A_351 : memref<10240x128xf32, #tpu.memory_space<vmem_shared>>) offsets(%dma_start3A_348 : memref<64xi32, #tpu.memory_space<vmem>>) semaphore(%run_scoped3A_341 : memref<!tpu.dma_semaphore, #tpu.memory_space<semaphore_mem>>) {add = true}
        %dma_wait3A_352 = arith.constant 0 : i32
        %dma_wait3A_353 = arith.constant 0 : i32
        %dma_wait3A_354 = tpu.memref_slice %arg8[%run_scoped3A_330, %dma_wait3A_352, %dma_wait3A_353] : memref<4x64x128xf32, #tpu.memory_space<vmem>> -> memref<1x64x128xf32, #tpu.memory_space<vmem>>
        %dma_wait3A_355 = tpu.memref_squeeze %dma_wait3A_354 : memref<1x64x128xf32, #tpu.memory_space<vmem>> -> memref<64x128xf32, #tpu.memory_space<vmem>>
        %dma_wait3A_356 = arith.constant 0 : i32
        %dma_wait3A_357 = tpu.memref_slice %arg7[%add3A_329, %dma_wait3A_356] : memref<40x64xi32, #tpu.memory_space<vmem>> -> memref<1x64xi32, #tpu.memory_space<vmem>>
        %dma_wait3A_358 = tpu.memref_squeeze %dma_wait3A_357 : memref<1x64xi32, #tpu.memory_space<vmem>> -> memref<64xi32, #tpu.memory_space<vmem>>
        %dma_wait3A_359 = arith.constant 0 : i32
        %dma_wait3A_360 = arith.constant 0 : i32
        %dma_wait3A_361 = tpu.memref_slice %arg9[%dma_wait3A_359, %dma_wait3A_360] : memref<10240x128xf32, #tpu.memory_space<vmem_shared>> -> memref<10240x128xf32, #tpu.memory_space<vmem_shared>>
        tpu.wait_indirect_dma semaphore(%run_scoped3A_341 : memref<!tpu.dma_semaphore, #tpu.memory_space<semaphore_mem>>) src(%dma_wait3A_355 : memref<64x128xf32, #tpu.memory_space<vmem>>) dst(%dma_wait3A_361 : memref<10240x128xf32, #tpu.memory_space<vmem_shared>>)
        tpu.yield
      }) : () -> ()
      %add3A_331 = arith.constant 3 : i32
      %add3A_332 = arith.addi %mul3A_244, %add3A_331 : i32
      %add3A_333 = arith.constant 4 : i32
      %add3A_334 = arith.addi %add3A_332, %add3A_333 : i32
      %lt3A_335 = arith.constant 40 : i32
      %lt3A_336 = arith.cmpi slt, %add3A_334, %lt3A_335 : i32
      %convert_element_type3A_337 = arith.extui %lt3A_336 : i1 to i32
      %cond3A_338 = arith.constant 0 : i32
      %cond3A_339 = arith.cmpi ne, %convert_element_type3A_337, %cond3A_338 : i32
      scf.if %cond3A_339 {
        %add3A_341 = arith.constant 3 : i32
        %add3A_342 = arith.addi %mul3A_244, %add3A_341 : i32
        %add3A_343 = arith.constant 4 : i32
        %add3A_344 = arith.addi %add3A_342, %add3A_343 : i32
        %dma_start3A_345 = arith.constant 3 : i32
        %dma_start3A_346 = arith.constant 0 : i32
        %dma_start3A_347 = arith.constant 0 : i32
        %dma_start3A_348 = tpu.memref_slice %arg8[%dma_start3A_345, %dma_start3A_346, %dma_start3A_347] : memref<4x64x128xf32, #tpu.memory_space<vmem>> -> memref<1x64x128xf32, #tpu.memory_space<vmem>>
        %dma_start3A_349 = tpu.memref_squeeze %dma_start3A_348 : memref<1x64x128xf32, #tpu.memory_space<vmem>> -> memref<64x128xf32, #tpu.memory_space<vmem>>
        %dma_start3A_350 = arith.constant 0 : i32
        %dma_start3A_351 = tpu.memref_slice %arg6[%add3A_344, %dma_start3A_350] : memref<40x64xi32, #tpu.memory_space<vmem>> -> memref<1x64xi32, #tpu.memory_space<vmem>>
        %dma_start3A_352 = tpu.memref_squeeze %dma_start3A_351 : memref<1x64xi32, #tpu.memory_space<vmem>> -> memref<64xi32, #tpu.memory_space<vmem>>
        %dma_start3A_353 = arith.constant 0 : i32
        %dma_start3A_354 = arith.constant 0 : i32
        %dma_start3A_355 = tpu.memref_slice %arg2[%dma_start3A_353, %dma_start3A_354] : memref<10240x128xf32, #tpu.memory_space<hbm>> -> memref<10240x128xf32, #tpu.memory_space<hbm>>
        tpu.enqueue_indirect_dma source(%dma_start3A_355 : memref<10240x128xf32, #tpu.memory_space<hbm>>) target(%dma_start3A_349 : memref<64x128xf32, #tpu.memory_space<vmem>>) offsets(%dma_start3A_352 : memref<64xi32, #tpu.memory_space<vmem>>) semaphore(%arg13 : memref<!tpu.dma_semaphore, #tpu.memory_space<semaphore_mem>>)
      } else {
      }
      %scan3A_340 = arith.constant 0 : i32
      scf.yield %scan3A_340 : i32
    }
    %scan3A_177 = arith.constant 10 : i32
    "tpu.region"() ({
      %run_scoped3A = tpu.sem_alloc : memref<!tpu.dma_semaphore, #tpu.memory_space<semaphore_mem>>
      %dma_start3A_241 = arith.constant 120 : i32
      %dma_start3A_242 = arith.constant 0 : i32
      %dma_start3A_243 = tpu.memref_slice %arg3[%add3A, %dma_start3A_241, %dma_start3A_242] : memref<32x160x64xi32, #tpu.memory_space<hbm>> -> memref<1x40x64xi32, #tpu.memory_space<hbm>>
      %dma_start3A_244 = tpu.memref_squeeze %dma_start3A_243 : memref<1x40x64xi32, #tpu.memory_space<hbm>> -> memref<40x64xi32, #tpu.memory_space<hbm>>
      %dma_start3A_245 = arith.constant 120 : i32
      %dma_start3A_246 = arith.constant 0 : i32
      %dma_start3A_247 = tpu.memref_slice %arg3[%add3A, %dma_start3A_245, %dma_start3A_246] : memref<32x160x64xi32, #tpu.memory_space<hbm>> -> memref<1x40x64xi32, #tpu.memory_space<hbm>>
      %dma_start3A_248 = tpu.memref_squeeze %dma_start3A_247 : memref<1x40x64xi32, #tpu.memory_space<hbm>> -> memref<40x64xi32, #tpu.memory_space<hbm>>
      tpu.enqueue_dma source(%dma_start3A_248 : memref<40x64xi32, #tpu.memory_space<hbm>>) target(%arg6 : memref<40x64xi32, #tpu.memory_space<vmem>>) target_semaphore(%run_scoped3A : memref<!tpu.dma_semaphore, #tpu.memory_space<semaphore_mem>>)
      %dma_wait3A = arith.constant 120 : i32
      %dma_wait3A_249 = arith.constant 0 : i32
      %dma_wait3A_250 = tpu.memref_slice %arg3[%add3A, %dma_wait3A, %dma_wait3A_249] : memref<32x160x64xi32, #tpu.memory_space<hbm>> -> memref<1x40x64xi32, #tpu.memory_space<hbm>>
      %dma_wait3A_251 = tpu.memref_squeeze %dma_wait3A_250 : memref<1x40x64xi32, #tpu.memory_space<hbm>> -> memref<40x64xi32, #tpu.memory_space<hbm>>
      %dma_wait3A_252 = arith.constant 120 : i32
      %dma_wait3A_253 = arith.constant 0 : i32
      %dma_wait3A_254 = tpu.memref_slice %arg3[%add3A, %dma_wait3A_252, %dma_wait3A_253] : memref<32x160x64xi32, #tpu.memory_space<hbm>> -> memref<1x40x64xi32, #tpu.memory_space<hbm>>
      %dma_wait3A_255 = tpu.memref_squeeze %dma_wait3A_254 : memref<1x40x64xi32, #tpu.memory_space<hbm>> -> memref<40x64xi32, #tpu.memory_space<hbm>>
      tpu.wait_dma2 semaphore(%run_scoped3A : memref<!tpu.dma_semaphore, #tpu.memory_space<semaphore_mem>>) src(%dma_wait3A_255 : memref<40x64xi32, #tpu.memory_space<hbm>>) dst(%arg6 : memref<40x64xi32, #tpu.memory_space<vmem>>)
      tpu.yield
    }) : () -> ()
    "tpu.region"() ({
      %run_scoped3A = tpu.sem_alloc : memref<!tpu.dma_semaphore, #tpu.memory_space<semaphore_mem>>
      %dma_start3A_241 = arith.constant 120 : i32
      %dma_start3A_242 = arith.constant 0 : i32
      %dma_start3A_243 = tpu.memref_slice %arg4[%add3A, %dma_start3A_241, %dma_start3A_242] : memref<32x160x64xi32, #tpu.memory_space<hbm>> -> memref<1x40x64xi32, #tpu.memory_space<hbm>>
      %dma_start3A_244 = tpu.memref_squeeze %dma_start3A_243 : memref<1x40x64xi32, #tpu.memory_space<hbm>> -> memref<40x64xi32, #tpu.memory_space<hbm>>
      %dma_start3A_245 = arith.constant 120 : i32
      %dma_start3A_246 = arith.constant 0 : i32
      %dma_start3A_247 = tpu.memref_slice %arg4[%add3A, %dma_start3A_245, %dma_start3A_246] : memref<32x160x64xi32, #tpu.memory_space<hbm>> -> memref<1x40x64xi32, #tpu.memory_space<hbm>>
      %dma_start3A_248 = tpu.memref_squeeze %dma_start3A_247 : memref<1x40x64xi32, #tpu.memory_space<hbm>> -> memref<40x64xi32, #tpu.memory_space<hbm>>
      tpu.enqueue_dma source(%dma_start3A_248 : memref<40x64xi32, #tpu.memory_space<hbm>>) target(%arg7 : memref<40x64xi32, #tpu.memory_space<vmem>>) target_semaphore(%run_scoped3A : memref<!tpu.dma_semaphore, #tpu.memory_space<semaphore_mem>>)
      %dma_wait3A = arith.constant 120 : i32
      %dma_wait3A_249 = arith.constant 0 : i32
      %dma_wait3A_250 = tpu.memref_slice %arg4[%add3A, %dma_wait3A, %dma_wait3A_249] : memref<32x160x64xi32, #tpu.memory_space<hbm>> -> memref<1x40x64xi32, #tpu.memory_space<hbm>>
      %dma_wait3A_251 = tpu.memref_squeeze %dma_wait3A_250 : memref<1x40x64xi32, #tpu.memory_space<hbm>> -> memref<40x64xi32, #tpu.memory_space<hbm>>
      %dma_wait3A_252 = arith.constant 120 : i32
      %dma_wait3A_253 = arith.constant 0 : i32
      %dma_wait3A_254 = tpu.memref_slice %arg4[%add3A, %dma_wait3A_252, %dma_wait3A_253] : memref<32x160x64xi32, #tpu.memory_space<hbm>> -> memref<1x40x64xi32, #tpu.memory_space<hbm>>
      %dma_wait3A_255 = tpu.memref_squeeze %dma_wait3A_254 : memref<1x40x64xi32, #tpu.memory_space<hbm>> -> memref<40x64xi32, #tpu.memory_space<hbm>>
      tpu.wait_dma2 semaphore(%run_scoped3A : memref<!tpu.dma_semaphore, #tpu.memory_space<semaphore_mem>>) src(%dma_wait3A_255 : memref<40x64xi32, #tpu.memory_space<hbm>>) dst(%arg7 : memref<40x64xi32, #tpu.memory_space<vmem>>)
      tpu.yield
    }) : () -> ()
    %dma_start3A_178 = arith.constant 0 : i32
    %dma_start3A_179 = arith.constant 0 : i32
    %dma_start3A_180 = arith.constant 0 : i32
    %dma_start3A_181 = arith.constant 0 : i32
    %dma_start3A_182 = tpu.memref_slice %arg8[%dma_start3A_179, %dma_start3A_180, %dma_start3A_181] : memref<4x64x128xf32, #tpu.memory_space<vmem>> -> memref<1x64x128xf32, #tpu.memory_space<vmem>>
    %dma_start3A_183 = tpu.memref_squeeze %dma_start3A_182 : memref<1x64x128xf32, #tpu.memory_space<vmem>> -> memref<64x128xf32, #tpu.memory_space<vmem>>
    %dma_start3A_184 = arith.constant 0 : i32
    %dma_start3A_185 = tpu.memref_slice %arg6[%dma_start3A_178, %dma_start3A_184] : memref<40x64xi32, #tpu.memory_space<vmem>> -> memref<1x64xi32, #tpu.memory_space<vmem>>
    %dma_start3A_186 = tpu.memref_squeeze %dma_start3A_185 : memref<1x64xi32, #tpu.memory_space<vmem>> -> memref<64xi32, #tpu.memory_space<vmem>>
    %dma_start3A_187 = arith.constant 0 : i32
    %dma_start3A_188 = arith.constant 0 : i32
    %dma_start3A_189 = tpu.memref_slice %arg2[%dma_start3A_187, %dma_start3A_188] : memref<10240x128xf32, #tpu.memory_space<hbm>> -> memref<10240x128xf32, #tpu.memory_space<hbm>>
    tpu.enqueue_indirect_dma source(%dma_start3A_189 : memref<10240x128xf32, #tpu.memory_space<hbm>>) target(%dma_start3A_183 : memref<64x128xf32, #tpu.memory_space<vmem>>) offsets(%dma_start3A_186 : memref<64xi32, #tpu.memory_space<vmem>>) semaphore(%arg10 : memref<!tpu.dma_semaphore, #tpu.memory_space<semaphore_mem>>)
    %dma_start3A_190 = arith.constant 1 : i32
    %dma_start3A_191 = arith.constant 1 : i32
    %dma_start3A_192 = arith.constant 0 : i32
    %dma_start3A_193 = arith.constant 0 : i32
    %dma_start3A_194 = tpu.memref_slice %arg8[%dma_start3A_191, %dma_start3A_192, %dma_start3A_193] : memref<4x64x128xf32, #tpu.memory_space<vmem>> -> memref<1x64x128xf32, #tpu.memory_space<vmem>>
    %dma_start3A_195 = tpu.memref_squeeze %dma_start3A_194 : memref<1x64x128xf32, #tpu.memory_space<vmem>> -> memref<64x128xf32, #tpu.memory_space<vmem>>
    %dma_start3A_196 = arith.constant 0 : i32
    %dma_start3A_197 = tpu.memref_slice %arg6[%dma_start3A_190, %dma_start3A_196] : memref<40x64xi32, #tpu.memory_space<vmem>> -> memref<1x64xi32, #tpu.memory_space<vmem>>
    %dma_start3A_198 = tpu.memref_squeeze %dma_start3A_197 : memref<1x64xi32, #tpu.memory_space<vmem>> -> memref<64xi32, #tpu.memory_space<vmem>>
    %dma_start3A_199 = arith.constant 0 : i32
    %dma_start3A_200 = arith.constant 0 : i32
    %dma_start3A_201 = tpu.memref_slice %arg2[%dma_start3A_199, %dma_start3A_200] : memref<10240x128xf32, #tpu.memory_space<hbm>> -> memref<10240x128xf32, #tpu.memory_space<hbm>>
    tpu.enqueue_indirect_dma source(%dma_start3A_201 : memref<10240x128xf32, #tpu.memory_space<hbm>>) target(%dma_start3A_195 : memref<64x128xf32, #tpu.memory_space<vmem>>) offsets(%dma_start3A_198 : memref<64xi32, #tpu.memory_space<vmem>>) semaphore(%arg11 : memref<!tpu.dma_semaphore, #tpu.memory_space<semaphore_mem>>)
    %dma_start3A_202 = arith.constant 2 : i32
    %dma_start3A_203 = arith.constant 2 : i32
    %dma_start3A_204 = arith.constant 0 : i32
    %dma_start3A_205 = arith.constant 0 : i32
    %dma_start3A_206 = tpu.memref_slice %arg8[%dma_start3A_203, %dma_start3A_204, %dma_start3A_205] : memref<4x64x128xf32, #tpu.memory_space<vmem>> -> memref<1x64x128xf32, #tpu.memory_space<vmem>>
    %dma_start3A_207 = tpu.memref_squeeze %dma_start3A_206 : memref<1x64x128xf32, #tpu.memory_space<vmem>> -> memref<64x128xf32, #tpu.memory_space<vmem>>
    %dma_start3A_208 = arith.constant 0 : i32
    %dma_start3A_209 = tpu.memref_slice %arg6[%dma_start3A_202, %dma_start3A_208] : memref<40x64xi32, #tpu.memory_space<vmem>> -> memref<1x64xi32, #tpu.memory_space<vmem>>
    %dma_start3A_210 = tpu.memref_squeeze %dma_start3A_209 : memref<1x64xi32, #tpu.memory_space<vmem>> -> memref<64xi32, #tpu.memory_space<vmem>>
    %dma_start3A_211 = arith.constant 0 : i32
    %dma_start3A_212 = arith.constant 0 : i32
    %dma_start3A_213 = tpu.memref_slice %arg2[%dma_start3A_211, %dma_start3A_212] : memref<10240x128xf32, #tpu.memory_space<hbm>> -> memref<10240x128xf32, #tpu.memory_space<hbm>>
    tpu.enqueue_indirect_dma source(%dma_start3A_213 : memref<10240x128xf32, #tpu.memory_space<hbm>>) target(%dma_start3A_207 : memref<64x128xf32, #tpu.memory_space<vmem>>) offsets(%dma_start3A_210 : memref<64xi32, #tpu.memory_space<vmem>>) semaphore(%arg12 : memref<!tpu.dma_semaphore, #tpu.memory_space<semaphore_mem>>)
    %dma_start3A_214 = arith.constant 3 : i32
    %dma_start3A_215 = arith.constant 3 : i32
    %dma_start3A_216 = arith.constant 0 : i32
    %dma_start3A_217 = arith.constant 0 : i32
    %dma_start3A_218 = tpu.memref_slice %arg8[%dma_start3A_215, %dma_start3A_216, %dma_start3A_217] : memref<4x64x128xf32, #tpu.memory_space<vmem>> -> memref<1x64x128xf32, #tpu.memory_space<vmem>>
    %dma_start3A_219 = tpu.memref_squeeze %dma_start3A_218 : memref<1x64x128xf32, #tpu.memory_space<vmem>> -> memref<64x128xf32, #tpu.memory_space<vmem>>
    %dma_start3A_220 = arith.constant 0 : i32
    %dma_start3A_221 = tpu.memref_slice %arg6[%dma_start3A_214, %dma_start3A_220] : memref<40x64xi32, #tpu.memory_space<vmem>> -> memref<1x64xi32, #tpu.memory_space<vmem>>
    %dma_start3A_222 = tpu.memref_squeeze %dma_start3A_221 : memref<1x64xi32, #tpu.memory_space<vmem>> -> memref<64xi32, #tpu.memory_space<vmem>>
    %dma_start3A_223 = arith.constant 0 : i32
    %dma_start3A_224 = arith.constant 0 : i32
    %dma_start3A_225 = tpu.memref_slice %arg2[%dma_start3A_223, %dma_start3A_224] : memref<10240x128xf32, #tpu.memory_space<hbm>> -> memref<10240x128xf32, #tpu.memory_space<hbm>>
    tpu.enqueue_indirect_dma source(%dma_start3A_225 : memref<10240x128xf32, #tpu.memory_space<hbm>>) target(%dma_start3A_219 : memref<64x128xf32, #tpu.memory_space<vmem>>) offsets(%dma_start3A_222 : memref<64xi32, #tpu.memory_space<vmem>>) semaphore(%arg13 : memref<!tpu.dma_semaphore, #tpu.memory_space<semaphore_mem>>)
    %scan3A_226 = arith.constant 0 : i32
    %scan3A_227 = arith.constant 0 : i32
    %scan3A_228 = arith.constant 10 : i32
    %scan3A_229 = arith.addi %scan3A_227, %scan3A_228 : i32
    %scan3A_230 = arith.constant 1 : i32
    %scan3A_231 = scf.for %scan3A_241 = %scan3A_227 to %scan3A_229 step %scan3A_230 iter_args(%scan3A_242 = %scan3A_226) -> (i32)  : i32 {
      %mul3A_243 = arith.constant 4 : i32
      %mul3A_244 = arith.muli %scan3A_241, %mul3A_243 : i32
      %add3A_245 = arith.constant 0 : i32
      %add3A_246 = arith.addi %mul3A_244, %add3A_245 : i32
      %dma_wait3A = arith.constant 0 : i32
      %dma_wait3A_247 = arith.constant 0 : i32
      %dma_wait3A_248 = arith.constant 0 : i32
      %dma_wait3A_249 = tpu.memref_slice %arg8[%dma_wait3A, %dma_wait3A_247, %dma_wait3A_248] : memref<4x64x128xf32, #tpu.memory_space<vmem>> -> memref<1x64x128xf32, #tpu.memory_space<vmem>>
      %dma_wait3A_250 = tpu.memref_squeeze %dma_wait3A_249 : memref<1x64x128xf32, #tpu.memory_space<vmem>> -> memref<64x128xf32, #tpu.memory_space<vmem>>
      %dma_wait3A_251 = arith.constant 0 : i32
      %dma_wait3A_252 = tpu.memref_slice %arg6[%add3A_246, %dma_wait3A_251] : memref<40x64xi32, #tpu.memory_space<vmem>> -> memref<1x64xi32, #tpu.memory_space<vmem>>
      %dma_wait3A_253 = tpu.memref_squeeze %dma_wait3A_252 : memref<1x64xi32, #tpu.memory_space<vmem>> -> memref<64xi32, #tpu.memory_space<vmem>>
      %dma_wait3A_254 = arith.constant 0 : i32
      %dma_wait3A_255 = arith.constant 0 : i32
      %dma_wait3A_256 = tpu.memref_slice %arg2[%dma_wait3A_254, %dma_wait3A_255] : memref<10240x128xf32, #tpu.memory_space<hbm>> -> memref<10240x128xf32, #tpu.memory_space<hbm>>
      tpu.wait_indirect_dma semaphore(%arg10 : memref<!tpu.dma_semaphore, #tpu.memory_space<semaphore_mem>>) src(%dma_wait3A_256 : memref<10240x128xf32, #tpu.memory_space<hbm>>) dst(%dma_wait3A_250 : memref<64x128xf32, #tpu.memory_space<vmem>>)
      %add3A_257 = arith.constant 0 : i32
      %add3A_258 = arith.addi %mul3A_244, %add3A_257 : i32
      %run_scoped3A = arith.constant 0 : i32
      "tpu.region"() ({
        %run_scoped3A_341 = tpu.sem_alloc : memref<!tpu.dma_semaphore, #tpu.memory_space<semaphore_mem>>
        %dma_start3A_342 = arith.constant 0 : i32
        %dma_start3A_343 = arith.constant 0 : i32
        %dma_start3A_344 = tpu.memref_slice %arg8[%run_scoped3A, %dma_start3A_342, %dma_start3A_343] : memref<4x64x128xf32, #tpu.memory_space<vmem>> -> memref<1x64x128xf32, #tpu.memory_space<vmem>>
        %dma_start3A_345 = tpu.memref_squeeze %dma_start3A_344 : memref<1x64x128xf32, #tpu.memory_space<vmem>> -> memref<64x128xf32, #tpu.memory_space<vmem>>
        %dma_start3A_346 = arith.constant 0 : i32
        %dma_start3A_347 = tpu.memref_slice %arg7[%add3A_258, %dma_start3A_346] : memref<40x64xi32, #tpu.memory_space<vmem>> -> memref<1x64xi32, #tpu.memory_space<vmem>>
        %dma_start3A_348 = tpu.memref_squeeze %dma_start3A_347 : memref<1x64xi32, #tpu.memory_space<vmem>> -> memref<64xi32, #tpu.memory_space<vmem>>
        %dma_start3A_349 = arith.constant 0 : i32
        %dma_start3A_350 = arith.constant 0 : i32
        %dma_start3A_351 = tpu.memref_slice %arg9[%dma_start3A_349, %dma_start3A_350] : memref<10240x128xf32, #tpu.memory_space<vmem_shared>> -> memref<10240x128xf32, #tpu.memory_space<vmem_shared>>
        tpu.enqueue_indirect_dma source(%dma_start3A_345 : memref<64x128xf32, #tpu.memory_space<vmem>>) target(%dma_start3A_351 : memref<10240x128xf32, #tpu.memory_space<vmem_shared>>) offsets(%dma_start3A_348 : memref<64xi32, #tpu.memory_space<vmem>>) semaphore(%run_scoped3A_341 : memref<!tpu.dma_semaphore, #tpu.memory_space<semaphore_mem>>) {add = true}
        %dma_wait3A_352 = arith.constant 0 : i32
        %dma_wait3A_353 = arith.constant 0 : i32
        %dma_wait3A_354 = tpu.memref_slice %arg8[%run_scoped3A, %dma_wait3A_352, %dma_wait3A_353] : memref<4x64x128xf32, #tpu.memory_space<vmem>> -> memref<1x64x128xf32, #tpu.memory_space<vmem>>
        %dma_wait3A_355 = tpu.memref_squeeze %dma_wait3A_354 : memref<1x64x128xf32, #tpu.memory_space<vmem>> -> memref<64x128xf32, #tpu.memory_space<vmem>>
        %dma_wait3A_356 = arith.constant 0 : i32
        %dma_wait3A_357 = tpu.memref_slice %arg7[%add3A_258, %dma_wait3A_356] : memref<40x64xi32, #tpu.memory_space<vmem>> -> memref<1x64xi32, #tpu.memory_space<vmem>>
        %dma_wait3A_358 = tpu.memref_squeeze %dma_wait3A_357 : memref<1x64xi32, #tpu.memory_space<vmem>> -> memref<64xi32, #tpu.memory_space<vmem>>
        %dma_wait3A_359 = arith.constant 0 : i32
        %dma_wait3A_360 = arith.constant 0 : i32
        %dma_wait3A_361 = tpu.memref_slice %arg9[%dma_wait3A_359, %dma_wait3A_360] : memref<10240x128xf32, #tpu.memory_space<vmem_shared>> -> memref<10240x128xf32, #tpu.memory_space<vmem_shared>>
        tpu.wait_indirect_dma semaphore(%run_scoped3A_341 : memref<!tpu.dma_semaphore, #tpu.memory_space<semaphore_mem>>) src(%dma_wait3A_355 : memref<64x128xf32, #tpu.memory_space<vmem>>) dst(%dma_wait3A_361 : memref<10240x128xf32, #tpu.memory_space<vmem_shared>>)
        tpu.yield
      }) : () -> ()
      %add3A_259 = arith.constant 0 : i32
      %add3A_260 = arith.addi %mul3A_244, %add3A_259 : i32
      %add3A_261 = arith.constant 4 : i32
      %add3A_262 = arith.addi %add3A_260, %add3A_261 : i32
      %lt3A = arith.constant 40 : i32
      %lt3A_263 = arith.cmpi slt, %add3A_262, %lt3A : i32
      %convert_element_type3A = arith.extui %lt3A_263 : i1 to i32
      %cond3A = arith.constant 0 : i32
      %cond3A_264 = arith.cmpi ne, %convert_element_type3A, %cond3A : i32
      scf.if %cond3A_264 {
        %add3A_341 = arith.constant 0 : i32
        %add3A_342 = arith.addi %mul3A_244, %add3A_341 : i32
        %add3A_343 = arith.constant 4 : i32
        %add3A_344 = arith.addi %add3A_342, %add3A_343 : i32
        %dma_start3A_345 = arith.constant 0 : i32
        %dma_start3A_346 = arith.constant 0 : i32
        %dma_start3A_347 = arith.constant 0 : i32
        %dma_start3A_348 = tpu.memref_slice %arg8[%dma_start3A_345, %dma_start3A_346, %dma_start3A_347] : memref<4x64x128xf32, #tpu.memory_space<vmem>> -> memref<1x64x128xf32, #tpu.memory_space<vmem>>
        %dma_start3A_349 = tpu.memref_squeeze %dma_start3A_348 : memref<1x64x128xf32, #tpu.memory_space<vmem>> -> memref<64x128xf32, #tpu.memory_space<vmem>>
        %dma_start3A_350 = arith.constant 0 : i32
        %dma_start3A_351 = tpu.memref_slice %arg6[%add3A_344, %dma_start3A_350] : memref<40x64xi32, #tpu.memory_space<vmem>> -> memref<1x64xi32, #tpu.memory_space<vmem>>
        %dma_start3A_352 = tpu.memref_squeeze %dma_start3A_351 : memref<1x64xi32, #tpu.memory_space<vmem>> -> memref<64xi32, #tpu.memory_space<vmem>>
        %dma_start3A_353 = arith.constant 0 : i32
        %dma_start3A_354 = arith.constant 0 : i32
        %dma_start3A_355 = tpu.memref_slice %arg2[%dma_start3A_353, %dma_start3A_354] : memref<10240x128xf32, #tpu.memory_space<hbm>> -> memref<10240x128xf32, #tpu.memory_space<hbm>>
        tpu.enqueue_indirect_dma source(%dma_start3A_355 : memref<10240x128xf32, #tpu.memory_space<hbm>>) target(%dma_start3A_349 : memref<64x128xf32, #tpu.memory_space<vmem>>) offsets(%dma_start3A_352 : memref<64xi32, #tpu.memory_space<vmem>>) semaphore(%arg10 : memref<!tpu.dma_semaphore, #tpu.memory_space<semaphore_mem>>)
      } else {
      }
      %add3A_265 = arith.constant 1 : i32
      %add3A_266 = arith.addi %mul3A_244, %add3A_265 : i32
      %dma_wait3A_267 = arith.constant 1 : i32
      %dma_wait3A_268 = arith.constant 0 : i32
      %dma_wait3A_269 = arith.constant 0 : i32
      %dma_wait3A_270 = tpu.memref_slice %arg8[%dma_wait3A_267, %dma_wait3A_268, %dma_wait3A_269] : memref<4x64x128xf32, #tpu.memory_space<vmem>> -> memref<1x64x128xf32, #tpu.memory_space<vmem>>
      %dma_wait3A_271 = tpu.memref_squeeze %dma_wait3A_270 : memref<1x64x128xf32, #tpu.memory_space<vmem>> -> memref<64x128xf32, #tpu.memory_space<vmem>>
      %dma_wait3A_272 = arith.constant 0 : i32
      %dma_wait3A_273 = tpu.memref_slice %arg6[%add3A_266, %dma_wait3A_272] : memref<40x64xi32, #tpu.memory_space<vmem>> -> memref<1x64xi32, #tpu.memory_space<vmem>>
      %dma_wait3A_274 = tpu.memref_squeeze %dma_wait3A_273 : memref<1x64xi32, #tpu.memory_space<vmem>> -> memref<64xi32, #tpu.memory_space<vmem>>
      %dma_wait3A_275 = arith.constant 0 : i32
      %dma_wait3A_276 = arith.constant 0 : i32
      %dma_wait3A_277 = tpu.memref_slice %arg2[%dma_wait3A_275, %dma_wait3A_276] : memref<10240x128xf32, #tpu.memory_space<hbm>> -> memref<10240x128xf32, #tpu.memory_space<hbm>>
      tpu.wait_indirect_dma semaphore(%arg11 : memref<!tpu.dma_semaphore, #tpu.memory_space<semaphore_mem>>) src(%dma_wait3A_277 : memref<10240x128xf32, #tpu.memory_space<hbm>>) dst(%dma_wait3A_271 : memref<64x128xf32, #tpu.memory_space<vmem>>)
      %add3A_278 = arith.constant 1 : i32
      %add3A_279 = arith.addi %mul3A_244, %add3A_278 : i32
      %run_scoped3A_280 = arith.constant 1 : i32
      "tpu.region"() ({
        %run_scoped3A_341 = tpu.sem_alloc : memref<!tpu.dma_semaphore, #tpu.memory_space<semaphore_mem>>
        %dma_start3A_342 = arith.constant 0 : i32
        %dma_start3A_343 = arith.constant 0 : i32
        %dma_start3A_344 = tpu.memref_slice %arg8[%run_scoped3A_280, %dma_start3A_342, %dma_start3A_343] : memref<4x64x128xf32, #tpu.memory_space<vmem>> -> memref<1x64x128xf32, #tpu.memory_space<vmem>>
        %dma_start3A_345 = tpu.memref_squeeze %dma_start3A_344 : memref<1x64x128xf32, #tpu.memory_space<vmem>> -> memref<64x128xf32, #tpu.memory_space<vmem>>
        %dma_start3A_346 = arith.constant 0 : i32
        %dma_start3A_347 = tpu.memref_slice %arg7[%add3A_279, %dma_start3A_346] : memref<40x64xi32, #tpu.memory_space<vmem>> -> memref<1x64xi32, #tpu.memory_space<vmem>>
        %dma_start3A_348 = tpu.memref_squeeze %dma_start3A_347 : memref<1x64xi32, #tpu.memory_space<vmem>> -> memref<64xi32, #tpu.memory_space<vmem>>
        %dma_start3A_349 = arith.constant 0 : i32
        %dma_start3A_350 = arith.constant 0 : i32
        %dma_start3A_351 = tpu.memref_slice %arg9[%dma_start3A_349, %dma_start3A_350] : memref<10240x128xf32, #tpu.memory_space<vmem_shared>> -> memref<10240x128xf32, #tpu.memory_space<vmem_shared>>
        tpu.enqueue_indirect_dma source(%dma_start3A_345 : memref<64x128xf32, #tpu.memory_space<vmem>>) target(%dma_start3A_351 : memref<10240x128xf32, #tpu.memory_space<vmem_shared>>) offsets(%dma_start3A_348 : memref<64xi32, #tpu.memory_space<vmem>>) semaphore(%run_scoped3A_341 : memref<!tpu.dma_semaphore, #tpu.memory_space<semaphore_mem>>) {add = true}
        %dma_wait3A_352 = arith.constant 0 : i32
        %dma_wait3A_353 = arith.constant 0 : i32
        %dma_wait3A_354 = tpu.memref_slice %arg8[%run_scoped3A_280, %dma_wait3A_352, %dma_wait3A_353] : memref<4x64x128xf32, #tpu.memory_space<vmem>> -> memref<1x64x128xf32, #tpu.memory_space<vmem>>
        %dma_wait3A_355 = tpu.memref_squeeze %dma_wait3A_354 : memref<1x64x128xf32, #tpu.memory_space<vmem>> -> memref<64x128xf32, #tpu.memory_space<vmem>>
        %dma_wait3A_356 = arith.constant 0 : i32
        %dma_wait3A_357 = tpu.memref_slice %arg7[%add3A_279, %dma_wait3A_356] : memref<40x64xi32, #tpu.memory_space<vmem>> -> memref<1x64xi32, #tpu.memory_space<vmem>>
        %dma_wait3A_358 = tpu.memref_squeeze %dma_wait3A_357 : memref<1x64xi32, #tpu.memory_space<vmem>> -> memref<64xi32, #tpu.memory_space<vmem>>
        %dma_wait3A_359 = arith.constant 0 : i32
        %dma_wait3A_360 = arith.constant 0 : i32
        %dma_wait3A_361 = tpu.memref_slice %arg9[%dma_wait3A_359, %dma_wait3A_360] : memref<10240x128xf32, #tpu.memory_space<vmem_shared>> -> memref<10240x128xf32, #tpu.memory_space<vmem_shared>>
        tpu.wait_indirect_dma semaphore(%run_scoped3A_341 : memref<!tpu.dma_semaphore, #tpu.memory_space<semaphore_mem>>) src(%dma_wait3A_355 : memref<64x128xf32, #tpu.memory_space<vmem>>) dst(%dma_wait3A_361 : memref<10240x128xf32, #tpu.memory_space<vmem_shared>>)
        tpu.yield
      }) : () -> ()
      %add3A_281 = arith.constant 1 : i32
      %add3A_282 = arith.addi %mul3A_244, %add3A_281 : i32
      %add3A_283 = arith.constant 4 : i32
      %add3A_284 = arith.addi %add3A_282, %add3A_283 : i32
      %lt3A_285 = arith.constant 40 : i32
      %lt3A_286 = arith.cmpi slt, %add3A_284, %lt3A_285 : i32
      %convert_element_type3A_287 = arith.extui %lt3A_286 : i1 to i32
      %cond3A_288 = arith.constant 0 : i32
      %cond3A_289 = arith.cmpi ne, %convert_element_type3A_287, %cond3A_288 : i32
      scf.if %cond3A_289 {
        %add3A_341 = arith.constant 1 : i32
        %add3A_342 = arith.addi %mul3A_244, %add3A_341 : i32
        %add3A_343 = arith.constant 4 : i32
        %add3A_344 = arith.addi %add3A_342, %add3A_343 : i32
        %dma_start3A_345 = arith.constant 1 : i32
        %dma_start3A_346 = arith.constant 0 : i32
        %dma_start3A_347 = arith.constant 0 : i32
        %dma_start3A_348 = tpu.memref_slice %arg8[%dma_start3A_345, %dma_start3A_346, %dma_start3A_347] : memref<4x64x128xf32, #tpu.memory_space<vmem>> -> memref<1x64x128xf32, #tpu.memory_space<vmem>>
        %dma_start3A_349 = tpu.memref_squeeze %dma_start3A_348 : memref<1x64x128xf32, #tpu.memory_space<vmem>> -> memref<64x128xf32, #tpu.memory_space<vmem>>
        %dma_start3A_350 = arith.constant 0 : i32
        %dma_start3A_351 = tpu.memref_slice %arg6[%add3A_344, %dma_start3A_350] : memref<40x64xi32, #tpu.memory_space<vmem>> -> memref<1x64xi32, #tpu.memory_space<vmem>>
        %dma_start3A_352 = tpu.memref_squeeze %dma_start3A_351 : memref<1x64xi32, #tpu.memory_space<vmem>> -> memref<64xi32, #tpu.memory_space<vmem>>
        %dma_start3A_353 = arith.constant 0 : i32
        %dma_start3A_354 = arith.constant 0 : i32
        %dma_start3A_355 = tpu.memref_slice %arg2[%dma_start3A_353, %dma_start3A_354] : memref<10240x128xf32, #tpu.memory_space<hbm>> -> memref<10240x128xf32, #tpu.memory_space<hbm>>
        tpu.enqueue_indirect_dma source(%dma_start3A_355 : memref<10240x128xf32, #tpu.memory_space<hbm>>) target(%dma_start3A_349 : memref<64x128xf32, #tpu.memory_space<vmem>>) offsets(%dma_start3A_352 : memref<64xi32, #tpu.memory_space<vmem>>) semaphore(%arg11 : memref<!tpu.dma_semaphore, #tpu.memory_space<semaphore_mem>>)
      } else {
      }
      %add3A_290 = arith.constant 2 : i32
      %add3A_291 = arith.addi %mul3A_244, %add3A_290 : i32
      %dma_wait3A_292 = arith.constant 2 : i32
      %dma_wait3A_293 = arith.constant 0 : i32
      %dma_wait3A_294 = arith.constant 0 : i32
      %dma_wait3A_295 = tpu.memref_slice %arg8[%dma_wait3A_292, %dma_wait3A_293, %dma_wait3A_294] : memref<4x64x128xf32, #tpu.memory_space<vmem>> -> memref<1x64x128xf32, #tpu.memory_space<vmem>>
      %dma_wait3A_296 = tpu.memref_squeeze %dma_wait3A_295 : memref<1x64x128xf32, #tpu.memory_space<vmem>> -> memref<64x128xf32, #tpu.memory_space<vmem>>
      %dma_wait3A_297 = arith.constant 0 : i32
      %dma_wait3A_298 = tpu.memref_slice %arg6[%add3A_291, %dma_wait3A_297] : memref<40x64xi32, #tpu.memory_space<vmem>> -> memref<1x64xi32, #tpu.memory_space<vmem>>
      %dma_wait3A_299 = tpu.memref_squeeze %dma_wait3A_298 : memref<1x64xi32, #tpu.memory_space<vmem>> -> memref<64xi32, #tpu.memory_space<vmem>>
      %dma_wait3A_300 = arith.constant 0 : i32
      %dma_wait3A_301 = arith.constant 0 : i32
      %dma_wait3A_302 = tpu.memref_slice %arg2[%dma_wait3A_300, %dma_wait3A_301] : memref<10240x128xf32, #tpu.memory_space<hbm>> -> memref<10240x128xf32, #tpu.memory_space<hbm>>
      tpu.wait_indirect_dma semaphore(%arg12 : memref<!tpu.dma_semaphore, #tpu.memory_space<semaphore_mem>>) src(%dma_wait3A_302 : memref<10240x128xf32, #tpu.memory_space<hbm>>) dst(%dma_wait3A_296 : memref<64x128xf32, #tpu.memory_space<vmem>>)
      %add3A_303 = arith.constant 2 : i32
      %add3A_304 = arith.addi %mul3A_244, %add3A_303 : i32
      %run_scoped3A_305 = arith.constant 2 : i32
      "tpu.region"() ({
        %run_scoped3A_341 = tpu.sem_alloc : memref<!tpu.dma_semaphore, #tpu.memory_space<semaphore_mem>>
        %dma_start3A_342 = arith.constant 0 : i32
        %dma_start3A_343 = arith.constant 0 : i32
        %dma_start3A_344 = tpu.memref_slice %arg8[%run_scoped3A_305, %dma_start3A_342, %dma_start3A_343] : memref<4x64x128xf32, #tpu.memory_space<vmem>> -> memref<1x64x128xf32, #tpu.memory_space<vmem>>
        %dma_start3A_345 = tpu.memref_squeeze %dma_start3A_344 : memref<1x64x128xf32, #tpu.memory_space<vmem>> -> memref<64x128xf32, #tpu.memory_space<vmem>>
        %dma_start3A_346 = arith.constant 0 : i32
        %dma_start3A_347 = tpu.memref_slice %arg7[%add3A_304, %dma_start3A_346] : memref<40x64xi32, #tpu.memory_space<vmem>> -> memref<1x64xi32, #tpu.memory_space<vmem>>
        %dma_start3A_348 = tpu.memref_squeeze %dma_start3A_347 : memref<1x64xi32, #tpu.memory_space<vmem>> -> memref<64xi32, #tpu.memory_space<vmem>>
        %dma_start3A_349 = arith.constant 0 : i32
        %dma_start3A_350 = arith.constant 0 : i32
        %dma_start3A_351 = tpu.memref_slice %arg9[%dma_start3A_349, %dma_start3A_350] : memref<10240x128xf32, #tpu.memory_space<vmem_shared>> -> memref<10240x128xf32, #tpu.memory_space<vmem_shared>>
        tpu.enqueue_indirect_dma source(%dma_start3A_345 : memref<64x128xf32, #tpu.memory_space<vmem>>) target(%dma_start3A_351 : memref<10240x128xf32, #tpu.memory_space<vmem_shared>>) offsets(%dma_start3A_348 : memref<64xi32, #tpu.memory_space<vmem>>) semaphore(%run_scoped3A_341 : memref<!tpu.dma_semaphore, #tpu.memory_space<semaphore_mem>>) {add = true}
        %dma_wait3A_352 = arith.constant 0 : i32
        %dma_wait3A_353 = arith.constant 0 : i32
        %dma_wait3A_354 = tpu.memref_slice %arg8[%run_scoped3A_305, %dma_wait3A_352, %dma_wait3A_353] : memref<4x64x128xf32, #tpu.memory_space<vmem>> -> memref<1x64x128xf32, #tpu.memory_space<vmem>>
        %dma_wait3A_355 = tpu.memref_squeeze %dma_wait3A_354 : memref<1x64x128xf32, #tpu.memory_space<vmem>> -> memref<64x128xf32, #tpu.memory_space<vmem>>
        %dma_wait3A_356 = arith.constant 0 : i32
        %dma_wait3A_357 = tpu.memref_slice %arg7[%add3A_304, %dma_wait3A_356] : memref<40x64xi32, #tpu.memory_space<vmem>> -> memref<1x64xi32, #tpu.memory_space<vmem>>
        %dma_wait3A_358 = tpu.memref_squeeze %dma_wait3A_357 : memref<1x64xi32, #tpu.memory_space<vmem>> -> memref<64xi32, #tpu.memory_space<vmem>>
        %dma_wait3A_359 = arith.constant 0 : i32
        %dma_wait3A_360 = arith.constant 0 : i32
        %dma_wait3A_361 = tpu.memref_slice %arg9[%dma_wait3A_359, %dma_wait3A_360] : memref<10240x128xf32, #tpu.memory_space<vmem_shared>> -> memref<10240x128xf32, #tpu.memory_space<vmem_shared>>
        tpu.wait_indirect_dma semaphore(%run_scoped3A_341 : memref<!tpu.dma_semaphore, #tpu.memory_space<semaphore_mem>>) src(%dma_wait3A_355 : memref<64x128xf32, #tpu.memory_space<vmem>>) dst(%dma_wait3A_361 : memref<10240x128xf32, #tpu.memory_space<vmem_shared>>)
        tpu.yield
      }) : () -> ()
      %add3A_306 = arith.constant 2 : i32
      %add3A_307 = arith.addi %mul3A_244, %add3A_306 : i32
      %add3A_308 = arith.constant 4 : i32
      %add3A_309 = arith.addi %add3A_307, %add3A_308 : i32
      %lt3A_310 = arith.constant 40 : i32
      %lt3A_311 = arith.cmpi slt, %add3A_309, %lt3A_310 : i32
      %convert_element_type3A_312 = arith.extui %lt3A_311 : i1 to i32
      %cond3A_313 = arith.constant 0 : i32
      %cond3A_314 = arith.cmpi ne, %convert_element_type3A_312, %cond3A_313 : i32
      scf.if %cond3A_314 {
        %add3A_341 = arith.constant 2 : i32
        %add3A_342 = arith.addi %mul3A_244, %add3A_341 : i32
        %add3A_343 = arith.constant 4 : i32
        %add3A_344 = arith.addi %add3A_342, %add3A_343 : i32
        %dma_start3A_345 = arith.constant 2 : i32
        %dma_start3A_346 = arith.constant 0 : i32
        %dma_start3A_347 = arith.constant 0 : i32
        %dma_start3A_348 = tpu.memref_slice %arg8[%dma_start3A_345, %dma_start3A_346, %dma_start3A_347] : memref<4x64x128xf32, #tpu.memory_space<vmem>> -> memref<1x64x128xf32, #tpu.memory_space<vmem>>
        %dma_start3A_349 = tpu.memref_squeeze %dma_start3A_348 : memref<1x64x128xf32, #tpu.memory_space<vmem>> -> memref<64x128xf32, #tpu.memory_space<vmem>>
        %dma_start3A_350 = arith.constant 0 : i32
        %dma_start3A_351 = tpu.memref_slice %arg6[%add3A_344, %dma_start3A_350] : memref<40x64xi32, #tpu.memory_space<vmem>> -> memref<1x64xi32, #tpu.memory_space<vmem>>
        %dma_start3A_352 = tpu.memref_squeeze %dma_start3A_351 : memref<1x64xi32, #tpu.memory_space<vmem>> -> memref<64xi32, #tpu.memory_space<vmem>>
        %dma_start3A_353 = arith.constant 0 : i32
        %dma_start3A_354 = arith.constant 0 : i32
        %dma_start3A_355 = tpu.memref_slice %arg2[%dma_start3A_353, %dma_start3A_354] : memref<10240x128xf32, #tpu.memory_space<hbm>> -> memref<10240x128xf32, #tpu.memory_space<hbm>>
        tpu.enqueue_indirect_dma source(%dma_start3A_355 : memref<10240x128xf32, #tpu.memory_space<hbm>>) target(%dma_start3A_349 : memref<64x128xf32, #tpu.memory_space<vmem>>) offsets(%dma_start3A_352 : memref<64xi32, #tpu.memory_space<vmem>>) semaphore(%arg12 : memref<!tpu.dma_semaphore, #tpu.memory_space<semaphore_mem>>)
      } else {
      }
      %add3A_315 = arith.constant 3 : i32
      %add3A_316 = arith.addi %mul3A_244, %add3A_315 : i32
      %dma_wait3A_317 = arith.constant 3 : i32
      %dma_wait3A_318 = arith.constant 0 : i32
      %dma_wait3A_319 = arith.constant 0 : i32
      %dma_wait3A_320 = tpu.memref_slice %arg8[%dma_wait3A_317, %dma_wait3A_318, %dma_wait3A_319] : memref<4x64x128xf32, #tpu.memory_space<vmem>> -> memref<1x64x128xf32, #tpu.memory_space<vmem>>
      %dma_wait3A_321 = tpu.memref_squeeze %dma_wait3A_320 : memref<1x64x128xf32, #tpu.memory_space<vmem>> -> memref<64x128xf32, #tpu.memory_space<vmem>>
      %dma_wait3A_322 = arith.constant 0 : i32
      %dma_wait3A_323 = tpu.memref_slice %arg6[%add3A_316, %dma_wait3A_322] : memref<40x64xi32, #tpu.memory_space<vmem>> -> memref<1x64xi32, #tpu.memory_space<vmem>>
      %dma_wait3A_324 = tpu.memref_squeeze %dma_wait3A_323 : memref<1x64xi32, #tpu.memory_space<vmem>> -> memref<64xi32, #tpu.memory_space<vmem>>
      %dma_wait3A_325 = arith.constant 0 : i32
      %dma_wait3A_326 = arith.constant 0 : i32
      %dma_wait3A_327 = tpu.memref_slice %arg2[%dma_wait3A_325, %dma_wait3A_326] : memref<10240x128xf32, #tpu.memory_space<hbm>> -> memref<10240x128xf32, #tpu.memory_space<hbm>>
      tpu.wait_indirect_dma semaphore(%arg13 : memref<!tpu.dma_semaphore, #tpu.memory_space<semaphore_mem>>) src(%dma_wait3A_327 : memref<10240x128xf32, #tpu.memory_space<hbm>>) dst(%dma_wait3A_321 : memref<64x128xf32, #tpu.memory_space<vmem>>)
      %add3A_328 = arith.constant 3 : i32
      %add3A_329 = arith.addi %mul3A_244, %add3A_328 : i32
      %run_scoped3A_330 = arith.constant 3 : i32
      "tpu.region"() ({
        %run_scoped3A_341 = tpu.sem_alloc : memref<!tpu.dma_semaphore, #tpu.memory_space<semaphore_mem>>
        %dma_start3A_342 = arith.constant 0 : i32
        %dma_start3A_343 = arith.constant 0 : i32
        %dma_start3A_344 = tpu.memref_slice %arg8[%run_scoped3A_330, %dma_start3A_342, %dma_start3A_343] : memref<4x64x128xf32, #tpu.memory_space<vmem>> -> memref<1x64x128xf32, #tpu.memory_space<vmem>>
        %dma_start3A_345 = tpu.memref_squeeze %dma_start3A_344 : memref<1x64x128xf32, #tpu.memory_space<vmem>> -> memref<64x128xf32, #tpu.memory_space<vmem>>
        %dma_start3A_346 = arith.constant 0 : i32
        %dma_start3A_347 = tpu.memref_slice %arg7[%add3A_329, %dma_start3A_346] : memref<40x64xi32, #tpu.memory_space<vmem>> -> memref<1x64xi32, #tpu.memory_space<vmem>>
        %dma_start3A_348 = tpu.memref_squeeze %dma_start3A_347 : memref<1x64xi32, #tpu.memory_space<vmem>> -> memref<64xi32, #tpu.memory_space<vmem>>
        %dma_start3A_349 = arith.constant 0 : i32
        %dma_start3A_350 = arith.constant 0 : i32
        %dma_start3A_351 = tpu.memref_slice %arg9[%dma_start3A_349, %dma_start3A_350] : memref<10240x128xf32, #tpu.memory_space<vmem_shared>> -> memref<10240x128xf32, #tpu.memory_space<vmem_shared>>
        tpu.enqueue_indirect_dma source(%dma_start3A_345 : memref<64x128xf32, #tpu.memory_space<vmem>>) target(%dma_start3A_351 : memref<10240x128xf32, #tpu.memory_space<vmem_shared>>) offsets(%dma_start3A_348 : memref<64xi32, #tpu.memory_space<vmem>>) semaphore(%run_scoped3A_341 : memref<!tpu.dma_semaphore, #tpu.memory_space<semaphore_mem>>) {add = true}
        %dma_wait3A_352 = arith.constant 0 : i32
        %dma_wait3A_353 = arith.constant 0 : i32
        %dma_wait3A_354 = tpu.memref_slice %arg8[%run_scoped3A_330, %dma_wait3A_352, %dma_wait3A_353] : memref<4x64x128xf32, #tpu.memory_space<vmem>> -> memref<1x64x128xf32, #tpu.memory_space<vmem>>
        %dma_wait3A_355 = tpu.memref_squeeze %dma_wait3A_354 : memref<1x64x128xf32, #tpu.memory_space<vmem>> -> memref<64x128xf32, #tpu.memory_space<vmem>>
        %dma_wait3A_356 = arith.constant 0 : i32
        %dma_wait3A_357 = tpu.memref_slice %arg7[%add3A_329, %dma_wait3A_356] : memref<40x64xi32, #tpu.memory_space<vmem>> -> memref<1x64xi32, #tpu.memory_space<vmem>>
        %dma_wait3A_358 = tpu.memref_squeeze %dma_wait3A_357 : memref<1x64xi32, #tpu.memory_space<vmem>> -> memref<64xi32, #tpu.memory_space<vmem>>
        %dma_wait3A_359 = arith.constant 0 : i32
        %dma_wait3A_360 = arith.constant 0 : i32
        %dma_wait3A_361 = tpu.memref_slice %arg9[%dma_wait3A_359, %dma_wait3A_360] : memref<10240x128xf32, #tpu.memory_space<vmem_shared>> -> memref<10240x128xf32, #tpu.memory_space<vmem_shared>>
        tpu.wait_indirect_dma semaphore(%run_scoped3A_341 : memref<!tpu.dma_semaphore, #tpu.memory_space<semaphore_mem>>) src(%dma_wait3A_355 : memref<64x128xf32, #tpu.memory_space<vmem>>) dst(%dma_wait3A_361 : memref<10240x128xf32, #tpu.memory_space<vmem_shared>>)
        tpu.yield
      }) : () -> ()
      %add3A_331 = arith.constant 3 : i32
      %add3A_332 = arith.addi %mul3A_244, %add3A_331 : i32
      %add3A_333 = arith.constant 4 : i32
      %add3A_334 = arith.addi %add3A_332, %add3A_333 : i32
      %lt3A_335 = arith.constant 40 : i32
      %lt3A_336 = arith.cmpi slt, %add3A_334, %lt3A_335 : i32
      %convert_element_type3A_337 = arith.extui %lt3A_336 : i1 to i32
      %cond3A_338 = arith.constant 0 : i32
      %cond3A_339 = arith.cmpi ne, %convert_element_type3A_337, %cond3A_338 : i32
      scf.if %cond3A_339 {
        %add3A_341 = arith.constant 3 : i32
        %add3A_342 = arith.addi %mul3A_244, %add3A_341 : i32
        %add3A_343 = arith.constant 4 : i32
        %add3A_344 = arith.addi %add3A_342, %add3A_343 : i32
        %dma_start3A_345 = arith.constant 3 : i32
        %dma_start3A_346 = arith.constant 0 : i32
        %dma_start3A_347 = arith.constant 0 : i32
        %dma_start3A_348 = tpu.memref_slice %arg8[%dma_start3A_345, %dma_start3A_346, %dma_start3A_347] : memref<4x64x128xf32, #tpu.memory_space<vmem>> -> memref<1x64x128xf32, #tpu.memory_space<vmem>>
        %dma_start3A_349 = tpu.memref_squeeze %dma_start3A_348 : memref<1x64x128xf32, #tpu.memory_space<vmem>> -> memref<64x128xf32, #tpu.memory_space<vmem>>
        %dma_start3A_350 = arith.constant 0 : i32
        %dma_start3A_351 = tpu.memref_slice %arg6[%add3A_344, %dma_start3A_350] : memref<40x64xi32, #tpu.memory_space<vmem>> -> memref<1x64xi32, #tpu.memory_space<vmem>>
        %dma_start3A_352 = tpu.memref_squeeze %dma_start3A_351 : memref<1x64xi32, #tpu.memory_space<vmem>> -> memref<64xi32, #tpu.memory_space<vmem>>
        %dma_start3A_353 = arith.constant 0 : i32
        %dma_start3A_354 = arith.constant 0 : i32
        %dma_start3A_355 = tpu.memref_slice %arg2[%dma_start3A_353, %dma_start3A_354] : memref<10240x128xf32, #tpu.memory_space<hbm>> -> memref<10240x128xf32, #tpu.memory_space<hbm>>
        tpu.enqueue_indirect_dma source(%dma_start3A_355 : memref<10240x128xf32, #tpu.memory_space<hbm>>) target(%dma_start3A_349 : memref<64x128xf32, #tpu.memory_space<vmem>>) offsets(%dma_start3A_352 : memref<64xi32, #tpu.memory_space<vmem>>) semaphore(%arg13 : memref<!tpu.dma_semaphore, #tpu.memory_space<semaphore_mem>>)
      } else {
      }
      %scan3A_340 = arith.constant 0 : i32
      scf.yield %scan3A_340 : i32
    }
    %scan3A_232 = arith.constant 10 : i32
    %barrier3A_233 = arith.constant 0 : index
    tpu.barrier barrier_id(%barrier3A_233)
    %scan3A_234 = arith.constant 0 : i32
    %scan3A_235 = arith.constant 0 : i32
    %scan3A_236 = arith.constant 10 : i32
    %scan3A_237 = arith.addi %scan3A_235, %scan3A_236 : i32
    %scan3A_238 = arith.constant 1 : i32
    %scan3A_239 = scf.for %scan3A_241 = %scan3A_235 to %scan3A_237 step %scan3A_238 iter_args(%scan3A_242 = %scan3A_234) -> (i32)  : i32 {
      %mul3A_243 = arith.constant 640 : i32
      %mul3A_244 = arith.muli %arg1, %mul3A_243 : i32
      %mul3A_245 = arith.constant 64 : i32
      %mul3A_246 = arith.muli %scan3A_241, %mul3A_245 : i32
      %add3A_247 = arith.addi %mul3A_244, %mul3A_246 : i32
      "tpu.region"() ({
        %run_scoped3A = tpu.sem_alloc : memref<!tpu.dma_semaphore, #tpu.memory_space<semaphore_mem>>
        %dma_start3A_249 = arith.constant 0 : i32
        %dma_start3A_250 = tpu.memref_slice %arg5[%arg0, %add3A_247, %dma_start3A_249] : memref<2x10240x128xf32, #tpu.memory_space<hbm>> -> memref<1x64x128xf32, #tpu.memory_space<hbm>>
        %dma_start3A_251 = tpu.memref_squeeze %dma_start3A_250 : memref<1x64x128xf32, #tpu.memory_space<hbm>> -> memref<64x128xf32, #tpu.memory_space<hbm>>
        %dma_start3A_252 = arith.constant 0 : i32
        %dma_start3A_253 = tpu.memref_slice %arg9[%add3A_247, %dma_start3A_252] : memref<10240x128xf32, #tpu.memory_space<vmem_shared>> -> memref<64x128xf32, #tpu.memory_space<vmem_shared>>
        tpu.enqueue_dma source(%dma_start3A_253 : memref<64x128xf32, #tpu.memory_space<vmem_shared>>) target(%dma_start3A_251 : memref<64x128xf32, #tpu.memory_space<hbm>>) target_semaphore(%run_scoped3A : memref<!tpu.dma_semaphore, #tpu.memory_space<semaphore_mem>>)
        %dma_wait3A = arith.constant 0 : i32
        %dma_wait3A_254 = tpu.memref_slice %arg5[%arg0, %add3A_247, %dma_wait3A] : memref<2x10240x128xf32, #tpu.memory_space<hbm>> -> memref<1x64x128xf32, #tpu.memory_space<hbm>>
        %dma_wait3A_255 = tpu.memref_squeeze %dma_wait3A_254 : memref<1x64x128xf32, #tpu.memory_space<hbm>> -> memref<64x128xf32, #tpu.memory_space<hbm>>
        %dma_wait3A_256 = arith.constant 0 : i32
        %dma_wait3A_257 = tpu.memref_slice %arg9[%add3A_247, %dma_wait3A_256] : memref<10240x128xf32, #tpu.memory_space<vmem_shared>> -> memref<64x128xf32, #tpu.memory_space<vmem_shared>>
        tpu.wait_dma2 semaphore(%run_scoped3A : memref<!tpu.dma_semaphore, #tpu.memory_space<semaphore_mem>>) src(%dma_wait3A_257 : memref<64x128xf32, #tpu.memory_space<vmem_shared>>) dst(%dma_wait3A_255 : memref<64x128xf32, #tpu.memory_space<hbm>>)
        tpu.yield
      }) : () -> ()
      %scan3A_248 = arith.constant 0 : i32
      scf.yield %scan3A_248 : i32
    }
    %scan3A_240 = arith.constant 10 : i32
    return
  }
}

module attributes {stable_mosaic.version = 14 : i64} {
  func.func @_t1_body(%arg0: i32, %arg1: memref<512x128xf32, #tpu.memory_space<vmem>>, %arg2: memref<128x128xf32, #tpu.memory_space<vmem>>, %arg3: memref<1x1x512xf32, #tpu.memory_space<vmem>>, %arg4: memref<1x1x512xf32, #tpu.memory_space<vmem>>, %arg5: memref<512x128xf32, #tpu.memory_space<vmem>>) attributes {dimension_semantics = [#tpu.dimension_semantics<arbitrary>], iteration_bounds = array<i64: 20>, scalar_prefetch = 0 : i64, scratch_operands = 0 : i64, tpu.core_type = #tpu.core_type<tc>, window_params = [{transform_indices = @transform_0, window_bounds = array<i64: 512, 128>}, {pipeline_mode = #tpu.pipeline_mode<synchronous>, transform_indices = @transform_1, window_bounds = array<i64: 128, 128>}, {transform_indices = @transform_2, window_bounds = array<i64: 1, 1, 512>}, {transform_indices = @transform_3, window_bounds = array<i64: 1, 1, 512>}, {transform_indices = @transform_4, window_bounds = array<i64: 512, 128>}]} {
    %get3A = arith.constant 0 : index
    %get3A_0 = arith.constant 0 : index
    %get3A_1 = arith.constant 0 : index
    %get3A_2 = vector.load %arg3[%get3A, %get3A_0, %get3A_1] : memref<1x1x512xf32, #tpu.memory_space<vmem>>, vector<1x1x512xf32>
    %get3A_3 = vector.shape_cast %get3A_2 : vector<1x1x512xf32> to vector<512xf32>
    %get3A_4 = arith.constant 0 : index
    %get3A_5 = arith.constant 0 : index
    %get3A_6 = arith.constant 0 : index
    %get3A_7 = vector.load %arg4[%get3A_4, %get3A_5, %get3A_6] : memref<1x1x512xf32, #tpu.memory_space<vmem>>, vector<1x1x512xf32>
    %get3A_8 = vector.shape_cast %get3A_7 : vector<1x1x512xf32> to vector<512xf32>
    %add3A = arith.addf %get3A_3, %get3A_8 : vector<512xf32>
    %add3A_9 = arith.constant 1.000000e+00 : f32
    %add3A_10 = vector.broadcast %add3A_9 : f32 to vector<512xf32>
    %add3A_11 = arith.addf %add3A, %add3A_10 : vector<512xf32>
    %rsqrt3A = math.rsqrt %add3A_11 : vector<512xf32>
    %get3A_12 = arith.constant 0 : index
    %get3A_13 = arith.constant 0 : index
    %get3A_14 = vector.load %arg1[%get3A_12, %get3A_13] : memref<512x128xf32, #tpu.memory_space<vmem>>, vector<512x128xf32>
    %get3A_15 = arith.constant 0 : index
    %get3A_16 = arith.constant 0 : index
    %get3A_17 = vector.load %arg2[%get3A_15, %get3A_16] : memref<128x128xf32, #tpu.memory_space<vmem>>, vector<128x128xf32>
    %dot_general3A = arith.constant dense<0.000000e+00> : vector<512x128xf32>
    %dot_general3A_18 = tpu.matmul %get3A_14, %get3A_17, %dot_general3A {dimension_numbers = #tpu.dot_dimension_numbers<[1], [0], [0], [1], [0, 0, 1, 1], [], []>, transpose_lhs_hint = false} : vector<512x128xf32>, vector<128x128xf32>, vector<512x128xf32> -> vector<512x128xf32>
    %broadcast_in_dim3A = vector.shape_cast %rsqrt3A : vector<512xf32> to vector<512x1xf32>
    %mul3A = vector.broadcast %broadcast_in_dim3A : vector<512x1xf32> to vector<512x128xf32>
    %mul3A_19 = arith.mulf %dot_general3A_18, %mul3A : vector<512x128xf32>
    %swap3A = arith.constant 0 : index
    %swap3A_20 = arith.constant 0 : index
    %swap3A_21 = vector.load %arg5[%swap3A, %swap3A_20] : memref<512x128xf32, #tpu.memory_space<vmem>>, vector<512x128xf32>
    tpu.vector_store %arg5[%swap3A, %swap3A_20], %mul3A_19 {strides = array<i32>} : memref<512x128xf32, #tpu.memory_space<vmem>>, vector<512x128xf32>,
    return
  }
  func.func @transform_0(%arg0: i32) -> (i32, i32) {
    %c0_i32 = arith.constant 0 : i32
    %c0_i32_0 = arith.constant 0 : i32
    return %arg0, %c0_i32 : i32, i32
  }
  func.func @transform_1(%arg0: i32) -> (i32, i32) {
    %c0_i32 = arith.constant 0 : i32
    %c0_i32_0 = arith.constant 0 : i32
    %c0_i32_1 = arith.constant 0 : i32
    return %c0_i32, %c0_i32_0 : i32, i32
  }
  func.func @transform_2(%arg0: i32) -> (i32, i32, i32) {
    %c0_i32 = arith.constant 0 : i32
    %c0_i32_0 = arith.constant 0 : i32
    %c0_i32_1 = arith.constant 0 : i32
    return %arg0, %c0_i32, %c0_i32_0 : i32, i32, i32
  }
  func.func @transform_3(%arg0: i32) -> (i32, i32, i32) {
    %c0_i32 = arith.constant 0 : i32
    %c0_i32_0 = arith.constant 0 : i32
    %c0_i32_1 = arith.constant 0 : i32
    return %arg0, %c0_i32, %c0_i32_0 : i32, i32, i32
  }
  func.func @transform_4(%arg0: i32) -> (i32, i32) {
    %c0_i32 = arith.constant 0 : i32
    %c0_i32_0 = arith.constant 0 : i32
    return %arg0, %c0_i32 : i32, i32
  }
}

module attributes {stable_mosaic.version = 14 : i64} {
  func.func @_t2_body(%arg0: i32, %arg1: memref<2x512x128xf32, #tpu.memory_space<vmem>>, %arg2: memref<512x128xf32, #tpu.memory_space<vmem>>, %arg3: memref<1x1x512xf32, #tpu.memory_space<vmem>>, %arg4: memref<1x1x512xf32, #tpu.memory_space<vmem>>, %arg5: memref<1x128xf32, #tpu.memory_space<vmem>>, %arg6: memref<512x128xf32, #tpu.memory_space<vmem>>) attributes {dimension_semantics = [#tpu.dimension_semantics<arbitrary>], iteration_bounds = array<i64: 20>, scalar_prefetch = 0 : i64, scratch_operands = 0 : i64, tpu.core_type = #tpu.core_type<tc>, window_params = [{transform_indices = @transform_0, window_bounds = array<i64: 2, 512, 128>}, {transform_indices = @transform_1, window_bounds = array<i64: 512, 128>}, {transform_indices = @transform_2, window_bounds = array<i64: 1, 1, 512>}, {transform_indices = @transform_3, window_bounds = array<i64: 1, 1, 512>}, {pipeline_mode = #tpu.pipeline_mode<synchronous>, transform_indices = @transform_4, window_bounds = array<i64: 1, 128>}, {transform_indices = @transform_5, window_bounds = array<i64: 512, 128>}]} {
    %get3A = arith.constant 0 : index
    %get3A_0 = arith.constant 0 : index
    %get3A_1 = arith.constant 0 : index
    %get3A_2 = vector.load %arg3[%get3A, %get3A_0, %get3A_1] : memref<1x1x512xf32, #tpu.memory_space<vmem>>, vector<1x1x512xf32>
    %get3A_3 = vector.shape_cast %get3A_2 : vector<1x1x512xf32> to vector<512xf32>
    %get3A_4 = arith.constant 0 : index
    %get3A_5 = arith.constant 0 : index
    %get3A_6 = arith.constant 0 : index
    %get3A_7 = vector.load %arg4[%get3A_4, %get3A_5, %get3A_6] : memref<1x1x512xf32, #tpu.memory_space<vmem>>, vector<1x1x512xf32>
    %get3A_8 = vector.shape_cast %get3A_7 : vector<1x1x512xf32> to vector<512xf32>
    %add3A = arith.addf %get3A_3, %get3A_8 : vector<512xf32>
    %add3A_9 = arith.constant 1.000000e+00 : f32
    %add3A_10 = vector.broadcast %add3A_9 : f32 to vector<512xf32>
    %add3A_11 = arith.addf %add3A, %add3A_10 : vector<512xf32>
    %rsqrt3A = math.rsqrt %add3A_11 : vector<512xf32>
    %get3A_12 = arith.constant 0 : index
    %get3A_13 = arith.constant 0 : index
    %get3A_14 = arith.constant 0 : index
    %get3A_15 = vector.load %arg1[%get3A_12, %get3A_13, %get3A_14] : memref<2x512x128xf32, #tpu.memory_space<vmem>>, vector<1x512x128xf32>
    %get3A_16 = vector.shape_cast %get3A_15 : vector<1x512x128xf32> to vector<512x128xf32>
    %get3A_17 = arith.constant 1 : index
    %get3A_18 = arith.constant 0 : index
    %get3A_19 = arith.constant 0 : index
    %get3A_20 = vector.load %arg1[%get3A_17, %get3A_18, %get3A_19] : memref<2x512x128xf32, #tpu.memory_space<vmem>>, vector<1x512x128xf32>
    %get3A_21 = vector.shape_cast %get3A_20 : vector<1x512x128xf32> to vector<512x128xf32>
    %add3A_22 = arith.addf %get3A_16, %get3A_21 : vector<512x128xf32>
    %get3A_23 = arith.constant 0 : index
    %get3A_24 = arith.constant 0 : index
    %get3A_25 = vector.load %arg2[%get3A_23, %get3A_24] : memref<512x128xf32, #tpu.memory_space<vmem>>, vector<512x128xf32>
    %add3A_26 = arith.addf %add3A_22, %get3A_25 : vector<512x128xf32>
    %broadcast_in_dim3A = vector.shape_cast %rsqrt3A : vector<512xf32> to vector<512x1xf32>
    %mul3A = vector.broadcast %broadcast_in_dim3A : vector<512x1xf32> to vector<512x128xf32>
    %mul3A_27 = arith.mulf %add3A_26, %mul3A : vector<512x128xf32>
    %get3A_28 = arith.constant 0 : index
    %get3A_29 = arith.constant 0 : index
    %get3A_30 = vector.load %arg5[%get3A_28, %get3A_29] : memref<1x128xf32, #tpu.memory_space<vmem>>, vector<1x128xf32>
    %add3A_31 = vector.broadcast %get3A_30 : vector<1x128xf32> to vector<512x128xf32>
    %add3A_32 = arith.addf %mul3A_27, %add3A_31 : vector<512x128xf32>
    %max3A = arith.constant 0.000000e+00 : f32
    %max3A_33 = vector.broadcast %max3A : f32 to vector<512x128xf32>
    %max3A_34 = arith.maximumf %add3A_32, %max3A_33 : vector<512x128xf32>
    %broadcast_in_dim3A_35 = vector.shape_cast %rsqrt3A : vector<512xf32> to vector<512x1xf32>
    %mul3A_36 = vector.broadcast %broadcast_in_dim3A_35 : vector<512x1xf32> to vector<512x128xf32>
    %mul3A_37 = arith.mulf %max3A_34, %mul3A_36 : vector<512x128xf32>
    %swap3A = arith.constant 0 : index
    %swap3A_38 = arith.constant 0 : index
    %swap3A_39 = vector.load %arg6[%swap3A, %swap3A_38] : memref<512x128xf32, #tpu.memory_space<vmem>>, vector<512x128xf32>
    tpu.vector_store %arg6[%swap3A, %swap3A_38], %mul3A_37 {strides = array<i32>} : memref<512x128xf32, #tpu.memory_space<vmem>>, vector<512x128xf32>,
    return
  }
  func.func @transform_0(%arg0: i32) -> (i32, i32, i32) {
    %c0_i32 = arith.constant 0 : i32
    %c0_i32_0 = arith.constant 0 : i32
    %c0_i32_1 = arith.constant 0 : i32
    return %c0_i32, %arg0, %c0_i32_0 : i32, i32, i32
  }
  func.func @transform_1(%arg0: i32) -> (i32, i32) {
    %c0_i32 = arith.constant 0 : i32
    %c0_i32_0 = arith.constant 0 : i32
    return %arg0, %c0_i32 : i32, i32
  }
  func.func @transform_2(%arg0: i32) -> (i32, i32, i32) {
    %c0_i32 = arith.constant 0 : i32
    %c0_i32_0 = arith.constant 0 : i32
    %c0_i32_1 = arith.constant 0 : i32
    return %arg0, %c0_i32, %c0_i32_0 : i32, i32, i32
  }
  func.func @transform_3(%arg0: i32) -> (i32, i32, i32) {
    %c0_i32 = arith.constant 0 : i32
    %c0_i32_0 = arith.constant 0 : i32
    %c0_i32_1 = arith.constant 0 : i32
    return %arg0, %c0_i32, %c0_i32_0 : i32, i32, i32
  }
  func.func @transform_4(%arg0: i32) -> (i32, i32) {
    %c0_i32 = arith.constant 0 : i32
    %c0_i32_0 = arith.constant 0 : i32
    %c0_i32_1 = arith.constant 0 : i32
    return %c0_i32, %c0_i32_0 : i32, i32
  }
  func.func @transform_5(%arg0: i32) -> (i32, i32) {
    %c0_i32 = arith.constant 0 : i32
    %c0_i32_0 = arith.constant 0 : i32
    return %arg0, %c0_i32 : i32, i32
  }
}

module attributes {stable_mosaic.version = 14 : i64} {
  func.func @_t3_body(%arg0: i32, %arg1: memref<2x512x128xf32, #tpu.memory_space<vmem>>, %arg2: memref<512x128xf32, #tpu.memory_space<vmem>>, %arg3: memref<1x1x512xf32, #tpu.memory_space<vmem>>, %arg4: memref<1x1x512xf32, #tpu.memory_space<vmem>>, %arg5: memref<128x64xf32, #tpu.memory_space<vmem>>, %arg6: memref<1x64xf32, #tpu.memory_space<vmem>>, %arg7: memref<64x64xf32, #tpu.memory_space<vmem>>, %arg8: memref<1x64xf32, #tpu.memory_space<vmem>>, %arg9: memref<512x64xf32, #tpu.memory_space<vmem>>) attributes {dimension_semantics = [#tpu.dimension_semantics<arbitrary>], iteration_bounds = array<i64: 20>, scalar_prefetch = 0 : i64, scratch_operands = 0 : i64, tpu.core_type = #tpu.core_type<tc>, window_params = [{transform_indices = @transform_0, window_bounds = array<i64: 2, 512, 128>}, {transform_indices = @transform_1, window_bounds = array<i64: 512, 128>}, {transform_indices = @transform_2, window_bounds = array<i64: 1, 1, 512>}, {transform_indices = @transform_3, window_bounds = array<i64: 1, 1, 512>}, {pipeline_mode = #tpu.pipeline_mode<synchronous>, transform_indices = @transform_4, window_bounds = array<i64: 128, 64>}, {pipeline_mode = #tpu.pipeline_mode<synchronous>, transform_indices = @transform_5, window_bounds = array<i64: 1, 64>}, {pipeline_mode = #tpu.pipeline_mode<synchronous>, transform_indices = @transform_6, window_bounds = array<i64: 64, 64>}, {pipeline_mode = #tpu.pipeline_mode<synchronous>, transform_indices = @transform_7, window_bounds = array<i64: 1, 64>}, {transform_indices = @transform_8, window_bounds = array<i64: 512, 64>}]} {
    %get3A = arith.constant 0 : index
    %get3A_0 = arith.constant 0 : index
    %get3A_1 = arith.constant 0 : index
    %get3A_2 = vector.load %arg3[%get3A, %get3A_0, %get3A_1] : memref<1x1x512xf32, #tpu.memory_space<vmem>>, vector<1x1x512xf32>
    %get3A_3 = vector.shape_cast %get3A_2 : vector<1x1x512xf32> to vector<512xf32>
    %get3A_4 = arith.constant 0 : index
    %get3A_5 = arith.constant 0 : index
    %get3A_6 = arith.constant 0 : index
    %get3A_7 = vector.load %arg4[%get3A_4, %get3A_5, %get3A_6] : memref<1x1x512xf32, #tpu.memory_space<vmem>>, vector<1x1x512xf32>
    %get3A_8 = vector.shape_cast %get3A_7 : vector<1x1x512xf32> to vector<512xf32>
    %add3A = arith.addf %get3A_3, %get3A_8 : vector<512xf32>
    %add3A_9 = arith.constant 1.000000e+00 : f32
    %add3A_10 = vector.broadcast %add3A_9 : f32 to vector<512xf32>
    %add3A_11 = arith.addf %add3A, %add3A_10 : vector<512xf32>
    %rsqrt3A = math.rsqrt %add3A_11 : vector<512xf32>
    %get3A_12 = arith.constant 0 : index
    %get3A_13 = arith.constant 0 : index
    %get3A_14 = arith.constant 0 : index
    %get3A_15 = vector.load %arg1[%get3A_12, %get3A_13, %get3A_14] : memref<2x512x128xf32, #tpu.memory_space<vmem>>, vector<1x512x128xf32>
    %get3A_16 = vector.shape_cast %get3A_15 : vector<1x512x128xf32> to vector<512x128xf32>
    %get3A_17 = arith.constant 1 : index
    %get3A_18 = arith.constant 0 : index
    %get3A_19 = arith.constant 0 : index
    %get3A_20 = vector.load %arg1[%get3A_17, %get3A_18, %get3A_19] : memref<2x512x128xf32, #tpu.memory_space<vmem>>, vector<1x512x128xf32>
    %get3A_21 = vector.shape_cast %get3A_20 : vector<1x512x128xf32> to vector<512x128xf32>
    %add3A_22 = arith.addf %get3A_16, %get3A_21 : vector<512x128xf32>
    %get3A_23 = arith.constant 0 : index
    %get3A_24 = arith.constant 0 : index
    %get3A_25 = vector.load %arg2[%get3A_23, %get3A_24] : memref<512x128xf32, #tpu.memory_space<vmem>>, vector<512x128xf32>
    %add3A_26 = arith.addf %add3A_22, %get3A_25 : vector<512x128xf32>
    %broadcast_in_dim3A = vector.shape_cast %rsqrt3A : vector<512xf32> to vector<512x1xf32>
    %mul3A = vector.broadcast %broadcast_in_dim3A : vector<512x1xf32> to vector<512x128xf32>
    %mul3A_27 = arith.mulf %add3A_26, %mul3A : vector<512x128xf32>
    %get3A_28 = arith.constant 0 : index
    %get3A_29 = arith.constant 0 : index
    %get3A_30 = vector.load %arg5[%get3A_28, %get3A_29] : memref<128x64xf32, #tpu.memory_space<vmem>>, vector<128x64xf32>
    %dot_general3A = arith.constant dense<0.000000e+00> : vector<512x64xf32>
    %dot_general3A_31 = tpu.matmul %mul3A_27, %get3A_30, %dot_general3A {dimension_numbers = #tpu.dot_dimension_numbers<[1], [0], [0], [1], [0, 0, 1, 1], [], []>, transpose_lhs_hint = false} : vector<512x128xf32>, vector<128x64xf32>, vector<512x64xf32> -> vector<512x64xf32>
    %get3A_32 = arith.constant 0 : index
    %get3A_33 = arith.constant 0 : index
    %get3A_34 = vector.load %arg6[%get3A_32, %get3A_33] : memref<1x64xf32, #tpu.memory_space<vmem>>, vector<1x64xf32>
    %add3A_35 = vector.broadcast %get3A_34 : vector<1x64xf32> to vector<512x64xf32>
    %add3A_36 = arith.addf %dot_general3A_31, %add3A_35 : vector<512x64xf32>
    %get3A_37 = arith.constant 0 : index
    %get3A_38 = arith.constant 0 : index
    %get3A_39 = vector.load %arg7[%get3A_37, %get3A_38] : memref<64x64xf32, #tpu.memory_space<vmem>>, vector<64x64xf32>
    %dot_general3A_40 = arith.constant dense<0.000000e+00> : vector<512x64xf32>
    %dot_general3A_41 = tpu.matmul %add3A_36, %get3A_39, %dot_general3A_40 {dimension_numbers = #tpu.dot_dimension_numbers<[1], [0], [0], [1], [0, 0, 1, 1], [], []>, transpose_lhs_hint = false} : vector<512x64xf32>, vector<64x64xf32>, vector<512x64xf32> -> vector<512x64xf32>
    %get3A_42 = arith.constant 0 : index
    %get3A_43 = arith.constant 0 : index
    %get3A_44 = vector.load %arg8[%get3A_42, %get3A_43] : memref<1x64xf32, #tpu.memory_space<vmem>>, vector<1x64xf32>
    %add3A_45 = vector.broadcast %get3A_44 : vector<1x64xf32> to vector<512x64xf32>
    %add3A_46 = arith.addf %dot_general3A_41, %add3A_45 : vector<512x64xf32>
    %swap3A = arith.constant 0 : index
    %swap3A_47 = arith.constant 0 : index
    %swap3A_48 = vector.load %arg9[%swap3A, %swap3A_47] : memref<512x64xf32, #tpu.memory_space<vmem>>, vector<512x64xf32>
    tpu.vector_store %arg9[%swap3A, %swap3A_47], %add3A_46 {strides = array<i32>} : memref<512x64xf32, #tpu.memory_space<vmem>>, vector<512x64xf32>,
    return
  }
  func.func @transform_0(%arg0: i32) -> (i32, i32, i32) {
    %c0_i32 = arith.constant 0 : i32
    %c0_i32_0 = arith.constant 0 : i32
    %c0_i32_1 = arith.constant 0 : i32
    return %c0_i32, %arg0, %c0_i32_0 : i32, i32, i32
  }
  func.func @transform_1(%arg0: i32) -> (i32, i32) {
    %c0_i32 = arith.constant 0 : i32
    %c0_i32_0 = arith.constant 0 : i32
    return %arg0, %c0_i32 : i32, i32
  }
  func.func @transform_2(%arg0: i32) -> (i32, i32, i32) {
    %c0_i32 = arith.constant 0 : i32
    %c0_i32_0 = arith.constant 0 : i32
    %c0_i32_1 = arith.constant 0 : i32
    return %arg0, %c0_i32, %c0_i32_0 : i32, i32, i32
  }
  func.func @transform_3(%arg0: i32) -> (i32, i32, i32) {
    %c0_i32 = arith.constant 0 : i32
    %c0_i32_0 = arith.constant 0 : i32
    %c0_i32_1 = arith.constant 0 : i32
    return %arg0, %c0_i32, %c0_i32_0 : i32, i32, i32
  }
  func.func @transform_4(%arg0: i32) -> (i32, i32) {
    %c0_i32 = arith.constant 0 : i32
    %c0_i32_0 = arith.constant 0 : i32
    %c0_i32_1 = arith.constant 0 : i32
    return %c0_i32, %c0_i32_0 : i32, i32
  }
  func.func @transform_5(%arg0: i32) -> (i32, i32) {
    %c0_i32 = arith.constant 0 : i32
    %c0_i32_0 = arith.constant 0 : i32
    %c0_i32_1 = arith.constant 0 : i32
    return %c0_i32, %c0_i32_0 : i32, i32
  }
  func.func @transform_6(%arg0: i32) -> (i32, i32) {
    %c0_i32 = arith.constant 0 : i32
    %c0_i32_0 = arith.constant 0 : i32
    %c0_i32_1 = arith.constant 0 : i32
    return %c0_i32, %c0_i32_0 : i32, i32
  }
  func.func @transform_7(%arg0: i32) -> (i32, i32) {
    %c0_i32 = arith.constant 0 : i32
    %c0_i32_0 = arith.constant 0 : i32
    %c0_i32_1 = arith.constant 0 : i32
    return %c0_i32, %c0_i32_0 : i32, i32
  }
  func.func @transform_8(%arg0: i32) -> (i32, i32) {
    %c0_i32 = arith.constant 0 : i32
    %c0_i32_0 = arith.constant 0 : i32
    return %arg0, %c0_i32 : i32, i32
  }
}

</mosaic_0001>

<sc_bundles>
// kernel: kernel.11.cloned.1.call-start
scs
__scs_entry_jumppad:
0x0: {  	(pc) =	sbr.rel $0x88, $3  }
0x1: {  	(tag) =	ssettag $0x0;
	lr =	simm.s32 $0x1  }
0x2: {  	[smem:$0x3F99] =	sst lr;
	_ =	strace $0xD0000000  }
0x3: {  	_ = 	snop  }
0x4: {  	_ = 	snop  }
0x5: {  	_ = 	snop  }
0x6: {  	_ = 	snop  }
0x7: {  	_ = 	snop  }
__scs_overlays_trampoline_lowered:
0x8: {  	[smem:$0x3FA8] =	sst s0  }
0x9: {  	[smem:$0x3FA9] =	sst s1  }
0xa: {  	[smem:$0x3FAA] =	sst s2  }
0xb: {  	[smem:$0x3FAB] =	sst s3  }
0xc: {  	[smem:$0x3FAC] =	sst s4  }
0xd: {  	[smem:$0x3FAD] =	sst s5  }
0xe: {  	[smem:$0x3FAE] =	sst s6  }
0xf: {  	[smem:$0x3FAF] =	sst s7  }
0x10: {  	[smem:$0x3FB0] =	sst s8  }
0x11: {  	[smem:$0x3FB1] =	sst s9;
	s0 =	simm.s32 @!p0 $0x0  }
0x12: {  	s1 =	sld [smem:$0x3F97];
	s0 =	simm.s32 @p0 $0x1  }
0x13: {  	[smem:$0x3FB2] =	sst s0;
	s0 =	simm.s32 @!p1 $0x0  }
0x14: {  	s2 =	sld [smem:$0x3F96];
	s0 =	simm.s32 @p1 $0x1  }
0x15: {  	[smem:$0x3FB3] =	sst s0;
	s0 =	simm.s32 @!p2 $0x0  }
0x16: {  	s3 =	sld [smem:$0x3FDB];
	s0 =	simm.s32 @p2 $0x1  }
0x17: {  	s4 =	simm.s32 $0x1BF5;
	[smem:$0x3FB5] =	sst s0  }
0x18: {  	s0 =	sld [smem:$0x3F98];
	_ =	swait.ge [sflag:s4], $0x0  }
0x19: {  	s7 =	sld [smem:$0x3F99]  }
0x1a: {  	s8 =	sadd.s32 $0xFFFFE003, lr  }
0x1b: {  	s9 =	sadd.s32 $0xFFFFFEF7, lr;
	s5 =	simm.s32 $0xFFFFFFFF;
	p2 =	slt.u32 s8, $0xFFFFF086  }
0x1c: {  	p1 =	slt.u32 s9, $0xF7A;
	s5 =	simm.s32 @!p2 $0x0  }
0x1d: {  	s5 =	simm.s32 @p1 $0x1;
	p0 =	seq.s32 s7, s2  }
0x1e: {  	s7 =	smul.u32 @!p0 $0xF7A, s2;
	p2 =	seq.s32 @!p0 s5, $0x0  }
0x1f: {  	s9 =	smul.u32 $0xF7A, s1;
	s8 =	simm.s32 @!p0 $0x1BF5;
	p2 =	por !p2, p0  }
0x20: {  	[sflag:s8] =	ssyncset.s32 @!p0 $0xFFFFF086;
	s6 =	sadd.s32 @!p0 s3, s7;
	s7 =	simm.s32 @!p0 $0x108  }
0x21: {  	s3 =	sadd.s32 s3, s9;
	s6 =	sadd.s32 @!p0 $0x88, s6;
	s7 =	simm.s32 @p2 $0x1082  }
0x22: {  	[simem:s7], [sflag:s8] =	dma.local @!p0 [hbm:s6], $0xF7A  }
0x23: {  	s9 =	sor.u32 $0xD0000000, s2;
	s6 =	simm.s32 $0x108;
	_ =	swait.ge @!p0 [sflag:s8], $0x0  }
0x24: {  	s3 =	sadd.s32 $0x88, s3;
	s6 =	simm.s32 @!p1 $0x1082;
	[sflag:s4] =	ssyncset.s32 $0xFFFFF086  }
0x25: {  	[simem:s6], [sflag:s4] =	dma.local [hbm:s3], $0xF7A  }
0x26: {  	[smem:$0x3F99] =	sst s1;
	(tag) =	ssettag s2;
	_ =	strace s9  }
0x27: {  	s1 =	sld [smem:$0x3FA9]  }
0x28: {  	s2 =	sld [smem:$0x3FAA]  }
0x29: {  	s4 =	sld [smem:$0x3FAC]  }
0x2a: {  	p0 =	seq.s32 s5, $0x0;
	s5 =	sld [smem:$0x3FAD]  }
0x2b: {  	s6 =	sld [smem:$0x3FAE]  }
0x2c: {  	s7 =	sld [smem:$0x3FAF]  }
0x2d: {  	s3 =	simm.s32 $0x108;
	s8 =	sld [smem:$0x3FB0]  }
0x2e: {  	s3 =	simm.s32 @!p0 $0x1082;
	s9 =	sld [smem:$0x3FB1]  }
0x2f: {  	lr =	sadd.s32 s0, s3;
	s0 =	sld [smem:$0x3FA8]  }
0x30: {  	s3 =	sld [smem:$0x3FAB]  }
0x31: {  	[smem:$0x3FB4] =	sst s10  }
0x32: {  	s10 =	sld [smem:$0x3FB2];
	_ =	sdelay $0x3  }
0x33: {  	p0 =	seq.s32 s10, $0x1;
	s10 =	sld [smem:$0x3FB4];
	_ =	sdelay $0x3  }
0x34: {  	[smem:$0x3FB4] =	sst s10  }
0x35: {  	s10 =	sld [smem:$0x3FB3];
	_ =	sdelay $0x3  }
0x36: {  	p1 =	seq.s32 s10, $0x1;
	s10 =	sld [smem:$0x3FB4];
	_ =	sdelay $0x3  }
0x37: {  	[smem:$0x3FB4] =	sst s10  }
0x38: {  	s10 =	sld [smem:$0x3FB5]  }
0x39: {  	_ = 	snop;
	(pc) =	sbr.ind lr, $3  }
0x3a: {  	_ = 	snop  }
0x3b: {  	_ = 	snop  }
0x3c: {  	p2 =	seq.s32 s10, $0x1;
	s10 =	sld [smem:$0x3FB4]  }
0x3d: {  	_ =	shalt  }
0x3e: {  	_ =	shalt  }
0x3f: {  	_ =	shalt  }
0x40: {  	_ =	shalt  }
0x41: {  	_ =	shalt  }
0x42: {  	_ =	shalt  }
0x43: {  	_ =	shalt  }
0x44: {  	_ =	shalt  }
0x45: {  	_ =	shalt  }
0x46: {  	_ =	shalt  }
0x47: {  	_ =	shalt  }
0x48: {  	_ =	shalt  }
0x49: {  	_ =	shalt  }
0x4a: {  	_ =	shalt  }
0x4b: {  	_ =	shalt  }
0x4c: {  	_ =	shalt  }
0x4d: {  	_ =	shalt  }
0x4e: {  	_ =	shalt  }
0x4f: {  	_ =	shalt  }
0x50: {  	_ =	shalt  }
0x51: {  	_ =	shalt  }
0x52: {  	_ =	shalt  }
0x53: {  	_ =	shalt  }
0x54: {  	_ =	shalt  }
0x55: {  	_ =	shalt  }
0x56: {  	_ =	shalt  }
0x57: {  	_ =	shalt  }
0x58: {  	_ =	shalt  }
0x59: {  	_ =	shalt  }
0x5a: {  	_ =	shalt  }
0x5b: {  	_ =	shalt  }
0x5c: {  	_ =	shalt  }
0x5d: {  	_ =	shalt  }
0x5e: {  	_ =	shalt  }
0x5f: {  	_ =	shalt  }
0x60: {  	_ =	shalt  }
0x61: {  	_ =	shalt  }
0x62: {  	_ =	shalt  }
0x63: {  	_ =	shalt  }
0x64: {  	_ =	shalt  }
0x65: {  	_ =	shalt  }
0x66: {  	_ =	shalt  }
0x67: {  	_ =	shalt  }
0x68: {  	_ =	shalt  }
0x69: {  	_ =	shalt  }
0x6a: {  	_ =	shalt  }
0x6b: {  	_ =	shalt  }
0x6c: {  	_ =	shalt  }
0x6d: {  	_ =	shalt  }
0x6e: {  	_ =	shalt  }
0x6f: {  	_ =	shalt  }
0x70: {  	_ =	shalt  }
0x71: {  	_ =	shalt  }
0x72: {  	_ =	shalt  }
0x73: {  	_ =	shalt  }
0x74: {  	_ =	shalt  }
0x75: {  	_ =	shalt  }
0x76: {  	_ =	shalt  }
0x77: {  	_ =	shalt  }
0x78: {  	_ =	shalt  }
0x79: {  	_ =	shalt  }
0x7a: {  	_ =	shalt  }
0x7b: {  	_ =	shalt  }
0x7c: {  	_ =	shalt  }
0x7d: {  	_ =	shalt  }
0x7e: {  	_ =	shalt  }
0x7f: {  	_ =	shalt  }
0x80: {  	_ =	shalt  }
0x81: {  	_ =	shalt  }
0x82: {  	_ =	shalt  }
0x83: {  	_ =	shalt  }
0x84: {  	_ =	shalt  }
0x85: {  	_ =	shalt  }
0x86: {  	_ =	shalt  }
0x87: {  	_ =	shalt  }
.Lfunc_end0:
.L_simem_size_0:
called_computation.1_lowered:
.L_overlay_start_0:
0x88: {  	s2 =	sld [smem:$0x3FD9]  }
0x89: {  	s3 =	sld [smem:$0x3FFE];
	_ =	sdelay $0x1  }
0x8a: {  	s1 =	srdreg.scid  }
0x8b: {  	s0 =	sand.u32 $0x1, s1  }
0x8c: {  	s16 =	sshll.u32 s0, $0xA;
	s2 =	sadd.s32 s3, s2  }
0x8d: {  	s2 =	sadd.s32 s2, s16  }
0x8e: {  	[smem:$0x3FC0] =	sst s2  }
0x8f: {  	_ = 	snop  }
0x90: {  	(tm) =	ssettm $0x1  }
0x91: {  	s17 =	sld [smem:$0x3FFB];
	_ =	sdelay $0x3  }
0x92: {  	_ =	strace s17  }
0x93: {  	s2 =	sld [smem:$0x3FFC];
	_ =	sdelay $0x3  }
0x94: {  	_ =	strace s2  }
0x95: {  	s2 =	sld [smem:$0x3FFD];
	_ =	sdelay $0x3  }
0x96: {  	_ =	strace s2  }
0x97: {  	_ =	strace $0x8FFFFFFF  }
0x98: {  	s18 =	sld [smem:$0x3FDB];
	_ =	sdelay $0x1  }
0x99: {  	s19 =	simm.s32 $_scs_section_size  }
0x9a: {  	s4 =	simm.s32 $_size__tile_overlayer_lowered;
	s5 =	simm.s32 $_tile_overlayer_lowered  }
0x9b: {  	s22 =	simm.s32 $0x1BFF;
	s21 =	sshll.u32 s5, $0x1;
	s2 =	sadd.s32 s19, s18  }
0x9c: {  	s6 =	simm.s32 $0x0;
	s20 =	sshll.u32 s4, $0x1;
	s4 =	sadd.s32 s21, s2  }
0x9d: {  	[timem:s6], [sflag:s22] =	dma.local [hbm:s4], s20  }
0x9e: {  	_ =	swait.ge [sflag:s22], s20  }
0x9f: {  	s3 =	ssub.s32 $0x0, s20;
	[sflag:s22] =	ssyncset.done $0x0  }
0xa0: {  	[sflag:s22] =	ssyncadd.s32 s3;
	_ =	sdelay $0x1  }
0xa1: {  	s23 =	simm.s32 $0x1B8B  }
0xa2: {  	_ =	swait.ge [sflag:s23], $0x1  }
0xa3: {  	[sflag:s23] =	ssyncset.done $0x0  }
0xa4: {  	s25 =	simm.s32 $0x1B8E;
	s24 =	sld [smem:$0x3FFE];
	[sflag:s23] =	ssyncadd.s32 $0xFFFFFFFF  }
0xa5: {  	s26 =	simm.s32 $execute0_lowered;
	[smem:$0x3FD2] =	sst s25  }
0xa6: {  	s4 =	sshll.u32 s26, $0x1;
	_ =	strace $0x80000049;
	[dreg:$0x1] =	wrdreg $0xFFFFFFFF  }
0xa7: {  	s28 =	simm.s32 $_size_execute0_lowered;
	s2 =	sadd.s32 s2, s4;
	[dreg:$0x0] =	wrdreg $0x0  }
0xa8: {  	s4 =	sshll.u32 s28, $0x1;
	[dreg:$0x2] =	wrdreg s2  }
0xa9: {  	[dreg:$0x3] =	wrdreg s4  }
0xaa: {  	[dreg:$0x4] =	wrdreg $0xC0  }
0xab: {  	_ =	task [dreg:s6], $0x5FFFF  }
0xac: {  	[dreg:$0x1] =	wrdreg $0xFFFFFFFF  }
0xad: {  	[dreg:$0x0] =	wrdreg $0x60  }
0xae: {  	[dreg:$0x2] =	wrdreg s24  }
0xaf: {  	[dreg:$0x3] =	wrdreg $0xA8000  }
0xb0: {  	[dreg:$0x4] =	wrdreg $0x9  }
0xb1: {  	_ =	task.clear_ibuf [dreg:s6], $0x5FFFF;
	_ =	strace $0x90000049  }
0xb2: {  	s29 =	simm.s32 $0x9;
	_ =	strace $0x8000004B  }
0xb3: {  	_ =	swait.ge [sflag:s29], $0x1  }
0xb4: {  	[sflag:s29] =	ssyncadd.s32 $0xFFFFFFFF  }
0xb5: {  	_ =	strace $0x9000004B  }
0xb6: {  	_ =	sfence  }
0xb7: {  	s30 =	sld [smem:$0x0];
	_ =	sdelay $0x2  }
0xb8: {  	s31 =	sshll.u32 s1, $0xD;
	s1 =	sshrl.u32 s1, $0x2  }
0xb9: {  	s3 =	sand.u32 $0x4000, s31;
	s1 =	sadd.s32 s1, s30  }
0xba: {  	s0 =	sor.u32 s3, s0;
	s1 =	sshll.u32 s1, $0x11  }
0xbb: {  	s0 =	sor.u32 s1, s0  }
0xbc: {  	s0 =	sadd.s32 $0x8F2B, s0  }
0xbd: {  	[sflag:s0] =	ssyncadd.remote.s32 $0x1  }
0xbe: {  	_ =	sfence.sel $0xFFFF  }
0xbf: {  	[dreg:$0x0] =	wrdreg $0xFFFFFFFF;
	(pc) =	sbr.abs _section_cstart, $3  }
0xc0: {  	[dreg:$0x1] =	wrdreg $0xFFFFFFFF  }
0xc1: {  	_ =	task.clear_ibuf [dreg:s6], $0x2FFFF;
	_ =	strace $0x9FFFFFFF  }
0xc2: {  	(tm) =	ssettm $0x7FFFFFFF  }
0xc3: {  	_ =	shalt  }
tec
execute0_lowered:
.L_overlay_start_1:
0x0: {  	(tag) =	ssettag $0x1  }
0x1: {  	s0 =	srdreg.scid  }
0x2: {  	s16 =	stileid.u32;
	s1 =	simm.s32 $0x0;
	s28 =	simm.s32 $0x2  }
0x3: {  	s29 =	simm.s32 $0x3;
	s2 =	sand.u32 $0x1, s0;
	s3 =	sshll.u32 s16, $0x1  }
0x4: {  	s30 =	simm.s32 $0x4;
	s0 =	rddreg [dreg:$0x0];
	s3 =	sor.u32 s2, s3  }
0x5: {  	s31 =	simm.s32 $0x2600;
	[smem:$0x7FF] =	sst s1;
	s3 =	smul.u32 $0x5000, s3  }
0x6: {  	s26 =	smul.u32 $0x14000, s16;
	s4 =	ssub.s32 $0x2, s2;
	s5 =	sadd.s32 $0x16800, s0  }
0x7: {  	s6 =	sadd.s32 $0x2800, s0;
	s8 =	sadd.s32 $0x52800, s0;
	s3 =	sshrl.u32 s3, $0x3  }
0x8: {  	s2 =	smul.u32 $0x140000, s2;
	s7 =	sshrl.u32 s4, $0x1;
	s22 =	sadd.s32 s5, s3  }
0x9: {  	s23 =	sadd.s32 s6, s3;
	s24 =	sadd.s32 $0x280, s3;
	[dreg:$0x3] =	wrdreg s22  }
0xa: {  	s4 =	ssub.s32 s4, s7;
	[dreg:$0x4] =	wrdreg s23;
	s9 =	sadd.s32 s5, s24  }
0xb: {  	s25 =	sadd.s32 $0x500, s3;
	s7 =	sadd.s32 s6, s24;
	[dreg:$0x5] =	wrdreg s9  }
0xc: {  	s3 =	sadd.s32 $0x780, s3;
	s10 =	sadd.s32 s5, s25;
	[dreg:$0x6] =	wrdreg s7  }
0xd: {  	s20 =	sadd.s32 $0xC000, s26;
	s5 =	sadd.s32 s5, s3;
	[dreg:$0x7] =	wrdreg s10  }
0xe: {  	s21 =	sadd.s32 s2, s20;
	s3 =	sadd.s32 s6, s3;
	[dreg:$0x9] =	wrdreg s5  }
0xf: {  	s7 =	sadd.s32 s6, s25;
	[dreg:$0xa] =	wrdreg s3;
	s10 =	sadd.s32 s2, s26  }
0x10: {  	s5 =	sor.u32 $0x2000, s26;
	s6 =	sadd.s32 $0x6000, s26;
	s9 =	sadd.s32 $0x12000, s26  }
0x11: {  	s25 =	smul.u32 $0x50000, s16;
	[dreg:$0x8] =	wrdreg s7;
	s3 =	sshrl.u32 s10, $0x3  }
0x12: {  	s11 =	sadd.s32 s2, s5;
	s7 =	sadd.s32 $0x4000, s26;
	s15 =	sadd.s32 s2, s6  }
0x13: {  	s10 =	sadd.s32 $0x8000, s26;
	s3 =	sadd.s32 s8, s3;
	s12 =	sshrl.u32 s11, $0x3  }
0x14: {  	s13 =	sadd.s32 s2, s7;
	s11 =	sadd.s32 s2, s10;
	[dreg:$0xb] =	wrdreg s3  }
0x15: {  	s3 =	sadd.s32 s8, s12;
	s14 =	sshrl.u32 s13, $0x3;
	s12 =	sadd.s32 $0xA000, s26  }
0x16: {  	s17 =	sshrl.u32 s11, $0x3;
	s13 =	sadd.s32 $0xE000, s26;
	[dreg:$0xc] =	wrdreg s3  }
0x17: {  	s3 =	sadd.s32 s8, s14;
	s18 =	sadd.s32 s2, s12;
	s14 =	sadd.s32 s2, s13  }
0x18: {  	[dreg:$0xd] =	wrdreg s3;
	s3 =	sshrl.u32 s15, $0x3;
	s19 =	sshrl.u32 s18, $0x3  }
0x19: {  	s15 =	sadd.s32 $0x10000, s26;
	s22 =	sshrl.u32 s14, $0x3;
	s3 =	sadd.s32 s8, s3  }
0x1a: {  	s26 =	sshrl.u32 s25, $0x2;
	[dreg:$0xe] =	wrdreg s3;
	s3 =	sadd.s32 s8, s17  }
0x1b: {  	s23 =	sadd.s32 s2, s15;
	s2 =	sadd.s32 s2, s9;
	[dreg:$0xf] =	wrdreg s3  }
0x1c: {  	s2 =	sshrl.u32 s2, $0x3;
	s3 =	sadd.s32 s8, s19;
	s19 =	rddreg [dreg:$0x1]  }
0x1d: {  	s24 =	sshrl.u32 s23, $0x3;
	s2 =	sadd.s32 s8, s2;
	[dreg:$0x10] =	wrdreg s3  }
0x1e: {  	s3 =	sshrl.u32 s21, $0x3;
	[dreg:$0x14] =	wrdreg s2;
	s23 =	sadd.s32 s26, s19  }
0x1f: {  	s6 =	sadd.s32 s6, s19;
	s11 =	sadd.s32 s13, s19;
	s9 =	sadd.s32 s9, s19  }
0x20: {  	s2 =	simm.s32 $0x2780;
	s3 =	sadd.s32 s8, s3;
	s14 =	sshrl.u32 s6, $0x3  }
0x21: {  	s18 =	sshrl.u32 s11, $0x3;
	s21 =	sshrl.u32 s9, $0x3;
	s25 =	sadd.s32 $0x4000, s23  }
0x22: {  	s26 =	sadd.s32 $0x6000, s23;
	[dreg:$0x11] =	wrdreg s3;
	s3 =	sadd.s32 s8, s22  }
0x23: {  	s6 =	sadd.s32 $0x8000, s23;
	[dreg:$0x12] =	wrdreg s3;
	s3 =	sadd.s32 s8, s24  }
0x24: {  	s8 =	sadd.s32 s12, s19;
	[dreg:$0x13] =	wrdreg s3;
	s3 =	smax.u32 s4, $0x1  }
0x25: {  	s12 =	sadd.s32 s15, s19;
	_ =	strace $0x8000004A;
	[dreg:$0x15] =	wrdreg s3  }
0x26: {  	s4 =	sadd.s32 s5, s19;
	s16 =	sshrl.u32 s8, $0x3;
	[dreg:$0x18] =	wrdreg s14  }
0x27: {  	s5 =	sadd.s32 s7, s19;
	s7 =	sadd.s32 s10, s19;
	[dreg:$0x1a] =	wrdreg s16  }
0x28: {  	s10 =	sadd.s32 s20, s19;
	s20 =	sshrl.u32 s12, $0x3;
	[dreg:$0x1c] =	wrdreg s18  }
0x29: {  	s9 =	sadd.s32 $0xE000, s23;
	s11 =	sadd.s32 $0x12000, s23;
	[dreg:$0x1d] =	wrdreg s20  }
0x2a: {  	s22 =	sadd.s32 $0x2A800, s0;
	s24 =	sadd.s32 $0x2000, s23;
	[dreg:$0x1e] =	wrdreg s21  }
0x2b: {  	s8 =	sadd.s32 $0xC000, s23;
	s12 =	simm.s32 $0x2800;
	[dreg:$0x1f] =	wrdreg s24  }
0x2c: {  	s0 =	sshrl.u32 s4, $0x3;
	s13 =	sshrl.u32 s5, $0x3;
	[smem:$0x7FC] =	sst s25  }
0x2d: {  	s15 =	sshrl.u32 s7, $0x3;
	s17 =	sshrl.u32 s10, $0x3;
	[smem:$0x7FD] =	sst s26  }
0x2e: {  	s7 =	sadd.s32 $0xA000, s23;
	s10 =	sadd.s32 $0x10000, s23;
	s14 =	simm.s32 $0x1400  }
0x2f: {  	s16 =	simm.s32 $0x80;
	s20 =	simm.s32 $0x100;
	[dreg:$0x16] =	wrdreg s0  }
0x30: {  	s21 =	simm.s32 $0x6800;
	s24 =	simm.s32 $0x180;
	[dreg:$0x17] =	wrdreg s13  }
0x31: {  	s25 =	simm.s32 $0x8800;
	s26 =	simm.s32 $0x1;
	[dreg:$0x19] =	wrdreg s15  }
0x32: {  	s18 =	simm.s32 $0x2680;
	[dreg:$0x1b] =	wrdreg s17;
	s13 =	simm.s32 $0x5  }
0x33: {  	v0 =	vimm.f32 $0.0e+00;
	s15 =	simm.s32 $0x40;
	s17 =	simm.s32 $0x4800;
	s0 =	simm.s32 $0x2700  }
.LBB2_1:
0x34: {  	s3 =	simm.s32 $0x0;
	s4 =	simm.s32 $0x200  }
.LBB2_2:
0x35: {  	p0 =	sne.s32 s4, $0x7E00;
	[tilespmem:s3+$0x2870] =	vst v0  }
0x36: {  	[tilespmem:s3+$0x2800] =	vst v0  }
0x37: {  	[tilespmem:s3+$0x2810] =	vst v0  }
.Ltmp0:
0x38: {  	[tilespmem:s3+$0x2820] =	vst v0;
	(pc) =	sbr.rel @p0 .LBB2_2-.Ltmp0, $4  }
0x39: {  	[tilespmem:s3+$0x2830] =	vst v0  }
0x3a: {  	[tilespmem:s3+$0x2840] =	vst v0  }
0x3b: {  	[tilespmem:s3+$0x2850] =	vst v0  }
0x3c: {  	[tilespmem:s3+$0x2860] =	vst v0;
	s3 =	sshra.s32 s4, $0x2;
	s4 =	sadd.s32 $0x200, s4  }
0x3d: {  	[tilespmem:s3+$0x2870] =	vst v0  }
0x3e: {  	[tilespmem:s3+$0x2800] =	vst v0  }
0x3f: {  	[tilespmem:s3+$0x2810] =	vst v0  }
0x40: {  	[tilespmem:s3+$0x2820] =	vst v0  }
0x41: {  	[tilespmem:s3+$0x2830] =	vst v0  }
0x42: {  	[tilespmem:s3+$0x2840] =	vst v0  }
0x43: {  	[tilespmem:s3+$0x2850] =	vst v0  }
0x44: {  	[tilespmem:s3+$0x2860] =	vst v0  }
0x45: {  	[spmem:s23] =	stream.linear.scatter [tilespmem:s12], [sflag:$0x5], $0x2000, $0x38;
	[tilespmem:$0x1E800] =	vst v63  }
0x46: {  	_ =	swait.ge [sflag:s13], $0x2000  }
0x47: {  	[sflag:s13] =	ssyncset.done $0x0  }
0x48: {  	s4 =	rddreg [dreg:$0x1f];
	[sflag:s13] =	ssyncadd.s32 $0xFFFFE000  }
0x49: {  	[spmem:s4] =	stream.linear.scatter [tilespmem:s12], [sflag:$0x5], $0x2000, $0x38;
	[tilespmem:$0x1E800] =	vst v63  }
0x4a: {  	_ =	swait.ge [sflag:s13], $0x2000  }
0x4b: {  	s5 =	sld [smem:$0x7FC]  }
0x4c: {  	[sflag:s13] =	ssyncset.done $0x0  }
0x4d: {  	[sflag:s13] =	ssyncadd.s32 $0xFFFFE000  }
0x4e: {  	[spmem:s5] =	stream.linear.scatter [tilespmem:s12], [sflag:$0x5], $0x2000, $0x38;
	[tilespmem:$0x1E800] =	vst v63  }
0x4f: {  	_ =	swait.ge [sflag:s13], $0x2000  }
0x50: {  	s4 =	sld [smem:$0x7FD]  }
0x51: {  	[sflag:s13] =	ssyncset.done $0x0  }
0x52: {  	[sflag:s13] =	ssyncadd.s32 $0xFFFFE000  }
0x53: {  	[spmem:s4] =	stream.linear.scatter [tilespmem:s12], [sflag:$0x5], $0x2000, $0x38;
	[tilespmem:$0x1E800] =	vst v63  }
0x54: {  	_ =	swait.ge [sflag:s13], $0x2000  }
0x55: {  	[sflag:s13] =	ssyncset.done $0x0  }
0x56: {  	[sflag:s13] =	ssyncadd.s32 $0xFFFFE000  }
0x57: {  	[spmem:s6] =	stream.linear.scatter [tilespmem:s12], [sflag:$0x5], $0x2000, $0x38;
	[tilespmem:$0x1E800] =	vst v63  }
0x58: {  	_ =	swait.ge [sflag:s13], $0x2000  }
0x59: {  	[sflag:s13] =	ssyncset.done $0x0  }
0x5a: {  	[sflag:s13] =	ssyncadd.s32 $0xFFFFE000  }
0x5b: {  	[spmem:s7] =	stream.linear.scatter [tilespmem:s12], [sflag:$0x5], $0x2000, $0x38;
	[tilespmem:$0x1E800] =	vst v63  }
0x5c: {  	_ =	swait.ge [sflag:s13], $0x2000  }
0x5d: {  	[sflag:s13] =	ssyncset.done $0x0  }
0x5e: {  	[sflag:s13] =	ssyncadd.s32 $0xFFFFE000  }
0x5f: {  	[spmem:s8] =	stream.linear.scatter [tilespmem:s12], [sflag:$0x5], $0x2000, $0x38;
	[tilespmem:$0x1E800] =	vst v63  }
0x60: {  	_ =	swait.ge [sflag:s13], $0x2000  }
0x61: {  	[sflag:s13] =	ssyncset.done $0x0  }
0x62: {  	[sflag:s13] =	ssyncadd.s32 $0xFFFFE000  }
0x63: {  	[spmem:s9] =	stream.linear.scatter [tilespmem:s12], [sflag:$0x5], $0x2000, $0x38;
	[tilespmem:$0x1E800] =	vst v63  }
0x64: {  	_ =	swait.ge [sflag:s13], $0x2000  }
0x65: {  	[sflag:s13] =	ssyncset.done $0x0  }
0x66: {  	[sflag:s13] =	ssyncadd.s32 $0xFFFFE000  }
0x67: {  	[spmem:s10] =	stream.linear.scatter [tilespmem:s12], [sflag:$0x5], $0x2000, $0x38;
	[tilespmem:$0x1E800] =	vst v63  }
0x68: {  	_ =	swait.ge [sflag:s13], $0x2000  }
0x69: {  	[sflag:s13] =	ssyncset.done $0x0  }
0x6a: {  	[sflag:s13] =	ssyncadd.s32 $0xFFFFE000  }
0x6b: {  	[spmem:s11] =	stream.linear.scatter [tilespmem:s12], [sflag:$0x5], $0x2000, $0x38;
	[tilespmem:$0x1E800] =	vst v63  }
0x6c: {  	_ =	swait.ge [sflag:s13], $0x2000  }
0x6d: {  	[sflag:s13] =	ssyncset.done $0x0  }
0x6e: {  	[sflag:s13] =	ssyncadd.s32 $0xFFFFE000  }
0x6f: {  	[bflag:$0x0] =	sbarrier.arrive $0xFFFF  }
0x70: {  	s3 =	simm.s32 $0x0;
	s4 =	rddreg [dreg:$0x3]  }
0x71: {  	[tilespmem:s3], [sflag:$0x5] =	stream.linear.gather [hbm4b:s4+s3], $0x1400, $0x38;
	[tilespmem:$0x1E800] =	vst v63  }
0x72: {  	_ =	swait.ge [sflag:s13], $0x1400  }
0x73: {  	[sflag:s13] =	ssyncset.done $0x0  }
0x74: {  	s5 =	rddreg [dreg:$0x4];
	[sflag:s13] =	ssyncadd.s32 $0xFFFFEC00  }
0x75: {  	[tilespmem:s14], [sflag:$0x5] =	stream.linear.gather [hbm4b:s5+s3], $0x1400, $0x38;
	[tilespmem:$0x1E800] =	vst v63  }
0x76: {  	_ =	swait.ge [sflag:s13], $0x1400  }
0x77: {  	[sflag:s13] =	ssyncset.done $0x0  }
0x78: {  	[sflag:s13] =	ssyncadd.s32 $0xFFFFEC00  }
0x79: {  	[tilespmem:s12], [sflag:$0x1] =	stream.indirect.gather [hbm4b:s22+s15], $0x80, s3, s15, $0xb8;
	[tilespmem:$0x1E800] =	vst v63  }
0x7a: {  	_ = 	snop  }
0x7b: {  	[tilespmem:s17], [sflag:$0x2] =	stream.indirect.gather [hbm4b:s22+s15], $0x80, s16, s15, $0xb8;
	[tilespmem:$0x1E800] =	vst v63  }
0x7c: {  	_ = 	snop  }
0x7d: {  	[tilespmem:s21], [sflag:$0x3] =	stream.indirect.gather [hbm4b:s22+s15], $0x80, s20, s15, $0xb8;
	[tilespmem:$0x1E800] =	vst v63  }
0x7e: {  	_ = 	snop  }
0x7f: {  	[tilespmem:s25], [sflag:$0x4] =	stream.indirect.gather [hbm4b:s22+s15], $0x80, s24, s15, $0xb8;
	[tilespmem:$0x1E800] =	vst v63  }
0x80: {  	_ =	swait.ge [sflag:s26], $0x2000  }
0x81: {  	[sflag:s26] =	ssyncset.done $0x0  }
0x82: {  	s5 =	simm.s32 $0x1400;
	[sflag:s26] =	ssyncadd.s32 $0xFFFFE000  }
0x83: {  	[spmem:s19] =	stream.indirect.scatter.add.f32 [tilespmem:s12], [sflag:$0x5], $0x80, s5, s15, $0xb8;
	[tilespmem:$0x1E800] =	vst v63  }
0x84: {  	_ =	swait.ge [sflag:s13], $0x2000  }
0x85: {  	[sflag:s13] =	ssyncset.done $0x0  }
0x86: {  	s4 =	simm.s32 $0x200;
	[sflag:s13] =	ssyncadd.s32 $0xFFFFE000  }
0x87: {  	[tilespmem:s12], [sflag:$0x1] =	stream.indirect.gather [hbm4b:s22+s15], $0x80, s4, s15, $0xb8;
	[tilespmem:$0x1E800] =	vst v63  }
0x88: {  	_ =	swait.ge [sflag:s28], $0x2000  }
0x89: {  	[sflag:s28] =	ssyncset.done $0x0  }
0x8a: {  	s5 =	simm.s32 $0x1480;
	[sflag:s28] =	ssyncadd.s32 $0xFFFFE000  }
0x8b: {  	[spmem:s19] =	stream.indirect.scatter.add.f32 [tilespmem:s17], [sflag:$0x5], $0x80, s5, s15, $0xb8;
	[tilespmem:$0x1E800] =	vst v63  }
0x8c: {  	_ =	swait.ge [sflag:s13], $0x2000  }
0x8d: {  	[sflag:s13] =	ssyncset.done $0x0  }
0x8e: {  	s4 =	simm.s32 $0x280;
	[sflag:s13] =	ssyncadd.s32 $0xFFFFE000  }
0x8f: {  	[tilespmem:s17], [sflag:$0x2] =	stream.indirect.gather [hbm4b:s22+s15], $0x80, s4, s15, $0xb8;
	[tilespmem:$0x1E800] =	vst v63  }
0x90: {  	_ =	swait.ge [sflag:s29], $0x2000  }
0x91: {  	[sflag:s29] =	ssyncset.done $0x0  }
0x92: {  	s5 =	simm.s32 $0x1500;
	[sflag:s29] =	ssyncadd.s32 $0xFFFFE000  }
0x93: {  	[spmem:s19] =	stream.indirect.scatter.add.f32 [tilespmem:s21], [sflag:$0x5], $0x80, s5, s15, $0xb8;
	[tilespmem:$0x1E800] =	vst v63  }
0x94: {  	_ =	swait.ge [sflag:s13], $0x2000  }
0x95: {  	[sflag:s13] =	ssyncset.done $0x0  }
0x96: {  	s4 =	simm.s32 $0x300;
	[sflag:s13] =	ssyncadd.s32 $0xFFFFE000  }
0x97: {  	[tilespmem:s21], [sflag:$0x3] =	stream.indirect.gather [hbm4b:s22+s15], $0x80, s4, s15, $0xb8;
	[tilespmem:$0x1E800] =	vst v63  }
0x98: {  	_ =	swait.ge [sflag:s30], $0x2000  }
0x99: {  	[sflag:s30] =	ssyncset.done $0x0  }
0x9a: {  	s5 =	simm.s32 $0x1580;
	[sflag:s30] =	ssyncadd.s32 $0xFFFFE000  }
0x9b: {  	[spmem:s19] =	stream.indirect.scatter.add.f32 [tilespmem:s25], [sflag:$0x5], $0x80, s5, s15, $0xb8;
	[tilespmem:$0x1E800] =	vst v63  }
0x9c: {  	_ =	swait.ge [sflag:s13], $0x2000  }
0x9d: {  	[sflag:s13] =	ssyncset.done $0x0  }
0x9e: {  	s3 =	simm.s32 $0x800;
	s4 =	simm.s32 $0x380;
	[sflag:s13] =	ssyncadd.s32 $0xFFFFE000  }
.LBB2_4:
0x9f: {  	[tilespmem:s25], [sflag:$0x4] =	stream.indirect.gather [hbm4b:s22+s15], $0x80, s4, s15, $0xb8;
	[tilespmem:$0x1E800] =	vst v63  }
0xa0: {  	s4 =	smov.u32 s3  }
0xa1: {  	p0 =	sne.s32 s3, $0x4000;
	s3 =	sadd.s32 $0x800, s3;
	_ =	swait.ge [sflag:s26], $0x2000  }
0xa2: {  	s4 =	sshra.s32 s4, $0x2;
	[sflag:s26] =	ssyncset.done $0x0  }
0xa3: {  	s5 =	sadd.s32 $0x1400, s4;
	[sflag:s26] =	ssyncadd.s32 $0xFFFFE000  }
0xa4: {  	[spmem:s19] =	stream.indirect.scatter.add.f32 [tilespmem:s12], [sflag:$0x5], $0x80, s5, s15, $0xb8;
	[tilespmem:$0x1E800] =	vst v63  }
0xa5: {  	_ =	swait.ge [sflag:s13], $0x2000  }
0xa6: {  	[sflag:s13] =	ssyncset.done $0x0  }
0xa7: {  	s5 =	sadd.s32 $0x200, s4;
	[sflag:s13] =	ssyncadd.s32 $0xFFFFE000  }
0xa8: {  	[tilespmem:s12], [sflag:$0x1] =	stream.indirect.gather [hbm4b:s22+s15], $0x80, s5, s15, $0xb8;
	[tilespmem:$0x1E800] =	vst v63  }
0xa9: {  	_ =	swait.ge [sflag:s28], $0x2000  }
0xaa: {  	[sflag:s28] =	ssyncset.done $0x0  }
0xab: {  	s5 =	sadd.s32 $0x1480, s4;
	[sflag:s28] =	ssyncadd.s32 $0xFFFFE000  }
0xac: {  	[spmem:s19] =	stream.indirect.scatter.add.f32 [tilespmem:s17], [sflag:$0x5], $0x80, s5, s15, $0xb8;
	[tilespmem:$0x1E800] =	vst v63  }
0xad: {  	_ =	swait.ge [sflag:s13], $0x2000  }
0xae: {  	[sflag:s13] =	ssyncset.done $0x0  }
0xaf: {  	s5 =	sadd.s32 $0x280, s4;
	[sflag:s13] =	ssyncadd.s32 $0xFFFFE000  }
0xb0: {  	[tilespmem:s17], [sflag:$0x2] =	stream.indirect.gather [hbm4b:s22+s15], $0x80, s5, s15, $0xb8;
	[tilespmem:$0x1E800] =	vst v63  }
0xb1: {  	_ =	swait.ge [sflag:s29], $0x2000  }
0xb2: {  	[sflag:s29] =	ssyncset.done $0x0  }
0xb3: {  	s5 =	sadd.s32 $0x1500, s4;
	[sflag:s29] =	ssyncadd.s32 $0xFFFFE000  }
0xb4: {  	[spmem:s19] =	stream.indirect.scatter.add.f32 [tilespmem:s21], [sflag:$0x5], $0x80, s5, s15, $0xb8;
	[tilespmem:$0x1E800] =	vst v63  }
0xb5: {  	_ =	swait.ge [sflag:s13], $0x2000  }
0xb6: {  	[sflag:s13] =	ssyncset.done $0x0  }
0xb7: {  	s5 =	sadd.s32 $0x300, s4;
	[sflag:s13] =	ssyncadd.s32 $0xFFFFE000  }
0xb8: {  	[tilespmem:s21], [sflag:$0x3] =	stream.indirect.gather [hbm4b:s22+s15], $0x80, s5, s15, $0xb8;
	[tilespmem:$0x1E800] =	vst v63  }
0xb9: {  	_ =	swait.ge [sflag:s30], $0x2000  }
0xba: {  	[sflag:s30] =	ssyncset.done $0x0  }
.Ltmp1:
0xbb: {  	s5 =	sadd.s32 $0x1580, s4;
	[sflag:s30] =	ssyncadd.s32 $0xFFFFE000;
	(pc) =	sbr.rel @p0 .LBB2_4-.Ltmp1, $4  }
0xbc: {  	[spmem:s19] =	stream.indirect.scatter.add.f32 [tilespmem:s25], [sflag:$0x5], $0x80, s5, s15, $0xb8;
	[tilespmem:$0x1E800] =	vst v63  }
0xbd: {  	_ =	swait.ge [sflag:s13], $0x2000  }
0xbe: {  	[sflag:s13] =	ssyncset.done $0x0  }
0xbf: {  	s4 =	sadd.s32 $0x380, s4;
	[sflag:s13] =	ssyncadd.s32 $0xFFFFE000  }
0xc0: {  	[tilespmem:s25], [sflag:$0x4] =	stream.indirect.gather [hbm4b:s22+s15], $0x80, s4, s15, $0xb8;
	[tilespmem:$0x1E800] =	vst v63  }
0xc1: {  	_ =	swait.ge [sflag:s26], $0x2000  }
0xc2: {  	[sflag:s26] =	ssyncset.done $0x0  }
0xc3: {  	[sflag:s26] =	ssyncadd.s32 $0xFFFFE000  }
0xc4: {  	[spmem:s19] =	stream.indirect.scatter.add.f32 [tilespmem:s12], [sflag:$0x5], $0x80, s31, s15, $0xb8;
	[tilespmem:$0x1E800] =	vst v63  }
0xc5: {  	_ =	swait.ge [sflag:s13], $0x2000  }
0xc6: {  	[sflag:s13] =	ssyncset.done $0x0  }
0xc7: {  	[sflag:s13] =	ssyncadd.s32 $0xFFFFE000  }
0xc8: {  	_ =	swait.ge [sflag:s28], $0x2000  }
0xc9: {  	[sflag:s28] =	ssyncset.done $0x0  }
0xca: {  	[sflag:s28] =	ssyncadd.s32 $0xFFFFE000  }
0xcb: {  	[spmem:s19] =	stream.indirect.scatter.add.f32 [tilespmem:s17], [sflag:$0x5], $0x80, s18, s15, $0xb8;
	[tilespmem:$0x1E800] =	vst v63  }
0xcc: {  	_ =	swait.ge [sflag:s13], $0x2000  }
0xcd: {  	[sflag:s13] =	ssyncset.done $0x0  }
0xce: {  	[sflag:s13] =	ssyncadd.s32 $0xFFFFE000  }
0xcf: {  	_ =	swait.ge [sflag:s29], $0x2000  }
0xd0: {  	[sflag:s29] =	ssyncset.done $0x0  }
0xd1: {  	[sflag:s29] =	ssyncadd.s32 $0xFFFFE000  }
0xd2: {  	[spmem:s19] =	stream.indirect.scatter.add.f32 [tilespmem:s21], [sflag:$0x5], $0x80, s0, s15, $0xb8;
	[tilespmem:$0x1E800] =	vst v63  }
0xd3: {  	_ =	swait.ge [sflag:s13], $0x2000  }
0xd4: {  	[sflag:s13] =	ssyncset.done $0x0  }
0xd5: {  	[sflag:s13] =	ssyncadd.s32 $0xFFFFE000  }
0xd6: {  	_ =	swait.ge [sflag:s30], $0x2000  }
0xd7: {  	[sflag:s30] =	ssyncset.done $0x0  }
0xd8: {  	[sflag:s30] =	ssyncadd.s32 $0xFFFFE000  }
0xd9: {  	[spmem:s19] =	stream.indirect.scatter.add.f32 [tilespmem:s25], [sflag:$0x5], $0x80, s2, s15, $0xb8;
	[tilespmem:$0x1E800] =	vst v63  }
0xda: {  	_ =	swait.ge [sflag:s13], $0x2000  }
0xdb: {  	[sflag:s13] =	ssyncset.done $0x0  }
0xdc: {  	s3 =	simm.s32 $0x0;
	s5 =	rddreg [dreg:$0x5];
	[sflag:s13] =	ssyncadd.s32 $0xFFFFE000  }
0xdd: {  	[tilespmem:s3], [sflag:$0x5] =	stream.linear.gather [hbm4b:s5+s3], $0x1400, $0x38;
	[tilespmem:$0x1E800] =	vst v63  }
0xde: {  	_ =	swait.ge [sflag:s13], $0x1400  }
0xdf: {  	[sflag:s13] =	ssyncset.done $0x0  }
0xe0: {  	s5 =	rddreg [dreg:$0x6];
	[sflag:s13] =	ssyncadd.s32 $0xFFFFEC00  }
0xe1: {  	[tilespmem:s14], [sflag:$0x5] =	stream.linear.gather [hbm4b:s5+s3], $0x1400, $0x38;
	[tilespmem:$0x1E800] =	vst v63  }
0xe2: {  	_ =	swait.ge [sflag:s13], $0x1400  }
0xe3: {  	[sflag:s13] =	ssyncset.done $0x0  }
0xe4: {  	[sflag:s13] =	ssyncadd.s32 $0xFFFFEC00  }
0xe5: {  	[tilespmem:s12], [sflag:$0x1] =	stream.indirect.gather [hbm4b:s22+s15], $0x80, s3, s15, $0xb8;
	[tilespmem:$0x1E800] =	vst v63  }
0xe6: {  	_ = 	snop  }
0xe7: {  	[tilespmem:s17], [sflag:$0x2] =	stream.indirect.gather [hbm4b:s22+s15], $0x80, s16, s15, $0xb8;
	[tilespmem:$0x1E800] =	vst v63  }
0xe8: {  	_ = 	snop  }
0xe9: {  	[tilespmem:s21], [sflag:$0x3] =	stream.indirect.gather [hbm4b:s22+s15], $0x80, s20, s15, $0xb8;
	[tilespmem:$0x1E800] =	vst v63  }
0xea: {  	_ = 	snop  }
0xeb: {  	[tilespmem:s25], [sflag:$0x4] =	stream.indirect.gather [hbm4b:s22+s15], $0x80, s24, s15, $0xb8;
	[tilespmem:$0x1E800] =	vst v63  }
0xec: {  	_ =	swait.ge [sflag:s26], $0x2000  }
0xed: {  	[sflag:s26] =	ssyncset.done $0x0  }
0xee: {  	s5 =	simm.s32 $0x1400;
	[sflag:s26] =	ssyncadd.s32 $0xFFFFE000  }
0xef: {  	[spmem:s19] =	stream.indirect.scatter.add.f32 [tilespmem:s12], [sflag:$0x5], $0x80, s5, s15, $0xb8;
	[tilespmem:$0x1E800] =	vst v63  }
0xf0: {  	_ =	swait.ge [sflag:s13], $0x2000  }
0xf1: {  	[sflag:s13] =	ssyncset.done $0x0  }
0xf2: {  	s4 =	simm.s32 $0x200;
	[sflag:s13] =	ssyncadd.s32 $0xFFFFE000  }
0xf3: {  	[tilespmem:s12], [sflag:$0x1] =	stream.indirect.gather [hbm4b:s22+s15], $0x80, s4, s15, $0xb8;
	[tilespmem:$0x1E800] =	vst v63  }
0xf4: {  	_ =	swait.ge [sflag:s28], $0x2000  }
0xf5: {  	[sflag:s28] =	ssyncset.done $0x0  }
0xf6: {  	s5 =	simm.s32 $0x1480;
	[sflag:s28] =	ssyncadd.s32 $0xFFFFE000  }
0xf7: {  	[spmem:s19] =	stream.indirect.scatter.add.f32 [tilespmem:s17], [sflag:$0x5], $0x80, s5, s15, $0xb8;
	[tilespmem:$0x1E800] =	vst v63  }
0xf8: {  	_ =	swait.ge [sflag:s13], $0x2000  }
0xf9: {  	[sflag:s13] =	ssyncset.done $0x0  }
0xfa: {  	s4 =	simm.s32 $0x280;
	[sflag:s13] =	ssyncadd.s32 $0xFFFFE000  }
0xfb: {  	[tilespmem:s17], [sflag:$0x2] =	stream.indirect.gather [hbm4b:s22+s15], $0x80, s4, s15, $0xb8;
	[tilespmem:$0x1E800] =	vst v63  }
0xfc: {  	_ =	swait.ge [sflag:s29], $0x2000  }
0xfd: {  	[sflag:s29] =	ssyncset.done $0x0  }
0xfe: {  	s5 =	simm.s32 $0x1500;
	[sflag:s29] =	ssyncadd.s32 $0xFFFFE000  }
0xff: {  	[spmem:s19] =	stream.indirect.scatter.add.f32 [tilespmem:s21], [sflag:$0x5], $0x80, s5, s15, $0xb8;
	[tilespmem:$0x1E800] =	vst v63  }
0x100: {  	_ =	swait.ge [sflag:s13], $0x2000  }
0x101: {  	[sflag:s13] =	ssyncset.done $0x0  }
0x102: {  	s4 =	simm.s32 $0x300;
	[sflag:s13] =	ssyncadd.s32 $0xFFFFE000  }
0x103: {  	[tilespmem:s21], [sflag:$0x3] =	stream.indirect.gather [hbm4b:s22+s15], $0x80, s4, s15, $0xb8;
	[tilespmem:$0x1E800] =	vst v63  }
0x104: {  	_ =	swait.ge [sflag:s30], $0x2000  }
0x105: {  	[sflag:s30] =	ssyncset.done $0x0  }
0x106: {  	s5 =	simm.s32 $0x1580;
	[sflag:s30] =	ssyncadd.s32 $0xFFFFE000  }
0x107: {  	[spmem:s19] =	stream.indirect.scatter.add.f32 [tilespmem:s25], [sflag:$0x5], $0x80, s5, s15, $0xb8;
	[tilespmem:$0x1E800] =	vst v63  }
0x108: {  	_ =	swait.ge [sflag:s13], $0x2000  }
0x109: {  	[sflag:s13] =	ssyncset.done $0x0  }
0x10a: {  	s3 =	simm.s32 $0x800;
	s4 =	simm.s32 $0x380;
	[sflag:s13] =	ssyncadd.s32 $0xFFFFE000  }
.LBB2_6:
0x10b: {  	[tilespmem:s25], [sflag:$0x4] =	stream.indirect.gather [hbm4b:s22+s15], $0x80, s4, s15, $0xb8;
	[tilespmem:$0x1E800] =	vst v63  }
0x10c: {  	s4 =	smov.u32 s3  }
0x10d: {  	p0 =	sne.s32 s3, $0x4000;
	s3 =	sadd.s32 $0x800, s3;
	_ =	swait.ge [sflag:s26], $0x2000  }
0x10e: {  	s4 =	sshra.s32 s4, $0x2;
	[sflag:s26] =	ssyncset.done $0x0  }
0x10f: {  	s5 =	sadd.s32 $0x1400, s4;
	[sflag:s26] =	ssyncadd.s32 $0xFFFFE000  }
0x110: {  	[spmem:s19] =	stream.indirect.scatter.add.f32 [tilespmem:s12], [sflag:$0x5], $0x80, s5, s15, $0xb8;
	[tilespmem:$0x1E800] =	vst v63  }
0x111: {  	_ =	swait.ge [sflag:s13], $0x2000  }
0x112: {  	[sflag:s13] =	ssyncset.done $0x0  }
0x113: {  	s5 =	sadd.s32 $0x200, s4;
	[sflag:s13] =	ssyncadd.s32 $0xFFFFE000  }
0x114: {  	[tilespmem:s12], [sflag:$0x1] =	stream.indirect.gather [hbm4b:s22+s15], $0x80, s5, s15, $0xb8;
	[tilespmem:$0x1E800] =	vst v63  }
0x115: {  	_ =	swait.ge [sflag:s28], $0x2000  }
0x116: {  	[sflag:s28] =	ssyncset.done $0x0  }
0x117: {  	s5 =	sadd.s32 $0x1480, s4;
	[sflag:s28] =	ssyncadd.s32 $0xFFFFE000  }
0x118: {  	[spmem:s19] =	stream.indirect.scatter.add.f32 [tilespmem:s17], [sflag:$0x5], $0x80, s5, s15, $0xb8;
	[tilespmem:$0x1E800] =	vst v63  }
0x119: {  	_ =	swait.ge [sflag:s13], $0x2000  }
0x11a: {  	[sflag:s13] =	ssyncset.done $0x0  }
0x11b: {  	s5 =	sadd.s32 $0x280, s4;
	[sflag:s13] =	ssyncadd.s32 $0xFFFFE000  }
0x11c: {  	[tilespmem:s17], [sflag:$0x2] =	stream.indirect.gather [hbm4b:s22+s15], $0x80, s5, s15, $0xb8;
	[tilespmem:$0x1E800] =	vst v63  }
0x11d: {  	_ =	swait.ge [sflag:s29], $0x2000  }
0x11e: {  	[sflag:s29] =	ssyncset.done $0x0  }
0x11f: {  	s5 =	sadd.s32 $0x1500, s4;
	[sflag:s29] =	ssyncadd.s32 $0xFFFFE000  }
0x120: {  	[spmem:s19] =	stream.indirect.scatter.add.f32 [tilespmem:s21], [sflag:$0x5], $0x80, s5, s15, $0xb8;
	[tilespmem:$0x1E800] =	vst v63  }
0x121: {  	_ =	swait.ge [sflag:s13], $0x2000  }
0x122: {  	[sflag:s13] =	ssyncset.done $0x0  }
0x123: {  	s5 =	sadd.s32 $0x300, s4;
	[sflag:s13] =	ssyncadd.s32 $0xFFFFE000  }
0x124: {  	[tilespmem:s21], [sflag:$0x3] =	stream.indirect.gather [hbm4b:s22+s15], $0x80, s5, s15, $0xb8;
	[tilespmem:$0x1E800] =	vst v63  }
0x125: {  	_ =	swait.ge [sflag:s30], $0x2000  }
0x126: {  	[sflag:s30] =	ssyncset.done $0x0  }
.Ltmp2:
0x127: {  	s5 =	sadd.s32 $0x1580, s4;
	[sflag:s30] =	ssyncadd.s32 $0xFFFFE000;
	(pc) =	sbr.rel @p0 .LBB2_6-.Ltmp2, $4  }
0x128: {  	[spmem:s19] =	stream.indirect.scatter.add.f32 [tilespmem:s25], [sflag:$0x5], $0x80, s5, s15, $0xb8;
	[tilespmem:$0x1E800] =	vst v63  }
0x129: {  	_ =	swait.ge [sflag:s13], $0x2000  }
0x12a: {  	[sflag:s13] =	ssyncset.done $0x0  }
0x12b: {  	s4 =	sadd.s32 $0x380, s4;
	[sflag:s13] =	ssyncadd.s32 $0xFFFFE000  }
0x12c: {  	[tilespmem:s25], [sflag:$0x4] =	stream.indirect.gather [hbm4b:s22+s15], $0x80, s4, s15, $0xb8;
	[tilespmem:$0x1E800] =	vst v63  }
0x12d: {  	_ =	swait.ge [sflag:s26], $0x2000  }
0x12e: {  	[sflag:s26] =	ssyncset.done $0x0  }
0x12f: {  	[sflag:s26] =	ssyncadd.s32 $0xFFFFE000  }
0x130: {  	[spmem:s19] =	stream.indirect.scatter.add.f32 [tilespmem:s12], [sflag:$0x5], $0x80, s31, s15, $0xb8;
	[tilespmem:$0x1E800] =	vst v63  }
0x131: {  	_ =	swait.ge [sflag:s13], $0x2000  }
0x132: {  	[sflag:s13] =	ssyncset.done $0x0  }
0x133: {  	[sflag:s13] =	ssyncadd.s32 $0xFFFFE000  }
0x134: {  	_ =	swait.ge [sflag:s28], $0x2000  }
0x135: {  	[sflag:s28] =	ssyncset.done $0x0  }
0x136: {  	[sflag:s28] =	ssyncadd.s32 $0xFFFFE000  }
0x137: {  	[spmem:s19] =	stream.indirect.scatter.add.f32 [tilespmem:s17], [sflag:$0x5], $0x80, s18, s15, $0xb8;
	[tilespmem:$0x1E800] =	vst v63  }
0x138: {  	_ =	swait.ge [sflag:s13], $0x2000  }
0x139: {  	[sflag:s13] =	ssyncset.done $0x0  }
0x13a: {  	[sflag:s13] =	ssyncadd.s32 $0xFFFFE000  }
0x13b: {  	_ =	swait.ge [sflag:s29], $0x2000  }
0x13c: {  	[sflag:s29] =	ssyncset.done $0x0  }
0x13d: {  	[sflag:s29] =	ssyncadd.s32 $0xFFFFE000  }
0x13e: {  	[spmem:s19] =	stream.indirect.scatter.add.f32 [tilespmem:s21], [sflag:$0x5], $0x80, s0, s15, $0xb8;
	[tilespmem:$0x1E800] =	vst v63  }
0x13f: {  	_ =	swait.ge [sflag:s13], $0x2000  }
0x140: {  	[sflag:s13] =	ssyncset.done $0x0  }
0x141: {  	[sflag:s13] =	ssyncadd.s32 $0xFFFFE000  }
0x142: {  	_ =	swait.ge [sflag:s30], $0x2000  }
0x143: {  	[sflag:s30] =	ssyncset.done $0x0  }
0x144: {  	[sflag:s30] =	ssyncadd.s32 $0xFFFFE000  }
0x145: {  	[spmem:s19] =	stream.indirect.scatter.add.f32 [tilespmem:s25], [sflag:$0x5], $0x80, s2, s15, $0xb8;
	[tilespmem:$0x1E800] =	vst v63  }
0x146: {  	_ =	swait.ge [sflag:s13], $0x2000  }
0x147: {  	[sflag:s13] =	ssyncset.done $0x0  }
0x148: {  	s3 =	simm.s32 $0x0;
	s5 =	rddreg [dreg:$0x7];
	[sflag:s13] =	ssyncadd.s32 $0xFFFFE000  }
0x149: {  	[tilespmem:s3], [sflag:$0x5] =	stream.linear.gather [hbm4b:s5+s3], $0x1400, $0x38;
	[tilespmem:$0x1E800] =	vst v63  }
0x14a: {  	_ =	swait.ge [sflag:s13], $0x1400  }
0x14b: {  	[sflag:s13] =	ssyncset.done $0x0  }
0x14c: {  	s5 =	rddreg [dreg:$0x8];
	[sflag:s13] =	ssyncadd.s32 $0xFFFFEC00  }
0x14d: {  	[tilespmem:s14], [sflag:$0x5] =	stream.linear.gather [hbm4b:s5+s3], $0x1400, $0x38;
	[tilespmem:$0x1E800] =	vst v63  }
0x14e: {  	_ =	swait.ge [sflag:s13], $0x1400  }
0x14f: {  	[sflag:s13] =	ssyncset.done $0x0  }
0x150: {  	[sflag:s13] =	ssyncadd.s32 $0xFFFFEC00  }
0x151: {  	[tilespmem:s12], [sflag:$0x1] =	stream.indirect.gather [hbm4b:s22+s15], $0x80, s3, s15, $0xb8;
	[tilespmem:$0x1E800] =	vst v63  }
0x152: {  	_ = 	snop  }
0x153: {  	[tilespmem:s17], [sflag:$0x2] =	stream.indirect.gather [hbm4b:s22+s15], $0x80, s16, s15, $0xb8;
	[tilespmem:$0x1E800] =	vst v63  }
0x154: {  	_ = 	snop  }
0x155: {  	[tilespmem:s21], [sflag:$0x3] =	stream.indirect.gather [hbm4b:s22+s15], $0x80, s20, s15, $0xb8;
	[tilespmem:$0x1E800] =	vst v63  }
0x156: {  	_ = 	snop  }
0x157: {  	[tilespmem:s25], [sflag:$0x4] =	stream.indirect.gather [hbm4b:s22+s15], $0x80, s24, s15, $0xb8;
	[tilespmem:$0x1E800] =	vst v63  }
0x158: {  	_ =	swait.ge [sflag:s26], $0x2000  }
0x159: {  	[sflag:s26] =	ssyncset.done $0x0  }
0x15a: {  	s5 =	simm.s32 $0x1400;
	[sflag:s26] =	ssyncadd.s32 $0xFFFFE000  }
0x15b: {  	[spmem:s19] =	stream.indirect.scatter.add.f32 [tilespmem:s12], [sflag:$0x5], $0x80, s5, s15, $0xb8;
	[tilespmem:$0x1E800] =	vst v63  }
0x15c: {  	_ =	swait.ge [sflag:s13], $0x2000  }
0x15d: {  	[sflag:s13] =	ssyncset.done $0x0  }
0x15e: {  	s4 =	simm.s32 $0x200;
	[sflag:s13] =	ssyncadd.s32 $0xFFFFE000  }
0x15f: {  	[tilespmem:s12], [sflag:$0x1] =	stream.indirect.gather [hbm4b:s22+s15], $0x80, s4, s15, $0xb8;
	[tilespmem:$0x1E800] =	vst v63  }
0x160: {  	_ =	swait.ge [sflag:s28], $0x2000  }
0x161: {  	[sflag:s28] =	ssyncset.done $0x0  }
0x162: {  	s5 =	simm.s32 $0x1480;
	[sflag:s28] =	ssyncadd.s32 $0xFFFFE000  }
0x163: {  	[spmem:s19] =	stream.indirect.scatter.add.f32 [tilespmem:s17], [sflag:$0x5], $0x80, s5, s15, $0xb8;
	[tilespmem:$0x1E800] =	vst v63  }
0x164: {  	_ =	swait.ge [sflag:s13], $0x2000  }
0x165: {  	[sflag:s13] =	ssyncset.done $0x0  }
0x166: {  	s4 =	simm.s32 $0x280;
	[sflag:s13] =	ssyncadd.s32 $0xFFFFE000  }
0x167: {  	[tilespmem:s17], [sflag:$0x2] =	stream.indirect.gather [hbm4b:s22+s15], $0x80, s4, s15, $0xb8;
	[tilespmem:$0x1E800] =	vst v63  }
0x168: {  	_ =	swait.ge [sflag:s29], $0x2000  }
0x169: {  	[sflag:s29] =	ssyncset.done $0x0  }
0x16a: {  	s5 =	simm.s32 $0x1500;
	[sflag:s29] =	ssyncadd.s32 $0xFFFFE000  }
0x16b: {  	[spmem:s19] =	stream.indirect.scatter.add.f32 [tilespmem:s21], [sflag:$0x5], $0x80, s5, s15, $0xb8;
	[tilespmem:$0x1E800] =	vst v63  }
0x16c: {  	_ =	swait.ge [sflag:s13], $0x2000  }
0x16d: {  	[sflag:s13] =	ssyncset.done $0x0  }
0x16e: {  	s4 =	simm.s32 $0x300;
	[sflag:s13] =	ssyncadd.s32 $0xFFFFE000  }
0x16f: {  	[tilespmem:s21], [sflag:$0x3] =	stream.indirect.gather [hbm4b:s22+s15], $0x80, s4, s15, $0xb8;
	[tilespmem:$0x1E800] =	vst v63  }
0x170: {  	_ =	swait.ge [sflag:s30], $0x2000  }
0x171: {  	[sflag:s30] =	ssyncset.done $0x0  }
0x172: {  	s5 =	simm.s32 $0x1580;
	[sflag:s30] =	ssyncadd.s32 $0xFFFFE000  }
0x173: {  	[spmem:s19] =	stream.indirect.scatter.add.f32 [tilespmem:s25], [sflag:$0x5], $0x80, s5, s15, $0xb8;
	[tilespmem:$0x1E800] =	vst v63  }
0x174: {  	_ =	swait.ge [sflag:s13], $0x2000  }
0x175: {  	[sflag:s13] =	ssyncset.done $0x0  }
0x176: {  	s3 =	simm.s32 $0x800;
	s4 =	simm.s32 $0x380;
	[sflag:s13] =	ssyncadd.s32 $0xFFFFE000  }
.LBB2_8:
0x177: {  	[tilespmem:s25], [sflag:$0x4] =	stream.indirect.gather [hbm4b:s22+s15], $0x80, s4, s15, $0xb8;
	[tilespmem:$0x1E800] =	vst v63  }
0x178: {  	s4 =	smov.u32 s3  }
0x179: {  	p0 =	sne.s32 s3, $0x4000;
	s3 =	sadd.s32 $0x800, s3;
	_ =	swait.ge [sflag:s26], $0x2000  }
0x17a: {  	s4 =	sshra.s32 s4, $0x2;
	[sflag:s26] =	ssyncset.done $0x0  }
0x17b: {  	s5 =	sadd.s32 $0x1400, s4;
	[sflag:s26] =	ssyncadd.s32 $0xFFFFE000  }
0x17c: {  	[spmem:s19] =	stream.indirect.scatter.add.f32 [tilespmem:s12], [sflag:$0x5], $0x80, s5, s15, $0xb8;
	[tilespmem:$0x1E800] =	vst v63  }
0x17d: {  	_ =	swait.ge [sflag:s13], $0x2000  }
0x17e: {  	[sflag:s13] =	ssyncset.done $0x0  }
0x17f: {  	s5 =	sadd.s32 $0x200, s4;
	[sflag:s13] =	ssyncadd.s32 $0xFFFFE000  }
0x180: {  	[tilespmem:s12], [sflag:$0x1] =	stream.indirect.gather [hbm4b:s22+s15], $0x80, s5, s15, $0xb8;
	[tilespmem:$0x1E800] =	vst v63  }
0x181: {  	_ =	swait.ge [sflag:s28], $0x2000  }
0x182: {  	[sflag:s28] =	ssyncset.done $0x0  }
0x183: {  	s5 =	sadd.s32 $0x1480, s4;
	[sflag:s28] =	ssyncadd.s32 $0xFFFFE000  }
0x184: {  	[spmem:s19] =	stream.indirect.scatter.add.f32 [tilespmem:s17], [sflag:$0x5], $0x80, s5, s15, $0xb8;
	[tilespmem:$0x1E800] =	vst v63  }
0x185: {  	_ =	swait.ge [sflag:s13], $0x2000  }
0x186: {  	[sflag:s13] =	ssyncset.done $0x0  }
0x187: {  	s5 =	sadd.s32 $0x280, s4;
	[sflag:s13] =	ssyncadd.s32 $0xFFFFE000  }
0x188: {  	[tilespmem:s17], [sflag:$0x2] =	stream.indirect.gather [hbm4b:s22+s15], $0x80, s5, s15, $0xb8;
	[tilespmem:$0x1E800] =	vst v63  }
0x189: {  	_ =	swait.ge [sflag:s29], $0x2000  }
0x18a: {  	[sflag:s29] =	ssyncset.done $0x0  }
0x18b: {  	s5 =	sadd.s32 $0x1500, s4;
	[sflag:s29] =	ssyncadd.s32 $0xFFFFE000  }
0x18c: {  	[spmem:s19] =	stream.indirect.scatter.add.f32 [tilespmem:s21], [sflag:$0x5], $0x80, s5, s15, $0xb8;
	[tilespmem:$0x1E800] =	vst v63  }
0x18d: {  	_ =	swait.ge [sflag:s13], $0x2000  }
0x18e: {  	[sflag:s13] =	ssyncset.done $0x0  }
0x18f: {  	s5 =	sadd.s32 $0x300, s4;
	[sflag:s13] =	ssyncadd.s32 $0xFFFFE000  }
0x190: {  	[tilespmem:s21], [sflag:$0x3] =	stream.indirect.gather [hbm4b:s22+s15], $0x80, s5, s15, $0xb8;
	[tilespmem:$0x1E800] =	vst v63  }
0x191: {  	_ =	swait.ge [sflag:s30], $0x2000  }
0x192: {  	[sflag:s30] =	ssyncset.done $0x0  }
.Ltmp3:
0x193: {  	s5 =	sadd.s32 $0x1580, s4;
	[sflag:s30] =	ssyncadd.s32 $0xFFFFE000;
	(pc) =	sbr.rel @p0 .LBB2_8-.Ltmp3, $4  }
0x194: {  	[spmem:s19] =	stream.indirect.scatter.add.f32 [tilespmem:s25], [sflag:$0x5], $0x80, s5, s15, $0xb8;
	[tilespmem:$0x1E800] =	vst v63  }
0x195: {  	_ =	swait.ge [sflag:s13], $0x2000  }
0x196: {  	[sflag:s13] =	ssyncset.done $0x0  }
0x197: {  	s4 =	sadd.s32 $0x380, s4;
	[sflag:s13] =	ssyncadd.s32 $0xFFFFE000  }
0x198: {  	[tilespmem:s25], [sflag:$0x4] =	stream.indirect.gather [hbm4b:s22+s15], $0x80, s4, s15, $0xb8;
	[tilespmem:$0x1E800] =	vst v63  }
0x199: {  	_ =	swait.ge [sflag:s26], $0x2000  }
0x19a: {  	[sflag:s26] =	ssyncset.done $0x0  }
0x19b: {  	[sflag:s26] =	ssyncadd.s32 $0xFFFFE000  }
0x19c: {  	[spmem:s19] =	stream.indirect.scatter.add.f32 [tilespmem:s12], [sflag:$0x5], $0x80, s31, s15, $0xb8;
	[tilespmem:$0x1E800] =	vst v63  }
0x19d: {  	_ =	swait.ge [sflag:s13], $0x2000  }
0x19e: {  	[sflag:s13] =	ssyncset.done $0x0  }
0x19f: {  	[sflag:s13] =	ssyncadd.s32 $0xFFFFE000  }
0x1a0: {  	_ =	swait.ge [sflag:s28], $0x2000  }
0x1a1: {  	[sflag:s28] =	ssyncset.done $0x0  }
0x1a2: {  	[sflag:s28] =	ssyncadd.s32 $0xFFFFE000  }
0x1a3: {  	[spmem:s19] =	stream.indirect.scatter.add.f32 [tilespmem:s17], [sflag:$0x5], $0x80, s18, s15, $0xb8;
	[tilespmem:$0x1E800] =	vst v63  }
0x1a4: {  	_ =	swait.ge [sflag:s13], $0x2000  }
0x1a5: {  	[sflag:s13] =	ssyncset.done $0x0  }
0x1a6: {  	[sflag:s13] =	ssyncadd.s32 $0xFFFFE000  }
0x1a7: {  	_ =	swait.ge [sflag:s29], $0x2000  }
0x1a8: {  	[sflag:s29] =	ssyncset.done $0x0  }
0x1a9: {  	[sflag:s29] =	ssyncadd.s32 $0xFFFFE000  }
0x1aa: {  	[spmem:s19] =	stream.indirect.scatter.add.f32 [tilespmem:s21], [sflag:$0x5], $0x80, s0, s15, $0xb8;
	[tilespmem:$0x1E800] =	vst v63  }
0x1ab: {  	_ =	swait.ge [sflag:s13], $0x2000  }
0x1ac: {  	[sflag:s13] =	ssyncset.done $0x0  }
0x1ad: {  	[sflag:s13] =	ssyncadd.s32 $0xFFFFE000  }
0x1ae: {  	_ =	swait.ge [sflag:s30], $0x2000  }
0x1af: {  	[sflag:s30] =	ssyncset.done $0x0  }
0x1b0: {  	[sflag:s30] =	ssyncadd.s32 $0xFFFFE000  }
0x1b1: {  	[spmem:s19] =	stream.indirect.scatter.add.f32 [tilespmem:s25], [sflag:$0x5], $0x80, s2, s15, $0xb8;
	[tilespmem:$0x1E800] =	vst v63  }
0x1b2: {  	_ =	swait.ge [sflag:s13], $0x2000  }
0x1b3: {  	[sflag:s13] =	ssyncset.done $0x0  }
0x1b4: {  	s3 =	simm.s32 $0x0;
	s5 =	rddreg [dreg:$0x9];
	[sflag:s13] =	ssyncadd.s32 $0xFFFFE000  }
0x1b5: {  	[tilespmem:s3], [sflag:$0x5] =	stream.linear.gather [hbm4b:s5+s3], $0x1400, $0x38;
	[tilespmem:$0x1E800] =	vst v63  }
0x1b6: {  	_ =	swait.ge [sflag:s13], $0x1400  }
0x1b7: {  	[sflag:s13] =	ssyncset.done $0x0  }
0x1b8: {  	s5 =	rddreg [dreg:$0xa];
	[sflag:s13] =	ssyncadd.s32 $0xFFFFEC00  }
0x1b9: {  	[tilespmem:s14], [sflag:$0x5] =	stream.linear.gather [hbm4b:s5+s3], $0x1400, $0x38;
	[tilespmem:$0x1E800] =	vst v63  }
0x1ba: {  	_ =	swait.ge [sflag:s13], $0x1400  }
0x1bb: {  	[sflag:s13] =	ssyncset.done $0x0  }
0x1bc: {  	[sflag:s13] =	ssyncadd.s32 $0xFFFFEC00  }
0x1bd: {  	[tilespmem:s12], [sflag:$0x1] =	stream.indirect.gather [hbm4b:s22+s15], $0x80, s3, s15, $0xb8;
	[tilespmem:$0x1E800] =	vst v63  }
0x1be: {  	_ = 	snop  }
0x1bf: {  	[tilespmem:s17], [sflag:$0x2] =	stream.indirect.gather [hbm4b:s22+s15], $0x80, s16, s15, $0xb8;
	[tilespmem:$0x1E800] =	vst v63  }
0x1c0: {  	_ = 	snop  }
0x1c1: {  	[tilespmem:s21], [sflag:$0x3] =	stream.indirect.gather [hbm4b:s22+s15], $0x80, s20, s15, $0xb8;
	[tilespmem:$0x1E800] =	vst v63  }
0x1c2: {  	_ = 	snop  }
0x1c3: {  	[tilespmem:s25], [sflag:$0x4] =	stream.indirect.gather [hbm4b:s22+s15], $0x80, s24, s15, $0xb8;
	[tilespmem:$0x1E800] =	vst v63  }
0x1c4: {  	_ =	swait.ge [sflag:s26], $0x2000  }
0x1c5: {  	[sflag:s26] =	ssyncset.done $0x0  }
0x1c6: {  	s5 =	simm.s32 $0x1400;
	[sflag:s26] =	ssyncadd.s32 $0xFFFFE000  }
0x1c7: {  	[spmem:s19] =	stream.indirect.scatter.add.f32 [tilespmem:s12], [sflag:$0x5], $0x80, s5, s15, $0xb8;
	[tilespmem:$0x1E800] =	vst v63  }
0x1c8: {  	_ =	swait.ge [sflag:s13], $0x2000  }
0x1c9: {  	[sflag:s13] =	ssyncset.done $0x0  }
0x1ca: {  	s4 =	simm.s32 $0x200;
	[sflag:s13] =	ssyncadd.s32 $0xFFFFE000  }
0x1cb: {  	[tilespmem:s12], [sflag:$0x1] =	stream.indirect.gather [hbm4b:s22+s15], $0x80, s4, s15, $0xb8;
	[tilespmem:$0x1E800] =	vst v63  }
0x1cc: {  	_ =	swait.ge [sflag:s28], $0x2000  }
0x1cd: {  	[sflag:s28] =	ssyncset.done $0x0  }
0x1ce: {  	s5 =	simm.s32 $0x1480;
	[sflag:s28] =	ssyncadd.s32 $0xFFFFE000  }
0x1cf: {  	[spmem:s19] =	stream.indirect.scatter.add.f32 [tilespmem:s17], [sflag:$0x5], $0x80, s5, s15, $0xb8;
	[tilespmem:$0x1E800] =	vst v63  }
0x1d0: {  	_ =	swait.ge [sflag:s13], $0x2000  }
0x1d1: {  	[sflag:s13] =	ssyncset.done $0x0  }
0x1d2: {  	s4 =	simm.s32 $0x280;
	[sflag:s13] =	ssyncadd.s32 $0xFFFFE000  }
0x1d3: {  	[tilespmem:s17], [sflag:$0x2] =	stream.indirect.gather [hbm4b:s22+s15], $0x80, s4, s15, $0xb8;
	[tilespmem:$0x1E800] =	vst v63  }
0x1d4: {  	_ =	swait.ge [sflag:s29], $0x2000  }
0x1d5: {  	[sflag:s29] =	ssyncset.done $0x0  }
0x1d6: {  	s5 =	simm.s32 $0x1500;
	[sflag:s29] =	ssyncadd.s32 $0xFFFFE000  }
0x1d7: {  	[spmem:s19] =	stream.indirect.scatter.add.f32 [tilespmem:s21], [sflag:$0x5], $0x80, s5, s15, $0xb8;
	[tilespmem:$0x1E800] =	vst v63  }
0x1d8: {  	_ =	swait.ge [sflag:s13], $0x2000  }
0x1d9: {  	[sflag:s13] =	ssyncset.done $0x0  }
0x1da: {  	s4 =	simm.s32 $0x300;
	[sflag:s13] =	ssyncadd.s32 $0xFFFFE000  }
0x1db: {  	[tilespmem:s21], [sflag:$0x3] =	stream.indirect.gather [hbm4b:s22+s15], $0x80, s4, s15, $0xb8;
	[tilespmem:$0x1E800] =	vst v63  }
0x1dc: {  	_ =	swait.ge [sflag:s30], $0x2000  }
0x1dd: {  	[sflag:s30] =	ssyncset.done $0x0  }
0x1de: {  	s5 =	simm.s32 $0x1580;
	[sflag:s30] =	ssyncadd.s32 $0xFFFFE000  }
0x1df: {  	[spmem:s19] =	stream.indirect.scatter.add.f32 [tilespmem:s25], [sflag:$0x5], $0x80, s5, s15, $0xb8;
	[tilespmem:$0x1E800] =	vst v63  }
0x1e0: {  	_ =	swait.ge [sflag:s13], $0x2000  }
0x1e1: {  	[sflag:s13] =	ssyncset.done $0x0  }
0x1e2: {  	s3 =	simm.s32 $0x800;
	s4 =	simm.s32 $0x380;
	[sflag:s13] =	ssyncadd.s32 $0xFFFFE000  }
.LBB2_10:
0x1e3: {  	[tilespmem:s25], [sflag:$0x4] =	stream.indirect.gather [hbm4b:s22+s15], $0x80, s4, s15, $0xb8;
	[tilespmem:$0x1E800] =	vst v63  }
0x1e4: {  	s4 =	smov.u32 s3  }
0x1e5: {  	p0 =	sne.s32 s3, $0x4000;
	s3 =	sadd.s32 $0x800, s3;
	_ =	swait.ge [sflag:s26], $0x2000  }
0x1e6: {  	s4 =	sshra.s32 s4, $0x2;
	[sflag:s26] =	ssyncset.done $0x0  }
0x1e7: {  	s5 =	sadd.s32 $0x1400, s4;
	[sflag:s26] =	ssyncadd.s32 $0xFFFFE000  }
0x1e8: {  	[spmem:s19] =	stream.indirect.scatter.add.f32 [tilespmem:s12], [sflag:$0x5], $0x80, s5, s15, $0xb8;
	[tilespmem:$0x1E800] =	vst v63  }
0x1e9: {  	_ =	swait.ge [sflag:s13], $0x2000  }
0x1ea: {  	[sflag:s13] =	ssyncset.done $0x0  }
0x1eb: {  	s5 =	sadd.s32 $0x200, s4;
	[sflag:s13] =	ssyncadd.s32 $0xFFFFE000  }
0x1ec: {  	[tilespmem:s12], [sflag:$0x1] =	stream.indirect.gather [hbm4b:s22+s15], $0x80, s5, s15, $0xb8;
	[tilespmem:$0x1E800] =	vst v63  }
0x1ed: {  	_ =	swait.ge [sflag:s28], $0x2000  }
0x1ee: {  	[sflag:s28] =	ssyncset.done $0x0  }
0x1ef: {  	s5 =	sadd.s32 $0x1480, s4;
	[sflag:s28] =	ssyncadd.s32 $0xFFFFE000  }
0x1f0: {  	[spmem:s19] =	stream.indirect.scatter.add.f32 [tilespmem:s17], [sflag:$0x5], $0x80, s5, s15, $0xb8;
	[tilespmem:$0x1E800] =	vst v63  }
0x1f1: {  	_ =	swait.ge [sflag:s13], $0x2000  }
0x1f2: {  	[sflag:s13] =	ssyncset.done $0x0  }
0x1f3: {  	s5 =	sadd.s32 $0x280, s4;
	[sflag:s13] =	ssyncadd.s32 $0xFFFFE000  }
0x1f4: {  	[tilespmem:s17], [sflag:$0x2] =	stream.indirect.gather [hbm4b:s22+s15], $0x80, s5, s15, $0xb8;
	[tilespmem:$0x1E800] =	vst v63  }
0x1f5: {  	_ =	swait.ge [sflag:s29], $0x2000  }
0x1f6: {  	[sflag:s29] =	ssyncset.done $0x0  }
0x1f7: {  	s5 =	sadd.s32 $0x1500, s4;
	[sflag:s29] =	ssyncadd.s32 $0xFFFFE000  }
0x1f8: {  	[spmem:s19] =	stream.indirect.scatter.add.f32 [tilespmem:s21], [sflag:$0x5], $0x80, s5, s15, $0xb8;
	[tilespmem:$0x1E800] =	vst v63  }
0x1f9: {  	_ =	swait.ge [sflag:s13], $0x2000  }
0x1fa: {  	[sflag:s13] =	ssyncset.done $0x0  }
0x1fb: {  	s5 =	sadd.s32 $0x300, s4;
	[sflag:s13] =	ssyncadd.s32 $0xFFFFE000  }
0x1fc: {  	[tilespmem:s21], [sflag:$0x3] =	stream.indirect.gather [hbm4b:s22+s15], $0x80, s5, s15, $0xb8;
	[tilespmem:$0x1E800] =	vst v63  }
0x1fd: {  	_ =	swait.ge [sflag:s30], $0x2000  }
0x1fe: {  	[sflag:s30] =	ssyncset.done $0x0  }
.Ltmp4:
0x1ff: {  	s5 =	sadd.s32 $0x1580, s4;
	[sflag:s30] =	ssyncadd.s32 $0xFFFFE000;
	(pc) =	sbr.rel @p0 .LBB2_10-.Ltmp4, $4  }
0x200: {  	[spmem:s19] =	stream.indirect.scatter.add.f32 [tilespmem:s25], [sflag:$0x5], $0x80, s5, s15, $0xb8;
	[tilespmem:$0x1E800] =	vst v63  }
0x201: {  	_ =	swait.ge [sflag:s13], $0x2000  }
0x202: {  	[sflag:s13] =	ssyncset.done $0x0  }
0x203: {  	s4 =	sadd.s32 $0x380, s4;
	[sflag:s13] =	ssyncadd.s32 $0xFFFFE000  }
0x204: {  	[tilespmem:s25], [sflag:$0x4] =	stream.indirect.gather [hbm4b:s22+s15], $0x80, s4, s15, $0xb8;
	[tilespmem:$0x1E800] =	vst v63  }
0x205: {  	_ =	swait.ge [sflag:s26], $0x2000  }
0x206: {  	[sflag:s26] =	ssyncset.done $0x0  }
0x207: {  	[sflag:s26] =	ssyncadd.s32 $0xFFFFE000  }
0x208: {  	[spmem:s19] =	stream.indirect.scatter.add.f32 [tilespmem:s12], [sflag:$0x5], $0x80, s31, s15, $0xb8;
	[tilespmem:$0x1E800] =	vst v63  }
0x209: {  	_ =	swait.ge [sflag:s13], $0x2000  }
0x20a: {  	[sflag:s13] =	ssyncset.done $0x0  }
0x20b: {  	[sflag:s13] =	ssyncadd.s32 $0xFFFFE000  }
0x20c: {  	_ =	swait.ge [sflag:s28], $0x2000  }
0x20d: {  	[sflag:s28] =	ssyncset.done $0x0  }
0x20e: {  	[sflag:s28] =	ssyncadd.s32 $0xFFFFE000  }
0x20f: {  	[spmem:s19] =	stream.indirect.scatter.add.f32 [tilespmem:s17], [sflag:$0x5], $0x80, s18, s15, $0xb8;
	[tilespmem:$0x1E800] =	vst v63  }
0x210: {  	_ =	swait.ge [sflag:s13], $0x2000  }
0x211: {  	[sflag:s13] =	ssyncset.done $0x0  }
0x212: {  	[sflag:s13] =	ssyncadd.s32 $0xFFFFE000  }
0x213: {  	_ =	swait.ge [sflag:s29], $0x2000  }
0x214: {  	[sflag:s29] =	ssyncset.done $0x0  }
0x215: {  	[sflag:s29] =	ssyncadd.s32 $0xFFFFE000  }
0x216: {  	[spmem:s19] =	stream.indirect.scatter.add.f32 [tilespmem:s21], [sflag:$0x5], $0x80, s0, s15, $0xb8;
	[tilespmem:$0x1E800] =	vst v63  }
0x217: {  	_ =	swait.ge [sflag:s13], $0x2000  }
0x218: {  	[sflag:s13] =	ssyncset.done $0x0  }
0x219: {  	[sflag:s13] =	ssyncadd.s32 $0xFFFFE000  }
0x21a: {  	_ =	swait.ge [sflag:s30], $0x2000  }
0x21b: {  	[sflag:s30] =	ssyncset.done $0x0  }
0x21c: {  	[sflag:s30] =	ssyncadd.s32 $0xFFFFE000  }
0x21d: {  	[spmem:s19] =	stream.indirect.scatter.add.f32 [tilespmem:s25], [sflag:$0x5], $0x80, s2, s15, $0xb8;
	[tilespmem:$0x1E800] =	vst v63  }
0x21e: {  	_ =	swait.ge [sflag:s13], $0x2000  }
0x21f: {  	[sflag:s13] =	ssyncset.done $0x0  }
0x220: {  	s3 =	stileid.u32;
	[sflag:s13] =	ssyncadd.s32 $0xFFFFE000  }
0x221: {  	s3 =	sshll.u32 s3, $0x6;
	[bflag:$0x0] =	sbarrier.arrive $0xFFFF  }
0x222: {  	s4 =	sshrl.u32 s23, $0x3;
	s3 =	sor.u32 $0x1C05, s3;
	s5 =	rddreg [dreg:$0xb]  }
0x223: {  	[hbm:s5], [sflag:s3] =	dma.local [spmem:s4], $0x400  }
0x224: {  	_ =	swait.ge [sflag:s13], $0x400  }
0x225: {  	[sflag:s13] =	ssyncset.done $0x0;
	s4 =	rddreg [dreg:$0xc]  }
0x226: {  	s5 =	rddreg [dreg:$0x16];
	[sflag:s13] =	ssyncadd.s32 $0xFFFFFC00  }
0x227: {  	[hbm:s4], [sflag:s3] =	dma.local [spmem:s5], $0x400  }
0x228: {  	_ =	swait.ge [sflag:s13], $0x400  }
0x229: {  	[sflag:s13] =	ssyncset.done $0x0;
	s4 =	rddreg [dreg:$0xd]  }
0x22a: {  	s5 =	rddreg [dreg:$0x17];
	[sflag:s13] =	ssyncadd.s32 $0xFFFFFC00  }
0x22b: {  	[hbm:s4], [sflag:s3] =	dma.local [spmem:s5], $0x400  }
0x22c: {  	_ =	swait.ge [sflag:s13], $0x400  }
0x22d: {  	[sflag:s13] =	ssyncset.done $0x0;
	s4 =	rddreg [dreg:$0xe]  }
0x22e: {  	s5 =	rddreg [dreg:$0x18];
	[sflag:s13] =	ssyncadd.s32 $0xFFFFFC00  }
0x22f: {  	[hbm:s4], [sflag:s3] =	dma.local [spmem:s5], $0x400  }
0x230: {  	_ =	swait.ge [sflag:s13], $0x400  }
0x231: {  	[sflag:s13] =	ssyncset.done $0x0;
	s4 =	rddreg [dreg:$0xf]  }
0x232: {  	s5 =	rddreg [dreg:$0x19];
	[sflag:s13] =	ssyncadd.s32 $0xFFFFFC00  }
0x233: {  	[hbm:s4], [sflag:s3] =	dma.local [spmem:s5], $0x400  }
0x234: {  	_ =	swait.ge [sflag:s13], $0x400  }
0x235: {  	[sflag:s13] =	ssyncset.done $0x0;
	s4 =	rddreg [dreg:$0x10]  }
0x236: {  	s5 =	rddreg [dreg:$0x1a];
	[sflag:s13] =	ssyncadd.s32 $0xFFFFFC00  }
0x237: {  	[hbm:s4], [sflag:s3] =	dma.local [spmem:s5], $0x400  }
0x238: {  	_ =	swait.ge [sflag:s13], $0x400  }
0x239: {  	[sflag:s13] =	ssyncset.done $0x0;
	s4 =	rddreg [dreg:$0x11]  }
0x23a: {  	s5 =	rddreg [dreg:$0x1b];
	[sflag:s13] =	ssyncadd.s32 $0xFFFFFC00  }
0x23b: {  	[hbm:s4], [sflag:s3] =	dma.local [spmem:s5], $0x400  }
0x23c: {  	_ =	swait.ge [sflag:s13], $0x400  }
0x23d: {  	[sflag:s13] =	ssyncset.done $0x0;
	s4 =	rddreg [dreg:$0x12]  }
0x23e: {  	s5 =	rddreg [dreg:$0x1c];
	[sflag:s13] =	ssyncadd.s32 $0xFFFFFC00  }
0x23f: {  	[hbm:s4], [sflag:s3] =	dma.local [spmem:s5], $0x400  }
0x240: {  	_ =	swait.ge [sflag:s13], $0x400  }
0x241: {  	[sflag:s13] =	ssyncset.done $0x0;
	s4 =	rddreg [dreg:$0x13]  }
0x242: {  	s5 =	rddreg [dreg:$0x1d];
	[sflag:s13] =	ssyncadd.s32 $0xFFFFFC00  }
0x243: {  	[hbm:s4], [sflag:s3] =	dma.local [spmem:s5], $0x400  }
0x244: {  	_ =	swait.ge [sflag:s13], $0x400  }
0x245: {  	[sflag:s13] =	ssyncset.done $0x0;
	s4 =	rddreg [dreg:$0x14]  }
0x246: {  	s5 =	rddreg [dreg:$0x1e];
	[sflag:s13] =	ssyncadd.s32 $0xFFFFFC00  }
0x247: {  	[hbm:s4], [sflag:s3] =	dma.local [spmem:s5], $0x400  }
0x248: {  	_ =	swait.ge [sflag:s13], $0x400  }
0x249: {  	s1 =	sadd.s32 $0x1, s1;
	s5 =	rddreg [dreg:$0x15]  }
0x24a: {  	p0 =	sne.s32 s1, s5  }
.Ltmp5:
0x24b: {  	_ = 	snop;
	(pc) =	sbr.rel @p0 .LBB2_1-.Ltmp5, $3  }
0x24c: {  	_ =	sdelay $0x1  }
0x24d: {  	[sflag:s13] =	ssyncset.done $0x0  }
0x24e: {  	[sflag:s13] =	ssyncadd.s32 $0xFFFFFC00  }
0x24f: {  	_ =	sfence.sel $0x180000  }
0x250: {  	[bflag:$0x0] =	sbarrier.arrive $0xFFFF  }
0x251: {  	_ =	strace $0x9000004A  }
0x252: {  	s0 =	stileid.u32;
	[bflag:$0x2] =	sbarrier.arrive $0xFFFF  }
0x253: {  	p0 =	sne.s32 s0, $0x0;
	s0 =	rddreg [dreg:$0x2]  }
0x254: {  	s0 =	sadd.s32 @!p0 $0x100000, s0  }
0x255: {  	[sflag:s0] =	ssyncadd.tile.s32 @!p0 $0x1;
	_ =	shalt  }
.Lfunc_end2:
_tile_overlayer_lowered:
.L_overlay_start_2:
0x256: {  	(tag) =	ssettag $0x2  }
0x257: {  	s0 =	rddreg [dreg:$0x0];
	s2 =	stileid.u32  }
0x258: {  	s1 =	rddreg [dreg:$0x1];
	p0 =	sne.s32 s2, $0x0  }
0x259: {  	s3 =	rddreg [dreg:$0x2];
	[bflag:$0x3] =	sbarrier.arrive $0xFFFF;
	s2 =	simm.s32 @!p0 $0x1C05  }
0x25a: {  	[timem:s3], [sflag:s2] =	dma.local @!p0 [hbm:s0], s1  }
0x25b: {  	s0 =	simm.s32 @!p0 $0x5  }
0x25c: {  	_ =	swait.ge @!p0 [sflag:s0], s1  }
0x25d: {  	s1 =	ssub.s32 @!p0 $0x0, s1;
	[sflag:s0] =	ssyncset.done @!p0 $0x0  }
0x25e: {  	[sflag:s0] =	ssyncadd.s32 @!p0 s1  }
0x25f: {  	[bflag:$0x3] =	sbarrier.arrive $0xFFFF  }
0x260: {  	_ =	shalt  }

// kernel: kernel.14.cloned.1.call-start
scs
__scs_entry_jumppad:
0x0: {  	(pc) =	sbr.rel $0x88, $3  }
0x1: {  	(tag) =	ssettag $0x0;
	lr =	simm.s32 $0x1  }
0x2: {  	[smem:$0x3F99] =	sst lr;
	_ =	strace $0xD0000000  }
0x3: {  	_ = 	snop  }
0x4: {  	_ = 	snop  }
0x5: {  	_ = 	snop  }
0x6: {  	_ = 	snop  }
0x7: {  	_ = 	snop  }
__scs_overlays_trampoline_lowered:
0x8: {  	[smem:$0x3FA8] =	sst s0  }
0x9: {  	[smem:$0x3FA9] =	sst s1  }
0xa: {  	[smem:$0x3FAA] =	sst s2  }
0xb: {  	[smem:$0x3FAB] =	sst s3  }
0xc: {  	[smem:$0x3FAC] =	sst s4  }
0xd: {  	[smem:$0x3FAD] =	sst s5  }
0xe: {  	[smem:$0x3FAE] =	sst s6  }
0xf: {  	[smem:$0x3FAF] =	sst s7  }
0x10: {  	[smem:$0x3FB0] =	sst s8  }
0x11: {  	[smem:$0x3FB1] =	sst s9;
	s0 =	simm.s32 @!p0 $0x0  }
0x12: {  	s1 =	sld [smem:$0x3F97];
	s0 =	simm.s32 @p0 $0x1  }
0x13: {  	[smem:$0x3FB2] =	sst s0;
	s0 =	simm.s32 @!p1 $0x0  }
0x14: {  	s2 =	sld [smem:$0x3F96];
	s0 =	simm.s32 @p1 $0x1  }
0x15: {  	[smem:$0x3FB3] =	sst s0;
	s0 =	simm.s32 @!p2 $0x0  }
0x16: {  	s3 =	sld [smem:$0x3FDB];
	s0 =	simm.s32 @p2 $0x1  }
0x17: {  	s4 =	simm.s32 $0x1BF5;
	[smem:$0x3FB5] =	sst s0  }
0x18: {  	s0 =	sld [smem:$0x3F98];
	_ =	swait.ge [sflag:s4], $0x0  }
0x19: {  	s7 =	sld [smem:$0x3F99]  }
0x1a: {  	s8 =	sadd.s32 $0xFFFFE003, lr  }
0x1b: {  	s9 =	sadd.s32 $0xFFFFFEF7, lr;
	s5 =	simm.s32 $0xFFFFFFFF;
	p2 =	slt.u32 s8, $0xFFFFF086  }
0x1c: {  	p1 =	slt.u32 s9, $0xF7A;
	s5 =	simm.s32 @!p2 $0x0  }
0x1d: {  	s5 =	simm.s32 @p1 $0x1;
	p0 =	seq.s32 s7, s2  }
0x1e: {  	s7 =	smul.u32 @!p0 $0xF7A, s2;
	p2 =	seq.s32 @!p0 s5, $0x0  }
0x1f: {  	s9 =	smul.u32 $0xF7A, s1;
	s8 =	simm.s32 @!p0 $0x1BF5;
	p2 =	por !p2, p0  }
0x20: {  	[sflag:s8] =	ssyncset.s32 @!p0 $0xFFFFF086;
	s6 =	sadd.s32 @!p0 s3, s7;
	s7 =	simm.s32 @!p0 $0x108  }
0x21: {  	s3 =	sadd.s32 s3, s9;
	s6 =	sadd.s32 @!p0 $0x88, s6;
	s7 =	simm.s32 @p2 $0x1082  }
0x22: {  	[simem:s7], [sflag:s8] =	dma.local @!p0 [hbm:s6], $0xF7A  }
0x23: {  	s9 =	sor.u32 $0xD0000000, s2;
	s6 =	simm.s32 $0x108;
	_ =	swait.ge @!p0 [sflag:s8], $0x0  }
0x24: {  	s3 =	sadd.s32 $0x88, s3;
	s6 =	simm.s32 @!p1 $0x1082;
	[sflag:s4] =	ssyncset.s32 $0xFFFFF086  }
0x25: {  	[simem:s6], [sflag:s4] =	dma.local [hbm:s3], $0xF7A  }
0x26: {  	[smem:$0x3F99] =	sst s1;
	(tag) =	ssettag s2;
	_ =	strace s9  }
0x27: {  	s1 =	sld [smem:$0x3FA9]  }
0x28: {  	s2 =	sld [smem:$0x3FAA]  }
0x29: {  	s4 =	sld [smem:$0x3FAC]  }
0x2a: {  	p0 =	seq.s32 s5, $0x0;
	s5 =	sld [smem:$0x3FAD]  }
0x2b: {  	s6 =	sld [smem:$0x3FAE]  }
0x2c: {  	s7 =	sld [smem:$0x3FAF]  }
0x2d: {  	s3 =	simm.s32 $0x108;
	s8 =	sld [smem:$0x3FB0]  }
0x2e: {  	s3 =	simm.s32 @!p0 $0x1082;
	s9 =	sld [smem:$0x3FB1]  }
0x2f: {  	lr =	sadd.s32 s0, s3;
	s0 =	sld [smem:$0x3FA8]  }
0x30: {  	s3 =	sld [smem:$0x3FAB]  }
0x31: {  	[smem:$0x3FB4] =	sst s10  }
0x32: {  	s10 =	sld [smem:$0x3FB2];
	_ =	sdelay $0x3  }
0x33: {  	p0 =	seq.s32 s10, $0x1;
	s10 =	sld [smem:$0x3FB4];
	_ =	sdelay $0x3  }
0x34: {  	[smem:$0x3FB4] =	sst s10  }
0x35: {  	s10 =	sld [smem:$0x3FB3];
	_ =	sdelay $0x3  }
0x36: {  	p1 =	seq.s32 s10, $0x1;
	s10 =	sld [smem:$0x3FB4];
	_ =	sdelay $0x3  }
0x37: {  	[smem:$0x3FB4] =	sst s10  }
0x38: {  	s10 =	sld [smem:$0x3FB5]  }
0x39: {  	_ = 	snop;
	(pc) =	sbr.ind lr, $3  }
0x3a: {  	_ = 	snop  }
0x3b: {  	_ = 	snop  }
0x3c: {  	p2 =	seq.s32 s10, $0x1;
	s10 =	sld [smem:$0x3FB4]  }
0x3d: {  	_ =	shalt  }
0x3e: {  	_ =	shalt  }
0x3f: {  	_ =	shalt  }
0x40: {  	_ =	shalt  }
0x41: {  	_ =	shalt  }
0x42: {  	_ =	shalt  }
0x43: {  	_ =	shalt  }
0x44: {  	_ =	shalt  }
0x45: {  	_ =	shalt  }
0x46: {  	_ =	shalt  }
0x47: {  	_ =	shalt  }
0x48: {  	_ =	shalt  }
0x49: {  	_ =	shalt  }
0x4a: {  	_ =	shalt  }
0x4b: {  	_ =	shalt  }
0x4c: {  	_ =	shalt  }
0x4d: {  	_ =	shalt  }
0x4e: {  	_ =	shalt  }
0x4f: {  	_ =	shalt  }
0x50: {  	_ =	shalt  }
0x51: {  	_ =	shalt  }
0x52: {  	_ =	shalt  }
0x53: {  	_ =	shalt  }
0x54: {  	_ =	shalt  }
0x55: {  	_ =	shalt  }
0x56: {  	_ =	shalt  }
0x57: {  	_ =	shalt  }
0x58: {  	_ =	shalt  }
0x59: {  	_ =	shalt  }
0x5a: {  	_ =	shalt  }
0x5b: {  	_ =	shalt  }
0x5c: {  	_ =	shalt  }
0x5d: {  	_ =	shalt  }
0x5e: {  	_ =	shalt  }
0x5f: {  	_ =	shalt  }
0x60: {  	_ =	shalt  }
0x61: {  	_ =	shalt  }
0x62: {  	_ =	shalt  }
0x63: {  	_ =	shalt  }
0x64: {  	_ =	shalt  }
0x65: {  	_ =	shalt  }
0x66: {  	_ =	shalt  }
0x67: {  	_ =	shalt  }
0x68: {  	_ =	shalt  }
0x69: {  	_ =	shalt  }
0x6a: {  	_ =	shalt  }
0x6b: {  	_ =	shalt  }
0x6c: {  	_ =	shalt  }
0x6d: {  	_ =	shalt  }
0x6e: {  	_ =	shalt  }
0x6f: {  	_ =	shalt  }
0x70: {  	_ =	shalt  }
0x71: {  	_ =	shalt  }
0x72: {  	_ =	shalt  }
0x73: {  	_ =	shalt  }
0x74: {  	_ =	shalt  }
0x75: {  	_ =	shalt  }
0x76: {  	_ =	shalt  }
0x77: {  	_ =	shalt  }
0x78: {  	_ =	shalt  }
0x79: {  	_ =	shalt  }
0x7a: {  	_ =	shalt  }
0x7b: {  	_ =	shalt  }
0x7c: {  	_ =	shalt  }
0x7d: {  	_ =	shalt  }
0x7e: {  	_ =	shalt  }
0x7f: {  	_ =	shalt  }
0x80: {  	_ =	shalt  }
0x81: {  	_ =	shalt  }
0x82: {  	_ =	shalt  }
0x83: {  	_ =	shalt  }
0x84: {  	_ =	shalt  }
0x85: {  	_ =	shalt  }
0x86: {  	_ =	shalt  }
0x87: {  	_ =	shalt  }
.Lfunc_end0:
.L_simem_size_0:
called_computation.2_lowered:
.L_overlay_start_0:
0x88: {  	s2 =	sld [smem:$0x3FD9]  }
0x89: {  	s3 =	sld [smem:$0x3FFE];
	_ =	sdelay $0x1  }
0x8a: {  	s1 =	srdreg.scid  }
0x8b: {  	s0 =	sand.u32 $0x1, s1  }
0x8c: {  	s16 =	sshll.u32 s0, $0xA;
	s2 =	sadd.s32 s3, s2  }
0x8d: {  	s2 =	sadd.s32 s2, s16  }
0x8e: {  	[smem:$0x3FC0] =	sst s2  }
0x8f: {  	_ = 	snop  }
0x90: {  	(tm) =	ssettm $0x1  }
0x91: {  	s17 =	sld [smem:$0x3FFB];
	_ =	sdelay $0x3  }
0x92: {  	_ =	strace s17  }
0x93: {  	s2 =	sld [smem:$0x3FFC];
	_ =	sdelay $0x3  }
0x94: {  	_ =	strace s2  }
0x95: {  	s2 =	sld [smem:$0x3FFD];
	_ =	sdelay $0x3  }
0x96: {  	_ =	strace s2  }
0x97: {  	_ =	strace $0x8FFFFFFF  }
0x98: {  	s18 =	sld [smem:$0x3FDB];
	_ =	sdelay $0x1  }
0x99: {  	s19 =	simm.s32 $_scs_section_size  }
0x9a: {  	s4 =	simm.s32 $_size__tile_overlayer_lowered;
	s5 =	simm.s32 $_tile_overlayer_lowered  }
0x9b: {  	s22 =	simm.s32 $0x1BFF;
	s21 =	sshll.u32 s5, $0x1;
	s2 =	sadd.s32 s19, s18  }
0x9c: {  	s6 =	simm.s32 $0x0;
	s20 =	sshll.u32 s4, $0x1;
	s4 =	sadd.s32 s21, s2  }
0x9d: {  	[timem:s6], [sflag:s22] =	dma.local [hbm:s4], s20  }
0x9e: {  	_ =	swait.ge [sflag:s22], s20  }
0x9f: {  	s3 =	ssub.s32 $0x0, s20;
	[sflag:s22] =	ssyncset.done $0x0  }
0xa0: {  	[sflag:s22] =	ssyncadd.s32 s3;
	_ =	sdelay $0x1  }
0xa1: {  	s23 =	simm.s32 $0x1B8B  }
0xa2: {  	_ =	swait.ge [sflag:s23], $0x1  }
0xa3: {  	[sflag:s23] =	ssyncset.done $0x0  }
0xa4: {  	s25 =	simm.s32 $0x1B8E;
	s24 =	sld [smem:$0x3FFE];
	[sflag:s23] =	ssyncadd.s32 $0xFFFFFFFF  }
0xa5: {  	s26 =	simm.s32 $execute0_lowered;
	[smem:$0x3FD2] =	sst s25  }
0xa6: {  	s4 =	sshll.u32 s26, $0x1;
	_ =	strace $0x8000004C;
	[dreg:$0x1] =	wrdreg $0xFFFFFFFF  }
0xa7: {  	s28 =	simm.s32 $_size_execute0_lowered;
	s2 =	sadd.s32 s2, s4;
	[dreg:$0x0] =	wrdreg $0x0  }
0xa8: {  	s4 =	sshll.u32 s28, $0x1;
	[dreg:$0x2] =	wrdreg s2  }
0xa9: {  	[dreg:$0x3] =	wrdreg s4  }
0xaa: {  	[dreg:$0x4] =	wrdreg $0xC0  }
0xab: {  	_ =	task [dreg:s6], $0x5FFFF  }
0xac: {  	[dreg:$0x1] =	wrdreg $0xFFFFFFFF  }
0xad: {  	[dreg:$0x0] =	wrdreg $0x60  }
0xae: {  	[dreg:$0x2] =	wrdreg s24  }
0xaf: {  	[dreg:$0x3] =	wrdreg $0xA8000  }
0xb0: {  	[dreg:$0x4] =	wrdreg $0x9  }
0xb1: {  	_ =	task.clear_ibuf [dreg:s6], $0x5FFFF;
	_ =	strace $0x9000004C  }
0xb2: {  	s29 =	simm.s32 $0x9;
	_ =	strace $0x8000004E  }
0xb3: {  	_ =	swait.ge [sflag:s29], $0x1  }
0xb4: {  	[sflag:s29] =	ssyncadd.s32 $0xFFFFFFFF  }
0xb5: {  	_ =	strace $0x9000004E  }
0xb6: {  	_ =	sfence  }
0xb7: {  	s30 =	sld [smem:$0x0];
	_ =	sdelay $0x2  }
0xb8: {  	s31 =	sshll.u32 s1, $0xD;
	s1 =	sshrl.u32 s1, $0x2  }
0xb9: {  	s3 =	sand.u32 $0x4000, s31;
	s1 =	sadd.s32 s1, s30  }
0xba: {  	s0 =	sor.u32 s3, s0;
	s1 =	sshll.u32 s1, $0x11  }
0xbb: {  	s0 =	sor.u32 s1, s0  }
0xbc: {  	s0 =	sadd.s32 $0x8F2B, s0  }
0xbd: {  	[sflag:s0] =	ssyncadd.remote.s32 $0x1  }
0xbe: {  	_ =	sfence.sel $0xFFFF  }
0xbf: {  	[dreg:$0x0] =	wrdreg $0xFFFFFFFF;
	(pc) =	sbr.abs _section_cstart, $3  }
0xc0: {  	[dreg:$0x1] =	wrdreg $0xFFFFFFFF  }
0xc1: {  	_ =	task.clear_ibuf [dreg:s6], $0x2FFFF;
	_ =	strace $0x9FFFFFFF  }
0xc2: {  	(tm) =	ssettm $0x7FFFFFFF  }
0xc3: {  	_ =	shalt  }
tec
execute0_lowered:
.L_overlay_start_1:
0x0: {  	(tag) =	ssettag $0x1  }
0x1: {  	s0 =	srdreg.scid  }
0x2: {  	s16 =	stileid.u32;
	s1 =	simm.s32 $0x0;
	s28 =	simm.s32 $0x2  }
0x3: {  	s29 =	simm.s32 $0x3;
	s2 =	sand.u32 $0x1, s0;
	s3 =	sshll.u32 s16, $0x1  }
0x4: {  	s30 =	simm.s32 $0x4;
	s0 =	rddreg [dreg:$0x0];
	s3 =	sor.u32 s2, s3  }
0x5: {  	s31 =	simm.s32 $0x2600;
	[smem:$0x7FF] =	sst s1;
	s3 =	smul.u32 $0x5000, s3  }
0x6: {  	s26 =	smul.u32 $0x14000, s16;
	s4 =	ssub.s32 $0x2, s2;
	s5 =	sadd.s32 $0x16800, s0  }
0x7: {  	s6 =	sadd.s32 $0x2800, s0;
	s8 =	sadd.s32 $0x52800, s0;
	s3 =	sshrl.u32 s3, $0x3  }
0x8: {  	s2 =	smul.u32 $0x140000, s2;
	s7 =	sshrl.u32 s4, $0x1;
	s22 =	sadd.s32 s5, s3  }
0x9: {  	s23 =	sadd.s32 s6, s3;
	s24 =	sadd.s32 $0x280, s3;
	[dreg:$0x3] =	wrdreg s22  }
0xa: {  	s4 =	ssub.s32 s4, s7;
	[dreg:$0x4] =	wrdreg s23;
	s9 =	sadd.s32 s5, s24  }
0xb: {  	s25 =	sadd.s32 $0x500, s3;
	s7 =	sadd.s32 s6, s24;
	[dreg:$0x5] =	wrdreg s9  }
0xc: {  	s3 =	sadd.s32 $0x780, s3;
	s10 =	sadd.s32 s5, s25;
	[dreg:$0x6] =	wrdreg s7  }
0xd: {  	s20 =	sadd.s32 $0xC000, s26;
	s5 =	sadd.s32 s5, s3;
	[dreg:$0x7] =	wrdreg s10  }
0xe: {  	s21 =	sadd.s32 s2, s20;
	s3 =	sadd.s32 s6, s3;
	[dreg:$0x9] =	wrdreg s5  }
0xf: {  	s7 =	sadd.s32 s6, s25;
	[dreg:$0xa] =	wrdreg s3;
	s10 =	sadd.s32 s2, s26  }
0x10: {  	s5 =	sor.u32 $0x2000, s26;
	s6 =	sadd.s32 $0x6000, s26;
	s9 =	sadd.s32 $0x12000, s26  }
0x11: {  	s25 =	smul.u32 $0x50000, s16;
	[dreg:$0x8] =	wrdreg s7;
	s3 =	sshrl.u32 s10, $0x3  }
0x12: {  	s11 =	sadd.s32 s2, s5;
	s7 =	sadd.s32 $0x4000, s26;
	s15 =	sadd.s32 s2, s6  }
0x13: {  	s10 =	sadd.s32 $0x8000, s26;
	s3 =	sadd.s32 s8, s3;
	s12 =	sshrl.u32 s11, $0x3  }
0x14: {  	s13 =	sadd.s32 s2, s7;
	s11 =	sadd.s32 s2, s10;
	[dreg:$0xb] =	wrdreg s3  }
0x15: {  	s3 =	sadd.s32 s8, s12;
	s14 =	sshrl.u32 s13, $0x3;
	s12 =	sadd.s32 $0xA000, s26  }
0x16: {  	s17 =	sshrl.u32 s11, $0x3;
	s13 =	sadd.s32 $0xE000, s26;
	[dreg:$0xc] =	wrdreg s3  }
0x17: {  	s3 =	sadd.s32 s8, s14;
	s18 =	sadd.s32 s2, s12;
	s14 =	sadd.s32 s2, s13  }
0x18: {  	[dreg:$0xd] =	wrdreg s3;
	s3 =	sshrl.u32 s15, $0x3;
	s19 =	sshrl.u32 s18, $0x3  }
0x19: {  	s15 =	sadd.s32 $0x10000, s26;
	s22 =	sshrl.u32 s14, $0x3;
	s3 =	sadd.s32 s8, s3  }
0x1a: {  	s26 =	sshrl.u32 s25, $0x2;
	[dreg:$0xe] =	wrdreg s3;
	s3 =	sadd.s32 s8, s17  }
0x1b: {  	s23 =	sadd.s32 s2, s15;
	s2 =	sadd.s32 s2, s9;
	[dreg:$0xf] =	wrdreg s3  }
0x1c: {  	s2 =	sshrl.u32 s2, $0x3;
	s3 =	sadd.s32 s8, s19;
	s19 =	rddreg [dreg:$0x1]  }
0x1d: {  	s24 =	sshrl.u32 s23, $0x3;
	s2 =	sadd.s32 s8, s2;
	[dreg:$0x10] =	wrdreg s3  }
0x1e: {  	s3 =	sshrl.u32 s21, $0x3;
	[dreg:$0x14] =	wrdreg s2;
	s23 =	sadd.s32 s26, s19  }
0x1f: {  	s6 =	sadd.s32 s6, s19;
	s11 =	sadd.s32 s13, s19;
	s9 =	sadd.s32 s9, s19  }
0x20: {  	s2 =	simm.s32 $0x2780;
	s3 =	sadd.s32 s8, s3;
	s14 =	sshrl.u32 s6, $0x3  }
0x21: {  	s18 =	sshrl.u32 s11, $0x3;
	s21 =	sshrl.u32 s9, $0x3;
	s25 =	sadd.s32 $0x4000, s23  }
0x22: {  	s26 =	sadd.s32 $0x6000, s23;
	[dreg:$0x11] =	wrdreg s3;
	s3 =	sadd.s32 s8, s22  }
0x23: {  	s6 =	sadd.s32 $0x8000, s23;
	[dreg:$0x12] =	wrdreg s3;
	s3 =	sadd.s32 s8, s24  }
0x24: {  	s8 =	sadd.s32 s12, s19;
	[dreg:$0x13] =	wrdreg s3;
	s3 =	smax.u32 s4, $0x1  }
0x25: {  	s12 =	sadd.s32 s15, s19;
	_ =	strace $0x8000004D;
	[dreg:$0x15] =	wrdreg s3  }
0x26: {  	s4 =	sadd.s32 s5, s19;
	s16 =	sshrl.u32 s8, $0x3;
	[dreg:$0x18] =	wrdreg s14  }
0x27: {  	s5 =	sadd.s32 s7, s19;
	s7 =	sadd.s32 s10, s19;
	[dreg:$0x1a] =	wrdreg s16  }
0x28: {  	s10 =	sadd.s32 s20, s19;
	s20 =	sshrl.u32 s12, $0x3;
	[dreg:$0x1c] =	wrdreg s18  }
0x29: {  	s9 =	sadd.s32 $0xE000, s23;
	s11 =	sadd.s32 $0x12000, s23;
	[dreg:$0x1d] =	wrdreg s20  }
0x2a: {  	s22 =	sadd.s32 $0x2A800, s0;
	s24 =	sadd.s32 $0x2000, s23;
	[dreg:$0x1e] =	wrdreg s21  }
0x2b: {  	s8 =	sadd.s32 $0xC000, s23;
	s12 =	simm.s32 $0x2800;
	[dreg:$0x1f] =	wrdreg s24  }
0x2c: {  	s0 =	sshrl.u32 s4, $0x3;
	s13 =	sshrl.u32 s5, $0x3;
	[smem:$0x7FC] =	sst s25  }
0x2d: {  	s15 =	sshrl.u32 s7, $0x3;
	s17 =	sshrl.u32 s10, $0x3;
	[smem:$0x7FD] =	sst s26  }
0x2e: {  	s7 =	sadd.s32 $0xA000, s23;
	s10 =	sadd.s32 $0x10000, s23;
	s14 =	simm.s32 $0x1400  }
0x2f: {  	s16 =	simm.s32 $0x80;
	s20 =	simm.s32 $0x100;
	[dreg:$0x16] =	wrdreg s0  }
0x30: {  	s21 =	simm.s32 $0x6800;
	s24 =	simm.s32 $0x180;
	[dreg:$0x17] =	wrdreg s13  }
0x31: {  	s25 =	simm.s32 $0x8800;
	s26 =	simm.s32 $0x1;
	[dreg:$0x19] =	wrdreg s15  }
0x32: {  	s18 =	simm.s32 $0x2680;
	[dreg:$0x1b] =	wrdreg s17;
	s13 =	simm.s32 $0x5  }
0x33: {  	v0 =	vimm.f32 $0.0e+00;
	s15 =	simm.s32 $0x40;
	s17 =	simm.s32 $0x4800;
	s0 =	simm.s32 $0x2700  }
.LBB2_1:
0x34: {  	s3 =	simm.s32 $0x0;
	s4 =	simm.s32 $0x200  }
.LBB2_2:
0x35: {  	p0 =	sne.s32 s4, $0x7E00;
	[tilespmem:s3+$0x2870] =	vst v0  }
0x36: {  	[tilespmem:s3+$0x2800] =	vst v0  }
0x37: {  	[tilespmem:s3+$0x2810] =	vst v0  }
.Ltmp0:
0x38: {  	[tilespmem:s3+$0x2820] =	vst v0;
	(pc) =	sbr.rel @p0 .LBB2_2-.Ltmp0, $4  }
0x39: {  	[tilespmem:s3+$0x2830] =	vst v0  }
0x3a: {  	[tilespmem:s3+$0x2840] =	vst v0  }
0x3b: {  	[tilespmem:s3+$0x2850] =	vst v0  }
0x3c: {  	[tilespmem:s3+$0x2860] =	vst v0;
	s3 =	sshra.s32 s4, $0x2;
	s4 =	sadd.s32 $0x200, s4  }
0x3d: {  	[tilespmem:s3+$0x2870] =	vst v0  }
0x3e: {  	[tilespmem:s3+$0x2800] =	vst v0  }
0x3f: {  	[tilespmem:s3+$0x2810] =	vst v0  }
0x40: {  	[tilespmem:s3+$0x2820] =	vst v0  }
0x41: {  	[tilespmem:s3+$0x2830] =	vst v0  }
0x42: {  	[tilespmem:s3+$0x2840] =	vst v0  }
0x43: {  	[tilespmem:s3+$0x2850] =	vst v0  }
0x44: {  	[tilespmem:s3+$0x2860] =	vst v0  }
0x45: {  	[spmem:s23] =	stream.linear.scatter [tilespmem:s12], [sflag:$0x5], $0x2000, $0x38;
	[tilespmem:$0x1E800] =	vst v63  }
0x46: {  	_ =	swait.ge [sflag:s13], $0x2000  }
0x47: {  	[sflag:s13] =	ssyncset.done $0x0  }
0x48: {  	s4 =	rddreg [dreg:$0x1f];
	[sflag:s13] =	ssyncadd.s32 $0xFFFFE000  }
0x49: {  	[spmem:s4] =	stream.linear.scatter [tilespmem:s12], [sflag:$0x5], $0x2000, $0x38;
	[tilespmem:$0x1E800] =	vst v63  }
0x4a: {  	_ =	swait.ge [sflag:s13], $0x2000  }
0x4b: {  	s5 =	sld [smem:$0x7FC]  }
0x4c: {  	[sflag:s13] =	ssyncset.done $0x0  }
0x4d: {  	[sflag:s13] =	ssyncadd.s32 $0xFFFFE000  }
0x4e: {  	[spmem:s5] =	stream.linear.scatter [tilespmem:s12], [sflag:$0x5], $0x2000, $0x38;
	[tilespmem:$0x1E800] =	vst v63  }
0x4f: {  	_ =	swait.ge [sflag:s13], $0x2000  }
0x50: {  	s4 =	sld [smem:$0x7FD]  }
0x51: {  	[sflag:s13] =	ssyncset.done $0x0  }
0x52: {  	[sflag:s13] =	ssyncadd.s32 $0xFFFFE000  }
0x53: {  	[spmem:s4] =	stream.linear.scatter [tilespmem:s12], [sflag:$0x5], $0x2000, $0x38;
	[tilespmem:$0x1E800] =	vst v63  }
0x54: {  	_ =	swait.ge [sflag:s13], $0x2000  }
0x55: {  	[sflag:s13] =	ssyncset.done $0x0  }
0x56: {  	[sflag:s13] =	ssyncadd.s32 $0xFFFFE000  }
0x57: {  	[spmem:s6] =	stream.linear.scatter [tilespmem:s12], [sflag:$0x5], $0x2000, $0x38;
	[tilespmem:$0x1E800] =	vst v63  }
0x58: {  	_ =	swait.ge [sflag:s13], $0x2000  }
0x59: {  	[sflag:s13] =	ssyncset.done $0x0  }
0x5a: {  	[sflag:s13] =	ssyncadd.s32 $0xFFFFE000  }
0x5b: {  	[spmem:s7] =	stream.linear.scatter [tilespmem:s12], [sflag:$0x5], $0x2000, $0x38;
	[tilespmem:$0x1E800] =	vst v63  }
0x5c: {  	_ =	swait.ge [sflag:s13], $0x2000  }
0x5d: {  	[sflag:s13] =	ssyncset.done $0x0  }
0x5e: {  	[sflag:s13] =	ssyncadd.s32 $0xFFFFE000  }
0x5f: {  	[spmem:s8] =	stream.linear.scatter [tilespmem:s12], [sflag:$0x5], $0x2000, $0x38;
	[tilespmem:$0x1E800] =	vst v63  }
0x60: {  	_ =	swait.ge [sflag:s13], $0x2000  }
0x61: {  	[sflag:s13] =	ssyncset.done $0x0  }
0x62: {  	[sflag:s13] =	ssyncadd.s32 $0xFFFFE000  }
0x63: {  	[spmem:s9] =	stream.linear.scatter [tilespmem:s12], [sflag:$0x5], $0x2000, $0x38;
	[tilespmem:$0x1E800] =	vst v63  }
0x64: {  	_ =	swait.ge [sflag:s13], $0x2000  }
0x65: {  	[sflag:s13] =	ssyncset.done $0x0  }
0x66: {  	[sflag:s13] =	ssyncadd.s32 $0xFFFFE000  }
0x67: {  	[spmem:s10] =	stream.linear.scatter [tilespmem:s12], [sflag:$0x5], $0x2000, $0x38;
	[tilespmem:$0x1E800] =	vst v63  }
0x68: {  	_ =	swait.ge [sflag:s13], $0x2000  }
0x69: {  	[sflag:s13] =	ssyncset.done $0x0  }
0x6a: {  	[sflag:s13] =	ssyncadd.s32 $0xFFFFE000  }
0x6b: {  	[spmem:s11] =	stream.linear.scatter [tilespmem:s12], [sflag:$0x5], $0x2000, $0x38;
	[tilespmem:$0x1E800] =	vst v63  }
0x6c: {  	_ =	swait.ge [sflag:s13], $0x2000  }
0x6d: {  	[sflag:s13] =	ssyncset.done $0x0  }
0x6e: {  	[sflag:s13] =	ssyncadd.s32 $0xFFFFE000  }
0x6f: {  	[bflag:$0x0] =	sbarrier.arrive $0xFFFF  }
0x70: {  	s3 =	simm.s32 $0x0;
	s4 =	rddreg [dreg:$0x3]  }
0x71: {  	[tilespmem:s3], [sflag:$0x5] =	stream.linear.gather [hbm4b:s4+s3], $0x1400, $0x38;
	[tilespmem:$0x1E800] =	vst v63  }
0x72: {  	_ =	swait.ge [sflag:s13], $0x1400  }
0x73: {  	[sflag:s13] =	ssyncset.done $0x0  }
0x74: {  	s5 =	rddreg [dreg:$0x4];
	[sflag:s13] =	ssyncadd.s32 $0xFFFFEC00  }
0x75: {  	[tilespmem:s14], [sflag:$0x5] =	stream.linear.gather [hbm4b:s5+s3], $0x1400, $0x38;
	[tilespmem:$0x1E800] =	vst v63  }
0x76: {  	_ =	swait.ge [sflag:s13], $0x1400  }
0x77: {  	[sflag:s13] =	ssyncset.done $0x0  }
0x78: {  	[sflag:s13] =	ssyncadd.s32 $0xFFFFEC00  }
0x79: {  	[tilespmem:s12], [sflag:$0x1] =	stream.indirect.gather [hbm4b:s22+s15], $0x80, s3, s15, $0xb8;
	[tilespmem:$0x1E800] =	vst v63  }
0x7a: {  	_ = 	snop  }
0x7b: {  	[tilespmem:s17], [sflag:$0x2] =	stream.indirect.gather [hbm4b:s22+s15], $0x80, s16, s15, $0xb8;
	[tilespmem:$0x1E800] =	vst v63  }
0x7c: {  	_ = 	snop  }
0x7d: {  	[tilespmem:s21], [sflag:$0x3] =	stream.indirect.gather [hbm4b:s22+s15], $0x80, s20, s15, $0xb8;
	[tilespmem:$0x1E800] =	vst v63  }
0x7e: {  	_ = 	snop  }
0x7f: {  	[tilespmem:s25], [sflag:$0x4] =	stream.indirect.gather [hbm4b:s22+s15], $0x80, s24, s15, $0xb8;
	[tilespmem:$0x1E800] =	vst v63  }
0x80: {  	_ =	swait.ge [sflag:s26], $0x2000  }
0x81: {  	[sflag:s26] =	ssyncset.done $0x0  }
0x82: {  	s5 =	simm.s32 $0x1400;
	[sflag:s26] =	ssyncadd.s32 $0xFFFFE000  }
0x83: {  	[spmem:s19] =	stream.indirect.scatter.add.f32 [tilespmem:s12], [sflag:$0x5], $0x80, s5, s15, $0xb8;
	[tilespmem:$0x1E800] =	vst v63  }
0x84: {  	_ =	swait.ge [sflag:s13], $0x2000  }
0x85: {  	[sflag:s13] =	ssyncset.done $0x0  }
0x86: {  	s4 =	simm.s32 $0x200;
	[sflag:s13] =	ssyncadd.s32 $0xFFFFE000  }
0x87: {  	[tilespmem:s12], [sflag:$0x1] =	stream.indirect.gather [hbm4b:s22+s15], $0x80, s4, s15, $0xb8;
	[tilespmem:$0x1E800] =	vst v63  }
0x88: {  	_ =	swait.ge [sflag:s28], $0x2000  }
0x89: {  	[sflag:s28] =	ssyncset.done $0x0  }
0x8a: {  	s5 =	simm.s32 $0x1480;
	[sflag:s28] =	ssyncadd.s32 $0xFFFFE000  }
0x8b: {  	[spmem:s19] =	stream.indirect.scatter.add.f32 [tilespmem:s17], [sflag:$0x5], $0x80, s5, s15, $0xb8;
	[tilespmem:$0x1E800] =	vst v63  }
0x8c: {  	_ =	swait.ge [sflag:s13], $0x2000  }
0x8d: {  	[sflag:s13] =	ssyncset.done $0x0  }
0x8e: {  	s4 =	simm.s32 $0x280;
	[sflag:s13] =	ssyncadd.s32 $0xFFFFE000  }
0x8f: {  	[tilespmem:s17], [sflag:$0x2] =	stream.indirect.gather [hbm4b:s22+s15], $0x80, s4, s15, $0xb8;
	[tilespmem:$0x1E800] =	vst v63  }
0x90: {  	_ =	swait.ge [sflag:s29], $0x2000  }
0x91: {  	[sflag:s29] =	ssyncset.done $0x0  }
0x92: {  	s5 =	simm.s32 $0x1500;
	[sflag:s29] =	ssyncadd.s32 $0xFFFFE000  }
0x93: {  	[spmem:s19] =	stream.indirect.scatter.add.f32 [tilespmem:s21], [sflag:$0x5], $0x80, s5, s15, $0xb8;
	[tilespmem:$0x1E800] =	vst v63  }
0x94: {  	_ =	swait.ge [sflag:s13], $0x2000  }
0x95: {  	[sflag:s13] =	ssyncset.done $0x0  }
0x96: {  	s4 =	simm.s32 $0x300;
	[sflag:s13] =	ssyncadd.s32 $0xFFFFE000  }
0x97: {  	[tilespmem:s21], [sflag:$0x3] =	stream.indirect.gather [hbm4b:s22+s15], $0x80, s4, s15, $0xb8;
	[tilespmem:$0x1E800] =	vst v63  }
0x98: {  	_ =	swait.ge [sflag:s30], $0x2000  }
0x99: {  	[sflag:s30] =	ssyncset.done $0x0  }
0x9a: {  	s5 =	simm.s32 $0x1580;
	[sflag:s30] =	ssyncadd.s32 $0xFFFFE000  }
0x9b: {  	[spmem:s19] =	stream.indirect.scatter.add.f32 [tilespmem:s25], [sflag:$0x5], $0x80, s5, s15, $0xb8;
	[tilespmem:$0x1E800] =	vst v63  }
0x9c: {  	_ =	swait.ge [sflag:s13], $0x2000  }
0x9d: {  	[sflag:s13] =	ssyncset.done $0x0  }
0x9e: {  	s3 =	simm.s32 $0x800;
	s4 =	simm.s32 $0x380;
	[sflag:s13] =	ssyncadd.s32 $0xFFFFE000  }
.LBB2_4:
0x9f: {  	[tilespmem:s25], [sflag:$0x4] =	stream.indirect.gather [hbm4b:s22+s15], $0x80, s4, s15, $0xb8;
	[tilespmem:$0x1E800] =	vst v63  }
0xa0: {  	s4 =	smov.u32 s3  }
0xa1: {  	p0 =	sne.s32 s3, $0x4000;
	s3 =	sadd.s32 $0x800, s3;
	_ =	swait.ge [sflag:s26], $0x2000  }
0xa2: {  	s4 =	sshra.s32 s4, $0x2;
	[sflag:s26] =	ssyncset.done $0x0  }
0xa3: {  	s5 =	sadd.s32 $0x1400, s4;
	[sflag:s26] =	ssyncadd.s32 $0xFFFFE000  }
0xa4: {  	[spmem:s19] =	stream.indirect.scatter.add.f32 [tilespmem:s12], [sflag:$0x5], $0x80, s5, s15, $0xb8;
	[tilespmem:$0x1E800] =	vst v63  }
0xa5: {  	_ =	swait.ge [sflag:s13], $0x2000  }
0xa6: {  	[sflag:s13] =	ssyncset.done $0x0  }
0xa7: {  	s5 =	sadd.s32 $0x200, s4;
	[sflag:s13] =	ssyncadd.s32 $0xFFFFE000  }
0xa8: {  	[tilespmem:s12], [sflag:$0x1] =	stream.indirect.gather [hbm4b:s22+s15], $0x80, s5, s15, $0xb8;
	[tilespmem:$0x1E800] =	vst v63  }
0xa9: {  	_ =	swait.ge [sflag:s28], $0x2000  }
0xaa: {  	[sflag:s28] =	ssyncset.done $0x0  }
0xab: {  	s5 =	sadd.s32 $0x1480, s4;
	[sflag:s28] =	ssyncadd.s32 $0xFFFFE000  }
0xac: {  	[spmem:s19] =	stream.indirect.scatter.add.f32 [tilespmem:s17], [sflag:$0x5], $0x80, s5, s15, $0xb8;
	[tilespmem:$0x1E800] =	vst v63  }
0xad: {  	_ =	swait.ge [sflag:s13], $0x2000  }
0xae: {  	[sflag:s13] =	ssyncset.done $0x0  }
0xaf: {  	s5 =	sadd.s32 $0x280, s4;
	[sflag:s13] =	ssyncadd.s32 $0xFFFFE000  }
0xb0: {  	[tilespmem:s17], [sflag:$0x2] =	stream.indirect.gather [hbm4b:s22+s15], $0x80, s5, s15, $0xb8;
	[tilespmem:$0x1E800] =	vst v63  }
0xb1: {  	_ =	swait.ge [sflag:s29], $0x2000  }
0xb2: {  	[sflag:s29] =	ssyncset.done $0x0  }
0xb3: {  	s5 =	sadd.s32 $0x1500, s4;
	[sflag:s29] =	ssyncadd.s32 $0xFFFFE000  }
0xb4: {  	[spmem:s19] =	stream.indirect.scatter.add.f32 [tilespmem:s21], [sflag:$0x5], $0x80, s5, s15, $0xb8;
	[tilespmem:$0x1E800] =	vst v63  }
0xb5: {  	_ =	swait.ge [sflag:s13], $0x2000  }
0xb6: {  	[sflag:s13] =	ssyncset.done $0x0  }
0xb7: {  	s5 =	sadd.s32 $0x300, s4;
	[sflag:s13] =	ssyncadd.s32 $0xFFFFE000  }
0xb8: {  	[tilespmem:s21], [sflag:$0x3] =	stream.indirect.gather [hbm4b:s22+s15], $0x80, s5, s15, $0xb8;
	[tilespmem:$0x1E800] =	vst v63  }
0xb9: {  	_ =	swait.ge [sflag:s30], $0x2000  }
0xba: {  	[sflag:s30] =	ssyncset.done $0x0  }
.Ltmp1:
0xbb: {  	s5 =	sadd.s32 $0x1580, s4;
	[sflag:s30] =	ssyncadd.s32 $0xFFFFE000;
	(pc) =	sbr.rel @p0 .LBB2_4-.Ltmp1, $4  }
0xbc: {  	[spmem:s19] =	stream.indirect.scatter.add.f32 [tilespmem:s25], [sflag:$0x5], $0x80, s5, s15, $0xb8;
	[tilespmem:$0x1E800] =	vst v63  }
0xbd: {  	_ =	swait.ge [sflag:s13], $0x2000  }
0xbe: {  	[sflag:s13] =	ssyncset.done $0x0  }
0xbf: {  	s4 =	sadd.s32 $0x380, s4;
	[sflag:s13] =	ssyncadd.s32 $0xFFFFE000  }
0xc0: {  	[tilespmem:s25], [sflag:$0x4] =	stream.indirect.gather [hbm4b:s22+s15], $0x80, s4, s15, $0xb8;
	[tilespmem:$0x1E800] =	vst v63  }
0xc1: {  	_ =	swait.ge [sflag:s26], $0x2000  }
0xc2: {  	[sflag:s26] =	ssyncset.done $0x0  }
0xc3: {  	[sflag:s26] =	ssyncadd.s32 $0xFFFFE000  }
0xc4: {  	[spmem:s19] =	stream.indirect.scatter.add.f32 [tilespmem:s12], [sflag:$0x5], $0x80, s31, s15, $0xb8;
	[tilespmem:$0x1E800] =	vst v63  }
0xc5: {  	_ =	swait.ge [sflag:s13], $0x2000  }
0xc6: {  	[sflag:s13] =	ssyncset.done $0x0  }
0xc7: {  	[sflag:s13] =	ssyncadd.s32 $0xFFFFE000  }
0xc8: {  	_ =	swait.ge [sflag:s28], $0x2000  }
0xc9: {  	[sflag:s28] =	ssyncset.done $0x0  }
0xca: {  	[sflag:s28] =	ssyncadd.s32 $0xFFFFE000  }
0xcb: {  	[spmem:s19] =	stream.indirect.scatter.add.f32 [tilespmem:s17], [sflag:$0x5], $0x80, s18, s15, $0xb8;
	[tilespmem:$0x1E800] =	vst v63  }
0xcc: {  	_ =	swait.ge [sflag:s13], $0x2000  }
0xcd: {  	[sflag:s13] =	ssyncset.done $0x0  }
0xce: {  	[sflag:s13] =	ssyncadd.s32 $0xFFFFE000  }
0xcf: {  	_ =	swait.ge [sflag:s29], $0x2000  }
0xd0: {  	[sflag:s29] =	ssyncset.done $0x0  }
0xd1: {  	[sflag:s29] =	ssyncadd.s32 $0xFFFFE000  }
0xd2: {  	[spmem:s19] =	stream.indirect.scatter.add.f32 [tilespmem:s21], [sflag:$0x5], $0x80, s0, s15, $0xb8;
	[tilespmem:$0x1E800] =	vst v63  }
0xd3: {  	_ =	swait.ge [sflag:s13], $0x2000  }
0xd4: {  	[sflag:s13] =	ssyncset.done $0x0  }
0xd5: {  	[sflag:s13] =	ssyncadd.s32 $0xFFFFE000  }
0xd6: {  	_ =	swait.ge [sflag:s30], $0x2000  }
0xd7: {  	[sflag:s30] =	ssyncset.done $0x0  }
0xd8: {  	[sflag:s30] =	ssyncadd.s32 $0xFFFFE000  }
0xd9: {  	[spmem:s19] =	stream.indirect.scatter.add.f32 [tilespmem:s25], [sflag:$0x5], $0x80, s2, s15, $0xb8;
	[tilespmem:$0x1E800] =	vst v63  }
0xda: {  	_ =	swait.ge [sflag:s13], $0x2000  }
0xdb: {  	[sflag:s13] =	ssyncset.done $0x0  }
0xdc: {  	s3 =	simm.s32 $0x0;
	s5 =	rddreg [dreg:$0x5];
	[sflag:s13] =	ssyncadd.s32 $0xFFFFE000  }
0xdd: {  	[tilespmem:s3], [sflag:$0x5] =	stream.linear.gather [hbm4b:s5+s3], $0x1400, $0x38;
	[tilespmem:$0x1E800] =	vst v63  }
0xde: {  	_ =	swait.ge [sflag:s13], $0x1400  }
0xdf: {  	[sflag:s13] =	ssyncset.done $0x0  }
0xe0: {  	s5 =	rddreg [dreg:$0x6];
	[sflag:s13] =	ssyncadd.s32 $0xFFFFEC00  }
0xe1: {  	[tilespmem:s14], [sflag:$0x5] =	stream.linear.gather [hbm4b:s5+s3], $0x1400, $0x38;
	[tilespmem:$0x1E800] =	vst v63  }
0xe2: {  	_ =	swait.ge [sflag:s13], $0x1400  }
0xe3: {  	[sflag:s13] =	ssyncset.done $0x0  }
0xe4: {  	[sflag:s13] =	ssyncadd.s32 $0xFFFFEC00  }
0xe5: {  	[tilespmem:s12], [sflag:$0x1] =	stream.indirect.gather [hbm4b:s22+s15], $0x80, s3, s15, $0xb8;
	[tilespmem:$0x1E800] =	vst v63  }
0xe6: {  	_ = 	snop  }
0xe7: {  	[tilespmem:s17], [sflag:$0x2] =	stream.indirect.gather [hbm4b:s22+s15], $0x80, s16, s15, $0xb8;
	[tilespmem:$0x1E800] =	vst v63  }
0xe8: {  	_ = 	snop  }
0xe9: {  	[tilespmem:s21], [sflag:$0x3] =	stream.indirect.gather [hbm4b:s22+s15], $0x80, s20, s15, $0xb8;
	[tilespmem:$0x1E800] =	vst v63  }
0xea: {  	_ = 	snop  }
0xeb: {  	[tilespmem:s25], [sflag:$0x4] =	stream.indirect.gather [hbm4b:s22+s15], $0x80, s24, s15, $0xb8;
	[tilespmem:$0x1E800] =	vst v63  }
0xec: {  	_ =	swait.ge [sflag:s26], $0x2000  }
0xed: {  	[sflag:s26] =	ssyncset.done $0x0  }
0xee: {  	s5 =	simm.s32 $0x1400;
	[sflag:s26] =	ssyncadd.s32 $0xFFFFE000  }
0xef: {  	[spmem:s19] =	stream.indirect.scatter.add.f32 [tilespmem:s12], [sflag:$0x5], $0x80, s5, s15, $0xb8;
	[tilespmem:$0x1E800] =	vst v63  }
0xf0: {  	_ =	swait.ge [sflag:s13], $0x2000  }
0xf1: {  	[sflag:s13] =	ssyncset.done $0x0  }
0xf2: {  	s4 =	simm.s32 $0x200;
	[sflag:s13] =	ssyncadd.s32 $0xFFFFE000  }
0xf3: {  	[tilespmem:s12], [sflag:$0x1] =	stream.indirect.gather [hbm4b:s22+s15], $0x80, s4, s15, $0xb8;
	[tilespmem:$0x1E800] =	vst v63  }
0xf4: {  	_ =	swait.ge [sflag:s28], $0x2000  }
0xf5: {  	[sflag:s28] =	ssyncset.done $0x0  }
0xf6: {  	s5 =	simm.s32 $0x1480;
	[sflag:s28] =	ssyncadd.s32 $0xFFFFE000  }
0xf7: {  	[spmem:s19] =	stream.indirect.scatter.add.f32 [tilespmem:s17], [sflag:$0x5], $0x80, s5, s15, $0xb8;
	[tilespmem:$0x1E800] =	vst v63  }
0xf8: {  	_ =	swait.ge [sflag:s13], $0x2000  }
0xf9: {  	[sflag:s13] =	ssyncset.done $0x0  }
0xfa: {  	s4 =	simm.s32 $0x280;
	[sflag:s13] =	ssyncadd.s32 $0xFFFFE000  }
0xfb: {  	[tilespmem:s17], [sflag:$0x2] =	stream.indirect.gather [hbm4b:s22+s15], $0x80, s4, s15, $0xb8;
	[tilespmem:$0x1E800] =	vst v63  }
0xfc: {  	_ =	swait.ge [sflag:s29], $0x2000  }
0xfd: {  	[sflag:s29] =	ssyncset.done $0x0  }
0xfe: {  	s5 =	simm.s32 $0x1500;
	[sflag:s29] =	ssyncadd.s32 $0xFFFFE000  }
0xff: {  	[spmem:s19] =	stream.indirect.scatter.add.f32 [tilespmem:s21], [sflag:$0x5], $0x80, s5, s15, $0xb8;
	[tilespmem:$0x1E800] =	vst v63  }
0x100: {  	_ =	swait.ge [sflag:s13], $0x2000  }
0x101: {  	[sflag:s13] =	ssyncset.done $0x0  }
0x102: {  	s4 =	simm.s32 $0x300;
	[sflag:s13] =	ssyncadd.s32 $0xFFFFE000  }
0x103: {  	[tilespmem:s21], [sflag:$0x3] =	stream.indirect.gather [hbm4b:s22+s15], $0x80, s4, s15, $0xb8;
	[tilespmem:$0x1E800] =	vst v63  }
0x104: {  	_ =	swait.ge [sflag:s30], $0x2000  }
0x105: {  	[sflag:s30] =	ssyncset.done $0x0  }
0x106: {  	s5 =	simm.s32 $0x1580;
	[sflag:s30] =	ssyncadd.s32 $0xFFFFE000  }
0x107: {  	[spmem:s19] =	stream.indirect.scatter.add.f32 [tilespmem:s25], [sflag:$0x5], $0x80, s5, s15, $0xb8;
	[tilespmem:$0x1E800] =	vst v63  }
0x108: {  	_ =	swait.ge [sflag:s13], $0x2000  }
0x109: {  	[sflag:s13] =	ssyncset.done $0x0  }
0x10a: {  	s3 =	simm.s32 $0x800;
	s4 =	simm.s32 $0x380;
	[sflag:s13] =	ssyncadd.s32 $0xFFFFE000  }
.LBB2_6:
0x10b: {  	[tilespmem:s25], [sflag:$0x4] =	stream.indirect.gather [hbm4b:s22+s15], $0x80, s4, s15, $0xb8;
	[tilespmem:$0x1E800] =	vst v63  }
0x10c: {  	s4 =	smov.u32 s3  }
0x10d: {  	p0 =	sne.s32 s3, $0x4000;
	s3 =	sadd.s32 $0x800, s3;
	_ =	swait.ge [sflag:s26], $0x2000  }
0x10e: {  	s4 =	sshra.s32 s4, $0x2;
	[sflag:s26] =	ssyncset.done $0x0  }
0x10f: {  	s5 =	sadd.s32 $0x1400, s4;
	[sflag:s26] =	ssyncadd.s32 $0xFFFFE000  }
0x110: {  	[spmem:s19] =	stream.indirect.scatter.add.f32 [tilespmem:s12], [sflag:$0x5], $0x80, s5, s15, $0xb8;
	[tilespmem:$0x1E800] =	vst v63  }
0x111: {  	_ =	swait.ge [sflag:s13], $0x2000  }
0x112: {  	[sflag:s13] =	ssyncset.done $0x0  }
0x113: {  	s5 =	sadd.s32 $0x200, s4;
	[sflag:s13] =	ssyncadd.s32 $0xFFFFE000  }
0x114: {  	[tilespmem:s12], [sflag:$0x1] =	stream.indirect.gather [hbm4b:s22+s15], $0x80, s5, s15, $0xb8;
	[tilespmem:$0x1E800] =	vst v63  }
0x115: {  	_ =	swait.ge [sflag:s28], $0x2000  }
0x116: {  	[sflag:s28] =	ssyncset.done $0x0  }
0x117: {  	s5 =	sadd.s32 $0x1480, s4;
	[sflag:s28] =	ssyncadd.s32 $0xFFFFE000  }
0x118: {  	[spmem:s19] =	stream.indirect.scatter.add.f32 [tilespmem:s17], [sflag:$0x5], $0x80, s5, s15, $0xb8;
	[tilespmem:$0x1E800] =	vst v63  }
0x119: {  	_ =	swait.ge [sflag:s13], $0x2000  }
0x11a: {  	[sflag:s13] =	ssyncset.done $0x0  }
0x11b: {  	s5 =	sadd.s32 $0x280, s4;
	[sflag:s13] =	ssyncadd.s32 $0xFFFFE000  }
0x11c: {  	[tilespmem:s17], [sflag:$0x2] =	stream.indirect.gather [hbm4b:s22+s15], $0x80, s5, s15, $0xb8;
	[tilespmem:$0x1E800] =	vst v63  }
0x11d: {  	_ =	swait.ge [sflag:s29], $0x2000  }
0x11e: {  	[sflag:s29] =	ssyncset.done $0x0  }
0x11f: {  	s5 =	sadd.s32 $0x1500, s4;
	[sflag:s29] =	ssyncadd.s32 $0xFFFFE000  }
0x120: {  	[spmem:s19] =	stream.indirect.scatter.add.f32 [tilespmem:s21], [sflag:$0x5], $0x80, s5, s15, $0xb8;
	[tilespmem:$0x1E800] =	vst v63  }
0x121: {  	_ =	swait.ge [sflag:s13], $0x2000  }
0x122: {  	[sflag:s13] =	ssyncset.done $0x0  }
0x123: {  	s5 =	sadd.s32 $0x300, s4;
	[sflag:s13] =	ssyncadd.s32 $0xFFFFE000  }
0x124: {  	[tilespmem:s21], [sflag:$0x3] =	stream.indirect.gather [hbm4b:s22+s15], $0x80, s5, s15, $0xb8;
	[tilespmem:$0x1E800] =	vst v63  }
0x125: {  	_ =	swait.ge [sflag:s30], $0x2000  }
0x126: {  	[sflag:s30] =	ssyncset.done $0x0  }
.Ltmp2:
0x127: {  	s5 =	sadd.s32 $0x1580, s4;
	[sflag:s30] =	ssyncadd.s32 $0xFFFFE000;
	(pc) =	sbr.rel @p0 .LBB2_6-.Ltmp2, $4  }
0x128: {  	[spmem:s19] =	stream.indirect.scatter.add.f32 [tilespmem:s25], [sflag:$0x5], $0x80, s5, s15, $0xb8;
	[tilespmem:$0x1E800] =	vst v63  }
0x129: {  	_ =	swait.ge [sflag:s13], $0x2000  }
0x12a: {  	[sflag:s13] =	ssyncset.done $0x0  }
0x12b: {  	s4 =	sadd.s32 $0x380, s4;
	[sflag:s13] =	ssyncadd.s32 $0xFFFFE000  }
0x12c: {  	[tilespmem:s25], [sflag:$0x4] =	stream.indirect.gather [hbm4b:s22+s15], $0x80, s4, s15, $0xb8;
	[tilespmem:$0x1E800] =	vst v63  }
0x12d: {  	_ =	swait.ge [sflag:s26], $0x2000  }
0x12e: {  	[sflag:s26] =	ssyncset.done $0x0  }
0x12f: {  	[sflag:s26] =	ssyncadd.s32 $0xFFFFE000  }
0x130: {  	[spmem:s19] =	stream.indirect.scatter.add.f32 [tilespmem:s12], [sflag:$0x5], $0x80, s31, s15, $0xb8;
	[tilespmem:$0x1E800] =	vst v63  }
0x131: {  	_ =	swait.ge [sflag:s13], $0x2000  }
0x132: {  	[sflag:s13] =	ssyncset.done $0x0  }
0x133: {  	[sflag:s13] =	ssyncadd.s32 $0xFFFFE000  }
0x134: {  	_ =	swait.ge [sflag:s28], $0x2000  }
0x135: {  	[sflag:s28] =	ssyncset.done $0x0  }
0x136: {  	[sflag:s28] =	ssyncadd.s32 $0xFFFFE000  }
0x137: {  	[spmem:s19] =	stream.indirect.scatter.add.f32 [tilespmem:s17], [sflag:$0x5], $0x80, s18, s15, $0xb8;
	[tilespmem:$0x1E800] =	vst v63  }
0x138: {  	_ =	swait.ge [sflag:s13], $0x2000  }
0x139: {  	[sflag:s13] =	ssyncset.done $0x0  }
0x13a: {  	[sflag:s13] =	ssyncadd.s32 $0xFFFFE000  }
0x13b: {  	_ =	swait.ge [sflag:s29], $0x2000  }
0x13c: {  	[sflag:s29] =	ssyncset.done $0x0  }
0x13d: {  	[sflag:s29] =	ssyncadd.s32 $0xFFFFE000  }
0x13e: {  	[spmem:s19] =	stream.indirect.scatter.add.f32 [tilespmem:s21], [sflag:$0x5], $0x80, s0, s15, $0xb8;
	[tilespmem:$0x1E800] =	vst v63  }
0x13f: {  	_ =	swait.ge [sflag:s13], $0x2000  }
0x140: {  	[sflag:s13] =	ssyncset.done $0x0  }
0x141: {  	[sflag:s13] =	ssyncadd.s32 $0xFFFFE000  }
0x142: {  	_ =	swait.ge [sflag:s30], $0x2000  }
0x143: {  	[sflag:s30] =	ssyncset.done $0x0  }
0x144: {  	[sflag:s30] =	ssyncadd.s32 $0xFFFFE000  }
0x145: {  	[spmem:s19] =	stream.indirect.scatter.add.f32 [tilespmem:s25], [sflag:$0x5], $0x80, s2, s15, $0xb8;
	[tilespmem:$0x1E800] =	vst v63  }
0x146: {  	_ =	swait.ge [sflag:s13], $0x2000  }
0x147: {  	[sflag:s13] =	ssyncset.done $0x0  }
0x148: {  	s3 =	simm.s32 $0x0;
	s5 =	rddreg [dreg:$0x7];
	[sflag:s13] =	ssyncadd.s32 $0xFFFFE000  }
0x149: {  	[tilespmem:s3], [sflag:$0x5] =	stream.linear.gather [hbm4b:s5+s3], $0x1400, $0x38;
	[tilespmem:$0x1E800] =	vst v63  }
0x14a: {  	_ =	swait.ge [sflag:s13], $0x1400  }
0x14b: {  	[sflag:s13] =	ssyncset.done $0x0  }
0x14c: {  	s5 =	rddreg [dreg:$0x8];
	[sflag:s13] =	ssyncadd.s32 $0xFFFFEC00  }
0x14d: {  	[tilespmem:s14], [sflag:$0x5] =	stream.linear.gather [hbm4b:s5+s3], $0x1400, $0x38;
	[tilespmem:$0x1E800] =	vst v63  }
0x14e: {  	_ =	swait.ge [sflag:s13], $0x1400  }
0x14f: {  	[sflag:s13] =	ssyncset.done $0x0  }
0x150: {  	[sflag:s13] =	ssyncadd.s32 $0xFFFFEC00  }
0x151: {  	[tilespmem:s12], [sflag:$0x1] =	stream.indirect.gather [hbm4b:s22+s15], $0x80, s3, s15, $0xb8;
	[tilespmem:$0x1E800] =	vst v63  }
0x152: {  	_ = 	snop  }
0x153: {  	[tilespmem:s17], [sflag:$0x2] =	stream.indirect.gather [hbm4b:s22+s15], $0x80, s16, s15, $0xb8;
	[tilespmem:$0x1E800] =	vst v63  }
0x154: {  	_ = 	snop  }
0x155: {  	[tilespmem:s21], [sflag:$0x3] =	stream.indirect.gather [hbm4b:s22+s15], $0x80, s20, s15, $0xb8;
	[tilespmem:$0x1E800] =	vst v63  }
0x156: {  	_ = 	snop  }
0x157: {  	[tilespmem:s25], [sflag:$0x4] =	stream.indirect.gather [hbm4b:s22+s15], $0x80, s24, s15, $0xb8;
	[tilespmem:$0x1E800] =	vst v63  }
0x158: {  	_ =	swait.ge [sflag:s26], $0x2000  }
0x159: {  	[sflag:s26] =	ssyncset.done $0x0  }
0x15a: {  	s5 =	simm.s32 $0x1400;
	[sflag:s26] =	ssyncadd.s32 $0xFFFFE000  }
0x15b: {  	[spmem:s19] =	stream.indirect.scatter.add.f32 [tilespmem:s12], [sflag:$0x5], $0x80, s5, s15, $0xb8;
	[tilespmem:$0x1E800] =	vst v63  }
0x15c: {  	_ =	swait.ge [sflag:s13], $0x2000  }
0x15d: {  	[sflag:s13] =	ssyncset.done $0x0  }
0x15e: {  	s4 =	simm.s32 $0x200;
	[sflag:s13] =	ssyncadd.s32 $0xFFFFE000  }
0x15f: {  	[tilespmem:s12], [sflag:$0x1] =	stream.indirect.gather [hbm4b:s22+s15], $0x80, s4, s15, $0xb8;
	[tilespmem:$0x1E800] =	vst v63  }
0x160: {  	_ =	swait.ge [sflag:s28], $0x2000  }
0x161: {  	[sflag:s28] =	ssyncset.done $0x0  }
0x162: {  	s5 =	simm.s32 $0x1480;
	[sflag:s28] =	ssyncadd.s32 $0xFFFFE000  }
0x163: {  	[spmem:s19] =	stream.indirect.scatter.add.f32 [tilespmem:s17], [sflag:$0x5], $0x80, s5, s15, $0xb8;
	[tilespmem:$0x1E800] =	vst v63  }
0x164: {  	_ =	swait.ge [sflag:s13], $0x2000  }
0x165: {  	[sflag:s13] =	ssyncset.done $0x0  }
0x166: {  	s4 =	simm.s32 $0x280;
	[sflag:s13] =	ssyncadd.s32 $0xFFFFE000  }
0x167: {  	[tilespmem:s17], [sflag:$0x2] =	stream.indirect.gather [hbm4b:s22+s15], $0x80, s4, s15, $0xb8;
	[tilespmem:$0x1E800] =	vst v63  }
0x168: {  	_ =	swait.ge [sflag:s29], $0x2000  }
0x169: {  	[sflag:s29] =	ssyncset.done $0x0  }
0x16a: {  	s5 =	simm.s32 $0x1500;
	[sflag:s29] =	ssyncadd.s32 $0xFFFFE000  }
0x16b: {  	[spmem:s19] =	stream.indirect.scatter.add.f32 [tilespmem:s21], [sflag:$0x5], $0x80, s5, s15, $0xb8;
	[tilespmem:$0x1E800] =	vst v63  }
0x16c: {  	_ =	swait.ge [sflag:s13], $0x2000  }
0x16d: {  	[sflag:s13] =	ssyncset.done $0x0  }
0x16e: {  	s4 =	simm.s32 $0x300;
	[sflag:s13] =	ssyncadd.s32 $0xFFFFE000  }
0x16f: {  	[tilespmem:s21], [sflag:$0x3] =	stream.indirect.gather [hbm4b:s22+s15], $0x80, s4, s15, $0xb8;
	[tilespmem:$0x1E800] =	vst v63  }
0x170: {  	_ =	swait.ge [sflag:s30], $0x2000  }
0x171: {  	[sflag:s30] =	ssyncset.done $0x0  }
0x172: {  	s5 =	simm.s32 $0x1580;
	[sflag:s30] =	ssyncadd.s32 $0xFFFFE000  }
0x173: {  	[spmem:s19] =	stream.indirect.scatter.add.f32 [tilespmem:s25], [sflag:$0x5], $0x80, s5, s15, $0xb8;
	[tilespmem:$0x1E800] =	vst v63  }
0x174: {  	_ =	swait.ge [sflag:s13], $0x2000  }
0x175: {  	[sflag:s13] =	ssyncset.done $0x0  }
0x176: {  	s3 =	simm.s32 $0x800;
	s4 =	simm.s32 $0x380;
	[sflag:s13] =	ssyncadd.s32 $0xFFFFE000  }
.LBB2_8:
0x177: {  	[tilespmem:s25], [sflag:$0x4] =	stream.indirect.gather [hbm4b:s22+s15], $0x80, s4, s15, $0xb8;
	[tilespmem:$0x1E800] =	vst v63  }
0x178: {  	s4 =	smov.u32 s3  }
0x179: {  	p0 =	sne.s32 s3, $0x4000;
	s3 =	sadd.s32 $0x800, s3;
	_ =	swait.ge [sflag:s26], $0x2000  }
0x17a: {  	s4 =	sshra.s32 s4, $0x2;
	[sflag:s26] =	ssyncset.done $0x0  }
0x17b: {  	s5 =	sadd.s32 $0x1400, s4;
	[sflag:s26] =	ssyncadd.s32 $0xFFFFE000  }
0x17c: {  	[spmem:s19] =	stream.indirect.scatter.add.f32 [tilespmem:s12], [sflag:$0x5], $0x80, s5, s15, $0xb8;
	[tilespmem:$0x1E800] =	vst v63  }
0x17d: {  	_ =	swait.ge [sflag:s13], $0x2000  }
0x17e: {  	[sflag:s13] =	ssyncset.done $0x0  }
0x17f: {  	s5 =	sadd.s32 $0x200, s4;
	[sflag:s13] =	ssyncadd.s32 $0xFFFFE000  }
0x180: {  	[tilespmem:s12], [sflag:$0x1] =	stream.indirect.gather [hbm4b:s22+s15], $0x80, s5, s15, $0xb8;
	[tilespmem:$0x1E800] =	vst v63  }
0x181: {  	_ =	swait.ge [sflag:s28], $0x2000  }
0x182: {  	[sflag:s28] =	ssyncset.done $0x0  }
0x183: {  	s5 =	sadd.s32 $0x1480, s4;
	[sflag:s28] =	ssyncadd.s32 $0xFFFFE000  }
0x184: {  	[spmem:s19] =	stream.indirect.scatter.add.f32 [tilespmem:s17], [sflag:$0x5], $0x80, s5, s15, $0xb8;
	[tilespmem:$0x1E800] =	vst v63  }
0x185: {  	_ =	swait.ge [sflag:s13], $0x2000  }
0x186: {  	[sflag:s13] =	ssyncset.done $0x0  }
0x187: {  	s5 =	sadd.s32 $0x280, s4;
	[sflag:s13] =	ssyncadd.s32 $0xFFFFE000  }
0x188: {  	[tilespmem:s17], [sflag:$0x2] =	stream.indirect.gather [hbm4b:s22+s15], $0x80, s5, s15, $0xb8;
	[tilespmem:$0x1E800] =	vst v63  }
0x189: {  	_ =	swait.ge [sflag:s29], $0x2000  }
0x18a: {  	[sflag:s29] =	ssyncset.done $0x0  }
0x18b: {  	s5 =	sadd.s32 $0x1500, s4;
	[sflag:s29] =	ssyncadd.s32 $0xFFFFE000  }
0x18c: {  	[spmem:s19] =	stream.indirect.scatter.add.f32 [tilespmem:s21], [sflag:$0x5], $0x80, s5, s15, $0xb8;
	[tilespmem:$0x1E800] =	vst v63  }
0x18d: {  	_ =	swait.ge [sflag:s13], $0x2000  }
0x18e: {  	[sflag:s13] =	ssyncset.done $0x0  }
0x18f: {  	s5 =	sadd.s32 $0x300, s4;
	[sflag:s13] =	ssyncadd.s32 $0xFFFFE000  }
0x190: {  	[tilespmem:s21], [sflag:$0x3] =	stream.indirect.gather [hbm4b:s22+s15], $0x80, s5, s15, $0xb8;
	[tilespmem:$0x1E800] =	vst v63  }
0x191: {  	_ =	swait.ge [sflag:s30], $0x2000  }
0x192: {  	[sflag:s30] =	ssyncset.done $0x0  }
.Ltmp3:
0x193: {  	s5 =	sadd.s32 $0x1580, s4;
	[sflag:s30] =	ssyncadd.s32 $0xFFFFE000;
	(pc) =	sbr.rel @p0 .LBB2_8-.Ltmp3, $4  }
0x194: {  	[spmem:s19] =	stream.indirect.scatter.add.f32 [tilespmem:s25], [sflag:$0x5], $0x80, s5, s15, $0xb8;
	[tilespmem:$0x1E800] =	vst v63  }
0x195: {  	_ =	swait.ge [sflag:s13], $0x2000  }
0x196: {  	[sflag:s13] =	ssyncset.done $0x0  }
0x197: {  	s4 =	sadd.s32 $0x380, s4;
	[sflag:s13] =	ssyncadd.s32 $0xFFFFE000  }
0x198: {  	[tilespmem:s25], [sflag:$0x4] =	stream.indirect.gather [hbm4b:s22+s15], $0x80, s4, s15, $0xb8;
	[tilespmem:$0x1E800] =	vst v63  }
0x199: {  	_ =	swait.ge [sflag:s26], $0x2000  }
0x19a: {  	[sflag:s26] =	ssyncset.done $0x0  }
0x19b: {  	[sflag:s26] =	ssyncadd.s32 $0xFFFFE000  }
0x19c: {  	[spmem:s19] =	stream.indirect.scatter.add.f32 [tilespmem:s12], [sflag:$0x5], $0x80, s31, s15, $0xb8;
	[tilespmem:$0x1E800] =	vst v63  }
0x19d: {  	_ =	swait.ge [sflag:s13], $0x2000  }
0x19e: {  	[sflag:s13] =	ssyncset.done $0x0  }
0x19f: {  	[sflag:s13] =	ssyncadd.s32 $0xFFFFE000  }
0x1a0: {  	_ =	swait.ge [sflag:s28], $0x2000  }
0x1a1: {  	[sflag:s28] =	ssyncset.done $0x0  }
0x1a2: {  	[sflag:s28] =	ssyncadd.s32 $0xFFFFE000  }
0x1a3: {  	[spmem:s19] =	stream.indirect.scatter.add.f32 [tilespmem:s17], [sflag:$0x5], $0x80, s18, s15, $0xb8;
	[tilespmem:$0x1E800] =	vst v63  }
0x1a4: {  	_ =	swait.ge [sflag:s13], $0x2000  }
0x1a5: {  	[sflag:s13] =	ssyncset.done $0x0  }
0x1a6: {  	[sflag:s13] =	ssyncadd.s32 $0xFFFFE000  }
0x1a7: {  	_ =	swait.ge [sflag:s29], $0x2000  }
0x1a8: {  	[sflag:s29] =	ssyncset.done $0x0  }
0x1a9: {  	[sflag:s29] =	ssyncadd.s32 $0xFFFFE000  }
0x1aa: {  	[spmem:s19] =	stream.indirect.scatter.add.f32 [tilespmem:s21], [sflag:$0x5], $0x80, s0, s15, $0xb8;
	[tilespmem:$0x1E800] =	vst v63  }
0x1ab: {  	_ =	swait.ge [sflag:s13], $0x2000  }
0x1ac: {  	[sflag:s13] =	ssyncset.done $0x0  }
0x1ad: {  	[sflag:s13] =	ssyncadd.s32 $0xFFFFE000  }
0x1ae: {  	_ =	swait.ge [sflag:s30], $0x2000  }
0x1af: {  	[sflag:s30] =	ssyncset.done $0x0  }
0x1b0: {  	[sflag:s30] =	ssyncadd.s32 $0xFFFFE000  }
0x1b1: {  	[spmem:s19] =	stream.indirect.scatter.add.f32 [tilespmem:s25], [sflag:$0x5], $0x80, s2, s15, $0xb8;
	[tilespmem:$0x1E800] =	vst v63  }
0x1b2: {  	_ =	swait.ge [sflag:s13], $0x2000  }
0x1b3: {  	[sflag:s13] =	ssyncset.done $0x0  }
0x1b4: {  	s3 =	simm.s32 $0x0;
	s5 =	rddreg [dreg:$0x9];
	[sflag:s13] =	ssyncadd.s32 $0xFFFFE000  }
0x1b5: {  	[tilespmem:s3], [sflag:$0x5] =	stream.linear.gather [hbm4b:s5+s3], $0x1400, $0x38;
	[tilespmem:$0x1E800] =	vst v63  }
0x1b6: {  	_ =	swait.ge [sflag:s13], $0x1400  }
0x1b7: {  	[sflag:s13] =	ssyncset.done $0x0  }
0x1b8: {  	s5 =	rddreg [dreg:$0xa];
	[sflag:s13] =	ssyncadd.s32 $0xFFFFEC00  }
0x1b9: {  	[tilespmem:s14], [sflag:$0x5] =	stream.linear.gather [hbm4b:s5+s3], $0x1400, $0x38;
	[tilespmem:$0x1E800] =	vst v63  }
0x1ba: {  	_ =	swait.ge [sflag:s13], $0x1400  }
0x1bb: {  	[sflag:s13] =	ssyncset.done $0x0  }
0x1bc: {  	[sflag:s13] =	ssyncadd.s32 $0xFFFFEC00  }
0x1bd: {  	[tilespmem:s12], [sflag:$0x1] =	stream.indirect.gather [hbm4b:s22+s15], $0x80, s3, s15, $0xb8;
	[tilespmem:$0x1E800] =	vst v63  }
0x1be: {  	_ = 	snop  }
0x1bf: {  	[tilespmem:s17], [sflag:$0x2] =	stream.indirect.gather [hbm4b:s22+s15], $0x80, s16, s15, $0xb8;
	[tilespmem:$0x1E800] =	vst v63  }
0x1c0: {  	_ = 	snop  }
0x1c1: {  	[tilespmem:s21], [sflag:$0x3] =	stream.indirect.gather [hbm4b:s22+s15], $0x80, s20, s15, $0xb8;
	[tilespmem:$0x1E800] =	vst v63  }
0x1c2: {  	_ = 	snop  }
0x1c3: {  	[tilespmem:s25], [sflag:$0x4] =	stream.indirect.gather [hbm4b:s22+s15], $0x80, s24, s15, $0xb8;
	[tilespmem:$0x1E800] =	vst v63  }
0x1c4: {  	_ =	swait.ge [sflag:s26], $0x2000  }
0x1c5: {  	[sflag:s26] =	ssyncset.done $0x0  }
0x1c6: {  	s5 =	simm.s32 $0x1400;
	[sflag:s26] =	ssyncadd.s32 $0xFFFFE000  }
0x1c7: {  	[spmem:s19] =	stream.indirect.scatter.add.f32 [tilespmem:s12], [sflag:$0x5], $0x80, s5, s15, $0xb8;
	[tilespmem:$0x1E800] =	vst v63  }
0x1c8: {  	_ =	swait.ge [sflag:s13], $0x2000  }
0x1c9: {  	[sflag:s13] =	ssyncset.done $0x0  }
0x1ca: {  	s4 =	simm.s32 $0x200;
	[sflag:s13] =	ssyncadd.s32 $0xFFFFE000  }
0x1cb: {  	[tilespmem:s12], [sflag:$0x1] =	stream.indirect.gather [hbm4b:s22+s15], $0x80, s4, s15, $0xb8;
	[tilespmem:$0x1E800] =	vst v63  }
0x1cc: {  	_ =	swait.ge [sflag:s28], $0x2000  }
0x1cd: {  	[sflag:s28] =	ssyncset.done $0x0  }
0x1ce: {  	s5 =	simm.s32 $0x1480;
	[sflag:s28] =	ssyncadd.s32 $0xFFFFE000  }
0x1cf: {  	[spmem:s19] =	stream.indirect.scatter.add.f32 [tilespmem:s17], [sflag:$0x5], $0x80, s5, s15, $0xb8;
	[tilespmem:$0x1E800] =	vst v63  }
0x1d0: {  	_ =	swait.ge [sflag:s13], $0x2000  }
0x1d1: {  	[sflag:s13] =	ssyncset.done $0x0  }
0x1d2: {  	s4 =	simm.s32 $0x280;
	[sflag:s13] =	ssyncadd.s32 $0xFFFFE000  }
0x1d3: {  	[tilespmem:s17], [sflag:$0x2] =	stream.indirect.gather [hbm4b:s22+s15], $0x80, s4, s15, $0xb8;
	[tilespmem:$0x1E800] =	vst v63  }
0x1d4: {  	_ =	swait.ge [sflag:s29], $0x2000  }
0x1d5: {  	[sflag:s29] =	ssyncset.done $0x0  }
0x1d6: {  	s5 =	simm.s32 $0x1500;
	[sflag:s29] =	ssyncadd.s32 $0xFFFFE000  }
0x1d7: {  	[spmem:s19] =	stream.indirect.scatter.add.f32 [tilespmem:s21], [sflag:$0x5], $0x80, s5, s15, $0xb8;
	[tilespmem:$0x1E800] =	vst v63  }
0x1d8: {  	_ =	swait.ge [sflag:s13], $0x2000  }
0x1d9: {  	[sflag:s13] =	ssyncset.done $0x0  }
0x1da: {  	s4 =	simm.s32 $0x300;
	[sflag:s13] =	ssyncadd.s32 $0xFFFFE000  }
0x1db: {  	[tilespmem:s21], [sflag:$0x3] =	stream.indirect.gather [hbm4b:s22+s15], $0x80, s4, s15, $0xb8;
	[tilespmem:$0x1E800] =	vst v63  }
0x1dc: {  	_ =	swait.ge [sflag:s30], $0x2000  }
0x1dd: {  	[sflag:s30] =	ssyncset.done $0x0  }
0x1de: {  	s5 =	simm.s32 $0x1580;
	[sflag:s30] =	ssyncadd.s32 $0xFFFFE000  }
0x1df: {  	[spmem:s19] =	stream.indirect.scatter.add.f32 [tilespmem:s25], [sflag:$0x5], $0x80, s5, s15, $0xb8;
	[tilespmem:$0x1E800] =	vst v63  }
0x1e0: {  	_ =	swait.ge [sflag:s13], $0x2000  }
0x1e1: {  	[sflag:s13] =	ssyncset.done $0x0  }
0x1e2: {  	s3 =	simm.s32 $0x800;
	s4 =	simm.s32 $0x380;
	[sflag:s13] =	ssyncadd.s32 $0xFFFFE000  }
.LBB2_10:
0x1e3: {  	[tilespmem:s25], [sflag:$0x4] =	stream.indirect.gather [hbm4b:s22+s15], $0x80, s4, s15, $0xb8;
	[tilespmem:$0x1E800] =	vst v63  }
0x1e4: {  	s4 =	smov.u32 s3  }
0x1e5: {  	p0 =	sne.s32 s3, $0x4000;
	s3 =	sadd.s32 $0x800, s3;
	_ =	swait.ge [sflag:s26], $0x2000  }
0x1e6: {  	s4 =	sshra.s32 s4, $0x2;
	[sflag:s26] =	ssyncset.done $0x0  }
0x1e7: {  	s5 =	sadd.s32 $0x1400, s4;
	[sflag:s26] =	ssyncadd.s32 $0xFFFFE000  }
0x1e8: {  	[spmem:s19] =	stream.indirect.scatter.add.f32 [tilespmem:s12], [sflag:$0x5], $0x80, s5, s15, $0xb8;
	[tilespmem:$0x1E800] =	vst v63  }
0x1e9: {  	_ =	swait.ge [sflag:s13], $0x2000  }
0x1ea: {  	[sflag:s13] =	ssyncset.done $0x0  }
0x1eb: {  	s5 =	sadd.s32 $0x200, s4;
	[sflag:s13] =	ssyncadd.s32 $0xFFFFE000  }
0x1ec: {  	[tilespmem:s12], [sflag:$0x1] =	stream.indirect.gather [hbm4b:s22+s15], $0x80, s5, s15, $0xb8;
	[tilespmem:$0x1E800] =	vst v63  }
0x1ed: {  	_ =	swait.ge [sflag:s28], $0x2000  }
0x1ee: {  	[sflag:s28] =	ssyncset.done $0x0  }
0x1ef: {  	s5 =	sadd.s32 $0x1480, s4;
	[sflag:s28] =	ssyncadd.s32 $0xFFFFE000  }
0x1f0: {  	[spmem:s19] =	stream.indirect.scatter.add.f32 [tilespmem:s17], [sflag:$0x5], $0x80, s5, s15, $0xb8;
	[tilespmem:$0x1E800] =	vst v63  }
0x1f1: {  	_ =	swait.ge [sflag:s13], $0x2000  }
0x1f2: {  	[sflag:s13] =	ssyncset.done $0x0  }
0x1f3: {  	s5 =	sadd.s32 $0x280, s4;
	[sflag:s13] =	ssyncadd.s32 $0xFFFFE000  }
0x1f4: {  	[tilespmem:s17], [sflag:$0x2] =	stream.indirect.gather [hbm4b:s22+s15], $0x80, s5, s15, $0xb8;
	[tilespmem:$0x1E800] =	vst v63  }
0x1f5: {  	_ =	swait.ge [sflag:s29], $0x2000  }
0x1f6: {  	[sflag:s29] =	ssyncset.done $0x0  }
0x1f7: {  	s5 =	sadd.s32 $0x1500, s4;
	[sflag:s29] =	ssyncadd.s32 $0xFFFFE000  }
0x1f8: {  	[spmem:s19] =	stream.indirect.scatter.add.f32 [tilespmem:s21], [sflag:$0x5], $0x80, s5, s15, $0xb8;
	[tilespmem:$0x1E800] =	vst v63  }
0x1f9: {  	_ =	swait.ge [sflag:s13], $0x2000  }
0x1fa: {  	[sflag:s13] =	ssyncset.done $0x0  }
0x1fb: {  	s5 =	sadd.s32 $0x300, s4;
	[sflag:s13] =	ssyncadd.s32 $0xFFFFE000  }
0x1fc: {  	[tilespmem:s21], [sflag:$0x3] =	stream.indirect.gather [hbm4b:s22+s15], $0x80, s5, s15, $0xb8;
	[tilespmem:$0x1E800] =	vst v63  }
0x1fd: {  	_ =	swait.ge [sflag:s30], $0x2000  }
0x1fe: {  	[sflag:s30] =	ssyncset.done $0x0  }
.Ltmp4:
0x1ff: {  	s5 =	sadd.s32 $0x1580, s4;
	[sflag:s30] =	ssyncadd.s32 $0xFFFFE000;
	(pc) =	sbr.rel @p0 .LBB2_10-.Ltmp4, $4  }
0x200: {  	[spmem:s19] =	stream.indirect.scatter.add.f32 [tilespmem:s25], [sflag:$0x5], $0x80, s5, s15, $0xb8;
	[tilespmem:$0x1E800] =	vst v63  }
0x201: {  	_ =	swait.ge [sflag:s13], $0x2000  }
0x202: {  	[sflag:s13] =	ssyncset.done $0x0  }
0x203: {  	s4 =	sadd.s32 $0x380, s4;
	[sflag:s13] =	ssyncadd.s32 $0xFFFFE000  }
0x204: {  	[tilespmem:s25], [sflag:$0x4] =	stream.indirect.gather [hbm4b:s22+s15], $0x80, s4, s15, $0xb8;
	[tilespmem:$0x1E800] =	vst v63  }
0x205: {  	_ =	swait.ge [sflag:s26], $0x2000  }
0x206: {  	[sflag:s26] =	ssyncset.done $0x0  }
0x207: {  	[sflag:s26] =	ssyncadd.s32 $0xFFFFE000  }
0x208: {  	[spmem:s19] =	stream.indirect.scatter.add.f32 [tilespmem:s12], [sflag:$0x5], $0x80, s31, s15, $0xb8;
	[tilespmem:$0x1E800] =	vst v63  }
0x209: {  	_ =	swait.ge [sflag:s13], $0x2000  }
0x20a: {  	[sflag:s13] =	ssyncset.done $0x0  }
0x20b: {  	[sflag:s13] =	ssyncadd.s32 $0xFFFFE000  }
0x20c: {  	_ =	swait.ge [sflag:s28], $0x2000  }
0x20d: {  	[sflag:s28] =	ssyncset.done $0x0  }
0x20e: {  	[sflag:s28] =	ssyncadd.s32 $0xFFFFE000  }
0x20f: {  	[spmem:s19] =	stream.indirect.scatter.add.f32 [tilespmem:s17], [sflag:$0x5], $0x80, s18, s15, $0xb8;
	[tilespmem:$0x1E800] =	vst v63  }
0x210: {  	_ =	swait.ge [sflag:s13], $0x2000  }
0x211: {  	[sflag:s13] =	ssyncset.done $0x0  }
0x212: {  	[sflag:s13] =	ssyncadd.s32 $0xFFFFE000  }
0x213: {  	_ =	swait.ge [sflag:s29], $0x2000  }
0x214: {  	[sflag:s29] =	ssyncset.done $0x0  }
0x215: {  	[sflag:s29] =	ssyncadd.s32 $0xFFFFE000  }
0x216: {  	[spmem:s19] =	stream.indirect.scatter.add.f32 [tilespmem:s21], [sflag:$0x5], $0x80, s0, s15, $0xb8;
	[tilespmem:$0x1E800] =	vst v63  }
0x217: {  	_ =	swait.ge [sflag:s13], $0x2000  }
0x218: {  	[sflag:s13] =	ssyncset.done $0x0  }
0x219: {  	[sflag:s13] =	ssyncadd.s32 $0xFFFFE000  }
0x21a: {  	_ =	swait.ge [sflag:s30], $0x2000  }
0x21b: {  	[sflag:s30] =	ssyncset.done $0x0  }
0x21c: {  	[sflag:s30] =	ssyncadd.s32 $0xFFFFE000  }
0x21d: {  	[spmem:s19] =	stream.indirect.scatter.add.f32 [tilespmem:s25], [sflag:$0x5], $0x80, s2, s15, $0xb8;
	[tilespmem:$0x1E800] =	vst v63  }
0x21e: {  	_ =	swait.ge [sflag:s13], $0x2000  }
0x21f: {  	[sflag:s13] =	ssyncset.done $0x0  }
0x220: {  	s3 =	stileid.u32;
	[sflag:s13] =	ssyncadd.s32 $0xFFFFE000  }
0x221: {  	s3 =	sshll.u32 s3, $0x6;
	[bflag:$0x0] =	sbarrier.arrive $0xFFFF  }
0x222: {  	s4 =	sshrl.u32 s23, $0x3;
	s3 =	sor.u32 $0x1C05, s3;
	s5 =	rddreg [dreg:$0xb]  }
0x223: {  	[hbm:s5], [sflag:s3] =	dma.local [spmem:s4], $0x400  }
0x224: {  	_ =	swait.ge [sflag:s13], $0x400  }
0x225: {  	[sflag:s13] =	ssyncset.done $0x0;
	s4 =	rddreg [dreg:$0xc]  }
0x226: {  	s5 =	rddreg [dreg:$0x16];
	[sflag:s13] =	ssyncadd.s32 $0xFFFFFC00  }
0x227: {  	[hbm:s4], [sflag:s3] =	dma.local [spmem:s5], $0x400  }
0x228: {  	_ =	swait.ge [sflag:s13], $0x400  }
0x229: {  	[sflag:s13] =	ssyncset.done $0x0;
	s4 =	rddreg [dreg:$0xd]  }
0x22a: {  	s5 =	rddreg [dreg:$0x17];
	[sflag:s13] =	ssyncadd.s32 $0xFFFFFC00  }
0x22b: {  	[hbm:s4], [sflag:s3] =	dma.local [spmem:s5], $0x400  }
0x22c: {  	_ =	swait.ge [sflag:s13], $0x400  }
0x22d: {  	[sflag:s13] =	ssyncset.done $0x0;
	s4 =	rddreg [dreg:$0xe]  }
0x22e: {  	s5 =	rddreg [dreg:$0x18];
	[sflag:s13] =	ssyncadd.s32 $0xFFFFFC00  }
0x22f: {  	[hbm:s4], [sflag:s3] =	dma.local [spmem:s5], $0x400  }
0x230: {  	_ =	swait.ge [sflag:s13], $0x400  }
0x231: {  	[sflag:s13] =	ssyncset.done $0x0;
	s4 =	rddreg [dreg:$0xf]  }
0x232: {  	s5 =	rddreg [dreg:$0x19];
	[sflag:s13] =	ssyncadd.s32 $0xFFFFFC00  }
0x233: {  	[hbm:s4], [sflag:s3] =	dma.local [spmem:s5], $0x400  }
0x234: {  	_ =	swait.ge [sflag:s13], $0x400  }
0x235: {  	[sflag:s13] =	ssyncset.done $0x0;
	s4 =	rddreg [dreg:$0x10]  }
0x236: {  	s5 =	rddreg [dreg:$0x1a];
	[sflag:s13] =	ssyncadd.s32 $0xFFFFFC00  }
0x237: {  	[hbm:s4], [sflag:s3] =	dma.local [spmem:s5], $0x400  }
0x238: {  	_ =	swait.ge [sflag:s13], $0x400  }
0x239: {  	[sflag:s13] =	ssyncset.done $0x0;
	s4 =	rddreg [dreg:$0x11]  }
0x23a: {  	s5 =	rddreg [dreg:$0x1b];
	[sflag:s13] =	ssyncadd.s32 $0xFFFFFC00  }
0x23b: {  	[hbm:s4], [sflag:s3] =	dma.local [spmem:s5], $0x400  }
0x23c: {  	_ =	swait.ge [sflag:s13], $0x400  }
0x23d: {  	[sflag:s13] =	ssyncset.done $0x0;
	s4 =	rddreg [dreg:$0x12]  }
0x23e: {  	s5 =	rddreg [dreg:$0x1c];
	[sflag:s13] =	ssyncadd.s32 $0xFFFFFC00  }
0x23f: {  	[hbm:s4], [sflag:s3] =	dma.local [spmem:s5], $0x400  }
0x240: {  	_ =	swait.ge [sflag:s13], $0x400  }
0x241: {  	[sflag:s13] =	ssyncset.done $0x0;
	s4 =	rddreg [dreg:$0x13]  }
0x242: {  	s5 =	rddreg [dreg:$0x1d];
	[sflag:s13] =	ssyncadd.s32 $0xFFFFFC00  }
0x243: {  	[hbm:s4], [sflag:s3] =	dma.local [spmem:s5], $0x400  }
0x244: {  	_ =	swait.ge [sflag:s13], $0x400  }
0x245: {  	[sflag:s13] =	ssyncset.done $0x0;
	s4 =	rddreg [dreg:$0x14]  }
0x246: {  	s5 =	rddreg [dreg:$0x1e];
	[sflag:s13] =	ssyncadd.s32 $0xFFFFFC00  }
0x247: {  	[hbm:s4], [sflag:s3] =	dma.local [spmem:s5], $0x400  }
0x248: {  	_ =	swait.ge [sflag:s13], $0x400  }
0x249: {  	s1 =	sadd.s32 $0x1, s1;
	s5 =	rddreg [dreg:$0x15]  }
0x24a: {  	p0 =	sne.s32 s1, s5  }
.Ltmp5:
0x24b: {  	_ = 	snop;
	(pc) =	sbr.rel @p0 .LBB2_1-.Ltmp5, $3  }
0x24c: {  	_ =	sdelay $0x1  }
0x24d: {  	[sflag:s13] =	ssyncset.done $0x0  }
0x24e: {  	[sflag:s13] =	ssyncadd.s32 $0xFFFFFC00  }
0x24f: {  	_ =	sfence.sel $0x180000  }
0x250: {  	[bflag:$0x0] =	sbarrier.arrive $0xFFFF  }
0x251: {  	_ =	strace $0x9000004D  }
0x252: {  	s0 =	stileid.u32;
	[bflag:$0x2] =	sbarrier.arrive $0xFFFF  }
0x253: {  	p0 =	sne.s32 s0, $0x0;
	s0 =	rddreg [dreg:$0x2]  }
0x254: {  	s0 =	sadd.s32 @!p0 $0x100000, s0  }
0x255: {  	[sflag:s0] =	ssyncadd.tile.s32 @!p0 $0x1;
	_ =	shalt  }
.Lfunc_end2:
_tile_overlayer_lowered:
.L_overlay_start_2:
0x256: {  	(tag) =	ssettag $0x2  }
0x257: {  	s0 =	rddreg [dreg:$0x0];
	s2 =	stileid.u32  }
0x258: {  	s1 =	rddreg [dreg:$0x1];
	p0 =	sne.s32 s2, $0x0  }
0x259: {  	s3 =	rddreg [dreg:$0x2];
	[bflag:$0x3] =	sbarrier.arrive $0xFFFF;
	s2 =	simm.s32 @!p0 $0x1C05  }
0x25a: {  	[timem:s3], [sflag:s2] =	dma.local @!p0 [hbm:s0], s1  }
0x25b: {  	s0 =	simm.s32 @!p0 $0x5  }
0x25c: {  	_ =	swait.ge @!p0 [sflag:s0], s1  }
0x25d: {  	s1 =	ssub.s32 @!p0 $0x0, s1;
	[sflag:s0] =	ssyncset.done @!p0 $0x0  }
0x25e: {  	[sflag:s0] =	ssyncadd.s32 @!p0 s1  }
0x25f: {  	[bflag:$0x3] =	sbarrier.arrive $0xFFFF  }
0x260: {  	_ =	shalt  }

// kernel: kernel.8.cloned.1.call-start
scs
__scs_entry_jumppad:
0x0: {  	(pc) =	sbr.rel $0x88, $3  }
0x1: {  	(tag) =	ssettag $0x0;
	lr =	simm.s32 $0x1  }
0x2: {  	[smem:$0x3F99] =	sst lr;
	_ =	strace $0xD0000000  }
0x3: {  	_ = 	snop  }
0x4: {  	_ = 	snop  }
0x5: {  	_ = 	snop  }
0x6: {  	_ = 	snop  }
0x7: {  	_ = 	snop  }
__scs_overlays_trampoline_lowered:
0x8: {  	[smem:$0x3FA8] =	sst s0  }
0x9: {  	[smem:$0x3FA9] =	sst s1  }
0xa: {  	[smem:$0x3FAA] =	sst s2  }
0xb: {  	[smem:$0x3FAB] =	sst s3  }
0xc: {  	[smem:$0x3FAC] =	sst s4  }
0xd: {  	[smem:$0x3FAD] =	sst s5  }
0xe: {  	[smem:$0x3FAE] =	sst s6  }
0xf: {  	[smem:$0x3FAF] =	sst s7  }
0x10: {  	[smem:$0x3FB0] =	sst s8  }
0x11: {  	[smem:$0x3FB1] =	sst s9;
	s0 =	simm.s32 @!p0 $0x0  }
0x12: {  	s1 =	sld [smem:$0x3F97];
	s0 =	simm.s32 @p0 $0x1  }
0x13: {  	[smem:$0x3FB2] =	sst s0;
	s0 =	simm.s32 @!p1 $0x0  }
0x14: {  	s2 =	sld [smem:$0x3F96];
	s0 =	simm.s32 @p1 $0x1  }
0x15: {  	[smem:$0x3FB3] =	sst s0;
	s0 =	simm.s32 @!p2 $0x0  }
0x16: {  	s3 =	sld [smem:$0x3FDB];
	s0 =	simm.s32 @p2 $0x1  }
0x17: {  	s4 =	simm.s32 $0x1BF5;
	[smem:$0x3FB5] =	sst s0  }
0x18: {  	s0 =	sld [smem:$0x3F98];
	_ =	swait.ge [sflag:s4], $0x0  }
0x19: {  	s7 =	sld [smem:$0x3F99]  }
0x1a: {  	s8 =	sadd.s32 $0xFFFFE003, lr  }
0x1b: {  	s9 =	sadd.s32 $0xFFFFFEF7, lr;
	s5 =	simm.s32 $0xFFFFFFFF;
	p2 =	slt.u32 s8, $0xFFFFF086  }
0x1c: {  	p1 =	slt.u32 s9, $0xF7A;
	s5 =	simm.s32 @!p2 $0x0  }
0x1d: {  	s5 =	simm.s32 @p1 $0x1;
	p0 =	seq.s32 s7, s2  }
0x1e: {  	s7 =	smul.u32 @!p0 $0xF7A, s2;
	p2 =	seq.s32 @!p0 s5, $0x0  }
0x1f: {  	s9 =	smul.u32 $0xF7A, s1;
	s8 =	simm.s32 @!p0 $0x1BF5;
	p2 =	por !p2, p0  }
0x20: {  	[sflag:s8] =	ssyncset.s32 @!p0 $0xFFFFF086;
	s6 =	sadd.s32 @!p0 s3, s7;
	s7 =	simm.s32 @!p0 $0x108  }
0x21: {  	s3 =	sadd.s32 s3, s9;
	s6 =	sadd.s32 @!p0 $0x88, s6;
	s7 =	simm.s32 @p2 $0x1082  }
0x22: {  	[simem:s7], [sflag:s8] =	dma.local @!p0 [hbm:s6], $0xF7A  }
0x23: {  	s9 =	sor.u32 $0xD0000000, s2;
	s6 =	simm.s32 $0x108;
	_ =	swait.ge @!p0 [sflag:s8], $0x0  }
0x24: {  	s3 =	sadd.s32 $0x88, s3;
	s6 =	simm.s32 @!p1 $0x1082;
	[sflag:s4] =	ssyncset.s32 $0xFFFFF086  }
0x25: {  	[simem:s6], [sflag:s4] =	dma.local [hbm:s3], $0xF7A  }
0x26: {  	[smem:$0x3F99] =	sst s1;
	(tag) =	ssettag s2;
	_ =	strace s9  }
0x27: {  	s1 =	sld [smem:$0x3FA9]  }
0x28: {  	s2 =	sld [smem:$0x3FAA]  }
0x29: {  	s4 =	sld [smem:$0x3FAC]  }
0x2a: {  	p0 =	seq.s32 s5, $0x0;
	s5 =	sld [smem:$0x3FAD]  }
0x2b: {  	s6 =	sld [smem:$0x3FAE]  }
0x2c: {  	s7 =	sld [smem:$0x3FAF]  }
0x2d: {  	s3 =	simm.s32 $0x108;
	s8 =	sld [smem:$0x3FB0]  }
0x2e: {  	s3 =	simm.s32 @!p0 $0x1082;
	s9 =	sld [smem:$0x3FB1]  }
0x2f: {  	lr =	sadd.s32 s0, s3;
	s0 =	sld [smem:$0x3FA8]  }
0x30: {  	s3 =	sld [smem:$0x3FAB]  }
0x31: {  	[smem:$0x3FB4] =	sst s10  }
0x32: {  	s10 =	sld [smem:$0x3FB2];
	_ =	sdelay $0x3  }
0x33: {  	p0 =	seq.s32 s10, $0x1;
	s10 =	sld [smem:$0x3FB4];
	_ =	sdelay $0x3  }
0x34: {  	[smem:$0x3FB4] =	sst s10  }
0x35: {  	s10 =	sld [smem:$0x3FB3];
	_ =	sdelay $0x3  }
0x36: {  	p1 =	seq.s32 s10, $0x1;
	s10 =	sld [smem:$0x3FB4];
	_ =	sdelay $0x3  }
0x37: {  	[smem:$0x3FB4] =	sst s10  }
0x38: {  	s10 =	sld [smem:$0x3FB5]  }
0x39: {  	_ = 	snop;
	(pc) =	sbr.ind lr, $3  }
0x3a: {  	_ = 	snop  }
0x3b: {  	_ = 	snop  }
0x3c: {  	p2 =	seq.s32 s10, $0x1;
	s10 =	sld [smem:$0x3FB4]  }
0x3d: {  	_ =	shalt  }
0x3e: {  	_ =	shalt  }
0x3f: {  	_ =	shalt  }
0x40: {  	_ =	shalt  }
0x41: {  	_ =	shalt  }
0x42: {  	_ =	shalt  }
0x43: {  	_ =	shalt  }
0x44: {  	_ =	shalt  }
0x45: {  	_ =	shalt  }
0x46: {  	_ =	shalt  }
0x47: {  	_ =	shalt  }
0x48: {  	_ =	shalt  }
0x49: {  	_ =	shalt  }
0x4a: {  	_ =	shalt  }
0x4b: {  	_ =	shalt  }
0x4c: {  	_ =	shalt  }
0x4d: {  	_ =	shalt  }
0x4e: {  	_ =	shalt  }
0x4f: {  	_ =	shalt  }
0x50: {  	_ =	shalt  }
0x51: {  	_ =	shalt  }
0x52: {  	_ =	shalt  }
0x53: {  	_ =	shalt  }
0x54: {  	_ =	shalt  }
0x55: {  	_ =	shalt  }
0x56: {  	_ =	shalt  }
0x57: {  	_ =	shalt  }
0x58: {  	_ =	shalt  }
0x59: {  	_ =	shalt  }
0x5a: {  	_ =	shalt  }
0x5b: {  	_ =	shalt  }
0x5c: {  	_ =	shalt  }
0x5d: {  	_ =	shalt  }
0x5e: {  	_ =	shalt  }
0x5f: {  	_ =	shalt  }
0x60: {  	_ =	shalt  }
0x61: {  	_ =	shalt  }
0x62: {  	_ =	shalt  }
0x63: {  	_ =	shalt  }
0x64: {  	_ =	shalt  }
0x65: {  	_ =	shalt  }
0x66: {  	_ =	shalt  }
0x67: {  	_ =	shalt  }
0x68: {  	_ =	shalt  }
0x69: {  	_ =	shalt  }
0x6a: {  	_ =	shalt  }
0x6b: {  	_ =	shalt  }
0x6c: {  	_ =	shalt  }
0x6d: {  	_ =	shalt  }
0x6e: {  	_ =	shalt  }
0x6f: {  	_ =	shalt  }
0x70: {  	_ =	shalt  }
0x71: {  	_ =	shalt  }
0x72: {  	_ =	shalt  }
0x73: {  	_ =	shalt  }
0x74: {  	_ =	shalt  }
0x75: {  	_ =	shalt  }
0x76: {  	_ =	shalt  }
0x77: {  	_ =	shalt  }
0x78: {  	_ =	shalt  }
0x79: {  	_ =	shalt  }
0x7a: {  	_ =	shalt  }
0x7b: {  	_ =	shalt  }
0x7c: {  	_ =	shalt  }
0x7d: {  	_ =	shalt  }
0x7e: {  	_ =	shalt  }
0x7f: {  	_ =	shalt  }
0x80: {  	_ =	shalt  }
0x81: {  	_ =	shalt  }
0x82: {  	_ =	shalt  }
0x83: {  	_ =	shalt  }
0x84: {  	_ =	shalt  }
0x85: {  	_ =	shalt  }
0x86: {  	_ =	shalt  }
0x87: {  	_ =	shalt  }
.Lfunc_end0:
.L_simem_size_0:
called_computation_lowered:
.L_overlay_start_0:
0x88: {  	s2 =	sld [smem:$0x3FD9]  }
0x89: {  	s3 =	sld [smem:$0x3FFE];
	_ =	sdelay $0x1  }
0x8a: {  	s1 =	srdreg.scid  }
0x8b: {  	s0 =	sand.u32 $0x1, s1  }
0x8c: {  	s17 =	sshll.u32 s0, $0xA;
	s2 =	sadd.s32 s3, s2  }
0x8d: {  	s2 =	sadd.s32 s2, s17  }
0x8e: {  	[smem:$0x3FC0] =	sst s2  }
0x8f: {  	_ = 	snop  }
0x90: {  	s2 =	sld [smem:$0x3FD0];
	(tm) =	ssettm $0x1  }
0x91: {  	s18 =	sld [smem:$0x3FFB];
	_ =	sdelay $0x3  }
0x92: {  	_ =	strace s18  }
0x93: {  	s3 =	sld [smem:$0x3FFC];
	_ =	sdelay $0x3  }
0x94: {  	_ =	strace s3  }
0x95: {  	s3 =	sld [smem:$0x3FFD];
	_ =	sdelay $0x3  }
0x96: {  	_ =	strace s3  }
0x97: {  	_ =	strace $0x8FFFFFFF  }
0x98: {  	s19 =	sld [smem:$0x3FDB];
	_ =	sdelay $0x1  }
0x99: {  	s4 =	simm.s32 $_scs_section_size  }
0x9a: {  	s5 =	simm.s32 $_size__tile_overlayer_lowered;
	s6 =	simm.s32 $_tile_overlayer_lowered  }
0x9b: {  	s22 =	simm.s32 $0x1BFF;
	s21 =	sshll.u32 s6, $0x1;
	s3 =	sadd.s32 s4, s19  }
0x9c: {  	s7 =	simm.s32 $0x0;
	s20 =	sshll.u32 s5, $0x1;
	s5 =	sadd.s32 s21, s3  }
0x9d: {  	[timem:s7], [sflag:s22] =	dma.local [hbm:s5], s20  }
0x9e: {  	_ =	swait.ge [sflag:s22], s20  }
0x9f: {  	s4 =	ssub.s32 $0x0, s20;
	[sflag:s22] =	ssyncset.done $0x0  }
0xa0: {  	[sflag:s22] =	ssyncadd.s32 s4;
	_ =	sdelay $0x1  }
0xa1: {  	s23 =	simm.s32 $0x1B8B  }
0xa2: {  	_ =	swait.ge [sflag:s23], $0x1  }
0xa3: {  	[sflag:s23] =	ssyncset.done $0x0  }
0xa4: {  	s25 =	simm.s32 $0x1B8E;
	s24 =	sld [smem:$0x3FFE];
	[sflag:s23] =	ssyncadd.s32 $0xFFFFFFFF  }
0xa5: {  	s26 =	simm.s32 $execute0_lowered;
	[smem:$0x3FD2] =	sst s25  }
0xa6: {  	s5 =	sshll.u32 s26, $0x1;
	_ =	strace $0x80000046;
	[dreg:$0x1] =	wrdreg $0xFFFFFFFF  }
0xa7: {  	s28 =	simm.s32 $_size_execute0_lowered;
	s3 =	sadd.s32 s3, s5;
	[dreg:$0x0] =	wrdreg $0x0  }
0xa8: {  	s5 =	sshll.u32 s28, $0x1;
	[dreg:$0x2] =	wrdreg s3  }
0xa9: {  	[dreg:$0x3] =	wrdreg s5  }
0xaa: {  	[dreg:$0x4] =	wrdreg $0xC0  }
0xab: {  	_ =	task [dreg:s7], $0x5FFFF  }
0xac: {  	[dreg:$0x1] =	wrdreg $0xFFFFFFFF  }
0xad: {  	[dreg:$0x0] =	wrdreg $0x60  }
0xae: {  	[dreg:$0x2] =	wrdreg s24  }
0xaf: {  	[dreg:$0x3] =	wrdreg s2  }
0xb0: {  	[dreg:$0x4] =	wrdreg $0x53000  }
0xb1: {  	[dreg:$0x5] =	wrdreg $0x9  }
0xb2: {  	_ =	task.clear_ibuf [dreg:s7], $0x6FFFF;
	_ =	strace $0x90000046  }
0xb3: {  	s29 =	simm.s32 $0x9;
	_ =	strace $0x80000048  }
0xb4: {  	_ =	swait.ge [sflag:s29], $0x1  }
0xb5: {  	[sflag:s29] =	ssyncadd.s32 $0xFFFFFFFF  }
0xb6: {  	_ =	strace $0x90000048  }
0xb7: {  	_ =	sfence  }
0xb8: {  	s30 =	sld [smem:$0x0];
	_ =	sdelay $0x2  }
0xb9: {  	s31 =	sshll.u32 s1, $0xD;
	s1 =	sshrl.u32 s1, $0x2  }
0xba: {  	s3 =	sand.u32 $0x4000, s31;
	s1 =	sadd.s32 s1, s30  }
0xbb: {  	s0 =	sor.u32 s3, s0;
	s1 =	sshll.u32 s1, $0x11  }
0xbc: {  	s0 =	sor.u32 s1, s0  }
0xbd: {  	s0 =	sadd.s32 $0x8F2B, s0  }
0xbe: {  	[sflag:s0] =	ssyncadd.remote.s32 $0x1  }
0xbf: {  	_ =	sfence.sel $0xFFFF  }
0xc0: {  	[dreg:$0x0] =	wrdreg $0xFFFFFFFF;
	(pc) =	sbr.abs _section_cstart, $3  }
0xc1: {  	[dreg:$0x1] =	wrdreg $0xFFFFFFFF  }
0xc2: {  	_ =	task.clear_ibuf [dreg:s7], $0x2FFFF;
	_ =	strace $0x9FFFFFFF  }
0xc3: {  	(tm) =	ssettm $0x7FFFFFFF  }
tec
execute0_lowered:
.L_overlay_start_1:
0x0: {  	(tag) =	ssettag $0x1  }
0x1: {  	s4 =	rddreg [dreg:$0x0];
	s1 =	srdreg.scid  }
0x2: {  	s0 =	stileid.u32;
	s6 =	rddreg [dreg:$0x1]  }
0x3: {  	s2 =	rddreg [dreg:$0x2];
	s3 =	simm.s32 $0x0;
	s11 =	simm.s32 $0x5000  }
0x4: {  	s14 =	simm.s32 $0x20;
	s15 =	simm.s32 $0x10;
	s16 =	simm.s32 $0x0  }
0x5: {  	s5 =	sand.u32 $0x1, s1;
	s1 =	rddreg [dreg:$0x3];
	s8 =	smul.u32 $0xA00, s0  }
0x6: {  	s26 =	sshll.u32 s0, $0x1;
	[smem:$0x7FF] =	sst s3;
	s10 =	smul.u32 $0x500, s0  }
0x7: {  	s12 =	sshll.u32 s0, $0x6;
	s7 =	sor.u32 s5, s26;
	_ =	strace $0x80000047  }
0x8: {  	s9 =	ssub.s32 $0x2, s5;
	s5 =	sshll.u32 s5, $0x7;
	s12 =	sor.u32 $0x1C01, s12  }
0x9: {  	s7 =	smul.u32 $0xA00, s7;
	s28 =	sshrl.u32 s9, $0x1;
	s29 =	sshrl.u32 s8, $0x2  }
0xa: {  	s30 =	sor.u32 s5, s10;
	s8 =	simm.s32 $0x5080;
	s10 =	simm.s32 $0x40  }
0xb: {  	s9 =	ssub.s32 s9, s28;
	s31 =	sshrl.u32 s30, $0x3;
	s7 =	sadd.s32 s7, s4  }
0xc: {  	s4 =	sadd.s32 s29, s2;
	s6 =	sadd.s32 s6, s31;
	s5 =	sadd.s32 $0x2800, s7  }
0xd: {  	v0 =	vimm.f32 $1.000000000e+00;
	v1 =	vimm.f32 $0.0e+00;
	s7 =	smax.u32 s9, $0x1;
	s9 =	simm.s32 $0x1;
	s13 =	sshrl.u32 s4, $0x3  }
.LBB2_1:
0xe: {  	[tilespmem:$0x5000] =	vst v0  }
0xf: {  	[tilespmem:$0x5010] =	vst v0  }
0x10: {  	[tilespmem:$0x5020] =	vst v0  }
0x11: {  	[tilespmem:$0x5030] =	vst v0  }
0x12: {  	[tilespmem:$0x5080] =	vst v1  }
0x13: {  	[tilespmem:$0x5090] =	vst v1  }
0x14: {  	[tilespmem:$0x50A0] =	vst v1  }
0x15: {  	[tilespmem:$0x50B0] =	vst v1  }
0x16: {  	[tilespmem:$0x50C0] =	vst v1  }
0x17: {  	[tilespmem:$0x50D0] =	vst v1  }
0x18: {  	[tilespmem:$0x50E0] =	vst v1  }
0x19: {  	[tilespmem:$0x50F0] =	vst v1  }
0x1a: {  	[tilespmem:$0x5100] =	vst v1  }
0x1b: {  	[tilespmem:$0x5110] =	vst v1  }
0x1c: {  	[tilespmem:$0x5120] =	vst v1  }
0x1d: {  	[tilespmem:$0x5130] =	vst v1  }
0x1e: {  	[tilespmem:$0x5140] =	vst v1  }
0x1f: {  	[tilespmem:$0x5150] =	vst v1  }
0x20: {  	[tilespmem:$0x5160] =	vst v1  }
0x21: {  	[tilespmem:$0x5170] =	vst v1  }
0x22: {  	[tilespmem:$0x5180] =	vst v1  }
0x23: {  	[tilespmem:$0x5190] =	vst v1  }
0x24: {  	[tilespmem:$0x51A0] =	vst v1  }
0x25: {  	[tilespmem:$0x51B0] =	vst v1  }
0x26: {  	[tilespmem:$0x51C0] =	vst v1  }
0x27: {  	[tilespmem:$0x51D0] =	vst v1  }
0x28: {  	[tilespmem:$0x51E0] =	vst v1  }
0x29: {  	[tilespmem:$0x51F0] =	vst v1  }
0x2a: {  	[tilespmem:$0x5200] =	vst v1  }
0x2b: {  	[tilespmem:$0x5210] =	vst v1  }
0x2c: {  	[tilespmem:$0x5220] =	vst v1  }
0x2d: {  	[tilespmem:$0x5230] =	vst v1  }
0x2e: {  	[tilespmem:$0x5240] =	vst v1  }
0x2f: {  	[tilespmem:$0x5250] =	vst v1  }
0x30: {  	[tilespmem:$0x5260] =	vst v1  }
0x31: {  	[tilespmem:$0x5270] =	vst v1  }
0x32: {  	[tilespmem:$0x5280] =	vst v1  }
0x33: {  	[tilespmem:$0x5290] =	vst v1  }
0x34: {  	[tilespmem:$0x52A0] =	vst v1  }
0x35: {  	[tilespmem:$0x52B0] =	vst v1  }
0x36: {  	[tilespmem:$0x52C0] =	vst v1  }
0x37: {  	[tilespmem:$0x52D0] =	vst v1  }
0x38: {  	[tilespmem:$0x52E0] =	vst v1  }
0x39: {  	[tilespmem:$0x52F0] =	vst v1  }
0x3a: {  	[spmem:s4] =	stream.linear.scatter [tilespmem:s8], [sflag:$0x1], $0x280, $0x38;
	[tilespmem:$0x5580] =	vst v63  }
0x3b: {  	_ =	swait.ge [sflag:s9], $0x280  }
0x3c: {  	[sflag:s9] =	ssyncset.done $0x0  }
0x3d: {  	[sflag:s9] =	ssyncadd.s32 $0xFFFFFD80  }
0x3e: {  	[bflag:$0x0] =	sbarrier.arrive $0xFFFF  }
0x3f: {  	[tilespmem:s3], [sflag:$0x1] =	stream.linear.gather [hbm4b:s5+s3], $0x5000, $0x38;
	[tilespmem:$0x5580] =	vst v63  }
0x40: {  	_ =	swait.ge [sflag:s9], $0x5000  }
0x41: {  	[sflag:s9] =	ssyncset.done $0x0  }
0x42: {  	s17 =	simm.s32 $0x0;
	[sflag:s9] =	ssyncadd.s32 $0xFFFFB000  }
0x43: {  	[spmem:s2] =	stream.indirect.scatter.add.f32 [tilespmem:s11], [sflag:$0x1], $0x1, s17, s10, $0xb8;
	[tilespmem:$0x5580] =	vst v63  }
0x44: {  	_ =	swait.ge [sflag:s9], $0x40  }
0x45: {  	s17 =	simm.s32 $0x200;
	[sflag:s9] =	ssyncset.done $0x0  }
.LBB2_2:
0x46: {  	s18 =	sshra.s32 s17, $0x2;
	[sflag:s9] =	ssyncadd.s32 $0xFFFFFFC0;
	p0 =	sne.s32 s17, $0x13E00  }
0x47: {  	[spmem:s2] =	stream.indirect.scatter.add.f32 [tilespmem:s11], [sflag:$0x1], $0x1, s18, s10, $0xb8;
	[tilespmem:$0x5580] =	vst v63  }
.Ltmp0:
0x48: {  	_ = 	snop;
	(pc) =	sbr.rel @p0 .LBB2_2-.Ltmp0, $4  }
0x49: {  	_ = 	snop  }
0x4a: {  	s17 =	sadd.s32 $0x200, s17  }
0x4b: {  	_ =	swait.ge [sflag:s9], $0x40  }
0x4c: {  	[sflag:s9] =	ssyncset.done $0x0  }
0x4d: {  	s16 =	sadd.s32 $0x1, s16  }
0x4e: {  	[sflag:s9] =	ssyncadd.s32 $0xFFFFFFC0;
	p0 =	sne.s32 s16, s7  }
.Ltmp1:
0x4f: {  	[bflag:$0x0] =	sbarrier.arrive $0xFFFF;
	(pc) =	sbr.rel @p0 .LBB2_1-.Ltmp1, $4  }
0x50: {  	[hbm:s6@s14], [sflag:s12] =	dma.strided [spmem:s13@s15], $0x50, s9, $0x10   }
0x51: {  	_ =	swait.ge [sflag:s9], $0x50  }
0x52: {  	[sflag:s9] =	ssyncset.done $0x0  }
0x53: {  	[sflag:s9] =	ssyncadd.s32 $0xFFFFFFB0  }
0x54: {  	_ =	sfence.sel $0x180000  }
0x55: {  	[bflag:$0x0] =	sbarrier.arrive $0xFFFF  }
0x56: {  	p0 =	sne.s32 s0, $0x0;
	_ =	strace $0x90000047  }
0x57: {  	s0 =	sadd.s32 @!p0 $0x100000, s1;
	[bflag:$0x2] =	sbarrier.arrive $0xFFFF  }
0x58: {  	[sflag:s0] =	ssyncadd.tile.s32 @!p0 $0x1;
	_ =	shalt  }
.Lfunc_end2:
_tile_overlayer_lowered:
.L_overlay_start_2:
0x59: {  	(tag) =	ssettag $0x2  }
0x5a: {  	s0 =	rddreg [dreg:$0x0];
	s2 =	stileid.u32  }
0x5b: {  	s1 =	rddreg [dreg:$0x1];
	p0 =	sne.s32 s2, $0x0  }
0x5c: {  	s3 =	rddreg [dreg:$0x2];
	[bflag:$0x3] =	sbarrier.arrive $0xFFFF;
	s2 =	simm.s32 @!p0 $0x1C01  }
0x5d: {  	[timem:s3], [sflag:s2] =	dma.local @!p0 [hbm:s0], s1  }
0x5e: {  	s0 =	simm.s32 @!p0 $0x1  }
0x5f: {  	_ =	swait.ge @!p0 [sflag:s0], s1  }
0x60: {  	s1 =	ssub.s32 @!p0 $0x0, s1;
	[sflag:s0] =	ssyncset.done @!p0 $0x0  }
0x61: {  	[sflag:s0] =	ssyncadd.s32 @!p0 s1  }
0x62: {  	[bflag:$0x3] =	sbarrier.arrive $0xFFFF  }
0x63: {  	_ =	shalt  }

</sc_bundles>
